<compile_context>
chip_gen: v7x
topology: tpu7x:2x2x1
jax: 0.10.2.dev20260603
libtpu: 0.0.44.dev20260713+nightly
codegen_flags: <defaults>
</compile_context>

<pallas_src>
import math

import jax
import jax.numpy as jnp
from jax import lax
from jax.experimental import pallas as pl
from jax.experimental.pallas import tpu as pltpu
from jax.experimental.pallas import tpu_sc as plsc

N = 10000
NPAD = 10240
E = 320000
EP = 320512
NC = 2
NS = 16
CH = 128
NCHUNK = EP // CH
KMAX = 160
RPT = NPAD // NS
D = 64
BNS = 1.0 / math.sqrt(1.0 + 1e-5)
RB = 2000
GRID = N // RB

_f32 = jnp.float32


def _load_idx(ei_hbm, row, s, idx_v):

    @pl.when(s < NS - 1)
    def _():
        pltpu.sync_copy(ei_hbm.at[row, pl.ds(s * KMAX, KMAX)], idx_v)

    @pl.when(s == NS - 1)
    def _():
        pltpu.sync_copy(ei_hbm.at[row, pl.ds(s * KMAX, 104)],
                        idx_v.at[pl.ds(0, 104)])


def _sc_deg_body(sp_hbm, tr_hbm, deg_hbm, idx_v, part_v, buf_v, out_v,
                 stage_v):
    c = lax.axis_index("c")
    s = lax.axis_index("s")
    cnt = jnp.where(s < NS - 1, KMAX, 104)

    @pl.when(c == 0)
    def _():
        _load_idx(sp_hbm, 1, s, idx_v)

    @pl.when(c == 1)
    def _():
        _load_idx(tr_hbm, 1, s, idx_v)

    zeros16 = jnp.zeros((16,), _f32)
    ones16 = jnp.ones((16,), _f32)

    @pl.loop(0, NPAD // 16)
    def _zero(i):
        part_v[pl.ds(i * 16, 16)] = zeros16

    @pl.loop(0, cnt)
    def _count(j):
        for k in range(CH // 16):
            idx = idx_v[j, pl.ds(k * 16, 16)]
            plsc.addupdate_scatter(part_v, [idx], ones16)

    pltpu.sync_copy(part_v, stage_v.at[s])
    plsc.subcore_barrier()
    base = s * RPT
    for t in range(NS):
        pltpu.sync_copy(stage_v.at[t, pl.ds(base, RPT)], buf_v.at[t])

    @pl.loop(0, RPT // 16)
    def _sum(k):
        acc = buf_v[0, pl.ds(k * 16, 16)]
        for t in range(1, NS):
            acc = acc + buf_v[t, pl.ds(k * 16, 16)]
        out_v[pl.ds(k * 16, 16)] = acc

    pltpu.sync_copy(out_v, deg_hbm.at[c, pl.ds(base, RPT)])


_sc_deg = pl.kernel(
    _sc_deg_body,
    out_type=jax.ShapeDtypeStruct((NC, NPAD), _f32),
    compiler_params=pltpu.CompilerParams(needs_layout_passes=False),
    mesh=plsc.VectorSubcoreMesh(core_axis_name="c", subcore_axis_name="s"),
    scratch_types=[
        pltpu.VMEM((KMAX, CH), jnp.int32),
        pltpu.VMEM((NPAD,), _f32),
        pltpu.VMEM((NS, RPT), _f32),
        pltpu.VMEM((RPT,), _f32),
        pltpu.VMEM_SHARED((NS, NPAD), _f32),
    ],
)


def _sc_msg_body(h2_hbm, sp_hbm, tr_hbm, ss_hbm, st_hbm,
                 srcv, dstv, rows0, rows1, rows2, rows3, shared,
                 semg0, semg1, sems0, sems1):
    c = lax.axis_index("c")
    s = lax.axis_index("s")
    ng = jnp.where(s < NS - 1, KMAX // 2, 104 // 2)

    @pl.when(c == 0)
    def _():
        _load_idx(sp_hbm, 0, s, srcv)
        _load_idx(sp_hbm, 1, s, dstv)

    @pl.when(c == 1)
    def _():
        _load_idx(tr_hbm, 0, s, srcv)
        _load_idx(tr_hbm, 1, s, dstv)

    zeros16 = jnp.zeros((16,), _f32)

    @pl.loop(0, CH)
    def _zr(i):
        for k in range(D // 16):
            rows0[i, pl.ds(k * 16, 16)] = zeros16

    base = s * RPT
    for b in range(RPT // CH):
        pltpu.sync_copy(rows0, shared.at[pl.ds(base + b * CH, CH)])
    plsc.subcore_barrier()

    semg = (semg0, semg1)
    sems = (sems0, sems1)
    bufs = ((rows0, rows1), (rows2, rows3))

    def fire_g(slot, g):
        for b in range(2):
            pltpu.async_copy(h2_hbm.at[srcv.at[g * 2 + b]],
                             bufs[slot][b], semg[slot])

    def wait_g(slot, g):
        for b in range(2):
            pltpu.make_async_copy(h2_hbm.at[srcv.at[g * 2 + b]],
                                  bufs[slot][b], semg[slot]).wait()

    def fire_s(slot, g):
        for b in range(2):
            pltpu.async_copy(bufs[slot][b],
                             shared.at[dstv.at[g * 2 + b]], sems[slot],
                             add=True)

    def wait_s(slot, g):
        for b in range(2):
            pltpu.make_async_copy(bufs[slot][b],
                                  shared.at[dstv.at[g * 2 + b]],
                                  sems[slot]).wait()

    fire_g(0, 0)

    @pl.loop(0, ng // 2)
    def _mp(i):
        g = i * 2

        @pl.when(i > 0)
        def _():
            wait_s(1, g - 1)

        fire_g(1, g + 1)
        wait_g(0, g)
        fire_s(0, g)
        wait_s(0, g)

        @pl.when(g + 2 < ng)
        def _():
            fire_g(0, g + 2)

        wait_g(1, g + 1)
        fire_s(1, g + 1)

    wait_s(1, ng - 1)
    plsc.subcore_barrier()

    def copy_out(out_hbm):
        for b in range(3):
            pltpu.sync_copy(shared.at[pl.ds(base + b * CH, CH)], rows0)
            pltpu.sync_copy(rows0, out_hbm.at[pl.ds(base + b * CH, CH)])

        @pl.when(s < NS - 1)
        def _():
            for b in range(3, 5):
                pltpu.sync_copy(shared.at[pl.ds(base + b * CH, CH)], rows0)
                pltpu.sync_copy(rows0, out_hbm.at[pl.ds(base + b * CH, CH)])

        @pl.when(s == NS - 1)
        def _():
            pltpu.sync_copy(shared.at[pl.ds(base + 3 * CH, 16)],
                            rows0.at[pl.ds(0, 16)])
            pltpu.sync_copy(rows0.at[pl.ds(0, 16)],
                            out_hbm.at[pl.ds(base + 3 * CH, 16)])

    @pl.when(c == 0)
    def _():
        copy_out(ss_hbm)

    @pl.when(c == 1)
    def _():
        copy_out(st_hbm)


_sc_msg = pl.kernel(
    _sc_msg_body,
    out_type=(jax.ShapeDtypeStruct((N, D), _f32),
              jax.ShapeDtypeStruct((N, D), _f32)),
    compiler_params=pltpu.CompilerParams(use_tc_tiling_on_sc=False),
    mesh=plsc.VectorSubcoreMesh(core_axis_name="c", subcore_axis_name="s"),
    scratch_types=[
        pltpu.VMEM((KMAX, CH), jnp.int32),
        pltpu.VMEM((KMAX, CH), jnp.int32),
        pltpu.VMEM((CH, D), _f32),
        pltpu.VMEM((CH, D), _f32),
        pltpu.VMEM((CH, D), _f32),
        pltpu.VMEM((CH, D), _f32),
        pltpu.VMEM_SHARED((NPAD, D), _f32),
        pltpu.SemaphoreType.DMA,
        pltpu.SemaphoreType.DMA,
        pltpu.SemaphoreType.DMA,
        pltpu.SemaphoreType.DMA,
    ],
)


def _tc_enc_body(ctx_r, vis_r, degc_r,
                 cW1, cb1, cg1, cbe1, cW2, cb2, cg2, cbe2,
                 tW1, tb1, tW2, tb2, sW, trW,
                 fus_o, h2_o, dinv_o):
    x = ctx_r[...]
    c1 = jnp.maximum(
        (jnp.dot(x, cW1[...], preferred_element_type=_f32) + cb1[...])
        * (cg1[...] * BNS) + cbe1[...], 0.0)
    c2 = jnp.maximum(
        (jnp.dot(c1, cW2[...], preferred_element_type=_f32) + cb2[...])
        * (cg2[...] * BNS) + cbe2[...], 0.0)
    t1 = jnp.maximum(
        jnp.dot(vis_r[...], tW1[...], preferred_element_type=_f32) + tb1[...],
        0.0)
    t2 = jnp.dot(t1, tW2[...], preferred_element_type=_f32) + tb2[...]
    fus = jnp.concatenate([c2, t2], axis=1)
    fus_o[...] = fus
    dinv = lax.rsqrt(degc_r[...] + 1.0)
    dinv_o[...] = dinv
    h2_o[0] = jnp.dot(fus, sW[...], preferred_element_type=_f32) * dinv[:, 0:1]
    h2_o[1] = jnp.dot(fus, trW[...], preferred_element_type=_f32) * dinv[:, 1:2]


def _full(shape):
    nd = len(shape)
    return pl.BlockSpec(shape, lambda r: (0,) * nd)


def _rows(w):
    return pl.BlockSpec((RB, w), lambda r: (r, 0))


def _tc_enc(ctx, vis, degc, *ws):
    w_specs = [_full(w.shape) for w in ws]
    return pl.pallas_call(
        _tc_enc_body,
        grid=(GRID,),
        in_specs=[_rows(128), _rows(64), _rows(2)] + w_specs,
        out_specs=[_rows(192),
                   pl.BlockSpec((2, RB, D), lambda r: (0, r, 0)),
                   _rows(2)],
        out_shape=[jax.ShapeDtypeStruct((N, 192), _f32),
                   jax.ShapeDtypeStruct((2, N, D), _f32),
                   jax.ShapeDtypeStruct((N, 2), _f32)],
    )(ctx, vis, degc, *ws)


def _tc_post_body(ss_r, st_r, hsp_r, htp_r, fus_r, dinv_r,
                  sb, trb, fW, fb, hW1, hb1, hg1, hbe1, hW2, hb2, hW3, hb3,
                  out_o, h_o):
    dinv = dinv_r[...]
    hs = jnp.maximum(dinv[:, 0:1] * (ss_r[...] + hsp_r[0]) + sb[...], 0.0)
    ht = jnp.maximum(dinv[:, 1:2] * (st_r[...] + htp_r[0]) + trb[...], 0.0)
    hcat = jnp.concatenate([hs, ht], axis=1)
    h = jnp.maximum(
        jnp.dot(hcat, fW[...], preferred_element_type=_f32) + fb[...], 0.0)
    h_o[...] = h
    zin = jnp.concatenate([h, fus_r[...]], axis=1)
    z1 = jnp.maximum(
        (jnp.dot(zin, hW1[...], preferred_element_type=_f32) + hb1[...])
        * (hg1[...] * BNS) + hbe1[...], 0.0)
    z2 = jnp.maximum(
        jnp.dot(z1, hW2[...], preferred_element_type=_f32) + hb2[...], 0.0)
    out_o[...] = jnp.dot(z2, hW3[...], preferred_element_type=_f32) + hb3[...]


def _tc_post(ss, st, h2, fus, dinvc, *ws):
    w_specs = [_full(w.shape) for w in ws]
    return pl.pallas_call(
        _tc_post_body,
        grid=(GRID,),
        in_specs=[_rows(D), _rows(D),
                  pl.BlockSpec((1, RB, D), lambda r: (0, r, 0)),
                  pl.BlockSpec((1, RB, D), lambda r: (1, r, 0)),
                  _rows(192), _rows(2)] + w_specs,
        out_specs=[_rows(D), _rows(D)],
        out_shape=[jax.ShapeDtypeStruct((N, D), _f32),
                   jax.ShapeDtypeStruct((N, D), _f32)],
    )(ss, st, h2, h2, fus, dinvc, *ws)


def kernel(ctx, vis_tgt, sp_ei, tr_ei,
           ctx_W1, ctx_b1, ctx_g1, ctx_be1, ctx_W2, ctx_b2, ctx_g2, ctx_be2,
           tgt_W1, tgt_b1, tgt_W2, tgt_b2,
           spa_W, spa_b, tra_W, tra_b, fuse_W, fuse_b,
           head_W1, head_b1, head_g1, head_be1, head_W2, head_b2,
           head_W3, head_b3):
    i32 = jnp.int32
    pad2 = jnp.stack([jnp.arange(EP - E, dtype=i32),
                      N + jnp.arange(EP - E, dtype=i32) % (NPAD - N)])
    sp3 = jnp.concatenate([sp_ei, pad2], axis=1).reshape(2, NCHUNK, CH)
    off = jnp.stack([jnp.full((E,), N, i32), jnp.zeros((E,), i32)])
    tr3 = jnp.concatenate([tr_ei + off, pad2],
                          axis=1).reshape(2, NCHUNK, CH)

    deg = _sc_deg(sp3, tr3)
    degc = jnp.transpose(deg[:, :N])

    fus, h2, dinvc = _tc_enc(
        ctx, vis_tgt, degc,
        ctx_W1, ctx_b1, ctx_g1, ctx_be1, ctx_W2, ctx_b2, ctx_g2, ctx_be2,
        tgt_W1, tgt_b1, tgt_W2, tgt_b2, spa_W, tra_W)

    ss, st = _sc_msg(h2.reshape(2 * N, D), sp3, tr3)

    out, h = _tc_post(
        ss, st, h2, fus, dinvc,
        spa_b, tra_b, fuse_W, fuse_b,
        head_W1, head_b1, head_g1, head_be1, head_W2, head_b2,
        head_W3, head_b3)
    return out, h

# --- scband reference (transcript-rebuilt; emitter-appended) ---
"""Pipeline reference for scband-gcn64-model-16071767622240 (READ-ONLY COPY).

The authoritative reference and input builder live on the scoring server;
editing this copy changes nothing except your own understanding.
"""

import jax, jax.numpy as jnp
import numpy as np

N = 10000
E = 320000
CTX_DIM = 128
TGT_DIM = 64
HIDDEN = 128
FUS = HIDDEN + HIDDEN // 2  # 192
GCN_OUT = 64


def gcn_conv(x, ei, W, b):
    # PyG GCNConv: add self loops, symmetric normalization D^-1/2 (A+I) D^-1/2 (x W) + b
    n = x.shape[0]
    src = ei[0]
    dst = ei[1]
    loop = jnp.arange(n, dtype=ei.dtype)
    src = jnp.concatenate([src, loop])
    dst = jnp.concatenate([dst, loop])
    deg = jnp.zeros((n,), dtype=x.dtype).at[dst].add(1.0)
    dinv = jnp.where(deg > 0, jax.lax.rsqrt(deg), 0.0)
    norm = dinv[src] * dinv[dst]
    h = x @ W
    msg = h[src] * norm[:, None]
    out = jnp.zeros((n, W.shape[1]), dtype=x.dtype).at[dst].add(msg)
    return out + b


def bn_eval(x, g, b):
    # BatchNorm1d in eval mode with running_mean=0, running_var=1
    return x * (g / jnp.sqrt(1.0 + 1e-5)) + b


def setup_inputs(seed: int = 0):
    key = jax.random.key(seed)
    ks = jax.random.split(key, 24)
    inp = {}
    inp['ctx'] = jax.random.normal(ks[0], (N, CTX_DIM), dtype=jnp.float32)
    inp['vis_tgt'] = jax.random.normal(ks[1], (N, TGT_DIM), dtype=jnp.float32)
    inp['sp_ei'] = jax.random.randint(ks[2], (2, E), 0, N, dtype=jnp.int32)
    inp['tr_ei'] = jax.random.randint(ks[3], (2, E), 0, N, dtype=jnp.int32)
    def w(i, shape):
        return jax.random.normal(ks[i], shape, dtype=jnp.float32) * 0.05
    inp['ctx_W1'] = w(4, (CTX_DIM, HIDDEN)); inp['ctx_b1'] = jnp.zeros((HIDDEN,), jnp.float32)
    inp['ctx_g1'] = jnp.ones((HIDDEN,), jnp.float32); inp['ctx_be1'] = jnp.zeros((HIDDEN,), jnp.float32)
    inp['ctx_W2'] = w(5, (HIDDEN, HIDDEN)); inp['ctx_b2'] = jnp.zeros((HIDDEN,), jnp.float32)
    inp['ctx_g2'] = jnp.ones((HIDDEN,), jnp.float32); inp['ctx_be2'] = jnp.zeros((HIDDEN,), jnp.float32)
    inp['tgt_W1'] = w(6, (TGT_DIM, HIDDEN // 2)); inp['tgt_b1'] = jnp.zeros((HIDDEN // 2,), jnp.float32)
    inp['tgt_W2'] = w(7, (HIDDEN // 2, HIDDEN // 2)); inp['tgt_b2'] = jnp.zeros((HIDDEN // 2,), jnp.float32)
    inp['spa_W'] = w(8, (FUS, GCN_OUT)); inp['spa_b'] = jnp.zeros((GCN_OUT,), jnp.float32)
    inp['tra_W'] = w(9, (FUS, GCN_OUT)); inp['tra_b'] = jnp.zeros((GCN_OUT,), jnp.float32)
    inp['fuse_W'] = w(10, (2 * GCN_OUT, GCN_OUT)); inp['fuse_b'] = jnp.zeros((GCN_OUT,), jnp.float32)
    inp['head_W1'] = w(11, (GCN_OUT + FUS, HIDDEN)); inp['head_b1'] = jnp.zeros((HIDDEN,), jnp.float32)
    inp['head_g1'] = jnp.ones((HIDDEN,), jnp.float32); inp['head_be1'] = jnp.zeros((HIDDEN,), jnp.float32)
    inp['head_W2'] = w(12, (HIDDEN, HIDDEN // 2)); inp['head_b2'] = jnp.zeros((HIDDEN // 2,), jnp.float32)
    inp['head_W3'] = w(13, (HIDDEN // 2, TGT_DIM)); inp['head_b3'] = jnp.zeros((TGT_DIM,), jnp.float32)
    return inp


def reference(ctx, vis_tgt, sp_ei, tr_ei,
              ctx_W1, ctx_b1, ctx_g1, ctx_be1, ctx_W2, ctx_b2, ctx_g2, ctx_be2,
              tgt_W1, tgt_b1, tgt_W2, tgt_b2,
              spa_W, spa_b, tra_W, tra_b, fuse_W, fuse_b,
              head_W1, head_b1, head_g1, head_be1, head_W2, head_b2, head_W3, head_b3):
    c = jax.nn.relu(bn_eval(ctx @ ctx_W1 + ctx_b1, ctx_g1, ctx_be1))
    c = jax.nn.relu(bn_eval(c @ ctx_W2 + ctx_b2, ctx_g2, ctx_be2))
    t = jax.nn.relu(vis_tgt @ tgt_W1 + tgt_b1) @ tgt_W2 + tgt_b2
    fus = jnp.concatenate([c, t], axis=-1)
    hs = jax.nn.relu(gcn_conv(fus, sp_ei, spa_W, spa_b))
    ht = jax.nn.relu(gcn_conv(fus, tr_ei, tra_W, tra_b))
    h = jax.nn.relu(jnp.concatenate([hs, ht], axis=-1) @ fuse_W + fuse_b)
    z = jax.nn.relu(bn_eval(jnp.concatenate([h, fus], axis=-1) @ head_W1 + head_b1, head_g1, head_be1))
    z = jax.nn.relu(z @ head_W2 + head_b2)
    out = z @ head_W3 + head_b3
    return (out, h)

if __name__ == "__main__":
    import jax
    _d = setup_inputs()
    print(jax.jit(kernel)(*tuple(_d.values())))

</pallas_src>

<mosaic_0001>
#map = affine_map<(d0, d1) -> (0, 0, 0)>
#map1 = affine_map<(d0, d1) -> (0, 0)>
module attributes {stable_mosaic.version = 14 : i64} {
  func.func @_sc_deg_body(%arg0: i32, %arg1: i32, %arg2: memref<2x2504x128xi32, #tpu.memory_space<hbm>>, %arg3: memref<2x2504x128xi32, #tpu.memory_space<hbm>>, %arg4: memref<2x10240xf32, #tpu.memory_space<hbm>>, %arg5: memref<160x128xi32, #tpu.memory_space<vmem>>, %arg6: memref<10240xf32, #tpu.memory_space<vmem>>, %arg7: memref<16x640xf32, #tpu.memory_space<vmem>>, %arg8: memref<640xf32, #tpu.memory_space<vmem>>, %arg9: memref<16x10240xf32, #tpu.memory_space<vmem_shared>>) attributes {dimension_semantics = [#tpu.dimension_semantics<core_parallel>, #tpu.dimension_semantics<subcore_parallel>], iteration_bounds = array<i64: 2, 16>, scalar_prefetch = 0 : i64, scratch_operands = 5 : i64, tpu.core_type = #tpu.core_type<sc_vector_subcore>, window_params = [{transform_indices = #map}, {transform_indices = #map}, {transform_indices = #map1}]} {
    %lt3A = arith.constant 15 : i32
    %lt3A_0 = arith.cmpi slt, %arg1, %lt3A : i32
    %jit3A = arith.constant 160 : i32
    %jit3A_1 = arith.constant 104 : i32
    %select_n3A = arith.select %lt3A_0, %jit3A, %jit3A_1 : i32
    %eq3A = arith.constant 0 : i32
    %eq3A_2 = arith.cmpi eq, %arg0, %eq3A : i32
    %convert_element_type3A = arith.extui %eq3A_2 : i1 to i32
    %cond3A = arith.constant 0 : i32
    %cond3A_3 = arith.cmpi ne, %convert_element_type3A, %cond3A : i32
    scf.if %cond3A_3 {
      %lt3A_68 = arith.constant 15 : i32
      %lt3A_69 = arith.cmpi slt, %arg1, %lt3A_68 : i32
      %convert_element_type3A_70 = arith.extui %lt3A_69 : i1 to i32
      %cond3A_71 = arith.constant 0 : i32
      %cond3A_72 = arith.cmpi ne, %convert_element_type3A_70, %cond3A_71 : i32
      scf.if %cond3A_72 {
        %mul3A_78 = arith.constant 160 : i32
        %mul3A_79 = arith.muli %arg1, %mul3A_78 : i32
        %run_scoped3A_80 = arith.constant 1 : i32
        "tpu.region"() ({
          %run_scoped3A_81 = tpu.sem_alloc : memref<!tpu.dma_semaphore, #tpu.memory_space<semaphore_mem>>
          %dma_start3A = arith.constant 0 : i32
          %dma_start3A_82 = tpu.memref_slice %arg2[%run_scoped3A_80, %mul3A_79, %dma_start3A] : memref<2x2504x128xi32, #tpu.memory_space<hbm>> -> memref<1x160x128xi32, #tpu.memory_space<hbm>>
          %dma_start3A_83 = tpu.memref_squeeze %dma_start3A_82 : memref<1x160x128xi32, #tpu.memory_space<hbm>> -> memref<160x128xi32, #tpu.memory_space<hbm>>
          %dma_start3A_84 = arith.constant 0 : i32
          %dma_start3A_85 = tpu.memref_slice %arg2[%run_scoped3A_80, %mul3A_79, %dma_start3A_84] : memref<2x2504x128xi32, #tpu.memory_space<hbm>> -> memref<1x160x128xi32, #tpu.memory_space<hbm>>
          %dma_start3A_86 = tpu.memref_squeeze %dma_start3A_85 : memref<1x160x128xi32, #tpu.memory_space<hbm>> -> memref<160x128xi32, #tpu.memory_space<hbm>>
          tpu.enqueue_dma source(%dma_start3A_86 : memref<160x128xi32, #tpu.memory_space<hbm>>) target(%arg5 : memref<160x128xi32, #tpu.memory_space<vmem>>) target_semaphore(%run_scoped3A_81 : memref<!tpu.dma_semaphore, #tpu.memory_space<semaphore_mem>>)
          %dma_wait3A = arith.constant 0 : i32
          %dma_wait3A_87 = tpu.memref_slice %arg2[%run_scoped3A_80, %mul3A_79, %dma_wait3A] : memref<2x2504x128xi32, #tpu.memory_space<hbm>> -> memref<1x160x128xi32, #tpu.memory_space<hbm>>
          %dma_wait3A_88 = tpu.memref_squeeze %dma_wait3A_87 : memref<1x160x128xi32, #tpu.memory_space<hbm>> -> memref<160x128xi32, #tpu.memory_space<hbm>>
          %dma_wait3A_89 = arith.constant 0 : i32
          %dma_wait3A_90 = tpu.memref_slice %arg2[%run_scoped3A_80, %mul3A_79, %dma_wait3A_89] : memref<2x2504x128xi32, #tpu.memory_space<hbm>> -> memref<1x160x128xi32, #tpu.memory_space<hbm>>
          %dma_wait3A_91 = tpu.memref_squeeze %dma_wait3A_90 : memref<1x160x128xi32, #tpu.memory_space<hbm>> -> memref<160x128xi32, #tpu.memory_space<hbm>>
          tpu.wait_dma2 semaphore(%run_scoped3A_81 : memref<!tpu.dma_semaphore, #tpu.memory_space<semaphore_mem>>) src(%dma_wait3A_91 : memref<160x128xi32, #tpu.memory_space<hbm>>) dst(%arg5 : memref<160x128xi32, #tpu.memory_space<vmem>>)
          tpu.yield
        }) : () -> ()
      } else {
      }
      %eq3A_73 = arith.constant 15 : i32
      %eq3A_74 = arith.cmpi eq, %arg1, %eq3A_73 : i32
      %convert_element_type3A_75 = arith.extui %eq3A_74 : i1 to i32
      %cond3A_76 = arith.constant 0 : i32
      %cond3A_77 = arith.cmpi ne, %convert_element_type3A_75, %cond3A_76 : i32
      scf.if %cond3A_77 {
        %mul3A_78 = arith.constant 160 : i32
        %mul3A_79 = arith.muli %arg1, %mul3A_78 : i32
        %run_scoped3A_80 = arith.constant 1 : i32
        "tpu.region"() ({
          %run_scoped3A_81 = tpu.sem_alloc : memref<!tpu.dma_semaphore, #tpu.memory_space<semaphore_mem>>
          %dma_start3A = arith.constant 0 : i32
          %dma_start3A_82 = arith.constant 0 : i32
          %dma_start3A_83 = tpu.memref_slice %arg5[%dma_start3A, %dma_start3A_82] : memref<160x128xi32, #tpu.memory_space<vmem>> -> memref<104x128xi32, #tpu.memory_space<vmem>>
          %dma_start3A_84 = arith.constant 0 : i32
          %dma_start3A_85 = tpu.memref_slice %arg2[%run_scoped3A_80, %mul3A_79, %dma_start3A_84] : memref<2x2504x128xi32, #tpu.memory_space<hbm>> -> memref<1x104x128xi32, #tpu.memory_space<hbm>>
          %dma_start3A_86 = tpu.memref_squeeze %dma_start3A_85 : memref<1x104x128xi32, #tpu.memory_space<hbm>> -> memref<104x128xi32, #tpu.memory_space<hbm>>
          %dma_start3A_87 = arith.constant 0 : i32
          %dma_start3A_88 = arith.constant 0 : i32
          %dma_start3A_89 = tpu.memref_slice %arg5[%dma_start3A_87, %dma_start3A_88] : memref<160x128xi32, #tpu.memory_space<vmem>> -> memref<104x128xi32, #tpu.memory_space<vmem>>
          %dma_start3A_90 = arith.constant 0 : i32
          %dma_start3A_91 = tpu.memref_slice %arg2[%run_scoped3A_80, %mul3A_79, %dma_start3A_90] : memref<2x2504x128xi32, #tpu.memory_space<hbm>> -> memref<1x104x128xi32, #tpu.memory_space<hbm>>
          %dma_start3A_92 = tpu.memref_squeeze %dma_start3A_91 : memref<1x104x128xi32, #tpu.memory_space<hbm>> -> memref<104x128xi32, #tpu.memory_space<hbm>>
          tpu.enqueue_dma source(%dma_start3A_92 : memref<104x128xi32, #tpu.memory_space<hbm>>) target(%dma_start3A_89 : memref<104x128xi32, #tpu.memory_space<vmem>>) target_semaphore(%run_scoped3A_81 : memref<!tpu.dma_semaphore, #tpu.memory_space<semaphore_mem>>)
          %dma_wait3A = arith.constant 0 : i32
          %dma_wait3A_93 = arith.constant 0 : i32
          %dma_wait3A_94 = tpu.memref_slice %arg5[%dma_wait3A, %dma_wait3A_93] : memref<160x128xi32, #tpu.memory_space<vmem>> -> memref<104x128xi32, #tpu.memory_space<vmem>>
          %dma_wait3A_95 = arith.constant 0 : i32
          %dma_wait3A_96 = tpu.memref_slice %arg2[%run_scoped3A_80, %mul3A_79, %dma_wait3A_95] : memref<2x2504x128xi32, #tpu.memory_space<hbm>> -> memref<1x104x128xi32, #tpu.memory_space<hbm>>
          %dma_wait3A_97 = tpu.memref_squeeze %dma_wait3A_96 : memref<1x104x128xi32, #tpu.memory_space<hbm>> -> memref<104x128xi32, #tpu.memory_space<hbm>>
          %dma_wait3A_98 = arith.constant 0 : i32
          %dma_wait3A_99 = arith.constant 0 : i32
          %dma_wait3A_100 = tpu.memref_slice %arg5[%dma_wait3A_98, %dma_wait3A_99] : memref<160x128xi32, #tpu.memory_space<vmem>> -> memref<104x128xi32, #tpu.memory_space<vmem>>
          %dma_wait3A_101 = arith.constant 0 : i32
          %dma_wait3A_102 = tpu.memref_slice %arg2[%run_scoped3A_80, %mul3A_79, %dma_wait3A_101] : memref<2x2504x128xi32, #tpu.memory_space<hbm>> -> memref<1x104x128xi32, #tpu.memory_space<hbm>>
          %dma_wait3A_103 = tpu.memref_squeeze %dma_wait3A_102 : memref<1x104x128xi32, #tpu.memory_space<hbm>> -> memref<104x128xi32, #tpu.memory_space<hbm>>
          tpu.wait_dma2 semaphore(%run_scoped3A_81 : memref<!tpu.dma_semaphore, #tpu.memory_space<semaphore_mem>>) src(%dma_wait3A_103 : memref<104x128xi32, #tpu.memory_space<hbm>>) dst(%dma_wait3A_100 : memref<104x128xi32, #tpu.memory_space<vmem>>)
          tpu.yield
        }) : () -> ()
      } else {
      }
    } else {
    }
    %eq3A_4 = arith.constant 1 : i32
    %eq3A_5 = arith.cmpi eq, %arg0, %eq3A_4 : i32
    %convert_element_type3A_6 = arith.extui %eq3A_5 : i1 to i32
    %cond3A_7 = arith.constant 0 : i32
    %cond3A_8 = arith.cmpi ne, %convert_element_type3A_6, %cond3A_7 : i32
    scf.if %cond3A_8 {
      %lt3A_68 = arith.constant 15 : i32
      %lt3A_69 = arith.cmpi slt, %arg1, %lt3A_68 : i32
      %convert_element_type3A_70 = arith.extui %lt3A_69 : i1 to i32
      %cond3A_71 = arith.constant 0 : i32
      %cond3A_72 = arith.cmpi ne, %convert_element_type3A_70, %cond3A_71 : i32
      scf.if %cond3A_72 {
        %mul3A_78 = arith.constant 160 : i32
        %mul3A_79 = arith.muli %arg1, %mul3A_78 : i32
        %run_scoped3A_80 = arith.constant 1 : i32
        "tpu.region"() ({
          %run_scoped3A_81 = tpu.sem_alloc : memref<!tpu.dma_semaphore, #tpu.memory_space<semaphore_mem>>
          %dma_start3A = arith.constant 0 : i32
          %dma_start3A_82 = tpu.memref_slice %arg3[%run_scoped3A_80, %mul3A_79, %dma_start3A] : memref<2x2504x128xi32, #tpu.memory_space<hbm>> -> memref<1x160x128xi32, #tpu.memory_space<hbm>>
          %dma_start3A_83 = tpu.memref_squeeze %dma_start3A_82 : memref<1x160x128xi32, #tpu.memory_space<hbm>> -> memref<160x128xi32, #tpu.memory_space<hbm>>
          %dma_start3A_84 = arith.constant 0 : i32
          %dma_start3A_85 = tpu.memref_slice %arg3[%run_scoped3A_80, %mul3A_79, %dma_start3A_84] : memref<2x2504x128xi32, #tpu.memory_space<hbm>> -> memref<1x160x128xi32, #tpu.memory_space<hbm>>
          %dma_start3A_86 = tpu.memref_squeeze %dma_start3A_85 : memref<1x160x128xi32, #tpu.memory_space<hbm>> -> memref<160x128xi32, #tpu.memory_space<hbm>>
          tpu.enqueue_dma source(%dma_start3A_86 : memref<160x128xi32, #tpu.memory_space<hbm>>) target(%arg5 : memref<160x128xi32, #tpu.memory_space<vmem>>) target_semaphore(%run_scoped3A_81 : memref<!tpu.dma_semaphore, #tpu.memory_space<semaphore_mem>>)
          %dma_wait3A = arith.constant 0 : i32
          %dma_wait3A_87 = tpu.memref_slice %arg3[%run_scoped3A_80, %mul3A_79, %dma_wait3A] : memref<2x2504x128xi32, #tpu.memory_space<hbm>> -> memref<1x160x128xi32, #tpu.memory_space<hbm>>
          %dma_wait3A_88 = tpu.memref_squeeze %dma_wait3A_87 : memref<1x160x128xi32, #tpu.memory_space<hbm>> -> memref<160x128xi32, #tpu.memory_space<hbm>>
          %dma_wait3A_89 = arith.constant 0 : i32
          %dma_wait3A_90 = tpu.memref_slice %arg3[%run_scoped3A_80, %mul3A_79, %dma_wait3A_89] : memref<2x2504x128xi32, #tpu.memory_space<hbm>> -> memref<1x160x128xi32, #tpu.memory_space<hbm>>
          %dma_wait3A_91 = tpu.memref_squeeze %dma_wait3A_90 : memref<1x160x128xi32, #tpu.memory_space<hbm>> -> memref<160x128xi32, #tpu.memory_space<hbm>>
          tpu.wait_dma2 semaphore(%run_scoped3A_81 : memref<!tpu.dma_semaphore, #tpu.memory_space<semaphore_mem>>) src(%dma_wait3A_91 : memref<160x128xi32, #tpu.memory_space<hbm>>) dst(%arg5 : memref<160x128xi32, #tpu.memory_space<vmem>>)
          tpu.yield
        }) : () -> ()
      } else {
      }
      %eq3A_73 = arith.constant 15 : i32
      %eq3A_74 = arith.cmpi eq, %arg1, %eq3A_73 : i32
      %convert_element_type3A_75 = arith.extui %eq3A_74 : i1 to i32
      %cond3A_76 = arith.constant 0 : i32
      %cond3A_77 = arith.cmpi ne, %convert_element_type3A_75, %cond3A_76 : i32
      scf.if %cond3A_77 {
        %mul3A_78 = arith.constant 160 : i32
        %mul3A_79 = arith.muli %arg1, %mul3A_78 : i32
        %run_scoped3A_80 = arith.constant 1 : i32
        "tpu.region"() ({
          %run_scoped3A_81 = tpu.sem_alloc : memref<!tpu.dma_semaphore, #tpu.memory_space<semaphore_mem>>
          %dma_start3A = arith.constant 0 : i32
          %dma_start3A_82 = arith.constant 0 : i32
          %dma_start3A_83 = tpu.memref_slice %arg5[%dma_start3A, %dma_start3A_82] : memref<160x128xi32, #tpu.memory_space<vmem>> -> memref<104x128xi32, #tpu.memory_space<vmem>>
          %dma_start3A_84 = arith.constant 0 : i32
          %dma_start3A_85 = tpu.memref_slice %arg3[%run_scoped3A_80, %mul3A_79, %dma_start3A_84] : memref<2x2504x128xi32, #tpu.memory_space<hbm>> -> memref<1x104x128xi32, #tpu.memory_space<hbm>>
          %dma_start3A_86 = tpu.memref_squeeze %dma_start3A_85 : memref<1x104x128xi32, #tpu.memory_space<hbm>> -> memref<104x128xi32, #tpu.memory_space<hbm>>
          %dma_start3A_87 = arith.constant 0 : i32
          %dma_start3A_88 = arith.constant 0 : i32
          %dma_start3A_89 = tpu.memref_slice %arg5[%dma_start3A_87, %dma_start3A_88] : memref<160x128xi32, #tpu.memory_space<vmem>> -> memref<104x128xi32, #tpu.memory_space<vmem>>
          %dma_start3A_90 = arith.constant 0 : i32
          %dma_start3A_91 = tpu.memref_slice %arg3[%run_scoped3A_80, %mul3A_79, %dma_start3A_90] : memref<2x2504x128xi32, #tpu.memory_space<hbm>> -> memref<1x104x128xi32, #tpu.memory_space<hbm>>
          %dma_start3A_92 = tpu.memref_squeeze %dma_start3A_91 : memref<1x104x128xi32, #tpu.memory_space<hbm>> -> memref<104x128xi32, #tpu.memory_space<hbm>>
          tpu.enqueue_dma source(%dma_start3A_92 : memref<104x128xi32, #tpu.memory_space<hbm>>) target(%dma_start3A_89 : memref<104x128xi32, #tpu.memory_space<vmem>>) target_semaphore(%run_scoped3A_81 : memref<!tpu.dma_semaphore, #tpu.memory_space<semaphore_mem>>)
          %dma_wait3A = arith.constant 0 : i32
          %dma_wait3A_93 = arith.constant 0 : i32
          %dma_wait3A_94 = tpu.memref_slice %arg5[%dma_wait3A, %dma_wait3A_93] : memref<160x128xi32, #tpu.memory_space<vmem>> -> memref<104x128xi32, #tpu.memory_space<vmem>>
          %dma_wait3A_95 = arith.constant 0 : i32
          %dma_wait3A_96 = tpu.memref_slice %arg3[%run_scoped3A_80, %mul3A_79, %dma_wait3A_95] : memref<2x2504x128xi32, #tpu.memory_space<hbm>> -> memref<1x104x128xi32, #tpu.memory_space<hbm>>
          %dma_wait3A_97 = tpu.memref_squeeze %dma_wait3A_96 : memref<1x104x128xi32, #tpu.memory_space<hbm>> -> memref<104x128xi32, #tpu.memory_space<hbm>>
          %dma_wait3A_98 = arith.constant 0 : i32
          %dma_wait3A_99 = arith.constant 0 : i32
          %dma_wait3A_100 = tpu.memref_slice %arg5[%dma_wait3A_98, %dma_wait3A_99] : memref<160x128xi32, #tpu.memory_space<vmem>> -> memref<104x128xi32, #tpu.memory_space<vmem>>
          %dma_wait3A_101 = arith.constant 0 : i32
          %dma_wait3A_102 = tpu.memref_slice %arg3[%run_scoped3A_80, %mul3A_79, %dma_wait3A_101] : memref<2x2504x128xi32, #tpu.memory_space<hbm>> -> memref<1x104x128xi32, #tpu.memory_space<hbm>>
          %dma_wait3A_103 = tpu.memref_squeeze %dma_wait3A_102 : memref<1x104x128xi32, #tpu.memory_space<hbm>> -> memref<104x128xi32, #tpu.memory_space<hbm>>
          tpu.wait_dma2 semaphore(%run_scoped3A_81 : memref<!tpu.dma_semaphore, #tpu.memory_space<semaphore_mem>>) src(%dma_wait3A_103 : memref<104x128xi32, #tpu.memory_space<hbm>>) dst(%dma_wait3A_100 : memref<104x128xi32, #tpu.memory_space<vmem>>)
          tpu.yield
        }) : () -> ()
      } else {
      }
    } else {
    }
    %broadcast_in_dim3A = arith.constant 0.000000e+00 : f32
    %broadcast_in_dim3A_9 = vector.broadcast %broadcast_in_dim3A : f32 to vector<16xf32>
    %broadcast_in_dim3A_10 = arith.constant 1.000000e+00 : f32
    %broadcast_in_dim3A_11 = vector.broadcast %broadcast_in_dim3A_10 : f32 to vector<16xf32>
    %scan3A = arith.constant 0 : i32
    %scan3A_12 = arith.constant 640 : i32
    %scan3A_13 = arith.addi %scan3A, %scan3A_12 : i32
    %scan3A_14 = arith.constant 1 : i32
    scf.for %scan3A_68 = %scan3A to %scan3A_13 step %scan3A_14  : i32 {
      %mul3A_69 = arith.constant 1 : i32
      %mul3A_70 = arith.muli %scan3A_68, %mul3A_69 : i32
      %add3A_71 = arith.constant 0 : i32
      %add3A_72 = arith.addi %add3A_71, %mul3A_70 : i32
      %mul3A_73 = arith.constant 16 : i32
      %mul3A_74 = arith.muli %add3A_72, %mul3A_73 : i32
      %swap3A = arith.index_cast %mul3A_74 : i32 to index
      %swap3A_75 = tpu.vector_load %arg6[%swap3A] {strides = array<i32>} : memref<10240xf32, #tpu.memory_space<vmem>>, vector<16xf32>,
      tpu.vector_store %arg6[%swap3A], %broadcast_in_dim3A_9 {strides = array<i32>} : memref<10240xf32, #tpu.memory_space<vmem>>, vector<16xf32>,
    }
    %scan3A_15 = arith.constant 640 : i32
    %sub3A = arith.constant 0 : i32
    %sub3A_16 = arith.subi %select_n3A, %sub3A : i32
    %sub3A_17 = arith.constant 1 : i32
    %sub3A_18 = arith.constant 1 : i32
    %sub3A_19 = arith.subi %sub3A_17, %sub3A_18 : i32
    %add3A = arith.addi %sub3A_16, %sub3A_19 : i32
    %div3A = arith.constant 1 : i32
    %div3A_20 = arith.divsi %add3A, %div3A : i32
    %while3A = arith.constant 1 : i32
    %while3A_21 = arith.constant 0 : i32
    %while3A_22 = arith.constant 0 : i32
    %while3A_23 = arith.subi %div3A_20, %while3A_22 : i32
    %while3A_24 = arith.addi %while3A_22, %while3A_23 : i32
    %while3A_25 = arith.constant 1 : i32
    %while3A_26 = arith.divsi %while3A_23, %while3A_25 : i32
    %while3A_27 = arith.muli %while3A_26, %while3A_25 : i32
    %while3A_28 = arith.addi %while3A_22, %while3A_27 : i32
    %while3A_29 = arith.constant 1 : i32
    scf.for %while3A_68 = %while3A_22 to %while3A_28 step %while3A_29  : i32 {
      %mul3A_69 = arith.muli %while3A_68, %while3A : i32
      %add3A_70 = arith.addi %while3A_21, %mul3A_69 : i32
      %get3A = arith.index_cast %add3A_70 : i32 to index
      %get3A_71 = arith.constant 0 : index
      %get3A_72 = tpu.vector_load %arg5[%get3A, %get3A_71] {strides = array<i32>} : memref<160x128xi32, #tpu.memory_space<vmem>>, vector<16xi32>,
      tpu.vector_store_idx %arg6[%get3A_72], %broadcast_in_dim3A_11 {add = true} : memref<10240xf32, #tpu.memory_space<vmem>>[vector<16xi32>], vector<16xf32>,
      %get3A_73 = arith.index_cast %add3A_70 : i32 to index
      %get3A_74 = arith.constant 16 : index
      %get3A_75 = tpu.vector_load %arg5[%get3A_73, %get3A_74] {strides = array<i32>} : memref<160x128xi32, #tpu.memory_space<vmem>>, vector<16xi32>,
      tpu.vector_store_idx %arg6[%get3A_75], %broadcast_in_dim3A_11 {add = true} : memref<10240xf32, #tpu.memory_space<vmem>>[vector<16xi32>], vector<16xf32>,
      %get3A_76 = arith.index_cast %add3A_70 : i32 to index
      %get3A_77 = arith.constant 32 : index
      %get3A_78 = tpu.vector_load %arg5[%get3A_76, %get3A_77] {strides = array<i32>} : memref<160x128xi32, #tpu.memory_space<vmem>>, vector<16xi32>,
      tpu.vector_store_idx %arg6[%get3A_78], %broadcast_in_dim3A_11 {add = true} : memref<10240xf32, #tpu.memory_space<vmem>>[vector<16xi32>], vector<16xf32>,
      %get3A_79 = arith.index_cast %add3A_70 : i32 to index
      %get3A_80 = arith.constant 48 : index
      %get3A_81 = tpu.vector_load %arg5[%get3A_79, %get3A_80] {strides = array<i32>} : memref<160x128xi32, #tpu.memory_space<vmem>>, vector<16xi32>,
      tpu.vector_store_idx %arg6[%get3A_81], %broadcast_in_dim3A_11 {add = true} : memref<10240xf32, #tpu.memory_space<vmem>>[vector<16xi32>], vector<16xf32>,
      %get3A_82 = arith.index_cast %add3A_70 : i32 to index
      %get3A_83 = arith.constant 64 : index
      %get3A_84 = tpu.vector_load %arg5[%get3A_82, %get3A_83] {strides = array<i32>} : memref<160x128xi32, #tpu.memory_space<vmem>>, vector<16xi32>,
      tpu.vector_store_idx %arg6[%get3A_84], %broadcast_in_dim3A_11 {add = true} : memref<10240xf32, #tpu.memory_space<vmem>>[vector<16xi32>], vector<16xf32>,
      %get3A_85 = arith.index_cast %add3A_70 : i32 to index
      %get3A_86 = arith.constant 80 : index
      %get3A_87 = tpu.vector_load %arg5[%get3A_85, %get3A_86] {strides = array<i32>} : memref<160x128xi32, #tpu.memory_space<vmem>>, vector<16xi32>,
      tpu.vector_store_idx %arg6[%get3A_87], %broadcast_in_dim3A_11 {add = true} : memref<10240xf32, #tpu.memory_space<vmem>>[vector<16xi32>], vector<16xf32>,
      %get3A_88 = arith.index_cast %add3A_70 : i32 to index
      %get3A_89 = arith.constant 96 : index
      %get3A_90 = tpu.vector_load %arg5[%get3A_88, %get3A_89] {strides = array<i32>} : memref<160x128xi32, #tpu.memory_space<vmem>>, vector<16xi32>,
      tpu.vector_store_idx %arg6[%get3A_90], %broadcast_in_dim3A_11 {add = true} : memref<10240xf32, #tpu.memory_space<vmem>>[vector<16xi32>], vector<16xf32>,
      %get3A_91 = arith.index_cast %add3A_70 : i32 to index
      %get3A_92 = arith.constant 112 : index
      %get3A_93 = tpu.vector_load %arg5[%get3A_91, %get3A_92] {strides = array<i32>} : memref<160x128xi32, #tpu.memory_space<vmem>>, vector<16xi32>,
      tpu.vector_store_idx %arg6[%get3A_93], %broadcast_in_dim3A_11 {add = true} : memref<10240xf32, #tpu.memory_space<vmem>>[vector<16xi32>], vector<16xf32>,
    }
    %while3A_30 = arith.constant 1 : i32
    scf.for %while3A_68 = %while3A_28 to %while3A_24 step %while3A_30  : i32 {
      %mul3A_69 = arith.muli %while3A_68, %while3A : i32
      %add3A_70 = arith.addi %while3A_21, %mul3A_69 : i32
      %get3A = arith.index_cast %add3A_70 : i32 to index
      %get3A_71 = arith.constant 0 : index
      %get3A_72 = tpu.vector_load %arg5[%get3A, %get3A_71] {strides = array<i32>} : memref<160x128xi32, #tpu.memory_space<vmem>>, vector<16xi32>,
      tpu.vector_store_idx %arg6[%get3A_72], %broadcast_in_dim3A_11 {add = true} : memref<10240xf32, #tpu.memory_space<vmem>>[vector<16xi32>], vector<16xf32>,
      %get3A_73 = arith.index_cast %add3A_70 : i32 to index
      %get3A_74 = arith.constant 16 : index
      %get3A_75 = tpu.vector_load %arg5[%get3A_73, %get3A_74] {strides = array<i32>} : memref<160x128xi32, #tpu.memory_space<vmem>>, vector<16xi32>,
      tpu.vector_store_idx %arg6[%get3A_75], %broadcast_in_dim3A_11 {add = true} : memref<10240xf32, #tpu.memory_space<vmem>>[vector<16xi32>], vector<16xf32>,
      %get3A_76 = arith.index_cast %add3A_70 : i32 to index
      %get3A_77 = arith.constant 32 : index
      %get3A_78 = tpu.vector_load %arg5[%get3A_76, %get3A_77] {strides = array<i32>} : memref<160x128xi32, #tpu.memory_space<vmem>>, vector<16xi32>,
      tpu.vector_store_idx %arg6[%get3A_78], %broadcast_in_dim3A_11 {add = true} : memref<10240xf32, #tpu.memory_space<vmem>>[vector<16xi32>], vector<16xf32>,
      %get3A_79 = arith.index_cast %add3A_70 : i32 to index
      %get3A_80 = arith.constant 48 : index
      %get3A_81 = tpu.vector_load %arg5[%get3A_79, %get3A_80] {strides = array<i32>} : memref<160x128xi32, #tpu.memory_space<vmem>>, vector<16xi32>,
      tpu.vector_store_idx %arg6[%get3A_81], %broadcast_in_dim3A_11 {add = true} : memref<10240xf32, #tpu.memory_space<vmem>>[vector<16xi32>], vector<16xf32>,
      %get3A_82 = arith.index_cast %add3A_70 : i32 to index
      %get3A_83 = arith.constant 64 : index
      %get3A_84 = tpu.vector_load %arg5[%get3A_82, %get3A_83] {strides = array<i32>} : memref<160x128xi32, #tpu.memory_space<vmem>>, vector<16xi32>,
      tpu.vector_store_idx %arg6[%get3A_84], %broadcast_in_dim3A_11 {add = true} : memref<10240xf32, #tpu.memory_space<vmem>>[vector<16xi32>], vector<16xf32>,
      %get3A_85 = arith.index_cast %add3A_70 : i32 to index
      %get3A_86 = arith.constant 80 : index
      %get3A_87 = tpu.vector_load %arg5[%get3A_85, %get3A_86] {strides = array<i32>} : memref<160x128xi32, #tpu.memory_space<vmem>>, vector<16xi32>,
      tpu.vector_store_idx %arg6[%get3A_87], %broadcast_in_dim3A_11 {add = true} : memref<10240xf32, #tpu.memory_space<vmem>>[vector<16xi32>], vector<16xf32>,
      %get3A_88 = arith.index_cast %add3A_70 : i32 to index
      %get3A_89 = arith.constant 96 : index
      %get3A_90 = tpu.vector_load %arg5[%get3A_88, %get3A_89] {strides = array<i32>} : memref<160x128xi32, #tpu.memory_space<vmem>>, vector<16xi32>,
      tpu.vector_store_idx %arg6[%get3A_90], %broadcast_in_dim3A_11 {add = true} : memref<10240xf32, #tpu.memory_space<vmem>>[vector<16xi32>], vector<16xf32>,
      %get3A_91 = arith.index_cast %add3A_70 : i32 to index
      %get3A_92 = arith.constant 112 : index
      %get3A_93 = tpu.vector_load %arg5[%get3A_91, %get3A_92] {strides = array<i32>} : memref<160x128xi32, #tpu.memory_space<vmem>>, vector<16xi32>,
      tpu.vector_store_idx %arg6[%get3A_93], %broadcast_in_dim3A_11 {add = true} : memref<10240xf32, #tpu.memory_space<vmem>>[vector<16xi32>], vector<16xf32>,
    }
    "tpu.region"() ({
      %run_scoped3A_68 = tpu.sem_alloc : memref<!tpu.dma_semaphore, #tpu.memory_space<semaphore_mem>>
      %dma_start3A = arith.constant 0 : i32
      %dma_start3A_69 = tpu.memref_slice %arg9[%arg1, %dma_start3A] : memref<16x10240xf32, #tpu.memory_space<vmem_shared>> -> memref<1x10240xf32, #tpu.memory_space<vmem_shared>>
      %dma_start3A_70 = tpu.memref_squeeze %dma_start3A_69 : memref<1x10240xf32, #tpu.memory_space<vmem_shared>> -> memref<10240xf32, #tpu.memory_space<vmem_shared>>
      %dma_start3A_71 = arith.constant 0 : i32
      %dma_start3A_72 = tpu.memref_slice %arg9[%arg1, %dma_start3A_71] : memref<16x10240xf32, #tpu.memory_space<vmem_shared>> -> memref<1x10240xf32, #tpu.memory_space<vmem_shared>>
      %dma_start3A_73 = tpu.memref_squeeze %dma_start3A_72 : memref<1x10240xf32, #tpu.memory_space<vmem_shared>> -> memref<10240xf32, #tpu.memory_space<vmem_shared>>
      tpu.enqueue_dma source(%arg6 : memref<10240xf32, #tpu.memory_space<vmem>>) target(%dma_start3A_73 : memref<10240xf32, #tpu.memory_space<vmem_shared>>) target_semaphore(%run_scoped3A_68 : memref<!tpu.dma_semaphore, #tpu.memory_space<semaphore_mem>>)
      %dma_wait3A = arith.constant 0 : i32
      %dma_wait3A_74 = tpu.memref_slice %arg9[%arg1, %dma_wait3A] : memref<16x10240xf32, #tpu.memory_space<vmem_shared>> -> memref<1x10240xf32, #tpu.memory_space<vmem_shared>>
      %dma_wait3A_75 = tpu.memref_squeeze %dma_wait3A_74 : memref<1x10240xf32, #tpu.memory_space<vmem_shared>> -> memref<10240xf32, #tpu.memory_space<vmem_shared>>
      %dma_wait3A_76 = arith.constant 0 : i32
      %dma_wait3A_77 = tpu.memref_slice %arg9[%arg1, %dma_wait3A_76] : memref<16x10240xf32, #tpu.memory_space<vmem_shared>> -> memref<1x10240xf32, #tpu.memory_space<vmem_shared>>
      %dma_wait3A_78 = tpu.memref_squeeze %dma_wait3A_77 : memref<1x10240xf32, #tpu.memory_space<vmem_shared>> -> memref<10240xf32, #tpu.memory_space<vmem_shared>>
      tpu.wait_dma2 semaphore(%run_scoped3A_68 : memref<!tpu.dma_semaphore, #tpu.memory_space<semaphore_mem>>) src(%arg6 : memref<10240xf32, #tpu.memory_space<vmem>>) dst(%dma_wait3A_78 : memref<10240xf32, #tpu.memory_space<vmem_shared>>)
      tpu.yield
    }) : () -> ()
    %barrier3A = arith.constant 0 : index
    tpu.barrier barrier_id(%barrier3A)
    %mul3A = arith.constant 640 : i32
    %mul3A_31 = arith.muli %arg1, %mul3A : i32
    %run_scoped3A = arith.constant 0 : i32
    %run_scoped3A_32 = arith.constant 0 : i32
    "tpu.region"() ({
      %run_scoped3A_68 = tpu.sem_alloc : memref<!tpu.dma_semaphore, #tpu.memory_space<semaphore_mem>>
      %dma_start3A = arith.constant 0 : i32
      %dma_start3A_69 = tpu.memref_slice %arg7[%run_scoped3A_32, %dma_start3A] : memref<16x640xf32, #tpu.memory_space<vmem>> -> memref<1x640xf32, #tpu.memory_space<vmem>>
      %dma_start3A_70 = tpu.memref_squeeze %dma_start3A_69 : memref<1x640xf32, #tpu.memory_space<vmem>> -> memref<640xf32, #tpu.memory_space<vmem>>
      %dma_start3A_71 = tpu.memref_slice %arg9[%run_scoped3A, %mul3A_31] : memref<16x10240xf32, #tpu.memory_space<vmem_shared>> -> memref<1x640xf32, #tpu.memory_space<vmem_shared>>
      %dma_start3A_72 = tpu.memref_squeeze %dma_start3A_71 : memref<1x640xf32, #tpu.memory_space<vmem_shared>> -> memref<640xf32, #tpu.memory_space<vmem_shared>>
      %dma_start3A_73 = arith.constant 0 : i32
      %dma_start3A_74 = tpu.memref_slice %arg7[%run_scoped3A_32, %dma_start3A_73] : memref<16x640xf32, #tpu.memory_space<vmem>> -> memref<1x640xf32, #tpu.memory_space<vmem>>
      %dma_start3A_75 = tpu.memref_squeeze %dma_start3A_74 : memref<1x640xf32, #tpu.memory_space<vmem>> -> memref<640xf32, #tpu.memory_space<vmem>>
      %dma_start3A_76 = tpu.memref_slice %arg9[%run_scoped3A, %mul3A_31] : memref<16x10240xf32, #tpu.memory_space<vmem_shared>> -> memref<1x640xf32, #tpu.memory_space<vmem_shared>>
      %dma_start3A_77 = tpu.memref_squeeze %dma_start3A_76 : memref<1x640xf32, #tpu.memory_space<vmem_shared>> -> memref<640xf32, #tpu.memory_space<vmem_shared>>
      tpu.enqueue_dma source(%dma_start3A_77 : memref<640xf32, #tpu.memory_space<vmem_shared>>) target(%dma_start3A_75 : memref<640xf32, #tpu.memory_space<vmem>>) target_semaphore(%run_scoped3A_68 : memref<!tpu.dma_semaphore, #tpu.memory_space<semaphore_mem>>)
      %dma_wait3A = arith.constant 0 : i32
      %dma_wait3A_78 = tpu.memref_slice %arg7[%run_scoped3A_32, %dma_wait3A] : memref<16x640xf32, #tpu.memory_space<vmem>> -> memref<1x640xf32, #tpu.memory_space<vmem>>
      %dma_wait3A_79 = tpu.memref_squeeze %dma_wait3A_78 : memref<1x640xf32, #tpu.memory_space<vmem>> -> memref<640xf32, #tpu.memory_space<vmem>>
      %dma_wait3A_80 = tpu.memref_slice %arg9[%run_scoped3A, %mul3A_31] : memref<16x10240xf32, #tpu.memory_space<vmem_shared>> -> memref<1x640xf32, #tpu.memory_space<vmem_shared>>
      %dma_wait3A_81 = tpu.memref_squeeze %dma_wait3A_80 : memref<1x640xf32, #tpu.memory_space<vmem_shared>> -> memref<640xf32, #tpu.memory_space<vmem_shared>>
      %dma_wait3A_82 = arith.constant 0 : i32
      %dma_wait3A_83 = tpu.memref_slice %arg7[%run_scoped3A_32, %dma_wait3A_82] : memref<16x640xf32, #tpu.memory_space<vmem>> -> memref<1x640xf32, #tpu.memory_space<vmem>>
      %dma_wait3A_84 = tpu.memref_squeeze %dma_wait3A_83 : memref<1x640xf32, #tpu.memory_space<vmem>> -> memref<640xf32, #tpu.memory_space<vmem>>
      %dma_wait3A_85 = tpu.memref_slice %arg9[%run_scoped3A, %mul3A_31] : memref<16x10240xf32, #tpu.memory_space<vmem_shared>> -> memref<1x640xf32, #tpu.memory_space<vmem_shared>>
      %dma_wait3A_86 = tpu.memref_squeeze %dma_wait3A_85 : memref<1x640xf32, #tpu.memory_space<vmem_shared>> -> memref<640xf32, #tpu.memory_space<vmem_shared>>
      tpu.wait_dma2 semaphore(%run_scoped3A_68 : memref<!tpu.dma_semaphore, #tpu.memory_space<semaphore_mem>>) src(%dma_wait3A_86 : memref<640xf32, #tpu.memory_space<vmem_shared>>) dst(%dma_wait3A_84 : memref<640xf32, #tpu.memory_space<vmem>>)
      tpu.yield
    }) : () -> ()
    %run_scoped3A_33 = arith.constant 1 : i32
    %run_scoped3A_34 = arith.constant 1 : i32
    "tpu.region"() ({
      %run_scoped3A_68 = tpu.sem_alloc : memref<!tpu.dma_semaphore, #tpu.memory_space<semaphore_mem>>
      %dma_start3A = arith.constant 0 : i32
      %dma_start3A_69 = tpu.memref_slice %arg7[%run_scoped3A_34, %dma_start3A] : memref<16x640xf32, #tpu.memory_space<vmem>> -> memref<1x640xf32, #tpu.memory_space<vmem>>
      %dma_start3A_70 = tpu.memref_squeeze %dma_start3A_69 : memref<1x640xf32, #tpu.memory_space<vmem>> -> memref<640xf32, #tpu.memory_space<vmem>>
      %dma_start3A_71 = tpu.memref_slice %arg9[%run_scoped3A_33, %mul3A_31] : memref<16x10240xf32, #tpu.memory_space<vmem_shared>> -> memref<1x640xf32, #tpu.memory_space<vmem_shared>>
      %dma_start3A_72 = tpu.memref_squeeze %dma_start3A_71 : memref<1x640xf32, #tpu.memory_space<vmem_shared>> -> memref<640xf32, #tpu.memory_space<vmem_shared>>
      %dma_start3A_73 = arith.constant 0 : i32
      %dma_start3A_74 = tpu.memref_slice %arg7[%run_scoped3A_34, %dma_start3A_73] : memref<16x640xf32, #tpu.memory_space<vmem>> -> memref<1x640xf32, #tpu.memory_space<vmem>>
      %dma_start3A_75 = tpu.memref_squeeze %dma_start3A_74 : memref<1x640xf32, #tpu.memory_space<vmem>> -> memref<640xf32, #tpu.memory_space<vmem>>
      %dma_start3A_76 = tpu.memref_slice %arg9[%run_scoped3A_33, %mul3A_31] : memref<16x10240xf32, #tpu.memory_space<vmem_shared>> -> memref<1x640xf32, #tpu.memory_space<vmem_shared>>
      %dma_start3A_77 = tpu.memref_squeeze %dma_start3A_76 : memref<1x640xf32, #tpu.memory_space<vmem_shared>> -> memref<640xf32, #tpu.memory_space<vmem_shared>>
      tpu.enqueue_dma source(%dma_start3A_77 : memref<640xf32, #tpu.memory_space<vmem_shared>>) target(%dma_start3A_75 : memref<640xf32, #tpu.memory_space<vmem>>) target_semaphore(%run_scoped3A_68 : memref<!tpu.dma_semaphore, #tpu.memory_space<semaphore_mem>>)
      %dma_wait3A = arith.constant 0 : i32
      %dma_wait3A_78 = tpu.memref_slice %arg7[%run_scoped3A_34, %dma_wait3A] : memref<16x640xf32, #tpu.memory_space<vmem>> -> memref<1x640xf32, #tpu.memory_space<vmem>>
      %dma_wait3A_79 = tpu.memref_squeeze %dma_wait3A_78 : memref<1x640xf32, #tpu.memory_space<vmem>> -> memref<640xf32, #tpu.memory_space<vmem>>
      %dma_wait3A_80 = tpu.memref_slice %arg9[%run_scoped3A_33, %mul3A_31] : memref<16x10240xf32, #tpu.memory_space<vmem_shared>> -> memref<1x640xf32, #tpu.memory_space<vmem_shared>>
      %dma_wait3A_81 = tpu.memref_squeeze %dma_wait3A_80 : memref<1x640xf32, #tpu.memory_space<vmem_shared>> -> memref<640xf32, #tpu.memory_space<vmem_shared>>
      %dma_wait3A_82 = arith.constant 0 : i32
      %dma_wait3A_83 = tpu.memref_slice %arg7[%run_scoped3A_34, %dma_wait3A_82] : memref<16x640xf32, #tpu.memory_space<vmem>> -> memref<1x640xf32, #tpu.memory_space<vmem>>
      %dma_wait3A_84 = tpu.memref_squeeze %dma_wait3A_83 : memref<1x640xf32, #tpu.memory_space<vmem>> -> memref<640xf32, #tpu.memory_space<vmem>>
      %dma_wait3A_85 = tpu.memref_slice %arg9[%run_scoped3A_33, %mul3A_31] : memref<16x10240xf32, #tpu.memory_space<vmem_shared>> -> memref<1x640xf32, #tpu.memory_space<vmem_shared>>
      %dma_wait3A_86 = tpu.memref_squeeze %dma_wait3A_85 : memref<1x640xf32, #tpu.memory_space<vmem_shared>> -> memref<640xf32, #tpu.memory_space<vmem_shared>>
      tpu.wait_dma2 semaphore(%run_scoped3A_68 : memref<!tpu.dma_semaphore, #tpu.memory_space<semaphore_mem>>) src(%dma_wait3A_86 : memref<640xf32, #tpu.memory_space<vmem_shared>>) dst(%dma_wait3A_84 : memref<640xf32, #tpu.memory_space<vmem>>)
      tpu.yield
    }) : () -> ()
    %run_scoped3A_35 = arith.constant 2 : i32
    %run_scoped3A_36 = arith.constant 2 : i32
    "tpu.region"() ({
      %run_scoped3A_68 = tpu.sem_alloc : memref<!tpu.dma_semaphore, #tpu.memory_space<semaphore_mem>>
      %dma_start3A = arith.constant 0 : i32
      %dma_start3A_69 = tpu.memref_slice %arg7[%run_scoped3A_36, %dma_start3A] : memref<16x640xf32, #tpu.memory_space<vmem>> -> memref<1x640xf32, #tpu.memory_space<vmem>>
      %dma_start3A_70 = tpu.memref_squeeze %dma_start3A_69 : memref<1x640xf32, #tpu.memory_space<vmem>> -> memref<640xf32, #tpu.memory_space<vmem>>
      %dma_start3A_71 = tpu.memref_slice %arg9[%run_scoped3A_35, %mul3A_31] : memref<16x10240xf32, #tpu.memory_space<vmem_shared>> -> memref<1x640xf32, #tpu.memory_space<vmem_shared>>
      %dma_start3A_72 = tpu.memref_squeeze %dma_start3A_71 : memref<1x640xf32, #tpu.memory_space<vmem_shared>> -> memref<640xf32, #tpu.memory_space<vmem_shared>>
      %dma_start3A_73 = arith.constant 0 : i32
      %dma_start3A_74 = tpu.memref_slice %arg7[%run_scoped3A_36, %dma_start3A_73] : memref<16x640xf32, #tpu.memory_space<vmem>> -> memref<1x640xf32, #tpu.memory_space<vmem>>
      %dma_start3A_75 = tpu.memref_squeeze %dma_start3A_74 : memref<1x640xf32, #tpu.memory_space<vmem>> -> memref<640xf32, #tpu.memory_space<vmem>>
      %dma_start3A_76 = tpu.memref_slice %arg9[%run_scoped3A_35, %mul3A_31] : memref<16x10240xf32, #tpu.memory_space<vmem_shared>> -> memref<1x640xf32, #tpu.memory_space<vmem_shared>>
      %dma_start3A_77 = tpu.memref_squeeze %dma_start3A_76 : memref<1x640xf32, #tpu.memory_space<vmem_shared>> -> memref<640xf32, #tpu.memory_space<vmem_shared>>
      tpu.enqueue_dma source(%dma_start3A_77 : memref<640xf32, #tpu.memory_space<vmem_shared>>) target(%dma_start3A_75 : memref<640xf32, #tpu.memory_space<vmem>>) target_semaphore(%run_scoped3A_68 : memref<!tpu.dma_semaphore, #tpu.memory_space<semaphore_mem>>)
      %dma_wait3A = arith.constant 0 : i32
      %dma_wait3A_78 = tpu.memref_slice %arg7[%run_scoped3A_36, %dma_wait3A] : memref<16x640xf32, #tpu.memory_space<vmem>> -> memref<1x640xf32, #tpu.memory_space<vmem>>
      %dma_wait3A_79 = tpu.memref_squeeze %dma_wait3A_78 : memref<1x640xf32, #tpu.memory_space<vmem>> -> memref<640xf32, #tpu.memory_space<vmem>>
      %dma_wait3A_80 = tpu.memref_slice %arg9[%run_scoped3A_35, %mul3A_31] : memref<16x10240xf32, #tpu.memory_space<vmem_shared>> -> memref<1x640xf32, #tpu.memory_space<vmem_shared>>
      %dma_wait3A_81 = tpu.memref_squeeze %dma_wait3A_80 : memref<1x640xf32, #tpu.memory_space<vmem_shared>> -> memref<640xf32, #tpu.memory_space<vmem_shared>>
      %dma_wait3A_82 = arith.constant 0 : i32
      %dma_wait3A_83 = tpu.memref_slice %arg7[%run_scoped3A_36, %dma_wait3A_82] : memref<16x640xf32, #tpu.memory_space<vmem>> -> memref<1x640xf32, #tpu.memory_space<vmem>>
      %dma_wait3A_84 = tpu.memref_squeeze %dma_wait3A_83 : memref<1x640xf32, #tpu.memory_space<vmem>> -> memref<640xf32, #tpu.memory_space<vmem>>
      %dma_wait3A_85 = tpu.memref_slice %arg9[%run_scoped3A_35, %mul3A_31] : memref<16x10240xf32, #tpu.memory_space<vmem_shared>> -> memref<1x640xf32, #tpu.memory_space<vmem_shared>>
      %dma_wait3A_86 = tpu.memref_squeeze %dma_wait3A_85 : memref<1x640xf32, #tpu.memory_space<vmem_shared>> -> memref<640xf32, #tpu.memory_space<vmem_shared>>
      tpu.wait_dma2 semaphore(%run_scoped3A_68 : memref<!tpu.dma_semaphore, #tpu.memory_space<semaphore_mem>>) src(%dma_wait3A_86 : memref<640xf32, #tpu.memory_space<vmem_shared>>) dst(%dma_wait3A_84 : memref<640xf32, #tpu.memory_space<vmem>>)
      tpu.yield
    }) : () -> ()
    %run_scoped3A_37 = arith.constant 3 : i32
    %run_scoped3A_38 = arith.constant 3 : i32
    "tpu.region"() ({
      %run_scoped3A_68 = tpu.sem_alloc : memref<!tpu.dma_semaphore, #tpu.memory_space<semaphore_mem>>
      %dma_start3A = arith.constant 0 : i32
      %dma_start3A_69 = tpu.memref_slice %arg7[%run_scoped3A_38, %dma_start3A] : memref<16x640xf32, #tpu.memory_space<vmem>> -> memref<1x640xf32, #tpu.memory_space<vmem>>
      %dma_start3A_70 = tpu.memref_squeeze %dma_start3A_69 : memref<1x640xf32, #tpu.memory_space<vmem>> -> memref<640xf32, #tpu.memory_space<vmem>>
      %dma_start3A_71 = tpu.memref_slice %arg9[%run_scoped3A_37, %mul3A_31] : memref<16x10240xf32, #tpu.memory_space<vmem_shared>> -> memref<1x640xf32, #tpu.memory_space<vmem_shared>>
      %dma_start3A_72 = tpu.memref_squeeze %dma_start3A_71 : memref<1x640xf32, #tpu.memory_space<vmem_shared>> -> memref<640xf32, #tpu.memory_space<vmem_shared>>
      %dma_start3A_73 = arith.constant 0 : i32
      %dma_start3A_74 = tpu.memref_slice %arg7[%run_scoped3A_38, %dma_start3A_73] : memref<16x640xf32, #tpu.memory_space<vmem>> -> memref<1x640xf32, #tpu.memory_space<vmem>>
      %dma_start3A_75 = tpu.memref_squeeze %dma_start3A_74 : memref<1x640xf32, #tpu.memory_space<vmem>> -> memref<640xf32, #tpu.memory_space<vmem>>
      %dma_start3A_76 = tpu.memref_slice %arg9[%run_scoped3A_37, %mul3A_31] : memref<16x10240xf32, #tpu.memory_space<vmem_shared>> -> memref<1x640xf32, #tpu.memory_space<vmem_shared>>
      %dma_start3A_77 = tpu.memref_squeeze %dma_start3A_76 : memref<1x640xf32, #tpu.memory_space<vmem_shared>> -> memref<640xf32, #tpu.memory_space<vmem_shared>>
      tpu.enqueue_dma source(%dma_start3A_77 : memref<640xf32, #tpu.memory_space<vmem_shared>>) target(%dma_start3A_75 : memref<640xf32, #tpu.memory_space<vmem>>) target_semaphore(%run_scoped3A_68 : memref<!tpu.dma_semaphore, #tpu.memory_space<semaphore_mem>>)
      %dma_wait3A = arith.constant 0 : i32
      %dma_wait3A_78 = tpu.memref_slice %arg7[%run_scoped3A_38, %dma_wait3A] : memref<16x640xf32, #tpu.memory_space<vmem>> -> memref<1x640xf32, #tpu.memory_space<vmem>>
      %dma_wait3A_79 = tpu.memref_squeeze %dma_wait3A_78 : memref<1x640xf32, #tpu.memory_space<vmem>> -> memref<640xf32, #tpu.memory_space<vmem>>
      %dma_wait3A_80 = tpu.memref_slice %arg9[%run_scoped3A_37, %mul3A_31] : memref<16x10240xf32, #tpu.memory_space<vmem_shared>> -> memref<1x640xf32, #tpu.memory_space<vmem_shared>>
      %dma_wait3A_81 = tpu.memref_squeeze %dma_wait3A_80 : memref<1x640xf32, #tpu.memory_space<vmem_shared>> -> memref<640xf32, #tpu.memory_space<vmem_shared>>
      %dma_wait3A_82 = arith.constant 0 : i32
      %dma_wait3A_83 = tpu.memref_slice %arg7[%run_scoped3A_38, %dma_wait3A_82] : memref<16x640xf32, #tpu.memory_space<vmem>> -> memref<1x640xf32, #tpu.memory_space<vmem>>
      %dma_wait3A_84 = tpu.memref_squeeze %dma_wait3A_83 : memref<1x640xf32, #tpu.memory_space<vmem>> -> memref<640xf32, #tpu.memory_space<vmem>>
      %dma_wait3A_85 = tpu.memref_slice %arg9[%run_scoped3A_37, %mul3A_31] : memref<16x10240xf32, #tpu.memory_space<vmem_shared>> -> memref<1x640xf32, #tpu.memory_space<vmem_shared>>
      %dma_wait3A_86 = tpu.memref_squeeze %dma_wait3A_85 : memref<1x640xf32, #tpu.memory_space<vmem_shared>> -> memref<640xf32, #tpu.memory_space<vmem_shared>>
      tpu.wait_dma2 semaphore(%run_scoped3A_68 : memref<!tpu.dma_semaphore, #tpu.memory_space<semaphore_mem>>) src(%dma_wait3A_86 : memref<640xf32, #tpu.memory_space<vmem_shared>>) dst(%dma_wait3A_84 : memref<640xf32, #tpu.memory_space<vmem>>)
      tpu.yield
    }) : () -> ()
    %run_scoped3A_39 = arith.constant 4 : i32
    %run_scoped3A_40 = arith.constant 4 : i32
    "tpu.region"() ({
      %run_scoped3A_68 = tpu.sem_alloc : memref<!tpu.dma_semaphore, #tpu.memory_space<semaphore_mem>>
      %dma_start3A = arith.constant 0 : i32
      %dma_start3A_69 = tpu.memref_slice %arg7[%run_scoped3A_40, %dma_start3A] : memref<16x640xf32, #tpu.memory_space<vmem>> -> memref<1x640xf32, #tpu.memory_space<vmem>>
      %dma_start3A_70 = tpu.memref_squeeze %dma_start3A_69 : memref<1x640xf32, #tpu.memory_space<vmem>> -> memref<640xf32, #tpu.memory_space<vmem>>
      %dma_start3A_71 = tpu.memref_slice %arg9[%run_scoped3A_39, %mul3A_31] : memref<16x10240xf32, #tpu.memory_space<vmem_shared>> -> memref<1x640xf32, #tpu.memory_space<vmem_shared>>
      %dma_start3A_72 = tpu.memref_squeeze %dma_start3A_71 : memref<1x640xf32, #tpu.memory_space<vmem_shared>> -> memref<640xf32, #tpu.memory_space<vmem_shared>>
      %dma_start3A_73 = arith.constant 0 : i32
      %dma_start3A_74 = tpu.memref_slice %arg7[%run_scoped3A_40, %dma_start3A_73] : memref<16x640xf32, #tpu.memory_space<vmem>> -> memref<1x640xf32, #tpu.memory_space<vmem>>
      %dma_start3A_75 = tpu.memref_squeeze %dma_start3A_74 : memref<1x640xf32, #tpu.memory_space<vmem>> -> memref<640xf32, #tpu.memory_space<vmem>>
      %dma_start3A_76 = tpu.memref_slice %arg9[%run_scoped3A_39, %mul3A_31] : memref<16x10240xf32, #tpu.memory_space<vmem_shared>> -> memref<1x640xf32, #tpu.memory_space<vmem_shared>>
      %dma_start3A_77 = tpu.memref_squeeze %dma_start3A_76 : memref<1x640xf32, #tpu.memory_space<vmem_shared>> -> memref<640xf32, #tpu.memory_space<vmem_shared>>
      tpu.enqueue_dma source(%dma_start3A_77 : memref<640xf32, #tpu.memory_space<vmem_shared>>) target(%dma_start3A_75 : memref<640xf32, #tpu.memory_space<vmem>>) target_semaphore(%run_scoped3A_68 : memref<!tpu.dma_semaphore, #tpu.memory_space<semaphore_mem>>)
      %dma_wait3A = arith.constant 0 : i32
      %dma_wait3A_78 = tpu.memref_slice %arg7[%run_scoped3A_40, %dma_wait3A] : memref<16x640xf32, #tpu.memory_space<vmem>> -> memref<1x640xf32, #tpu.memory_space<vmem>>
      %dma_wait3A_79 = tpu.memref_squeeze %dma_wait3A_78 : memref<1x640xf32, #tpu.memory_space<vmem>> -> memref<640xf32, #tpu.memory_space<vmem>>
      %dma_wait3A_80 = tpu.memref_slice %arg9[%run_scoped3A_39, %mul3A_31] : memref<16x10240xf32, #tpu.memory_space<vmem_shared>> -> memref<1x640xf32, #tpu.memory_space<vmem_shared>>
      %dma_wait3A_81 = tpu.memref_squeeze %dma_wait3A_80 : memref<1x640xf32, #tpu.memory_space<vmem_shared>> -> memref<640xf32, #tpu.memory_space<vmem_shared>>
      %dma_wait3A_82 = arith.constant 0 : i32
      %dma_wait3A_83 = tpu.memref_slice %arg7[%run_scoped3A_40, %dma_wait3A_82] : memref<16x640xf32, #tpu.memory_space<vmem>> -> memref<1x640xf32, #tpu.memory_space<vmem>>
      %dma_wait3A_84 = tpu.memref_squeeze %dma_wait3A_83 : memref<1x640xf32, #tpu.memory_space<vmem>> -> memref<640xf32, #tpu.memory_space<vmem>>
      %dma_wait3A_85 = tpu.memref_slice %arg9[%run_scoped3A_39, %mul3A_31] : memref<16x10240xf32, #tpu.memory_space<vmem_shared>> -> memref<1x640xf32, #tpu.memory_space<vmem_shared>>
      %dma_wait3A_86 = tpu.memref_squeeze %dma_wait3A_85 : memref<1x640xf32, #tpu.memory_space<vmem_shared>> -> memref<640xf32, #tpu.memory_space<vmem_shared>>
      tpu.wait_dma2 semaphore(%run_scoped3A_68 : memref<!tpu.dma_semaphore, #tpu.memory_space<semaphore_mem>>) src(%dma_wait3A_86 : memref<640xf32, #tpu.memory_space<vmem_shared>>) dst(%dma_wait3A_84 : memref<640xf32, #tpu.memory_space<vmem>>)
      tpu.yield
    }) : () -> ()
    %run_scoped3A_41 = arith.constant 5 : i32
    %run_scoped3A_42 = arith.constant 5 : i32
    "tpu.region"() ({
      %run_scoped3A_68 = tpu.sem_alloc : memref<!tpu.dma_semaphore, #tpu.memory_space<semaphore_mem>>
      %dma_start3A = arith.constant 0 : i32
      %dma_start3A_69 = tpu.memref_slice %arg7[%run_scoped3A_42, %dma_start3A] : memref<16x640xf32, #tpu.memory_space<vmem>> -> memref<1x640xf32, #tpu.memory_space<vmem>>
      %dma_start3A_70 = tpu.memref_squeeze %dma_start3A_69 : memref<1x640xf32, #tpu.memory_space<vmem>> -> memref<640xf32, #tpu.memory_space<vmem>>
      %dma_start3A_71 = tpu.memref_slice %arg9[%run_scoped3A_41, %mul3A_31] : memref<16x10240xf32, #tpu.memory_space<vmem_shared>> -> memref<1x640xf32, #tpu.memory_space<vmem_shared>>
      %dma_start3A_72 = tpu.memref_squeeze %dma_start3A_71 : memref<1x640xf32, #tpu.memory_space<vmem_shared>> -> memref<640xf32, #tpu.memory_space<vmem_shared>>
      %dma_start3A_73 = arith.constant 0 : i32
      %dma_start3A_74 = tpu.memref_slice %arg7[%run_scoped3A_42, %dma_start3A_73] : memref<16x640xf32, #tpu.memory_space<vmem>> -> memref<1x640xf32, #tpu.memory_space<vmem>>
      %dma_start3A_75 = tpu.memref_squeeze %dma_start3A_74 : memref<1x640xf32, #tpu.memory_space<vmem>> -> memref<640xf32, #tpu.memory_space<vmem>>
      %dma_start3A_76 = tpu.memref_slice %arg9[%run_scoped3A_41, %mul3A_31] : memref<16x10240xf32, #tpu.memory_space<vmem_shared>> -> memref<1x640xf32, #tpu.memory_space<vmem_shared>>
      %dma_start3A_77 = tpu.memref_squeeze %dma_start3A_76 : memref<1x640xf32, #tpu.memory_space<vmem_shared>> -> memref<640xf32, #tpu.memory_space<vmem_shared>>
      tpu.enqueue_dma source(%dma_start3A_77 : memref<640xf32, #tpu.memory_space<vmem_shared>>) target(%dma_start3A_75 : memref<640xf32, #tpu.memory_space<vmem>>) target_semaphore(%run_scoped3A_68 : memref<!tpu.dma_semaphore, #tpu.memory_space<semaphore_mem>>)
      %dma_wait3A = arith.constant 0 : i32
      %dma_wait3A_78 = tpu.memref_slice %arg7[%run_scoped3A_42, %dma_wait3A] : memref<16x640xf32, #tpu.memory_space<vmem>> -> memref<1x640xf32, #tpu.memory_space<vmem>>
      %dma_wait3A_79 = tpu.memref_squeeze %dma_wait3A_78 : memref<1x640xf32, #tpu.memory_space<vmem>> -> memref<640xf32, #tpu.memory_space<vmem>>
      %dma_wait3A_80 = tpu.memref_slice %arg9[%run_scoped3A_41, %mul3A_31] : memref<16x10240xf32, #tpu.memory_space<vmem_shared>> -> memref<1x640xf32, #tpu.memory_space<vmem_shared>>
      %dma_wait3A_81 = tpu.memref_squeeze %dma_wait3A_80 : memref<1x640xf32, #tpu.memory_space<vmem_shared>> -> memref<640xf32, #tpu.memory_space<vmem_shared>>
      %dma_wait3A_82 = arith.constant 0 : i32
      %dma_wait3A_83 = tpu.memref_slice %arg7[%run_scoped3A_42, %dma_wait3A_82] : memref<16x640xf32, #tpu.memory_space<vmem>> -> memref<1x640xf32, #tpu.memory_space<vmem>>
      %dma_wait3A_84 = tpu.memref_squeeze %dma_wait3A_83 : memref<1x640xf32, #tpu.memory_space<vmem>> -> memref<640xf32, #tpu.memory_space<vmem>>
      %dma_wait3A_85 = tpu.memref_slice %arg9[%run_scoped3A_41, %mul3A_31] : memref<16x10240xf32, #tpu.memory_space<vmem_shared>> -> memref<1x640xf32, #tpu.memory_space<vmem_shared>>
      %dma_wait3A_86 = tpu.memref_squeeze %dma_wait3A_85 : memref<1x640xf32, #tpu.memory_space<vmem_shared>> -> memref<640xf32, #tpu.memory_space<vmem_shared>>
      tpu.wait_dma2 semaphore(%run_scoped3A_68 : memref<!tpu.dma_semaphore, #tpu.memory_space<semaphore_mem>>) src(%dma_wait3A_86 : memref<640xf32, #tpu.memory_space<vmem_shared>>) dst(%dma_wait3A_84 : memref<640xf32, #tpu.memory_space<vmem>>)
      tpu.yield
    }) : () -> ()
    %run_scoped3A_43 = arith.constant 6 : i32
    %run_scoped3A_44 = arith.constant 6 : i32
    "tpu.region"() ({
      %run_scoped3A_68 = tpu.sem_alloc : memref<!tpu.dma_semaphore, #tpu.memory_space<semaphore_mem>>
      %dma_start3A = arith.constant 0 : i32
      %dma_start3A_69 = tpu.memref_slice %arg7[%run_scoped3A_44, %dma_start3A] : memref<16x640xf32, #tpu.memory_space<vmem>> -> memref<1x640xf32, #tpu.memory_space<vmem>>
      %dma_start3A_70 = tpu.memref_squeeze %dma_start3A_69 : memref<1x640xf32, #tpu.memory_space<vmem>> -> memref<640xf32, #tpu.memory_space<vmem>>
      %dma_start3A_71 = tpu.memref_slice %arg9[%run_scoped3A_43, %mul3A_31] : memref<16x10240xf32, #tpu.memory_space<vmem_shared>> -> memref<1x640xf32, #tpu.memory_space<vmem_shared>>
      %dma_start3A_72 = tpu.memref_squeeze %dma_start3A_71 : memref<1x640xf32, #tpu.memory_space<vmem_shared>> -> memref<640xf32, #tpu.memory_space<vmem_shared>>
      %dma_start3A_73 = arith.constant 0 : i32
      %dma_start3A_74 = tpu.memref_slice %arg7[%run_scoped3A_44, %dma_start3A_73] : memref<16x640xf32, #tpu.memory_space<vmem>> -> memref<1x640xf32, #tpu.memory_space<vmem>>
      %dma_start3A_75 = tpu.memref_squeeze %dma_start3A_74 : memref<1x640xf32, #tpu.memory_space<vmem>> -> memref<640xf32, #tpu.memory_space<vmem>>
      %dma_start3A_76 = tpu.memref_slice %arg9[%run_scoped3A_43, %mul3A_31] : memref<16x10240xf32, #tpu.memory_space<vmem_shared>> -> memref<1x640xf32, #tpu.memory_space<vmem_shared>>
      %dma_start3A_77 = tpu.memref_squeeze %dma_start3A_76 : memref<1x640xf32, #tpu.memory_space<vmem_shared>> -> memref<640xf32, #tpu.memory_space<vmem_shared>>
      tpu.enqueue_dma source(%dma_start3A_77 : memref<640xf32, #tpu.memory_space<vmem_shared>>) target(%dma_start3A_75 : memref<640xf32, #tpu.memory_space<vmem>>) target_semaphore(%run_scoped3A_68 : memref<!tpu.dma_semaphore, #tpu.memory_space<semaphore_mem>>)
      %dma_wait3A = arith.constant 0 : i32
      %dma_wait3A_78 = tpu.memref_slice %arg7[%run_scoped3A_44, %dma_wait3A] : memref<16x640xf32, #tpu.memory_space<vmem>> -> memref<1x640xf32, #tpu.memory_space<vmem>>
      %dma_wait3A_79 = tpu.memref_squeeze %dma_wait3A_78 : memref<1x640xf32, #tpu.memory_space<vmem>> -> memref<640xf32, #tpu.memory_space<vmem>>
      %dma_wait3A_80 = tpu.memref_slice %arg9[%run_scoped3A_43, %mul3A_31] : memref<16x10240xf32, #tpu.memory_space<vmem_shared>> -> memref<1x640xf32, #tpu.memory_space<vmem_shared>>
      %dma_wait3A_81 = tpu.memref_squeeze %dma_wait3A_80 : memref<1x640xf32, #tpu.memory_space<vmem_shared>> -> memref<640xf32, #tpu.memory_space<vmem_shared>>
      %dma_wait3A_82 = arith.constant 0 : i32
      %dma_wait3A_83 = tpu.memref_slice %arg7[%run_scoped3A_44, %dma_wait3A_82] : memref<16x640xf32, #tpu.memory_space<vmem>> -> memref<1x640xf32, #tpu.memory_space<vmem>>
      %dma_wait3A_84 = tpu.memref_squeeze %dma_wait3A_83 : memref<1x640xf32, #tpu.memory_space<vmem>> -> memref<640xf32, #tpu.memory_space<vmem>>
      %dma_wait3A_85 = tpu.memref_slice %arg9[%run_scoped3A_43, %mul3A_31] : memref<16x10240xf32, #tpu.memory_space<vmem_shared>> -> memref<1x640xf32, #tpu.memory_space<vmem_shared>>
      %dma_wait3A_86 = tpu.memref_squeeze %dma_wait3A_85 : memref<1x640xf32, #tpu.memory_space<vmem_shared>> -> memref<640xf32, #tpu.memory_space<vmem_shared>>
      tpu.wait_dma2 semaphore(%run_scoped3A_68 : memref<!tpu.dma_semaphore, #tpu.memory_space<semaphore_mem>>) src(%dma_wait3A_86 : memref<640xf32, #tpu.memory_space<vmem_shared>>) dst(%dma_wait3A_84 : memref<640xf32, #tpu.memory_space<vmem>>)
      tpu.yield
    }) : () -> ()
    %run_scoped3A_45 = arith.constant 7 : i32
    %run_scoped3A_46 = arith.constant 7 : i32
    "tpu.region"() ({
      %run_scoped3A_68 = tpu.sem_alloc : memref<!tpu.dma_semaphore, #tpu.memory_space<semaphore_mem>>
      %dma_start3A = arith.constant 0 : i32
      %dma_start3A_69 = tpu.memref_slice %arg7[%run_scoped3A_46, %dma_start3A] : memref<16x640xf32, #tpu.memory_space<vmem>> -> memref<1x640xf32, #tpu.memory_space<vmem>>
      %dma_start3A_70 = tpu.memref_squeeze %dma_start3A_69 : memref<1x640xf32, #tpu.memory_space<vmem>> -> memref<640xf32, #tpu.memory_space<vmem>>
      %dma_start3A_71 = tpu.memref_slice %arg9[%run_scoped3A_45, %mul3A_31] : memref<16x10240xf32, #tpu.memory_space<vmem_shared>> -> memref<1x640xf32, #tpu.memory_space<vmem_shared>>
      %dma_start3A_72 = tpu.memref_squeeze %dma_start3A_71 : memref<1x640xf32, #tpu.memory_space<vmem_shared>> -> memref<640xf32, #tpu.memory_space<vmem_shared>>
      %dma_start3A_73 = arith.constant 0 : i32
      %dma_start3A_74 = tpu.memref_slice %arg7[%run_scoped3A_46, %dma_start3A_73] : memref<16x640xf32, #tpu.memory_space<vmem>> -> memref<1x640xf32, #tpu.memory_space<vmem>>
      %dma_start3A_75 = tpu.memref_squeeze %dma_start3A_74 : memref<1x640xf32, #tpu.memory_space<vmem>> -> memref<640xf32, #tpu.memory_space<vmem>>
      %dma_start3A_76 = tpu.memref_slice %arg9[%run_scoped3A_45, %mul3A_31] : memref<16x10240xf32, #tpu.memory_space<vmem_shared>> -> memref<1x640xf32, #tpu.memory_space<vmem_shared>>
      %dma_start3A_77 = tpu.memref_squeeze %dma_start3A_76 : memref<1x640xf32, #tpu.memory_space<vmem_shared>> -> memref<640xf32, #tpu.memory_space<vmem_shared>>
      tpu.enqueue_dma source(%dma_start3A_77 : memref<640xf32, #tpu.memory_space<vmem_shared>>) target(%dma_start3A_75 : memref<640xf32, #tpu.memory_space<vmem>>) target_semaphore(%run_scoped3A_68 : memref<!tpu.dma_semaphore, #tpu.memory_space<semaphore_mem>>)
      %dma_wait3A = arith.constant 0 : i32
      %dma_wait3A_78 = tpu.memref_slice %arg7[%run_scoped3A_46, %dma_wait3A] : memref<16x640xf32, #tpu.memory_space<vmem>> -> memref<1x640xf32, #tpu.memory_space<vmem>>
      %dma_wait3A_79 = tpu.memref_squeeze %dma_wait3A_78 : memref<1x640xf32, #tpu.memory_space<vmem>> -> memref<640xf32, #tpu.memory_space<vmem>>
      %dma_wait3A_80 = tpu.memref_slice %arg9[%run_scoped3A_45, %mul3A_31] : memref<16x10240xf32, #tpu.memory_space<vmem_shared>> -> memref<1x640xf32, #tpu.memory_space<vmem_shared>>
      %dma_wait3A_81 = tpu.memref_squeeze %dma_wait3A_80 : memref<1x640xf32, #tpu.memory_space<vmem_shared>> -> memref<640xf32, #tpu.memory_space<vmem_shared>>
      %dma_wait3A_82 = arith.constant 0 : i32
      %dma_wait3A_83 = tpu.memref_slice %arg7[%run_scoped3A_46, %dma_wait3A_82] : memref<16x640xf32, #tpu.memory_space<vmem>> -> memref<1x640xf32, #tpu.memory_space<vmem>>
      %dma_wait3A_84 = tpu.memref_squeeze %dma_wait3A_83 : memref<1x640xf32, #tpu.memory_space<vmem>> -> memref<640xf32, #tpu.memory_space<vmem>>
      %dma_wait3A_85 = tpu.memref_slice %arg9[%run_scoped3A_45, %mul3A_31] : memref<16x10240xf32, #tpu.memory_space<vmem_shared>> -> memref<1x640xf32, #tpu.memory_space<vmem_shared>>
      %dma_wait3A_86 = tpu.memref_squeeze %dma_wait3A_85 : memref<1x640xf32, #tpu.memory_space<vmem_shared>> -> memref<640xf32, #tpu.memory_space<vmem_shared>>
      tpu.wait_dma2 semaphore(%run_scoped3A_68 : memref<!tpu.dma_semaphore, #tpu.memory_space<semaphore_mem>>) src(%dma_wait3A_86 : memref<640xf32, #tpu.memory_space<vmem_shared>>) dst(%dma_wait3A_84 : memref<640xf32, #tpu.memory_space<vmem>>)
      tpu.yield
    }) : () -> ()
    %run_scoped3A_47 = arith.constant 8 : i32
    %run_scoped3A_48 = arith.constant 8 : i32
    "tpu.region"() ({
      %run_scoped3A_68 = tpu.sem_alloc : memref<!tpu.dma_semaphore, #tpu.memory_space<semaphore_mem>>
      %dma_start3A = arith.constant 0 : i32
      %dma_start3A_69 = tpu.memref_slice %arg7[%run_scoped3A_48, %dma_start3A] : memref<16x640xf32, #tpu.memory_space<vmem>> -> memref<1x640xf32, #tpu.memory_space<vmem>>
      %dma_start3A_70 = tpu.memref_squeeze %dma_start3A_69 : memref<1x640xf32, #tpu.memory_space<vmem>> -> memref<640xf32, #tpu.memory_space<vmem>>
      %dma_start3A_71 = tpu.memref_slice %arg9[%run_scoped3A_47, %mul3A_31] : memref<16x10240xf32, #tpu.memory_space<vmem_shared>> -> memref<1x640xf32, #tpu.memory_space<vmem_shared>>
      %dma_start3A_72 = tpu.memref_squeeze %dma_start3A_71 : memref<1x640xf32, #tpu.memory_space<vmem_shared>> -> memref<640xf32, #tpu.memory_space<vmem_shared>>
      %dma_start3A_73 = arith.constant 0 : i32
      %dma_start3A_74 = tpu.memref_slice %arg7[%run_scoped3A_48, %dma_start3A_73] : memref<16x640xf32, #tpu.memory_space<vmem>> -> memref<1x640xf32, #tpu.memory_space<vmem>>
      %dma_start3A_75 = tpu.memref_squeeze %dma_start3A_74 : memref<1x640xf32, #tpu.memory_space<vmem>> -> memref<640xf32, #tpu.memory_space<vmem>>
      %dma_start3A_76 = tpu.memref_slice %arg9[%run_scoped3A_47, %mul3A_31] : memref<16x10240xf32, #tpu.memory_space<vmem_shared>> -> memref<1x640xf32, #tpu.memory_space<vmem_shared>>
      %dma_start3A_77 = tpu.memref_squeeze %dma_start3A_76 : memref<1x640xf32, #tpu.memory_space<vmem_shared>> -> memref<640xf32, #tpu.memory_space<vmem_shared>>
      tpu.enqueue_dma source(%dma_start3A_77 : memref<640xf32, #tpu.memory_space<vmem_shared>>) target(%dma_start3A_75 : memref<640xf32, #tpu.memory_space<vmem>>) target_semaphore(%run_scoped3A_68 : memref<!tpu.dma_semaphore, #tpu.memory_space<semaphore_mem>>)
      %dma_wait3A = arith.constant 0 : i32
      %dma_wait3A_78 = tpu.memref_slice %arg7[%run_scoped3A_48, %dma_wait3A] : memref<16x640xf32, #tpu.memory_space<vmem>> -> memref<1x640xf32, #tpu.memory_space<vmem>>
      %dma_wait3A_79 = tpu.memref_squeeze %dma_wait3A_78 : memref<1x640xf32, #tpu.memory_space<vmem>> -> memref<640xf32, #tpu.memory_space<vmem>>
      %dma_wait3A_80 = tpu.memref_slice %arg9[%run_scoped3A_47, %mul3A_31] : memref<16x10240xf32, #tpu.memory_space<vmem_shared>> -> memref<1x640xf32, #tpu.memory_space<vmem_shared>>
      %dma_wait3A_81 = tpu.memref_squeeze %dma_wait3A_80 : memref<1x640xf32, #tpu.memory_space<vmem_shared>> -> memref<640xf32, #tpu.memory_space<vmem_shared>>
      %dma_wait3A_82 = arith.constant 0 : i32
      %dma_wait3A_83 = tpu.memref_slice %arg7[%run_scoped3A_48, %dma_wait3A_82] : memref<16x640xf32, #tpu.memory_space<vmem>> -> memref<1x640xf32, #tpu.memory_space<vmem>>
      %dma_wait3A_84 = tpu.memref_squeeze %dma_wait3A_83 : memref<1x640xf32, #tpu.memory_space<vmem>> -> memref<640xf32, #tpu.memory_space<vmem>>
      %dma_wait3A_85 = tpu.memref_slice %arg9[%run_scoped3A_47, %mul3A_31] : memref<16x10240xf32, #tpu.memory_space<vmem_shared>> -> memref<1x640xf32, #tpu.memory_space<vmem_shared>>
      %dma_wait3A_86 = tpu.memref_squeeze %dma_wait3A_85 : memref<1x640xf32, #tpu.memory_space<vmem_shared>> -> memref<640xf32, #tpu.memory_space<vmem_shared>>
      tpu.wait_dma2 semaphore(%run_scoped3A_68 : memref<!tpu.dma_semaphore, #tpu.memory_space<semaphore_mem>>) src(%dma_wait3A_86 : memref<640xf32, #tpu.memory_space<vmem_shared>>) dst(%dma_wait3A_84 : memref<640xf32, #tpu.memory_space<vmem>>)
      tpu.yield
    }) : () -> ()
    %run_scoped3A_49 = arith.constant 9 : i32
    %run_scoped3A_50 = arith.constant 9 : i32
    "tpu.region"() ({
      %run_scoped3A_68 = tpu.sem_alloc : memref<!tpu.dma_semaphore, #tpu.memory_space<semaphore_mem>>
      %dma_start3A = arith.constant 0 : i32
      %dma_start3A_69 = tpu.memref_slice %arg7[%run_scoped3A_50, %dma_start3A] : memref<16x640xf32, #tpu.memory_space<vmem>> -> memref<1x640xf32, #tpu.memory_space<vmem>>
      %dma_start3A_70 = tpu.memref_squeeze %dma_start3A_69 : memref<1x640xf32, #tpu.memory_space<vmem>> -> memref<640xf32, #tpu.memory_space<vmem>>
      %dma_start3A_71 = tpu.memref_slice %arg9[%run_scoped3A_49, %mul3A_31] : memref<16x10240xf32, #tpu.memory_space<vmem_shared>> -> memref<1x640xf32, #tpu.memory_space<vmem_shared>>
      %dma_start3A_72 = tpu.memref_squeeze %dma_start3A_71 : memref<1x640xf32, #tpu.memory_space<vmem_shared>> -> memref<640xf32, #tpu.memory_space<vmem_shared>>
      %dma_start3A_73 = arith.constant 0 : i32
      %dma_start3A_74 = tpu.memref_slice %arg7[%run_scoped3A_50, %dma_start3A_73] : memref<16x640xf32, #tpu.memory_space<vmem>> -> memref<1x640xf32, #tpu.memory_space<vmem>>
      %dma_start3A_75 = tpu.memref_squeeze %dma_start3A_74 : memref<1x640xf32, #tpu.memory_space<vmem>> -> memref<640xf32, #tpu.memory_space<vmem>>
      %dma_start3A_76 = tpu.memref_slice %arg9[%run_scoped3A_49, %mul3A_31] : memref<16x10240xf32, #tpu.memory_space<vmem_shared>> -> memref<1x640xf32, #tpu.memory_space<vmem_shared>>
      %dma_start3A_77 = tpu.memref_squeeze %dma_start3A_76 : memref<1x640xf32, #tpu.memory_space<vmem_shared>> -> memref<640xf32, #tpu.memory_space<vmem_shared>>
      tpu.enqueue_dma source(%dma_start3A_77 : memref<640xf32, #tpu.memory_space<vmem_shared>>) target(%dma_start3A_75 : memref<640xf32, #tpu.memory_space<vmem>>) target_semaphore(%run_scoped3A_68 : memref<!tpu.dma_semaphore, #tpu.memory_space<semaphore_mem>>)
      %dma_wait3A = arith.constant 0 : i32
      %dma_wait3A_78 = tpu.memref_slice %arg7[%run_scoped3A_50, %dma_wait3A] : memref<16x640xf32, #tpu.memory_space<vmem>> -> memref<1x640xf32, #tpu.memory_space<vmem>>
      %dma_wait3A_79 = tpu.memref_squeeze %dma_wait3A_78 : memref<1x640xf32, #tpu.memory_space<vmem>> -> memref<640xf32, #tpu.memory_space<vmem>>
      %dma_wait3A_80 = tpu.memref_slice %arg9[%run_scoped3A_49, %mul3A_31] : memref<16x10240xf32, #tpu.memory_space<vmem_shared>> -> memref<1x640xf32, #tpu.memory_space<vmem_shared>>
      %dma_wait3A_81 = tpu.memref_squeeze %dma_wait3A_80 : memref<1x640xf32, #tpu.memory_space<vmem_shared>> -> memref<640xf32, #tpu.memory_space<vmem_shared>>
      %dma_wait3A_82 = arith.constant 0 : i32
      %dma_wait3A_83 = tpu.memref_slice %arg7[%run_scoped3A_50, %dma_wait3A_82] : memref<16x640xf32, #tpu.memory_space<vmem>> -> memref<1x640xf32, #tpu.memory_space<vmem>>
      %dma_wait3A_84 = tpu.memref_squeeze %dma_wait3A_83 : memref<1x640xf32, #tpu.memory_space<vmem>> -> memref<640xf32, #tpu.memory_space<vmem>>
      %dma_wait3A_85 = tpu.memref_slice %arg9[%run_scoped3A_49, %mul3A_31] : memref<16x10240xf32, #tpu.memory_space<vmem_shared>> -> memref<1x640xf32, #tpu.memory_space<vmem_shared>>
      %dma_wait3A_86 = tpu.memref_squeeze %dma_wait3A_85 : memref<1x640xf32, #tpu.memory_space<vmem_shared>> -> memref<640xf32, #tpu.memory_space<vmem_shared>>
      tpu.wait_dma2 semaphore(%run_scoped3A_68 : memref<!tpu.dma_semaphore, #tpu.memory_space<semaphore_mem>>) src(%dma_wait3A_86 : memref<640xf32, #tpu.memory_space<vmem_shared>>) dst(%dma_wait3A_84 : memref<640xf32, #tpu.memory_space<vmem>>)
      tpu.yield
    }) : () -> ()
    %run_scoped3A_51 = arith.constant 10 : i32
    %run_scoped3A_52 = arith.constant 10 : i32
    "tpu.region"() ({
      %run_scoped3A_68 = tpu.sem_alloc : memref<!tpu.dma_semaphore, #tpu.memory_space<semaphore_mem>>
      %dma_start3A = arith.constant 0 : i32
      %dma_start3A_69 = tpu.memref_slice %arg7[%run_scoped3A_52, %dma_start3A] : memref<16x640xf32, #tpu.memory_space<vmem>> -> memref<1x640xf32, #tpu.memory_space<vmem>>
      %dma_start3A_70 = tpu.memref_squeeze %dma_start3A_69 : memref<1x640xf32, #tpu.memory_space<vmem>> -> memref<640xf32, #tpu.memory_space<vmem>>
      %dma_start3A_71 = tpu.memref_slice %arg9[%run_scoped3A_51, %mul3A_31] : memref<16x10240xf32, #tpu.memory_space<vmem_shared>> -> memref<1x640xf32, #tpu.memory_space<vmem_shared>>
      %dma_start3A_72 = tpu.memref_squeeze %dma_start3A_71 : memref<1x640xf32, #tpu.memory_space<vmem_shared>> -> memref<640xf32, #tpu.memory_space<vmem_shared>>
      %dma_start3A_73 = arith.constant 0 : i32
      %dma_start3A_74 = tpu.memref_slice %arg7[%run_scoped3A_52, %dma_start3A_73] : memref<16x640xf32, #tpu.memory_space<vmem>> -> memref<1x640xf32, #tpu.memory_space<vmem>>
      %dma_start3A_75 = tpu.memref_squeeze %dma_start3A_74 : memref<1x640xf32, #tpu.memory_space<vmem>> -> memref<640xf32, #tpu.memory_space<vmem>>
      %dma_start3A_76 = tpu.memref_slice %arg9[%run_scoped3A_51, %mul3A_31] : memref<16x10240xf32, #tpu.memory_space<vmem_shared>> -> memref<1x640xf32, #tpu.memory_space<vmem_shared>>
      %dma_start3A_77 = tpu.memref_squeeze %dma_start3A_76 : memref<1x640xf32, #tpu.memory_space<vmem_shared>> -> memref<640xf32, #tpu.memory_space<vmem_shared>>
      tpu.enqueue_dma source(%dma_start3A_77 : memref<640xf32, #tpu.memory_space<vmem_shared>>) target(%dma_start3A_75 : memref<640xf32, #tpu.memory_space<vmem>>) target_semaphore(%run_scoped3A_68 : memref<!tpu.dma_semaphore, #tpu.memory_space<semaphore_mem>>)
      %dma_wait3A = arith.constant 0 : i32
      %dma_wait3A_78 = tpu.memref_slice %arg7[%run_scoped3A_52, %dma_wait3A] : memref<16x640xf32, #tpu.memory_space<vmem>> -> memref<1x640xf32, #tpu.memory_space<vmem>>
      %dma_wait3A_79 = tpu.memref_squeeze %dma_wait3A_78 : memref<1x640xf32, #tpu.memory_space<vmem>> -> memref<640xf32, #tpu.memory_space<vmem>>
      %dma_wait3A_80 = tpu.memref_slice %arg9[%run_scoped3A_51, %mul3A_31] : memref<16x10240xf32, #tpu.memory_space<vmem_shared>> -> memref<1x640xf32, #tpu.memory_space<vmem_shared>>
      %dma_wait3A_81 = tpu.memref_squeeze %dma_wait3A_80 : memref<1x640xf32, #tpu.memory_space<vmem_shared>> -> memref<640xf32, #tpu.memory_space<vmem_shared>>
      %dma_wait3A_82 = arith.constant 0 : i32
      %dma_wait3A_83 = tpu.memref_slice %arg7[%run_scoped3A_52, %dma_wait3A_82] : memref<16x640xf32, #tpu.memory_space<vmem>> -> memref<1x640xf32, #tpu.memory_space<vmem>>
      %dma_wait3A_84 = tpu.memref_squeeze %dma_wait3A_83 : memref<1x640xf32, #tpu.memory_space<vmem>> -> memref<640xf32, #tpu.memory_space<vmem>>
      %dma_wait3A_85 = tpu.memref_slice %arg9[%run_scoped3A_51, %mul3A_31] : memref<16x10240xf32, #tpu.memory_space<vmem_shared>> -> memref<1x640xf32, #tpu.memory_space<vmem_shared>>
      %dma_wait3A_86 = tpu.memref_squeeze %dma_wait3A_85 : memref<1x640xf32, #tpu.memory_space<vmem_shared>> -> memref<640xf32, #tpu.memory_space<vmem_shared>>
      tpu.wait_dma2 semaphore(%run_scoped3A_68 : memref<!tpu.dma_semaphore, #tpu.memory_space<semaphore_mem>>) src(%dma_wait3A_86 : memref<640xf32, #tpu.memory_space<vmem_shared>>) dst(%dma_wait3A_84 : memref<640xf32, #tpu.memory_space<vmem>>)
      tpu.yield
    }) : () -> ()
    %run_scoped3A_53 = arith.constant 11 : i32
    %run_scoped3A_54 = arith.constant 11 : i32
    "tpu.region"() ({
      %run_scoped3A_68 = tpu.sem_alloc : memref<!tpu.dma_semaphore, #tpu.memory_space<semaphore_mem>>
      %dma_start3A = arith.constant 0 : i32
      %dma_start3A_69 = tpu.memref_slice %arg7[%run_scoped3A_54, %dma_start3A] : memref<16x640xf32, #tpu.memory_space<vmem>> -> memref<1x640xf32, #tpu.memory_space<vmem>>
      %dma_start3A_70 = tpu.memref_squeeze %dma_start3A_69 : memref<1x640xf32, #tpu.memory_space<vmem>> -> memref<640xf32, #tpu.memory_space<vmem>>
      %dma_start3A_71 = tpu.memref_slice %arg9[%run_scoped3A_53, %mul3A_31] : memref<16x10240xf32, #tpu.memory_space<vmem_shared>> -> memref<1x640xf32, #tpu.memory_space<vmem_shared>>
      %dma_start3A_72 = tpu.memref_squeeze %dma_start3A_71 : memref<1x640xf32, #tpu.memory_space<vmem_shared>> -> memref<640xf32, #tpu.memory_space<vmem_shared>>
      %dma_start3A_73 = arith.constant 0 : i32
      %dma_start3A_74 = tpu.memref_slice %arg7[%run_scoped3A_54, %dma_start3A_73] : memref<16x640xf32, #tpu.memory_space<vmem>> -> memref<1x640xf32, #tpu.memory_space<vmem>>
      %dma_start3A_75 = tpu.memref_squeeze %dma_start3A_74 : memref<1x640xf32, #tpu.memory_space<vmem>> -> memref<640xf32, #tpu.memory_space<vmem>>
      %dma_start3A_76 = tpu.memref_slice %arg9[%run_scoped3A_53, %mul3A_31] : memref<16x10240xf32, #tpu.memory_space<vmem_shared>> -> memref<1x640xf32, #tpu.memory_space<vmem_shared>>
      %dma_start3A_77 = tpu.memref_squeeze %dma_start3A_76 : memref<1x640xf32, #tpu.memory_space<vmem_shared>> -> memref<640xf32, #tpu.memory_space<vmem_shared>>
      tpu.enqueue_dma source(%dma_start3A_77 : memref<640xf32, #tpu.memory_space<vmem_shared>>) target(%dma_start3A_75 : memref<640xf32, #tpu.memory_space<vmem>>) target_semaphore(%run_scoped3A_68 : memref<!tpu.dma_semaphore, #tpu.memory_space<semaphore_mem>>)
      %dma_wait3A = arith.constant 0 : i32
      %dma_wait3A_78 = tpu.memref_slice %arg7[%run_scoped3A_54, %dma_wait3A] : memref<16x640xf32, #tpu.memory_space<vmem>> -> memref<1x640xf32, #tpu.memory_space<vmem>>
      %dma_wait3A_79 = tpu.memref_squeeze %dma_wait3A_78 : memref<1x640xf32, #tpu.memory_space<vmem>> -> memref<640xf32, #tpu.memory_space<vmem>>
      %dma_wait3A_80 = tpu.memref_slice %arg9[%run_scoped3A_53, %mul3A_31] : memref<16x10240xf32, #tpu.memory_space<vmem_shared>> -> memref<1x640xf32, #tpu.memory_space<vmem_shared>>
      %dma_wait3A_81 = tpu.memref_squeeze %dma_wait3A_80 : memref<1x640xf32, #tpu.memory_space<vmem_shared>> -> memref<640xf32, #tpu.memory_space<vmem_shared>>
      %dma_wait3A_82 = arith.constant 0 : i32
      %dma_wait3A_83 = tpu.memref_slice %arg7[%run_scoped3A_54, %dma_wait3A_82] : memref<16x640xf32, #tpu.memory_space<vmem>> -> memref<1x640xf32, #tpu.memory_space<vmem>>
      %dma_wait3A_84 = tpu.memref_squeeze %dma_wait3A_83 : memref<1x640xf32, #tpu.memory_space<vmem>> -> memref<640xf32, #tpu.memory_space<vmem>>
      %dma_wait3A_85 = tpu.memref_slice %arg9[%run_scoped3A_53, %mul3A_31] : memref<16x10240xf32, #tpu.memory_space<vmem_shared>> -> memref<1x640xf32, #tpu.memory_space<vmem_shared>>
      %dma_wait3A_86 = tpu.memref_squeeze %dma_wait3A_85 : memref<1x640xf32, #tpu.memory_space<vmem_shared>> -> memref<640xf32, #tpu.memory_space<vmem_shared>>
      tpu.wait_dma2 semaphore(%run_scoped3A_68 : memref<!tpu.dma_semaphore, #tpu.memory_space<semaphore_mem>>) src(%dma_wait3A_86 : memref<640xf32, #tpu.memory_space<vmem_shared>>) dst(%dma_wait3A_84 : memref<640xf32, #tpu.memory_space<vmem>>)
      tpu.yield
    }) : () -> ()
    %run_scoped3A_55 = arith.constant 12 : i32
    %run_scoped3A_56 = arith.constant 12 : i32
    "tpu.region"() ({
      %run_scoped3A_68 = tpu.sem_alloc : memref<!tpu.dma_semaphore, #tpu.memory_space<semaphore_mem>>
      %dma_start3A = arith.constant 0 : i32
      %dma_start3A_69 = tpu.memref_slice %arg7[%run_scoped3A_56, %dma_start3A] : memref<16x640xf32, #tpu.memory_space<vmem>> -> memref<1x640xf32, #tpu.memory_space<vmem>>
      %dma_start3A_70 = tpu.memref_squeeze %dma_start3A_69 : memref<1x640xf32, #tpu.memory_space<vmem>> -> memref<640xf32, #tpu.memory_space<vmem>>
      %dma_start3A_71 = tpu.memref_slice %arg9[%run_scoped3A_55, %mul3A_31] : memref<16x10240xf32, #tpu.memory_space<vmem_shared>> -> memref<1x640xf32, #tpu.memory_space<vmem_shared>>
      %dma_start3A_72 = tpu.memref_squeeze %dma_start3A_71 : memref<1x640xf32, #tpu.memory_space<vmem_shared>> -> memref<640xf32, #tpu.memory_space<vmem_shared>>
      %dma_start3A_73 = arith.constant 0 : i32
      %dma_start3A_74 = tpu.memref_slice %arg7[%run_scoped3A_56, %dma_start3A_73] : memref<16x640xf32, #tpu.memory_space<vmem>> -> memref<1x640xf32, #tpu.memory_space<vmem>>
      %dma_start3A_75 = tpu.memref_squeeze %dma_start3A_74 : memref<1x640xf32, #tpu.memory_space<vmem>> -> memref<640xf32, #tpu.memory_space<vmem>>
      %dma_start3A_76 = tpu.memref_slice %arg9[%run_scoped3A_55, %mul3A_31] : memref<16x10240xf32, #tpu.memory_space<vmem_shared>> -> memref<1x640xf32, #tpu.memory_space<vmem_shared>>
      %dma_start3A_77 = tpu.memref_squeeze %dma_start3A_76 : memref<1x640xf32, #tpu.memory_space<vmem_shared>> -> memref<640xf32, #tpu.memory_space<vmem_shared>>
      tpu.enqueue_dma source(%dma_start3A_77 : memref<640xf32, #tpu.memory_space<vmem_shared>>) target(%dma_start3A_75 : memref<640xf32, #tpu.memory_space<vmem>>) target_semaphore(%run_scoped3A_68 : memref<!tpu.dma_semaphore, #tpu.memory_space<semaphore_mem>>)
      %dma_wait3A = arith.constant 0 : i32
      %dma_wait3A_78 = tpu.memref_slice %arg7[%run_scoped3A_56, %dma_wait3A] : memref<16x640xf32, #tpu.memory_space<vmem>> -> memref<1x640xf32, #tpu.memory_space<vmem>>
      %dma_wait3A_79 = tpu.memref_squeeze %dma_wait3A_78 : memref<1x640xf32, #tpu.memory_space<vmem>> -> memref<640xf32, #tpu.memory_space<vmem>>
      %dma_wait3A_80 = tpu.memref_slice %arg9[%run_scoped3A_55, %mul3A_31] : memref<16x10240xf32, #tpu.memory_space<vmem_shared>> -> memref<1x640xf32, #tpu.memory_space<vmem_shared>>
      %dma_wait3A_81 = tpu.memref_squeeze %dma_wait3A_80 : memref<1x640xf32, #tpu.memory_space<vmem_shared>> -> memref<640xf32, #tpu.memory_space<vmem_shared>>
      %dma_wait3A_82 = arith.constant 0 : i32
      %dma_wait3A_83 = tpu.memref_slice %arg7[%run_scoped3A_56, %dma_wait3A_82] : memref<16x640xf32, #tpu.memory_space<vmem>> -> memref<1x640xf32, #tpu.memory_space<vmem>>
      %dma_wait3A_84 = tpu.memref_squeeze %dma_wait3A_83 : memref<1x640xf32, #tpu.memory_space<vmem>> -> memref<640xf32, #tpu.memory_space<vmem>>
      %dma_wait3A_85 = tpu.memref_slice %arg9[%run_scoped3A_55, %mul3A_31] : memref<16x10240xf32, #tpu.memory_space<vmem_shared>> -> memref<1x640xf32, #tpu.memory_space<vmem_shared>>
      %dma_wait3A_86 = tpu.memref_squeeze %dma_wait3A_85 : memref<1x640xf32, #tpu.memory_space<vmem_shared>> -> memref<640xf32, #tpu.memory_space<vmem_shared>>
      tpu.wait_dma2 semaphore(%run_scoped3A_68 : memref<!tpu.dma_semaphore, #tpu.memory_space<semaphore_mem>>) src(%dma_wait3A_86 : memref<640xf32, #tpu.memory_space<vmem_shared>>) dst(%dma_wait3A_84 : memref<640xf32, #tpu.memory_space<vmem>>)
      tpu.yield
    }) : () -> ()
    %run_scoped3A_57 = arith.constant 13 : i32
    %run_scoped3A_58 = arith.constant 13 : i32
    "tpu.region"() ({
      %run_scoped3A_68 = tpu.sem_alloc : memref<!tpu.dma_semaphore, #tpu.memory_space<semaphore_mem>>
      %dma_start3A = arith.constant 0 : i32
      %dma_start3A_69 = tpu.memref_slice %arg7[%run_scoped3A_58, %dma_start3A] : memref<16x640xf32, #tpu.memory_space<vmem>> -> memref<1x640xf32, #tpu.memory_space<vmem>>
      %dma_start3A_70 = tpu.memref_squeeze %dma_start3A_69 : memref<1x640xf32, #tpu.memory_space<vmem>> -> memref<640xf32, #tpu.memory_space<vmem>>
      %dma_start3A_71 = tpu.memref_slice %arg9[%run_scoped3A_57, %mul3A_31] : memref<16x10240xf32, #tpu.memory_space<vmem_shared>> -> memref<1x640xf32, #tpu.memory_space<vmem_shared>>
      %dma_start3A_72 = tpu.memref_squeeze %dma_start3A_71 : memref<1x640xf32, #tpu.memory_space<vmem_shared>> -> memref<640xf32, #tpu.memory_space<vmem_shared>>
      %dma_start3A_73 = arith.constant 0 : i32
      %dma_start3A_74 = tpu.memref_slice %arg7[%run_scoped3A_58, %dma_start3A_73] : memref<16x640xf32, #tpu.memory_space<vmem>> -> memref<1x640xf32, #tpu.memory_space<vmem>>
      %dma_start3A_75 = tpu.memref_squeeze %dma_start3A_74 : memref<1x640xf32, #tpu.memory_space<vmem>> -> memref<640xf32, #tpu.memory_space<vmem>>
      %dma_start3A_76 = tpu.memref_slice %arg9[%run_scoped3A_57, %mul3A_31] : memref<16x10240xf32, #tpu.memory_space<vmem_shared>> -> memref<1x640xf32, #tpu.memory_space<vmem_shared>>
      %dma_start3A_77 = tpu.memref_squeeze %dma_start3A_76 : memref<1x640xf32, #tpu.memory_space<vmem_shared>> -> memref<640xf32, #tpu.memory_space<vmem_shared>>
      tpu.enqueue_dma source(%dma_start3A_77 : memref<640xf32, #tpu.memory_space<vmem_shared>>) target(%dma_start3A_75 : memref<640xf32, #tpu.memory_space<vmem>>) target_semaphore(%run_scoped3A_68 : memref<!tpu.dma_semaphore, #tpu.memory_space<semaphore_mem>>)
      %dma_wait3A = arith.constant 0 : i32
      %dma_wait3A_78 = tpu.memref_slice %arg7[%run_scoped3A_58, %dma_wait3A] : memref<16x640xf32, #tpu.memory_space<vmem>> -> memref<1x640xf32, #tpu.memory_space<vmem>>
      %dma_wait3A_79 = tpu.memref_squeeze %dma_wait3A_78 : memref<1x640xf32, #tpu.memory_space<vmem>> -> memref<640xf32, #tpu.memory_space<vmem>>
      %dma_wait3A_80 = tpu.memref_slice %arg9[%run_scoped3A_57, %mul3A_31] : memref<16x10240xf32, #tpu.memory_space<vmem_shared>> -> memref<1x640xf32, #tpu.memory_space<vmem_shared>>
      %dma_wait3A_81 = tpu.memref_squeeze %dma_wait3A_80 : memref<1x640xf32, #tpu.memory_space<vmem_shared>> -> memref<640xf32, #tpu.memory_space<vmem_shared>>
      %dma_wait3A_82 = arith.constant 0 : i32
      %dma_wait3A_83 = tpu.memref_slice %arg7[%run_scoped3A_58, %dma_wait3A_82] : memref<16x640xf32, #tpu.memory_space<vmem>> -> memref<1x640xf32, #tpu.memory_space<vmem>>
      %dma_wait3A_84 = tpu.memref_squeeze %dma_wait3A_83 : memref<1x640xf32, #tpu.memory_space<vmem>> -> memref<640xf32, #tpu.memory_space<vmem>>
      %dma_wait3A_85 = tpu.memref_slice %arg9[%run_scoped3A_57, %mul3A_31] : memref<16x10240xf32, #tpu.memory_space<vmem_shared>> -> memref<1x640xf32, #tpu.memory_space<vmem_shared>>
      %dma_wait3A_86 = tpu.memref_squeeze %dma_wait3A_85 : memref<1x640xf32, #tpu.memory_space<vmem_shared>> -> memref<640xf32, #tpu.memory_space<vmem_shared>>
      tpu.wait_dma2 semaphore(%run_scoped3A_68 : memref<!tpu.dma_semaphore, #tpu.memory_space<semaphore_mem>>) src(%dma_wait3A_86 : memref<640xf32, #tpu.memory_space<vmem_shared>>) dst(%dma_wait3A_84 : memref<640xf32, #tpu.memory_space<vmem>>)
      tpu.yield
    }) : () -> ()
    %run_scoped3A_59 = arith.constant 14 : i32
    %run_scoped3A_60 = arith.constant 14 : i32
    "tpu.region"() ({
      %run_scoped3A_68 = tpu.sem_alloc : memref<!tpu.dma_semaphore, #tpu.memory_space<semaphore_mem>>
      %dma_start3A = arith.constant 0 : i32
      %dma_start3A_69 = tpu.memref_slice %arg7[%run_scoped3A_60, %dma_start3A] : memref<16x640xf32, #tpu.memory_space<vmem>> -> memref<1x640xf32, #tpu.memory_space<vmem>>
      %dma_start3A_70 = tpu.memref_squeeze %dma_start3A_69 : memref<1x640xf32, #tpu.memory_space<vmem>> -> memref<640xf32, #tpu.memory_space<vmem>>
      %dma_start3A_71 = tpu.memref_slice %arg9[%run_scoped3A_59, %mul3A_31] : memref<16x10240xf32, #tpu.memory_space<vmem_shared>> -> memref<1x640xf32, #tpu.memory_space<vmem_shared>>
      %dma_start3A_72 = tpu.memref_squeeze %dma_start3A_71 : memref<1x640xf32, #tpu.memory_space<vmem_shared>> -> memref<640xf32, #tpu.memory_space<vmem_shared>>
      %dma_start3A_73 = arith.constant 0 : i32
      %dma_start3A_74 = tpu.memref_slice %arg7[%run_scoped3A_60, %dma_start3A_73] : memref<16x640xf32, #tpu.memory_space<vmem>> -> memref<1x640xf32, #tpu.memory_space<vmem>>
      %dma_start3A_75 = tpu.memref_squeeze %dma_start3A_74 : memref<1x640xf32, #tpu.memory_space<vmem>> -> memref<640xf32, #tpu.memory_space<vmem>>
      %dma_start3A_76 = tpu.memref_slice %arg9[%run_scoped3A_59, %mul3A_31] : memref<16x10240xf32, #tpu.memory_space<vmem_shared>> -> memref<1x640xf32, #tpu.memory_space<vmem_shared>>
      %dma_start3A_77 = tpu.memref_squeeze %dma_start3A_76 : memref<1x640xf32, #tpu.memory_space<vmem_shared>> -> memref<640xf32, #tpu.memory_space<vmem_shared>>
      tpu.enqueue_dma source(%dma_start3A_77 : memref<640xf32, #tpu.memory_space<vmem_shared>>) target(%dma_start3A_75 : memref<640xf32, #tpu.memory_space<vmem>>) target_semaphore(%run_scoped3A_68 : memref<!tpu.dma_semaphore, #tpu.memory_space<semaphore_mem>>)
      %dma_wait3A = arith.constant 0 : i32
      %dma_wait3A_78 = tpu.memref_slice %arg7[%run_scoped3A_60, %dma_wait3A] : memref<16x640xf32, #tpu.memory_space<vmem>> -> memref<1x640xf32, #tpu.memory_space<vmem>>
      %dma_wait3A_79 = tpu.memref_squeeze %dma_wait3A_78 : memref<1x640xf32, #tpu.memory_space<vmem>> -> memref<640xf32, #tpu.memory_space<vmem>>
      %dma_wait3A_80 = tpu.memref_slice %arg9[%run_scoped3A_59, %mul3A_31] : memref<16x10240xf32, #tpu.memory_space<vmem_shared>> -> memref<1x640xf32, #tpu.memory_space<vmem_shared>>
      %dma_wait3A_81 = tpu.memref_squeeze %dma_wait3A_80 : memref<1x640xf32, #tpu.memory_space<vmem_shared>> -> memref<640xf32, #tpu.memory_space<vmem_shared>>
      %dma_wait3A_82 = arith.constant 0 : i32
      %dma_wait3A_83 = tpu.memref_slice %arg7[%run_scoped3A_60, %dma_wait3A_82] : memref<16x640xf32, #tpu.memory_space<vmem>> -> memref<1x640xf32, #tpu.memory_space<vmem>>
      %dma_wait3A_84 = tpu.memref_squeeze %dma_wait3A_83 : memref<1x640xf32, #tpu.memory_space<vmem>> -> memref<640xf32, #tpu.memory_space<vmem>>
      %dma_wait3A_85 = tpu.memref_slice %arg9[%run_scoped3A_59, %mul3A_31] : memref<16x10240xf32, #tpu.memory_space<vmem_shared>> -> memref<1x640xf32, #tpu.memory_space<vmem_shared>>
      %dma_wait3A_86 = tpu.memref_squeeze %dma_wait3A_85 : memref<1x640xf32, #tpu.memory_space<vmem_shared>> -> memref<640xf32, #tpu.memory_space<vmem_shared>>
      tpu.wait_dma2 semaphore(%run_scoped3A_68 : memref<!tpu.dma_semaphore, #tpu.memory_space<semaphore_mem>>) src(%dma_wait3A_86 : memref<640xf32, #tpu.memory_space<vmem_shared>>) dst(%dma_wait3A_84 : memref<640xf32, #tpu.memory_space<vmem>>)
      tpu.yield
    }) : () -> ()
    %run_scoped3A_61 = arith.constant 15 : i32
    %run_scoped3A_62 = arith.constant 15 : i32
    "tpu.region"() ({
      %run_scoped3A_68 = tpu.sem_alloc : memref<!tpu.dma_semaphore, #tpu.memory_space<semaphore_mem>>
      %dma_start3A = arith.constant 0 : i32
      %dma_start3A_69 = tpu.memref_slice %arg7[%run_scoped3A_62, %dma_start3A] : memref<16x640xf32, #tpu.memory_space<vmem>> -> memref<1x640xf32, #tpu.memory_space<vmem>>
      %dma_start3A_70 = tpu.memref_squeeze %dma_start3A_69 : memref<1x640xf32, #tpu.memory_space<vmem>> -> memref<640xf32, #tpu.memory_space<vmem>>
      %dma_start3A_71 = tpu.memref_slice %arg9[%run_scoped3A_61, %mul3A_31] : memref<16x10240xf32, #tpu.memory_space<vmem_shared>> -> memref<1x640xf32, #tpu.memory_space<vmem_shared>>
      %dma_start3A_72 = tpu.memref_squeeze %dma_start3A_71 : memref<1x640xf32, #tpu.memory_space<vmem_shared>> -> memref<640xf32, #tpu.memory_space<vmem_shared>>
      %dma_start3A_73 = arith.constant 0 : i32
      %dma_start3A_74 = tpu.memref_slice %arg7[%run_scoped3A_62, %dma_start3A_73] : memref<16x640xf32, #tpu.memory_space<vmem>> -> memref<1x640xf32, #tpu.memory_space<vmem>>
      %dma_start3A_75 = tpu.memref_squeeze %dma_start3A_74 : memref<1x640xf32, #tpu.memory_space<vmem>> -> memref<640xf32, #tpu.memory_space<vmem>>
      %dma_start3A_76 = tpu.memref_slice %arg9[%run_scoped3A_61, %mul3A_31] : memref<16x10240xf32, #tpu.memory_space<vmem_shared>> -> memref<1x640xf32, #tpu.memory_space<vmem_shared>>
      %dma_start3A_77 = tpu.memref_squeeze %dma_start3A_76 : memref<1x640xf32, #tpu.memory_space<vmem_shared>> -> memref<640xf32, #tpu.memory_space<vmem_shared>>
      tpu.enqueue_dma source(%dma_start3A_77 : memref<640xf32, #tpu.memory_space<vmem_shared>>) target(%dma_start3A_75 : memref<640xf32, #tpu.memory_space<vmem>>) target_semaphore(%run_scoped3A_68 : memref<!tpu.dma_semaphore, #tpu.memory_space<semaphore_mem>>)
      %dma_wait3A = arith.constant 0 : i32
      %dma_wait3A_78 = tpu.memref_slice %arg7[%run_scoped3A_62, %dma_wait3A] : memref<16x640xf32, #tpu.memory_space<vmem>> -> memref<1x640xf32, #tpu.memory_space<vmem>>
      %dma_wait3A_79 = tpu.memref_squeeze %dma_wait3A_78 : memref<1x640xf32, #tpu.memory_space<vmem>> -> memref<640xf32, #tpu.memory_space<vmem>>
      %dma_wait3A_80 = tpu.memref_slice %arg9[%run_scoped3A_61, %mul3A_31] : memref<16x10240xf32, #tpu.memory_space<vmem_shared>> -> memref<1x640xf32, #tpu.memory_space<vmem_shared>>
      %dma_wait3A_81 = tpu.memref_squeeze %dma_wait3A_80 : memref<1x640xf32, #tpu.memory_space<vmem_shared>> -> memref<640xf32, #tpu.memory_space<vmem_shared>>
      %dma_wait3A_82 = arith.constant 0 : i32
      %dma_wait3A_83 = tpu.memref_slice %arg7[%run_scoped3A_62, %dma_wait3A_82] : memref<16x640xf32, #tpu.memory_space<vmem>> -> memref<1x640xf32, #tpu.memory_space<vmem>>
      %dma_wait3A_84 = tpu.memref_squeeze %dma_wait3A_83 : memref<1x640xf32, #tpu.memory_space<vmem>> -> memref<640xf32, #tpu.memory_space<vmem>>
      %dma_wait3A_85 = tpu.memref_slice %arg9[%run_scoped3A_61, %mul3A_31] : memref<16x10240xf32, #tpu.memory_space<vmem_shared>> -> memref<1x640xf32, #tpu.memory_space<vmem_shared>>
      %dma_wait3A_86 = tpu.memref_squeeze %dma_wait3A_85 : memref<1x640xf32, #tpu.memory_space<vmem_shared>> -> memref<640xf32, #tpu.memory_space<vmem_shared>>
      tpu.wait_dma2 semaphore(%run_scoped3A_68 : memref<!tpu.dma_semaphore, #tpu.memory_space<semaphore_mem>>) src(%dma_wait3A_86 : memref<640xf32, #tpu.memory_space<vmem_shared>>) dst(%dma_wait3A_84 : memref<640xf32, #tpu.memory_space<vmem>>)
      tpu.yield
    }) : () -> ()
    %scan3A_63 = arith.constant 0 : i32
    %scan3A_64 = arith.constant 40 : i32
    %scan3A_65 = arith.addi %scan3A_63, %scan3A_64 : i32
    %scan3A_66 = arith.constant 1 : i32
    scf.for %scan3A_68 = %scan3A_63 to %scan3A_65 step %scan3A_66  : i32 {
      %mul3A_69 = arith.constant 1 : i32
      %mul3A_70 = arith.muli %scan3A_68, %mul3A_69 : i32
      %add3A_71 = arith.constant 0 : i32
      %add3A_72 = arith.addi %add3A_71, %mul3A_70 : i32
      %mul3A_73 = arith.constant 16 : i32
      %mul3A_74 = arith.muli %add3A_72, %mul3A_73 : i32
      %get3A = arith.constant 0 : i32
      %get3A_75 = arith.index_cast %get3A : i32 to index
      %get3A_76 = arith.index_cast %mul3A_74 : i32 to index
      %get3A_77 = tpu.vector_load %arg7[%get3A_75, %get3A_76] {strides = array<i32>} : memref<16x640xf32, #tpu.memory_space<vmem>>, vector<16xf32>,
      %mul3A_78 = arith.constant 16 : i32
      %mul3A_79 = arith.muli %add3A_72, %mul3A_78 : i32
      %get3A_80 = arith.constant 1 : i32
      %get3A_81 = arith.index_cast %get3A_80 : i32 to index
      %get3A_82 = arith.index_cast %mul3A_79 : i32 to index
      %get3A_83 = tpu.vector_load %arg7[%get3A_81, %get3A_82] {strides = array<i32>} : memref<16x640xf32, #tpu.memory_space<vmem>>, vector<16xf32>,
      %add3A_84 = arith.addf %get3A_77, %get3A_83 : vector<16xf32>
      %mul3A_85 = arith.constant 16 : i32
      %mul3A_86 = arith.muli %add3A_72, %mul3A_85 : i32
      %get3A_87 = arith.constant 2 : i32
      %get3A_88 = arith.index_cast %get3A_87 : i32 to index
      %get3A_89 = arith.index_cast %mul3A_86 : i32 to index
      %get3A_90 = tpu.vector_load %arg7[%get3A_88, %get3A_89] {strides = array<i32>} : memref<16x640xf32, #tpu.memory_space<vmem>>, vector<16xf32>,
      %add3A_91 = arith.addf %add3A_84, %get3A_90 : vector<16xf32>
      %mul3A_92 = arith.constant 16 : i32
      %mul3A_93 = arith.muli %add3A_72, %mul3A_92 : i32
      %get3A_94 = arith.constant 3 : i32
      %get3A_95 = arith.index_cast %get3A_94 : i32 to index
      %get3A_96 = arith.index_cast %mul3A_93 : i32 to index
      %get3A_97 = tpu.vector_load %arg7[%get3A_95, %get3A_96] {strides = array<i32>} : memref<16x640xf32, #tpu.memory_space<vmem>>, vector<16xf32>,
      %add3A_98 = arith.addf %add3A_91, %get3A_97 : vector<16xf32>
      %mul3A_99 = arith.constant 16 : i32
      %mul3A_100 = arith.muli %add3A_72, %mul3A_99 : i32
      %get3A_101 = arith.constant 4 : i32
      %get3A_102 = arith.index_cast %get3A_101 : i32 to index
      %get3A_103 = arith.index_cast %mul3A_100 : i32 to index
      %get3A_104 = tpu.vector_load %arg7[%get3A_102, %get3A_103] {strides = array<i32>} : memref<16x640xf32, #tpu.memory_space<vmem>>, vector<16xf32>,
      %add3A_105 = arith.addf %add3A_98, %get3A_104 : vector<16xf32>
      %mul3A_106 = arith.constant 16 : i32
      %mul3A_107 = arith.muli %add3A_72, %mul3A_106 : i32
      %get3A_108 = arith.constant 5 : i32
      %get3A_109 = arith.index_cast %get3A_108 : i32 to index
      %get3A_110 = arith.index_cast %mul3A_107 : i32 to index
      %get3A_111 = tpu.vector_load %arg7[%get3A_109, %get3A_110] {strides = array<i32>} : memref<16x640xf32, #tpu.memory_space<vmem>>, vector<16xf32>,
      %add3A_112 = arith.addf %add3A_105, %get3A_111 : vector<16xf32>
      %mul3A_113 = arith.constant 16 : i32
      %mul3A_114 = arith.muli %add3A_72, %mul3A_113 : i32
      %get3A_115 = arith.constant 6 : i32
      %get3A_116 = arith.index_cast %get3A_115 : i32 to index
      %get3A_117 = arith.index_cast %mul3A_114 : i32 to index
      %get3A_118 = tpu.vector_load %arg7[%get3A_116, %get3A_117] {strides = array<i32>} : memref<16x640xf32, #tpu.memory_space<vmem>>, vector<16xf32>,
      %add3A_119 = arith.addf %add3A_112, %get3A_118 : vector<16xf32>
      %mul3A_120 = arith.constant 16 : i32
      %mul3A_121 = arith.muli %add3A_72, %mul3A_120 : i32
      %get3A_122 = arith.constant 7 : i32
      %get3A_123 = arith.index_cast %get3A_122 : i32 to index
      %get3A_124 = arith.index_cast %mul3A_121 : i32 to index
      %get3A_125 = tpu.vector_load %arg7[%get3A_123, %get3A_124] {strides = array<i32>} : memref<16x640xf32, #tpu.memory_space<vmem>>, vector<16xf32>,
      %add3A_126 = arith.addf %add3A_119, %get3A_125 : vector<16xf32>
      %mul3A_127 = arith.constant 16 : i32
      %mul3A_128 = arith.muli %add3A_72, %mul3A_127 : i32
      %get3A_129 = arith.constant 8 : i32
      %get3A_130 = arith.index_cast %get3A_129 : i32 to index
      %get3A_131 = arith.index_cast %mul3A_128 : i32 to index
      %get3A_132 = tpu.vector_load %arg7[%get3A_130, %get3A_131] {strides = array<i32>} : memref<16x640xf32, #tpu.memory_space<vmem>>, vector<16xf32>,
      %add3A_133 = arith.addf %add3A_126, %get3A_132 : vector<16xf32>
      %mul3A_134 = arith.constant 16 : i32
      %mul3A_135 = arith.muli %add3A_72, %mul3A_134 : i32
      %get3A_136 = arith.constant 9 : i32
      %get3A_137 = arith.index_cast %get3A_136 : i32 to index
      %get3A_138 = arith.index_cast %mul3A_135 : i32 to index
      %get3A_139 = tpu.vector_load %arg7[%get3A_137, %get3A_138] {strides = array<i32>} : memref<16x640xf32, #tpu.memory_space<vmem>>, vector<16xf32>,
      %add3A_140 = arith.addf %add3A_133, %get3A_139 : vector<16xf32>
      %mul3A_141 = arith.constant 16 : i32
      %mul3A_142 = arith.muli %add3A_72, %mul3A_141 : i32
      %get3A_143 = arith.constant 10 : i32
      %get3A_144 = arith.index_cast %get3A_143 : i32 to index
      %get3A_145 = arith.index_cast %mul3A_142 : i32 to index
      %get3A_146 = tpu.vector_load %arg7[%get3A_144, %get3A_145] {strides = array<i32>} : memref<16x640xf32, #tpu.memory_space<vmem>>, vector<16xf32>,
      %add3A_147 = arith.addf %add3A_140, %get3A_146 : vector<16xf32>
      %mul3A_148 = arith.constant 16 : i32
      %mul3A_149 = arith.muli %add3A_72, %mul3A_148 : i32
      %get3A_150 = arith.constant 11 : i32
      %get3A_151 = arith.index_cast %get3A_150 : i32 to index
      %get3A_152 = arith.index_cast %mul3A_149 : i32 to index
      %get3A_153 = tpu.vector_load %arg7[%get3A_151, %get3A_152] {strides = array<i32>} : memref<16x640xf32, #tpu.memory_space<vmem>>, vector<16xf32>,
      %add3A_154 = arith.addf %add3A_147, %get3A_153 : vector<16xf32>
      %mul3A_155 = arith.constant 16 : i32
      %mul3A_156 = arith.muli %add3A_72, %mul3A_155 : i32
      %get3A_157 = arith.constant 12 : i32
      %get3A_158 = arith.index_cast %get3A_157 : i32 to index
      %get3A_159 = arith.index_cast %mul3A_156 : i32 to index
      %get3A_160 = tpu.vector_load %arg7[%get3A_158, %get3A_159] {strides = array<i32>} : memref<16x640xf32, #tpu.memory_space<vmem>>, vector<16xf32>,
      %add3A_161 = arith.addf %add3A_154, %get3A_160 : vector<16xf32>
      %mul3A_162 = arith.constant 16 : i32
      %mul3A_163 = arith.muli %add3A_72, %mul3A_162 : i32
      %get3A_164 = arith.constant 13 : i32
      %get3A_165 = arith.index_cast %get3A_164 : i32 to index
      %get3A_166 = arith.index_cast %mul3A_163 : i32 to index
      %get3A_167 = tpu.vector_load %arg7[%get3A_165, %get3A_166] {strides = array<i32>} : memref<16x640xf32, #tpu.memory_space<vmem>>, vector<16xf32>,
      %add3A_168 = arith.addf %add3A_161, %get3A_167 : vector<16xf32>
      %mul3A_169 = arith.constant 16 : i32
      %mul3A_170 = arith.muli %add3A_72, %mul3A_169 : i32
      %get3A_171 = arith.constant 14 : i32
      %get3A_172 = arith.index_cast %get3A_171 : i32 to index
      %get3A_173 = arith.index_cast %mul3A_170 : i32 to index
      %get3A_174 = tpu.vector_load %arg7[%get3A_172, %get3A_173] {strides = array<i32>} : memref<16x640xf32, #tpu.memory_space<vmem>>, vector<16xf32>,
      %add3A_175 = arith.addf %add3A_168, %get3A_174 : vector<16xf32>
      %mul3A_176 = arith.constant 16 : i32
      %mul3A_177 = arith.muli %add3A_72, %mul3A_176 : i32
      %get3A_178 = arith.constant 15 : i32
      %get3A_179 = arith.index_cast %get3A_178 : i32 to index
      %get3A_180 = arith.index_cast %mul3A_177 : i32 to index
      %get3A_181 = tpu.vector_load %arg7[%get3A_179, %get3A_180] {strides = array<i32>} : memref<16x640xf32, #tpu.memory_space<vmem>>, vector<16xf32>,
      %add3A_182 = arith.addf %add3A_175, %get3A_181 : vector<16xf32>
      %mul3A_183 = arith.constant 16 : i32
      %mul3A_184 = arith.muli %add3A_72, %mul3A_183 : i32
      %swap3A = arith.index_cast %mul3A_184 : i32 to index
      %swap3A_185 = tpu.vector_load %arg8[%swap3A] {strides = array<i32>} : memref<640xf32, #tpu.memory_space<vmem>>, vector<16xf32>,
      tpu.vector_store %arg8[%swap3A], %add3A_182 {strides = array<i32>} : memref<640xf32, #tpu.memory_space<vmem>>, vector<16xf32>,
    }
    %scan3A_67 = arith.constant 40 : i32
    "tpu.region"() ({
      %run_scoped3A_68 = tpu.sem_alloc : memref<!tpu.dma_semaphore, #tpu.memory_space<semaphore_mem>>
      %dma_start3A = tpu.memref_slice %arg4[%arg0, %mul3A_31] : memref<2x10240xf32, #tpu.memory_space<hbm>> -> memref<1x640xf32, #tpu.memory_space<hbm>>
      %dma_start3A_69 = tpu.memref_squeeze %dma_start3A : memref<1x640xf32, #tpu.memory_space<hbm>> -> memref<640xf32, #tpu.memory_space<hbm>>
      %dma_start3A_70 = tpu.memref_slice %arg4[%arg0, %mul3A_31] : memref<2x10240xf32, #tpu.memory_space<hbm>> -> memref<1x640xf32, #tpu.memory_space<hbm>>
      %dma_start3A_71 = tpu.memref_squeeze %dma_start3A_70 : memref<1x640xf32, #tpu.memory_space<hbm>> -> memref<640xf32, #tpu.memory_space<hbm>>
      tpu.enqueue_dma source(%arg8 : memref<640xf32, #tpu.memory_space<vmem>>) target(%dma_start3A_71 : memref<640xf32, #tpu.memory_space<hbm>>) target_semaphore(%run_scoped3A_68 : memref<!tpu.dma_semaphore, #tpu.memory_space<semaphore_mem>>)
      %dma_wait3A = tpu.memref_slice %arg4[%arg0, %mul3A_31] : memref<2x10240xf32, #tpu.memory_space<hbm>> -> memref<1x640xf32, #tpu.memory_space<hbm>>
      %dma_wait3A_72 = tpu.memref_squeeze %dma_wait3A : memref<1x640xf32, #tpu.memory_space<hbm>> -> memref<640xf32, #tpu.memory_space<hbm>>
      %dma_wait3A_73 = tpu.memref_slice %arg4[%arg0, %mul3A_31] : memref<2x10240xf32, #tpu.memory_space<hbm>> -> memref<1x640xf32, #tpu.memory_space<hbm>>
      %dma_wait3A_74 = tpu.memref_squeeze %dma_wait3A_73 : memref<1x640xf32, #tpu.memory_space<hbm>> -> memref<640xf32, #tpu.memory_space<hbm>>
      tpu.wait_dma2 semaphore(%run_scoped3A_68 : memref<!tpu.dma_semaphore, #tpu.memory_space<semaphore_mem>>) src(%arg8 : memref<640xf32, #tpu.memory_space<vmem>>) dst(%dma_wait3A_74 : memref<640xf32, #tpu.memory_space<hbm>>)
      tpu.yield
    }) : () -> ()
    return
  }
}

#map = affine_map<(d0, d1) -> (0, 0)>
#map1 = affine_map<(d0, d1) -> (0, 0, 0)>
module attributes {stable_mosaic.version = 14 : i64} {
  func.func @_sc_msg_body(%arg0: i32, %arg1: i32, %arg2: memref<20000x64xf32, #tpu.memory_space<hbm>>, %arg3: memref<2x2504x128xi32, #tpu.memory_space<hbm>>, %arg4: memref<2x2504x128xi32, #tpu.memory_space<hbm>>, %arg5: memref<10000x64xf32, #tpu.memory_space<hbm>>, %arg6: memref<10000x64xf32, #tpu.memory_space<hbm>>, %arg7: memref<160x128xi32, #tpu.memory_space<vmem>>, %arg8: memref<160x128xi32, #tpu.memory_space<vmem>>, %arg9: memref<128x64xf32, #tpu.memory_space<vmem>>, %arg10: memref<128x64xf32, #tpu.memory_space<vmem>>, %arg11: memref<128x64xf32, #tpu.memory_space<vmem>>, %arg12: memref<128x64xf32, #tpu.memory_space<vmem>>, %arg13: memref<10240x64xf32, #tpu.memory_space<vmem_shared>>, %arg14: memref<!tpu.dma_semaphore, #tpu.memory_space<semaphore_mem>>, %arg15: memref<!tpu.dma_semaphore, #tpu.memory_space<semaphore_mem>>, %arg16: memref<!tpu.dma_semaphore, #tpu.memory_space<semaphore_mem>>, %arg17: memref<!tpu.dma_semaphore, #tpu.memory_space<semaphore_mem>>) attributes {dimension_semantics = [#tpu.dimension_semantics<core_parallel>, #tpu.dimension_semantics<subcore_parallel>], iteration_bounds = array<i64: 2, 16>, scalar_prefetch = 0 : i64, scratch_operands = 11 : i64, tpu.core_type = #tpu.core_type<sc_vector_subcore>, window_params = [{transform_indices = #map}, {transform_indices = #map1}, {transform_indices = #map1}, {transform_indices = #map}, {transform_indices = #map}]} {
    %lt3A = arith.constant 15 : i32
    %lt3A_0 = arith.cmpi slt, %arg1, %lt3A : i32
    %jit3A = arith.constant 80 : i32
    %jit3A_1 = arith.constant 52 : i32
    %select_n3A = arith.select %lt3A_0, %jit3A, %jit3A_1 : i32
    %eq3A = arith.constant 0 : i32
    %eq3A_2 = arith.cmpi eq, %arg0, %eq3A : i32
    %convert_element_type3A = arith.extui %eq3A_2 : i1 to i32
    %cond3A = arith.constant 0 : i32
    %cond3A_3 = arith.cmpi ne, %convert_element_type3A, %cond3A : i32
    scf.if %cond3A_3 {
      %lt3A_105 = arith.constant 15 : i32
      %lt3A_106 = arith.cmpi slt, %arg1, %lt3A_105 : i32
      %convert_element_type3A_107 = arith.extui %lt3A_106 : i1 to i32
      %cond3A_108 = arith.constant 0 : i32
      %cond3A_109 = arith.cmpi ne, %convert_element_type3A_107, %cond3A_108 : i32
      scf.if %cond3A_109 {
        %mul3A_125 = arith.constant 160 : i32
        %mul3A_126 = arith.muli %arg1, %mul3A_125 : i32
        %run_scoped3A = arith.constant 0 : i32
        "tpu.region"() ({
          %run_scoped3A_127 = tpu.sem_alloc : memref<!tpu.dma_semaphore, #tpu.memory_space<semaphore_mem>>
          %dma_start3A_128 = arith.constant 0 : i32
          %dma_start3A_129 = tpu.memref_slice %arg3[%run_scoped3A, %mul3A_126, %dma_start3A_128] : memref<2x2504x128xi32, #tpu.memory_space<hbm>> -> memref<1x160x128xi32, #tpu.memory_space<hbm>>
          %dma_start3A_130 = tpu.memref_squeeze %dma_start3A_129 : memref<1x160x128xi32, #tpu.memory_space<hbm>> -> memref<160x128xi32, #tpu.memory_space<hbm>>
          %dma_start3A_131 = arith.constant 0 : i32
          %dma_start3A_132 = tpu.memref_slice %arg3[%run_scoped3A, %mul3A_126, %dma_start3A_131] : memref<2x2504x128xi32, #tpu.memory_space<hbm>> -> memref<1x160x128xi32, #tpu.memory_space<hbm>>
          %dma_start3A_133 = tpu.memref_squeeze %dma_start3A_132 : memref<1x160x128xi32, #tpu.memory_space<hbm>> -> memref<160x128xi32, #tpu.memory_space<hbm>>
          tpu.enqueue_dma source(%dma_start3A_133 : memref<160x128xi32, #tpu.memory_space<hbm>>) target(%arg7 : memref<160x128xi32, #tpu.memory_space<vmem>>) target_semaphore(%run_scoped3A_127 : memref<!tpu.dma_semaphore, #tpu.memory_space<semaphore_mem>>)
          %dma_wait3A_134 = arith.constant 0 : i32
          %dma_wait3A_135 = tpu.memref_slice %arg3[%run_scoped3A, %mul3A_126, %dma_wait3A_134] : memref<2x2504x128xi32, #tpu.memory_space<hbm>> -> memref<1x160x128xi32, #tpu.memory_space<hbm>>
          %dma_wait3A_136 = tpu.memref_squeeze %dma_wait3A_135 : memref<1x160x128xi32, #tpu.memory_space<hbm>> -> memref<160x128xi32, #tpu.memory_space<hbm>>
          %dma_wait3A_137 = arith.constant 0 : i32
          %dma_wait3A_138 = tpu.memref_slice %arg3[%run_scoped3A, %mul3A_126, %dma_wait3A_137] : memref<2x2504x128xi32, #tpu.memory_space<hbm>> -> memref<1x160x128xi32, #tpu.memory_space<hbm>>
          %dma_wait3A_139 = tpu.memref_squeeze %dma_wait3A_138 : memref<1x160x128xi32, #tpu.memory_space<hbm>> -> memref<160x128xi32, #tpu.memory_space<hbm>>
          tpu.wait_dma2 semaphore(%run_scoped3A_127 : memref<!tpu.dma_semaphore, #tpu.memory_space<semaphore_mem>>) src(%dma_wait3A_139 : memref<160x128xi32, #tpu.memory_space<hbm>>) dst(%arg7 : memref<160x128xi32, #tpu.memory_space<vmem>>)
          tpu.yield
        }) : () -> ()
      } else {
      }
      %eq3A_110 = arith.constant 15 : i32
      %eq3A_111 = arith.cmpi eq, %arg1, %eq3A_110 : i32
      %convert_element_type3A_112 = arith.extui %eq3A_111 : i1 to i32
      %cond3A_113 = arith.constant 0 : i32
      %cond3A_114 = arith.cmpi ne, %convert_element_type3A_112, %cond3A_113 : i32
      scf.if %cond3A_114 {
        %mul3A_125 = arith.constant 160 : i32
        %mul3A_126 = arith.muli %arg1, %mul3A_125 : i32
        %run_scoped3A = arith.constant 0 : i32
        "tpu.region"() ({
          %run_scoped3A_127 = tpu.sem_alloc : memref<!tpu.dma_semaphore, #tpu.memory_space<semaphore_mem>>
          %dma_start3A_128 = arith.constant 0 : i32
          %dma_start3A_129 = arith.constant 0 : i32
          %dma_start3A_130 = tpu.memref_slice %arg7[%dma_start3A_128, %dma_start3A_129] : memref<160x128xi32, #tpu.memory_space<vmem>> -> memref<104x128xi32, #tpu.memory_space<vmem>>
          %dma_start3A_131 = arith.constant 0 : i32
          %dma_start3A_132 = tpu.memref_slice %arg3[%run_scoped3A, %mul3A_126, %dma_start3A_131] : memref<2x2504x128xi32, #tpu.memory_space<hbm>> -> memref<1x104x128xi32, #tpu.memory_space<hbm>>
          %dma_start3A_133 = tpu.memref_squeeze %dma_start3A_132 : memref<1x104x128xi32, #tpu.memory_space<hbm>> -> memref<104x128xi32, #tpu.memory_space<hbm>>
          %dma_start3A_134 = arith.constant 0 : i32
          %dma_start3A_135 = arith.constant 0 : i32
          %dma_start3A_136 = tpu.memref_slice %arg7[%dma_start3A_134, %dma_start3A_135] : memref<160x128xi32, #tpu.memory_space<vmem>> -> memref<104x128xi32, #tpu.memory_space<vmem>>
          %dma_start3A_137 = arith.constant 0 : i32
          %dma_start3A_138 = tpu.memref_slice %arg3[%run_scoped3A, %mul3A_126, %dma_start3A_137] : memref<2x2504x128xi32, #tpu.memory_space<hbm>> -> memref<1x104x128xi32, #tpu.memory_space<hbm>>
          %dma_start3A_139 = tpu.memref_squeeze %dma_start3A_138 : memref<1x104x128xi32, #tpu.memory_space<hbm>> -> memref<104x128xi32, #tpu.memory_space<hbm>>
          tpu.enqueue_dma source(%dma_start3A_139 : memref<104x128xi32, #tpu.memory_space<hbm>>) target(%dma_start3A_136 : memref<104x128xi32, #tpu.memory_space<vmem>>) target_semaphore(%run_scoped3A_127 : memref<!tpu.dma_semaphore, #tpu.memory_space<semaphore_mem>>)
          %dma_wait3A_140 = arith.constant 0 : i32
          %dma_wait3A_141 = arith.constant 0 : i32
          %dma_wait3A_142 = tpu.memref_slice %arg7[%dma_wait3A_140, %dma_wait3A_141] : memref<160x128xi32, #tpu.memory_space<vmem>> -> memref<104x128xi32, #tpu.memory_space<vmem>>
          %dma_wait3A_143 = arith.constant 0 : i32
          %dma_wait3A_144 = tpu.memref_slice %arg3[%run_scoped3A, %mul3A_126, %dma_wait3A_143] : memref<2x2504x128xi32, #tpu.memory_space<hbm>> -> memref<1x104x128xi32, #tpu.memory_space<hbm>>
          %dma_wait3A_145 = tpu.memref_squeeze %dma_wait3A_144 : memref<1x104x128xi32, #tpu.memory_space<hbm>> -> memref<104x128xi32, #tpu.memory_space<hbm>>
          %dma_wait3A_146 = arith.constant 0 : i32
          %dma_wait3A_147 = arith.constant 0 : i32
          %dma_wait3A_148 = tpu.memref_slice %arg7[%dma_wait3A_146, %dma_wait3A_147] : memref<160x128xi32, #tpu.memory_space<vmem>> -> memref<104x128xi32, #tpu.memory_space<vmem>>
          %dma_wait3A_149 = arith.constant 0 : i32
          %dma_wait3A_150 = tpu.memref_slice %arg3[%run_scoped3A, %mul3A_126, %dma_wait3A_149] : memref<2x2504x128xi32, #tpu.memory_space<hbm>> -> memref<1x104x128xi32, #tpu.memory_space<hbm>>
          %dma_wait3A_151 = tpu.memref_squeeze %dma_wait3A_150 : memref<1x104x128xi32, #tpu.memory_space<hbm>> -> memref<104x128xi32, #tpu.memory_space<hbm>>
          tpu.wait_dma2 semaphore(%run_scoped3A_127 : memref<!tpu.dma_semaphore, #tpu.memory_space<semaphore_mem>>) src(%dma_wait3A_151 : memref<104x128xi32, #tpu.memory_space<hbm>>) dst(%dma_wait3A_148 : memref<104x128xi32, #tpu.memory_space<vmem>>)
          tpu.yield
        }) : () -> ()
      } else {
      }
      %lt3A_115 = arith.constant 15 : i32
      %lt3A_116 = arith.cmpi slt, %arg1, %lt3A_115 : i32
      %convert_element_type3A_117 = arith.extui %lt3A_116 : i1 to i32
      %cond3A_118 = arith.constant 0 : i32
      %cond3A_119 = arith.cmpi ne, %convert_element_type3A_117, %cond3A_118 : i32
      scf.if %cond3A_119 {
        %mul3A_125 = arith.constant 160 : i32
        %mul3A_126 = arith.muli %arg1, %mul3A_125 : i32
        %run_scoped3A = arith.constant 1 : i32
        "tpu.region"() ({
          %run_scoped3A_127 = tpu.sem_alloc : memref<!tpu.dma_semaphore, #tpu.memory_space<semaphore_mem>>
          %dma_start3A_128 = arith.constant 0 : i32
          %dma_start3A_129 = tpu.memref_slice %arg3[%run_scoped3A, %mul3A_126, %dma_start3A_128] : memref<2x2504x128xi32, #tpu.memory_space<hbm>> -> memref<1x160x128xi32, #tpu.memory_space<hbm>>
          %dma_start3A_130 = tpu.memref_squeeze %dma_start3A_129 : memref<1x160x128xi32, #tpu.memory_space<hbm>> -> memref<160x128xi32, #tpu.memory_space<hbm>>
          %dma_start3A_131 = arith.constant 0 : i32
          %dma_start3A_132 = tpu.memref_slice %arg3[%run_scoped3A, %mul3A_126, %dma_start3A_131] : memref<2x2504x128xi32, #tpu.memory_space<hbm>> -> memref<1x160x128xi32, #tpu.memory_space<hbm>>
          %dma_start3A_133 = tpu.memref_squeeze %dma_start3A_132 : memref<1x160x128xi32, #tpu.memory_space<hbm>> -> memref<160x128xi32, #tpu.memory_space<hbm>>
          tpu.enqueue_dma source(%dma_start3A_133 : memref<160x128xi32, #tpu.memory_space<hbm>>) target(%arg8 : memref<160x128xi32, #tpu.memory_space<vmem>>) target_semaphore(%run_scoped3A_127 : memref<!tpu.dma_semaphore, #tpu.memory_space<semaphore_mem>>)
          %dma_wait3A_134 = arith.constant 0 : i32
          %dma_wait3A_135 = tpu.memref_slice %arg3[%run_scoped3A, %mul3A_126, %dma_wait3A_134] : memref<2x2504x128xi32, #tpu.memory_space<hbm>> -> memref<1x160x128xi32, #tpu.memory_space<hbm>>
          %dma_wait3A_136 = tpu.memref_squeeze %dma_wait3A_135 : memref<1x160x128xi32, #tpu.memory_space<hbm>> -> memref<160x128xi32, #tpu.memory_space<hbm>>
          %dma_wait3A_137 = arith.constant 0 : i32
          %dma_wait3A_138 = tpu.memref_slice %arg3[%run_scoped3A, %mul3A_126, %dma_wait3A_137] : memref<2x2504x128xi32, #tpu.memory_space<hbm>> -> memref<1x160x128xi32, #tpu.memory_space<hbm>>
          %dma_wait3A_139 = tpu.memref_squeeze %dma_wait3A_138 : memref<1x160x128xi32, #tpu.memory_space<hbm>> -> memref<160x128xi32, #tpu.memory_space<hbm>>
          tpu.wait_dma2 semaphore(%run_scoped3A_127 : memref<!tpu.dma_semaphore, #tpu.memory_space<semaphore_mem>>) src(%dma_wait3A_139 : memref<160x128xi32, #tpu.memory_space<hbm>>) dst(%arg8 : memref<160x128xi32, #tpu.memory_space<vmem>>)
          tpu.yield
        }) : () -> ()
      } else {
      }
      %eq3A_120 = arith.constant 15 : i32
      %eq3A_121 = arith.cmpi eq, %arg1, %eq3A_120 : i32
      %convert_element_type3A_122 = arith.extui %eq3A_121 : i1 to i32
      %cond3A_123 = arith.constant 0 : i32
      %cond3A_124 = arith.cmpi ne, %convert_element_type3A_122, %cond3A_123 : i32
      scf.if %cond3A_124 {
        %mul3A_125 = arith.constant 160 : i32
        %mul3A_126 = arith.muli %arg1, %mul3A_125 : i32
        %run_scoped3A = arith.constant 1 : i32
        "tpu.region"() ({
          %run_scoped3A_127 = tpu.sem_alloc : memref<!tpu.dma_semaphore, #tpu.memory_space<semaphore_mem>>
          %dma_start3A_128 = arith.constant 0 : i32
          %dma_start3A_129 = arith.constant 0 : i32
          %dma_start3A_130 = tpu.memref_slice %arg8[%dma_start3A_128, %dma_start3A_129] : memref<160x128xi32, #tpu.memory_space<vmem>> -> memref<104x128xi32, #tpu.memory_space<vmem>>
          %dma_start3A_131 = arith.constant 0 : i32
          %dma_start3A_132 = tpu.memref_slice %arg3[%run_scoped3A, %mul3A_126, %dma_start3A_131] : memref<2x2504x128xi32, #tpu.memory_space<hbm>> -> memref<1x104x128xi32, #tpu.memory_space<hbm>>
          %dma_start3A_133 = tpu.memref_squeeze %dma_start3A_132 : memref<1x104x128xi32, #tpu.memory_space<hbm>> -> memref<104x128xi32, #tpu.memory_space<hbm>>
          %dma_start3A_134 = arith.constant 0 : i32
          %dma_start3A_135 = arith.constant 0 : i32
          %dma_start3A_136 = tpu.memref_slice %arg8[%dma_start3A_134, %dma_start3A_135] : memref<160x128xi32, #tpu.memory_space<vmem>> -> memref<104x128xi32, #tpu.memory_space<vmem>>
          %dma_start3A_137 = arith.constant 0 : i32
          %dma_start3A_138 = tpu.memref_slice %arg3[%run_scoped3A, %mul3A_126, %dma_start3A_137] : memref<2x2504x128xi32, #tpu.memory_space<hbm>> -> memref<1x104x128xi32, #tpu.memory_space<hbm>>
          %dma_start3A_139 = tpu.memref_squeeze %dma_start3A_138 : memref<1x104x128xi32, #tpu.memory_space<hbm>> -> memref<104x128xi32, #tpu.memory_space<hbm>>
          tpu.enqueue_dma source(%dma_start3A_139 : memref<104x128xi32, #tpu.memory_space<hbm>>) target(%dma_start3A_136 : memref<104x128xi32, #tpu.memory_space<vmem>>) target_semaphore(%run_scoped3A_127 : memref<!tpu.dma_semaphore, #tpu.memory_space<semaphore_mem>>)
          %dma_wait3A_140 = arith.constant 0 : i32
          %dma_wait3A_141 = arith.constant 0 : i32
          %dma_wait3A_142 = tpu.memref_slice %arg8[%dma_wait3A_140, %dma_wait3A_141] : memref<160x128xi32, #tpu.memory_space<vmem>> -> memref<104x128xi32, #tpu.memory_space<vmem>>
          %dma_wait3A_143 = arith.constant 0 : i32
          %dma_wait3A_144 = tpu.memref_slice %arg3[%run_scoped3A, %mul3A_126, %dma_wait3A_143] : memref<2x2504x128xi32, #tpu.memory_space<hbm>> -> memref<1x104x128xi32, #tpu.memory_space<hbm>>
          %dma_wait3A_145 = tpu.memref_squeeze %dma_wait3A_144 : memref<1x104x128xi32, #tpu.memory_space<hbm>> -> memref<104x128xi32, #tpu.memory_space<hbm>>
          %dma_wait3A_146 = arith.constant 0 : i32
          %dma_wait3A_147 = arith.constant 0 : i32
          %dma_wait3A_148 = tpu.memref_slice %arg8[%dma_wait3A_146, %dma_wait3A_147] : memref<160x128xi32, #tpu.memory_space<vmem>> -> memref<104x128xi32, #tpu.memory_space<vmem>>
          %dma_wait3A_149 = arith.constant 0 : i32
          %dma_wait3A_150 = tpu.memref_slice %arg3[%run_scoped3A, %mul3A_126, %dma_wait3A_149] : memref<2x2504x128xi32, #tpu.memory_space<hbm>> -> memref<1x104x128xi32, #tpu.memory_space<hbm>>
          %dma_wait3A_151 = tpu.memref_squeeze %dma_wait3A_150 : memref<1x104x128xi32, #tpu.memory_space<hbm>> -> memref<104x128xi32, #tpu.memory_space<hbm>>
          tpu.wait_dma2 semaphore(%run_scoped3A_127 : memref<!tpu.dma_semaphore, #tpu.memory_space<semaphore_mem>>) src(%dma_wait3A_151 : memref<104x128xi32, #tpu.memory_space<hbm>>) dst(%dma_wait3A_148 : memref<104x128xi32, #tpu.memory_space<vmem>>)
          tpu.yield
        }) : () -> ()
      } else {
      }
    } else {
    }
    %eq3A_4 = arith.constant 1 : i32
    %eq3A_5 = arith.cmpi eq, %arg0, %eq3A_4 : i32
    %convert_element_type3A_6 = arith.extui %eq3A_5 : i1 to i32
    %cond3A_7 = arith.constant 0 : i32
    %cond3A_8 = arith.cmpi ne, %convert_element_type3A_6, %cond3A_7 : i32
    scf.if %cond3A_8 {
      %lt3A_105 = arith.constant 15 : i32
      %lt3A_106 = arith.cmpi slt, %arg1, %lt3A_105 : i32
      %convert_element_type3A_107 = arith.extui %lt3A_106 : i1 to i32
      %cond3A_108 = arith.constant 0 : i32
      %cond3A_109 = arith.cmpi ne, %convert_element_type3A_107, %cond3A_108 : i32
      scf.if %cond3A_109 {
        %mul3A_125 = arith.constant 160 : i32
        %mul3A_126 = arith.muli %arg1, %mul3A_125 : i32
        %run_scoped3A = arith.constant 0 : i32
        "tpu.region"() ({
          %run_scoped3A_127 = tpu.sem_alloc : memref<!tpu.dma_semaphore, #tpu.memory_space<semaphore_mem>>
          %dma_start3A_128 = arith.constant 0 : i32
          %dma_start3A_129 = tpu.memref_slice %arg4[%run_scoped3A, %mul3A_126, %dma_start3A_128] : memref<2x2504x128xi32, #tpu.memory_space<hbm>> -> memref<1x160x128xi32, #tpu.memory_space<hbm>>
          %dma_start3A_130 = tpu.memref_squeeze %dma_start3A_129 : memref<1x160x128xi32, #tpu.memory_space<hbm>> -> memref<160x128xi32, #tpu.memory_space<hbm>>
          %dma_start3A_131 = arith.constant 0 : i32
          %dma_start3A_132 = tpu.memref_slice %arg4[%run_scoped3A, %mul3A_126, %dma_start3A_131] : memref<2x2504x128xi32, #tpu.memory_space<hbm>> -> memref<1x160x128xi32, #tpu.memory_space<hbm>>
          %dma_start3A_133 = tpu.memref_squeeze %dma_start3A_132 : memref<1x160x128xi32, #tpu.memory_space<hbm>> -> memref<160x128xi32, #tpu.memory_space<hbm>>
          tpu.enqueue_dma source(%dma_start3A_133 : memref<160x128xi32, #tpu.memory_space<hbm>>) target(%arg7 : memref<160x128xi32, #tpu.memory_space<vmem>>) target_semaphore(%run_scoped3A_127 : memref<!tpu.dma_semaphore, #tpu.memory_space<semaphore_mem>>)
          %dma_wait3A_134 = arith.constant 0 : i32
          %dma_wait3A_135 = tpu.memref_slice %arg4[%run_scoped3A, %mul3A_126, %dma_wait3A_134] : memref<2x2504x128xi32, #tpu.memory_space<hbm>> -> memref<1x160x128xi32, #tpu.memory_space<hbm>>
          %dma_wait3A_136 = tpu.memref_squeeze %dma_wait3A_135 : memref<1x160x128xi32, #tpu.memory_space<hbm>> -> memref<160x128xi32, #tpu.memory_space<hbm>>
          %dma_wait3A_137 = arith.constant 0 : i32
          %dma_wait3A_138 = tpu.memref_slice %arg4[%run_scoped3A, %mul3A_126, %dma_wait3A_137] : memref<2x2504x128xi32, #tpu.memory_space<hbm>> -> memref<1x160x128xi32, #tpu.memory_space<hbm>>
          %dma_wait3A_139 = tpu.memref_squeeze %dma_wait3A_138 : memref<1x160x128xi32, #tpu.memory_space<hbm>> -> memref<160x128xi32, #tpu.memory_space<hbm>>
          tpu.wait_dma2 semaphore(%run_scoped3A_127 : memref<!tpu.dma_semaphore, #tpu.memory_space<semaphore_mem>>) src(%dma_wait3A_139 : memref<160x128xi32, #tpu.memory_space<hbm>>) dst(%arg7 : memref<160x128xi32, #tpu.memory_space<vmem>>)
          tpu.yield
        }) : () -> ()
      } else {
      }
      %eq3A_110 = arith.constant 15 : i32
      %eq3A_111 = arith.cmpi eq, %arg1, %eq3A_110 : i32
      %convert_element_type3A_112 = arith.extui %eq3A_111 : i1 to i32
      %cond3A_113 = arith.constant 0 : i32
      %cond3A_114 = arith.cmpi ne, %convert_element_type3A_112, %cond3A_113 : i32
      scf.if %cond3A_114 {
        %mul3A_125 = arith.constant 160 : i32
        %mul3A_126 = arith.muli %arg1, %mul3A_125 : i32
        %run_scoped3A = arith.constant 0 : i32
        "tpu.region"() ({
          %run_scoped3A_127 = tpu.sem_alloc : memref<!tpu.dma_semaphore, #tpu.memory_space<semaphore_mem>>
          %dma_start3A_128 = arith.constant 0 : i32
          %dma_start3A_129 = arith.constant 0 : i32
          %dma_start3A_130 = tpu.memref_slice %arg7[%dma_start3A_128, %dma_start3A_129] : memref<160x128xi32, #tpu.memory_space<vmem>> -> memref<104x128xi32, #tpu.memory_space<vmem>>
          %dma_start3A_131 = arith.constant 0 : i32
          %dma_start3A_132 = tpu.memref_slice %arg4[%run_scoped3A, %mul3A_126, %dma_start3A_131] : memref<2x2504x128xi32, #tpu.memory_space<hbm>> -> memref<1x104x128xi32, #tpu.memory_space<hbm>>
          %dma_start3A_133 = tpu.memref_squeeze %dma_start3A_132 : memref<1x104x128xi32, #tpu.memory_space<hbm>> -> memref<104x128xi32, #tpu.memory_space<hbm>>
          %dma_start3A_134 = arith.constant 0 : i32
          %dma_start3A_135 = arith.constant 0 : i32
          %dma_start3A_136 = tpu.memref_slice %arg7[%dma_start3A_134, %dma_start3A_135] : memref<160x128xi32, #tpu.memory_space<vmem>> -> memref<104x128xi32, #tpu.memory_space<vmem>>
          %dma_start3A_137 = arith.constant 0 : i32
          %dma_start3A_138 = tpu.memref_slice %arg4[%run_scoped3A, %mul3A_126, %dma_start3A_137] : memref<2x2504x128xi32, #tpu.memory_space<hbm>> -> memref<1x104x128xi32, #tpu.memory_space<hbm>>
          %dma_start3A_139 = tpu.memref_squeeze %dma_start3A_138 : memref<1x104x128xi32, #tpu.memory_space<hbm>> -> memref<104x128xi32, #tpu.memory_space<hbm>>
          tpu.enqueue_dma source(%dma_start3A_139 : memref<104x128xi32, #tpu.memory_space<hbm>>) target(%dma_start3A_136 : memref<104x128xi32, #tpu.memory_space<vmem>>) target_semaphore(%run_scoped3A_127 : memref<!tpu.dma_semaphore, #tpu.memory_space<semaphore_mem>>)
          %dma_wait3A_140 = arith.constant 0 : i32
          %dma_wait3A_141 = arith.constant 0 : i32
          %dma_wait3A_142 = tpu.memref_slice %arg7[%dma_wait3A_140, %dma_wait3A_141] : memref<160x128xi32, #tpu.memory_space<vmem>> -> memref<104x128xi32, #tpu.memory_space<vmem>>
          %dma_wait3A_143 = arith.constant 0 : i32
          %dma_wait3A_144 = tpu.memref_slice %arg4[%run_scoped3A, %mul3A_126, %dma_wait3A_143] : memref<2x2504x128xi32, #tpu.memory_space<hbm>> -> memref<1x104x128xi32, #tpu.memory_space<hbm>>
          %dma_wait3A_145 = tpu.memref_squeeze %dma_wait3A_144 : memref<1x104x128xi32, #tpu.memory_space<hbm>> -> memref<104x128xi32, #tpu.memory_space<hbm>>
          %dma_wait3A_146 = arith.constant 0 : i32
          %dma_wait3A_147 = arith.constant 0 : i32
          %dma_wait3A_148 = tpu.memref_slice %arg7[%dma_wait3A_146, %dma_wait3A_147] : memref<160x128xi32, #tpu.memory_space<vmem>> -> memref<104x128xi32, #tpu.memory_space<vmem>>
          %dma_wait3A_149 = arith.constant 0 : i32
          %dma_wait3A_150 = tpu.memref_slice %arg4[%run_scoped3A, %mul3A_126, %dma_wait3A_149] : memref<2x2504x128xi32, #tpu.memory_space<hbm>> -> memref<1x104x128xi32, #tpu.memory_space<hbm>>
          %dma_wait3A_151 = tpu.memref_squeeze %dma_wait3A_150 : memref<1x104x128xi32, #tpu.memory_space<hbm>> -> memref<104x128xi32, #tpu.memory_space<hbm>>
          tpu.wait_dma2 semaphore(%run_scoped3A_127 : memref<!tpu.dma_semaphore, #tpu.memory_space<semaphore_mem>>) src(%dma_wait3A_151 : memref<104x128xi32, #tpu.memory_space<hbm>>) dst(%dma_wait3A_148 : memref<104x128xi32, #tpu.memory_space<vmem>>)
          tpu.yield
        }) : () -> ()
      } else {
      }
      %lt3A_115 = arith.constant 15 : i32
      %lt3A_116 = arith.cmpi slt, %arg1, %lt3A_115 : i32
      %convert_element_type3A_117 = arith.extui %lt3A_116 : i1 to i32
      %cond3A_118 = arith.constant 0 : i32
      %cond3A_119 = arith.cmpi ne, %convert_element_type3A_117, %cond3A_118 : i32
      scf.if %cond3A_119 {
        %mul3A_125 = arith.constant 160 : i32
        %mul3A_126 = arith.muli %arg1, %mul3A_125 : i32
        %run_scoped3A = arith.constant 1 : i32
        "tpu.region"() ({
          %run_scoped3A_127 = tpu.sem_alloc : memref<!tpu.dma_semaphore, #tpu.memory_space<semaphore_mem>>
          %dma_start3A_128 = arith.constant 0 : i32
          %dma_start3A_129 = tpu.memref_slice %arg4[%run_scoped3A, %mul3A_126, %dma_start3A_128] : memref<2x2504x128xi32, #tpu.memory_space<hbm>> -> memref<1x160x128xi32, #tpu.memory_space<hbm>>
          %dma_start3A_130 = tpu.memref_squeeze %dma_start3A_129 : memref<1x160x128xi32, #tpu.memory_space<hbm>> -> memref<160x128xi32, #tpu.memory_space<hbm>>
          %dma_start3A_131 = arith.constant 0 : i32
          %dma_start3A_132 = tpu.memref_slice %arg4[%run_scoped3A, %mul3A_126, %dma_start3A_131] : memref<2x2504x128xi32, #tpu.memory_space<hbm>> -> memref<1x160x128xi32, #tpu.memory_space<hbm>>
          %dma_start3A_133 = tpu.memref_squeeze %dma_start3A_132 : memref<1x160x128xi32, #tpu.memory_space<hbm>> -> memref<160x128xi32, #tpu.memory_space<hbm>>
          tpu.enqueue_dma source(%dma_start3A_133 : memref<160x128xi32, #tpu.memory_space<hbm>>) target(%arg8 : memref<160x128xi32, #tpu.memory_space<vmem>>) target_semaphore(%run_scoped3A_127 : memref<!tpu.dma_semaphore, #tpu.memory_space<semaphore_mem>>)
          %dma_wait3A_134 = arith.constant 0 : i32
          %dma_wait3A_135 = tpu.memref_slice %arg4[%run_scoped3A, %mul3A_126, %dma_wait3A_134] : memref<2x2504x128xi32, #tpu.memory_space<hbm>> -> memref<1x160x128xi32, #tpu.memory_space<hbm>>
          %dma_wait3A_136 = tpu.memref_squeeze %dma_wait3A_135 : memref<1x160x128xi32, #tpu.memory_space<hbm>> -> memref<160x128xi32, #tpu.memory_space<hbm>>
          %dma_wait3A_137 = arith.constant 0 : i32
          %dma_wait3A_138 = tpu.memref_slice %arg4[%run_scoped3A, %mul3A_126, %dma_wait3A_137] : memref<2x2504x128xi32, #tpu.memory_space<hbm>> -> memref<1x160x128xi32, #tpu.memory_space<hbm>>
          %dma_wait3A_139 = tpu.memref_squeeze %dma_wait3A_138 : memref<1x160x128xi32, #tpu.memory_space<hbm>> -> memref<160x128xi32, #tpu.memory_space<hbm>>
          tpu.wait_dma2 semaphore(%run_scoped3A_127 : memref<!tpu.dma_semaphore, #tpu.memory_space<semaphore_mem>>) src(%dma_wait3A_139 : memref<160x128xi32, #tpu.memory_space<hbm>>) dst(%arg8 : memref<160x128xi32, #tpu.memory_space<vmem>>)
          tpu.yield
        }) : () -> ()
      } else {
      }
      %eq3A_120 = arith.constant 15 : i32
      %eq3A_121 = arith.cmpi eq, %arg1, %eq3A_120 : i32
      %convert_element_type3A_122 = arith.extui %eq3A_121 : i1 to i32
      %cond3A_123 = arith.constant 0 : i32
      %cond3A_124 = arith.cmpi ne, %convert_element_type3A_122, %cond3A_123 : i32
      scf.if %cond3A_124 {
        %mul3A_125 = arith.constant 160 : i32
        %mul3A_126 = arith.muli %arg1, %mul3A_125 : i32
        %run_scoped3A = arith.constant 1 : i32
        "tpu.region"() ({
          %run_scoped3A_127 = tpu.sem_alloc : memref<!tpu.dma_semaphore, #tpu.memory_space<semaphore_mem>>
          %dma_start3A_128 = arith.constant 0 : i32
          %dma_start3A_129 = arith.constant 0 : i32
          %dma_start3A_130 = tpu.memref_slice %arg8[%dma_start3A_128, %dma_start3A_129] : memref<160x128xi32, #tpu.memory_space<vmem>> -> memref<104x128xi32, #tpu.memory_space<vmem>>
          %dma_start3A_131 = arith.constant 0 : i32
          %dma_start3A_132 = tpu.memref_slice %arg4[%run_scoped3A, %mul3A_126, %dma_start3A_131] : memref<2x2504x128xi32, #tpu.memory_space<hbm>> -> memref<1x104x128xi32, #tpu.memory_space<hbm>>
          %dma_start3A_133 = tpu.memref_squeeze %dma_start3A_132 : memref<1x104x128xi32, #tpu.memory_space<hbm>> -> memref<104x128xi32, #tpu.memory_space<hbm>>
          %dma_start3A_134 = arith.constant 0 : i32
          %dma_start3A_135 = arith.constant 0 : i32
          %dma_start3A_136 = tpu.memref_slice %arg8[%dma_start3A_134, %dma_start3A_135] : memref<160x128xi32, #tpu.memory_space<vmem>> -> memref<104x128xi32, #tpu.memory_space<vmem>>
          %dma_start3A_137 = arith.constant 0 : i32
          %dma_start3A_138 = tpu.memref_slice %arg4[%run_scoped3A, %mul3A_126, %dma_start3A_137] : memref<2x2504x128xi32, #tpu.memory_space<hbm>> -> memref<1x104x128xi32, #tpu.memory_space<hbm>>
          %dma_start3A_139 = tpu.memref_squeeze %dma_start3A_138 : memref<1x104x128xi32, #tpu.memory_space<hbm>> -> memref<104x128xi32, #tpu.memory_space<hbm>>
          tpu.enqueue_dma source(%dma_start3A_139 : memref<104x128xi32, #tpu.memory_space<hbm>>) target(%dma_start3A_136 : memref<104x128xi32, #tpu.memory_space<vmem>>) target_semaphore(%run_scoped3A_127 : memref<!tpu.dma_semaphore, #tpu.memory_space<semaphore_mem>>)
          %dma_wait3A_140 = arith.constant 0 : i32
          %dma_wait3A_141 = arith.constant 0 : i32
          %dma_wait3A_142 = tpu.memref_slice %arg8[%dma_wait3A_140, %dma_wait3A_141] : memref<160x128xi32, #tpu.memory_space<vmem>> -> memref<104x128xi32, #tpu.memory_space<vmem>>
          %dma_wait3A_143 = arith.constant 0 : i32
          %dma_wait3A_144 = tpu.memref_slice %arg4[%run_scoped3A, %mul3A_126, %dma_wait3A_143] : memref<2x2504x128xi32, #tpu.memory_space<hbm>> -> memref<1x104x128xi32, #tpu.memory_space<hbm>>
          %dma_wait3A_145 = tpu.memref_squeeze %dma_wait3A_144 : memref<1x104x128xi32, #tpu.memory_space<hbm>> -> memref<104x128xi32, #tpu.memory_space<hbm>>
          %dma_wait3A_146 = arith.constant 0 : i32
          %dma_wait3A_147 = arith.constant 0 : i32
          %dma_wait3A_148 = tpu.memref_slice %arg8[%dma_wait3A_146, %dma_wait3A_147] : memref<160x128xi32, #tpu.memory_space<vmem>> -> memref<104x128xi32, #tpu.memory_space<vmem>>
          %dma_wait3A_149 = arith.constant 0 : i32
          %dma_wait3A_150 = tpu.memref_slice %arg4[%run_scoped3A, %mul3A_126, %dma_wait3A_149] : memref<2x2504x128xi32, #tpu.memory_space<hbm>> -> memref<1x104x128xi32, #tpu.memory_space<hbm>>
          %dma_wait3A_151 = tpu.memref_squeeze %dma_wait3A_150 : memref<1x104x128xi32, #tpu.memory_space<hbm>> -> memref<104x128xi32, #tpu.memory_space<hbm>>
          tpu.wait_dma2 semaphore(%run_scoped3A_127 : memref<!tpu.dma_semaphore, #tpu.memory_space<semaphore_mem>>) src(%dma_wait3A_151 : memref<104x128xi32, #tpu.memory_space<hbm>>) dst(%dma_wait3A_148 : memref<104x128xi32, #tpu.memory_space<vmem>>)
          tpu.yield
        }) : () -> ()
      } else {
      }
    } else {
    }
    %broadcast_in_dim3A = arith.constant 0.000000e+00 : f32
    %broadcast_in_dim3A_9 = vector.broadcast %broadcast_in_dim3A : f32 to vector<16xf32>
    %scan3A = arith.constant 0 : i32
    %scan3A_10 = arith.constant 128 : i32
    %scan3A_11 = arith.addi %scan3A, %scan3A_10 : i32
    %scan3A_12 = arith.constant 1 : i32
    scf.for %scan3A_105 = %scan3A to %scan3A_11 step %scan3A_12  : i32 {
      %mul3A_106 = arith.constant 1 : i32
      %mul3A_107 = arith.muli %scan3A_105, %mul3A_106 : i32
      %add3A_108 = arith.constant 0 : i32
      %add3A_109 = arith.addi %add3A_108, %mul3A_107 : i32
      %swap3A = arith.index_cast %add3A_109 : i32 to index
      %swap3A_110 = arith.constant 0 : index
      %swap3A_111 = tpu.vector_load %arg9[%swap3A, %swap3A_110] {strides = array<i32>} : memref<128x64xf32, #tpu.memory_space<vmem>>, vector<1x16xf32>,
      %swap3A_112 = vector.shape_cast %swap3A_111 : vector<1x16xf32> to vector<16xf32>
      %swap3A_113 = vector.shape_cast %broadcast_in_dim3A_9 : vector<16xf32> to vector<1x16xf32>
      tpu.vector_store %arg9[%swap3A, %swap3A_110], %swap3A_113 {strides = array<i32>} : memref<128x64xf32, #tpu.memory_space<vmem>>, vector<1x16xf32>,
      %swap3A_114 = arith.index_cast %add3A_109 : i32 to index
      %swap3A_115 = arith.constant 16 : index
      %swap3A_116 = tpu.vector_load %arg9[%swap3A_114, %swap3A_115] {strides = array<i32>} : memref<128x64xf32, #tpu.memory_space<vmem>>, vector<1x16xf32>,
      %swap3A_117 = vector.shape_cast %swap3A_116 : vector<1x16xf32> to vector<16xf32>
      %swap3A_118 = vector.shape_cast %broadcast_in_dim3A_9 : vector<16xf32> to vector<1x16xf32>
      tpu.vector_store %arg9[%swap3A_114, %swap3A_115], %swap3A_118 {strides = array<i32>} : memref<128x64xf32, #tpu.memory_space<vmem>>, vector<1x16xf32>,
      %swap3A_119 = arith.index_cast %add3A_109 : i32 to index
      %swap3A_120 = arith.constant 32 : index
      %swap3A_121 = tpu.vector_load %arg9[%swap3A_119, %swap3A_120] {strides = array<i32>} : memref<128x64xf32, #tpu.memory_space<vmem>>, vector<1x16xf32>,
      %swap3A_122 = vector.shape_cast %swap3A_121 : vector<1x16xf32> to vector<16xf32>
      %swap3A_123 = vector.shape_cast %broadcast_in_dim3A_9 : vector<16xf32> to vector<1x16xf32>
      tpu.vector_store %arg9[%swap3A_119, %swap3A_120], %swap3A_123 {strides = array<i32>} : memref<128x64xf32, #tpu.memory_space<vmem>>, vector<1x16xf32>,
      %swap3A_124 = arith.index_cast %add3A_109 : i32 to index
      %swap3A_125 = arith.constant 48 : index
      %swap3A_126 = tpu.vector_load %arg9[%swap3A_124, %swap3A_125] {strides = array<i32>} : memref<128x64xf32, #tpu.memory_space<vmem>>, vector<1x16xf32>,
      %swap3A_127 = vector.shape_cast %swap3A_126 : vector<1x16xf32> to vector<16xf32>
      %swap3A_128 = vector.shape_cast %broadcast_in_dim3A_9 : vector<16xf32> to vector<1x16xf32>
      tpu.vector_store %arg9[%swap3A_124, %swap3A_125], %swap3A_128 {strides = array<i32>} : memref<128x64xf32, #tpu.memory_space<vmem>>, vector<1x16xf32>,
    }
    %scan3A_13 = arith.constant 128 : i32
    %mul3A = arith.constant 640 : i32
    %mul3A_14 = arith.muli %arg1, %mul3A : i32
    %add3A = arith.constant 0 : i32
    %add3A_15 = arith.addi %mul3A_14, %add3A : i32
    "tpu.region"() ({
      %run_scoped3A = tpu.sem_alloc : memref<!tpu.dma_semaphore, #tpu.memory_space<semaphore_mem>>
      %dma_start3A_105 = arith.constant 0 : i32
      %dma_start3A_106 = tpu.memref_slice %arg13[%add3A_15, %dma_start3A_105] : memref<10240x64xf32, #tpu.memory_space<vmem_shared>> -> memref<128x64xf32, #tpu.memory_space<vmem_shared>>
      %dma_start3A_107 = arith.constant 0 : i32
      %dma_start3A_108 = tpu.memref_slice %arg13[%add3A_15, %dma_start3A_107] : memref<10240x64xf32, #tpu.memory_space<vmem_shared>> -> memref<128x64xf32, #tpu.memory_space<vmem_shared>>
      tpu.enqueue_dma source(%arg9 : memref<128x64xf32, #tpu.memory_space<vmem>>) target(%dma_start3A_108 : memref<128x64xf32, #tpu.memory_space<vmem_shared>>) target_semaphore(%run_scoped3A : memref<!tpu.dma_semaphore, #tpu.memory_space<semaphore_mem>>)
      %dma_wait3A_109 = arith.constant 0 : i32
      %dma_wait3A_110 = tpu.memref_slice %arg13[%add3A_15, %dma_wait3A_109] : memref<10240x64xf32, #tpu.memory_space<vmem_shared>> -> memref<128x64xf32, #tpu.memory_space<vmem_shared>>
      %dma_wait3A_111 = arith.constant 0 : i32
      %dma_wait3A_112 = tpu.memref_slice %arg13[%add3A_15, %dma_wait3A_111] : memref<10240x64xf32, #tpu.memory_space<vmem_shared>> -> memref<128x64xf32, #tpu.memory_space<vmem_shared>>
      tpu.wait_dma2 semaphore(%run_scoped3A : memref<!tpu.dma_semaphore, #tpu.memory_space<semaphore_mem>>) src(%arg9 : memref<128x64xf32, #tpu.memory_space<vmem>>) dst(%dma_wait3A_112 : memref<128x64xf32, #tpu.memory_space<vmem_shared>>)
      tpu.yield
    }) : () -> ()
    %add3A_16 = arith.constant 128 : i32
    %add3A_17 = arith.addi %mul3A_14, %add3A_16 : i32
    "tpu.region"() ({
      %run_scoped3A = tpu.sem_alloc : memref<!tpu.dma_semaphore, #tpu.memory_space<semaphore_mem>>
      %dma_start3A_105 = arith.constant 0 : i32
      %dma_start3A_106 = tpu.memref_slice %arg13[%add3A_17, %dma_start3A_105] : memref<10240x64xf32, #tpu.memory_space<vmem_shared>> -> memref<128x64xf32, #tpu.memory_space<vmem_shared>>
      %dma_start3A_107 = arith.constant 0 : i32
      %dma_start3A_108 = tpu.memref_slice %arg13[%add3A_17, %dma_start3A_107] : memref<10240x64xf32, #tpu.memory_space<vmem_shared>> -> memref<128x64xf32, #tpu.memory_space<vmem_shared>>
      tpu.enqueue_dma source(%arg9 : memref<128x64xf32, #tpu.memory_space<vmem>>) target(%dma_start3A_108 : memref<128x64xf32, #tpu.memory_space<vmem_shared>>) target_semaphore(%run_scoped3A : memref<!tpu.dma_semaphore, #tpu.memory_space<semaphore_mem>>)
      %dma_wait3A_109 = arith.constant 0 : i32
      %dma_wait3A_110 = tpu.memref_slice %arg13[%add3A_17, %dma_wait3A_109] : memref<10240x64xf32, #tpu.memory_space<vmem_shared>> -> memref<128x64xf32, #tpu.memory_space<vmem_shared>>
      %dma_wait3A_111 = arith.constant 0 : i32
      %dma_wait3A_112 = tpu.memref_slice %arg13[%add3A_17, %dma_wait3A_111] : memref<10240x64xf32, #tpu.memory_space<vmem_shared>> -> memref<128x64xf32, #tpu.memory_space<vmem_shared>>
      tpu.wait_dma2 semaphore(%run_scoped3A : memref<!tpu.dma_semaphore, #tpu.memory_space<semaphore_mem>>) src(%arg9 : memref<128x64xf32, #tpu.memory_space<vmem>>) dst(%dma_wait3A_112 : memref<128x64xf32, #tpu.memory_space<vmem_shared>>)
      tpu.yield
    }) : () -> ()
    %add3A_18 = arith.constant 256 : i32
    %add3A_19 = arith.addi %mul3A_14, %add3A_18 : i32
    "tpu.region"() ({
      %run_scoped3A = tpu.sem_alloc : memref<!tpu.dma_semaphore, #tpu.memory_space<semaphore_mem>>
      %dma_start3A_105 = arith.constant 0 : i32
      %dma_start3A_106 = tpu.memref_slice %arg13[%add3A_19, %dma_start3A_105] : memref<10240x64xf32, #tpu.memory_space<vmem_shared>> -> memref<128x64xf32, #tpu.memory_space<vmem_shared>>
      %dma_start3A_107 = arith.constant 0 : i32
      %dma_start3A_108 = tpu.memref_slice %arg13[%add3A_19, %dma_start3A_107] : memref<10240x64xf32, #tpu.memory_space<vmem_shared>> -> memref<128x64xf32, #tpu.memory_space<vmem_shared>>
      tpu.enqueue_dma source(%arg9 : memref<128x64xf32, #tpu.memory_space<vmem>>) target(%dma_start3A_108 : memref<128x64xf32, #tpu.memory_space<vmem_shared>>) target_semaphore(%run_scoped3A : memref<!tpu.dma_semaphore, #tpu.memory_space<semaphore_mem>>)
      %dma_wait3A_109 = arith.constant 0 : i32
      %dma_wait3A_110 = tpu.memref_slice %arg13[%add3A_19, %dma_wait3A_109] : memref<10240x64xf32, #tpu.memory_space<vmem_shared>> -> memref<128x64xf32, #tpu.memory_space<vmem_shared>>
      %dma_wait3A_111 = arith.constant 0 : i32
      %dma_wait3A_112 = tpu.memref_slice %arg13[%add3A_19, %dma_wait3A_111] : memref<10240x64xf32, #tpu.memory_space<vmem_shared>> -> memref<128x64xf32, #tpu.memory_space<vmem_shared>>
      tpu.wait_dma2 semaphore(%run_scoped3A : memref<!tpu.dma_semaphore, #tpu.memory_space<semaphore_mem>>) src(%arg9 : memref<128x64xf32, #tpu.memory_space<vmem>>) dst(%dma_wait3A_112 : memref<128x64xf32, #tpu.memory_space<vmem_shared>>)
      tpu.yield
    }) : () -> ()
    %add3A_20 = arith.constant 384 : i32
    %add3A_21 = arith.addi %mul3A_14, %add3A_20 : i32
    "tpu.region"() ({
      %run_scoped3A = tpu.sem_alloc : memref<!tpu.dma_semaphore, #tpu.memory_space<semaphore_mem>>
      %dma_start3A_105 = arith.constant 0 : i32
      %dma_start3A_106 = tpu.memref_slice %arg13[%add3A_21, %dma_start3A_105] : memref<10240x64xf32, #tpu.memory_space<vmem_shared>> -> memref<128x64xf32, #tpu.memory_space<vmem_shared>>
      %dma_start3A_107 = arith.constant 0 : i32
      %dma_start3A_108 = tpu.memref_slice %arg13[%add3A_21, %dma_start3A_107] : memref<10240x64xf32, #tpu.memory_space<vmem_shared>> -> memref<128x64xf32, #tpu.memory_space<vmem_shared>>
      tpu.enqueue_dma source(%arg9 : memref<128x64xf32, #tpu.memory_space<vmem>>) target(%dma_start3A_108 : memref<128x64xf32, #tpu.memory_space<vmem_shared>>) target_semaphore(%run_scoped3A : memref<!tpu.dma_semaphore, #tpu.memory_space<semaphore_mem>>)
      %dma_wait3A_109 = arith.constant 0 : i32
      %dma_wait3A_110 = tpu.memref_slice %arg13[%add3A_21, %dma_wait3A_109] : memref<10240x64xf32, #tpu.memory_space<vmem_shared>> -> memref<128x64xf32, #tpu.memory_space<vmem_shared>>
      %dma_wait3A_111 = arith.constant 0 : i32
      %dma_wait3A_112 = tpu.memref_slice %arg13[%add3A_21, %dma_wait3A_111] : memref<10240x64xf32, #tpu.memory_space<vmem_shared>> -> memref<128x64xf32, #tpu.memory_space<vmem_shared>>
      tpu.wait_dma2 semaphore(%run_scoped3A : memref<!tpu.dma_semaphore, #tpu.memory_space<semaphore_mem>>) src(%arg9 : memref<128x64xf32, #tpu.memory_space<vmem>>) dst(%dma_wait3A_112 : memref<128x64xf32, #tpu.memory_space<vmem_shared>>)
      tpu.yield
    }) : () -> ()
    %add3A_22 = arith.constant 512 : i32
    %add3A_23 = arith.addi %mul3A_14, %add3A_22 : i32
    "tpu.region"() ({
      %run_scoped3A = tpu.sem_alloc : memref<!tpu.dma_semaphore, #tpu.memory_space<semaphore_mem>>
      %dma_start3A_105 = arith.constant 0 : i32
      %dma_start3A_106 = tpu.memref_slice %arg13[%add3A_23, %dma_start3A_105] : memref<10240x64xf32, #tpu.memory_space<vmem_shared>> -> memref<128x64xf32, #tpu.memory_space<vmem_shared>>
      %dma_start3A_107 = arith.constant 0 : i32
      %dma_start3A_108 = tpu.memref_slice %arg13[%add3A_23, %dma_start3A_107] : memref<10240x64xf32, #tpu.memory_space<vmem_shared>> -> memref<128x64xf32, #tpu.memory_space<vmem_shared>>
      tpu.enqueue_dma source(%arg9 : memref<128x64xf32, #tpu.memory_space<vmem>>) target(%dma_start3A_108 : memref<128x64xf32, #tpu.memory_space<vmem_shared>>) target_semaphore(%run_scoped3A : memref<!tpu.dma_semaphore, #tpu.memory_space<semaphore_mem>>)
      %dma_wait3A_109 = arith.constant 0 : i32
      %dma_wait3A_110 = tpu.memref_slice %arg13[%add3A_23, %dma_wait3A_109] : memref<10240x64xf32, #tpu.memory_space<vmem_shared>> -> memref<128x64xf32, #tpu.memory_space<vmem_shared>>
      %dma_wait3A_111 = arith.constant 0 : i32
      %dma_wait3A_112 = tpu.memref_slice %arg13[%add3A_23, %dma_wait3A_111] : memref<10240x64xf32, #tpu.memory_space<vmem_shared>> -> memref<128x64xf32, #tpu.memory_space<vmem_shared>>
      tpu.wait_dma2 semaphore(%run_scoped3A : memref<!tpu.dma_semaphore, #tpu.memory_space<semaphore_mem>>) src(%arg9 : memref<128x64xf32, #tpu.memory_space<vmem>>) dst(%dma_wait3A_112 : memref<128x64xf32, #tpu.memory_space<vmem_shared>>)
      tpu.yield
    }) : () -> ()
    %barrier3A = arith.constant 0 : index
    tpu.barrier barrier_id(%barrier3A)
    %dma_start3A = arith.constant 0 : i32
    %dma_start3A_24 = arith.constant 0 : i32
    %dma_start3A_25 = tpu.memref_slice %arg7[%dma_start3A, %dma_start3A_24] : memref<160x128xi32, #tpu.memory_space<vmem>> -> memref<1x128xi32, #tpu.memory_space<vmem>>
    %dma_start3A_26 = tpu.memref_squeeze %dma_start3A_25 : memref<1x128xi32, #tpu.memory_space<vmem>> -> memref<128xi32, #tpu.memory_space<vmem>>
    %dma_start3A_27 = arith.constant 0 : i32
    %dma_start3A_28 = arith.constant 0 : i32
    %dma_start3A_29 = tpu.memref_slice %arg2[%dma_start3A_27, %dma_start3A_28] : memref<20000x64xf32, #tpu.memory_space<hbm>> -> memref<20000x64xf32, #tpu.memory_space<hbm>>
    tpu.enqueue_indirect_dma source(%dma_start3A_29 : memref<20000x64xf32, #tpu.memory_space<hbm>>) target(%arg9 : memref<128x64xf32, #tpu.memory_space<vmem>>) offsets(%dma_start3A_26 : memref<128xi32, #tpu.memory_space<vmem>>) semaphore(%arg14 : memref<!tpu.dma_semaphore, #tpu.memory_space<semaphore_mem>>)
    %dma_start3A_30 = arith.constant 1 : i32
    %dma_start3A_31 = arith.constant 0 : i32
    %dma_start3A_32 = tpu.memref_slice %arg7[%dma_start3A_30, %dma_start3A_31] : memref<160x128xi32, #tpu.memory_space<vmem>> -> memref<1x128xi32, #tpu.memory_space<vmem>>
    %dma_start3A_33 = tpu.memref_squeeze %dma_start3A_32 : memref<1x128xi32, #tpu.memory_space<vmem>> -> memref<128xi32, #tpu.memory_space<vmem>>
    %dma_start3A_34 = arith.constant 0 : i32
    %dma_start3A_35 = arith.constant 0 : i32
    %dma_start3A_36 = tpu.memref_slice %arg2[%dma_start3A_34, %dma_start3A_35] : memref<20000x64xf32, #tpu.memory_space<hbm>> -> memref<20000x64xf32, #tpu.memory_space<hbm>>
    tpu.enqueue_indirect_dma source(%dma_start3A_36 : memref<20000x64xf32, #tpu.memory_space<hbm>>) target(%arg10 : memref<128x64xf32, #tpu.memory_space<vmem>>) offsets(%dma_start3A_33 : memref<128xi32, #tpu.memory_space<vmem>>) semaphore(%arg14 : memref<!tpu.dma_semaphore, #tpu.memory_space<semaphore_mem>>)
    %jit3A_37 = arith.constant 2 : i32
    %div3A = arith.divsi %select_n3A, %jit3A_37 : i32
    %sign3A = arith.constant 0 : i32
    %sign3A_38 = arith.cmpi sgt, %select_n3A, %sign3A : i32
    %sign3A_39 = arith.extui %sign3A_38 : i1 to i32
    %sign3A_40 = arith.constant 0 : i32
    %sign3A_41 = arith.cmpi slt, %select_n3A, %sign3A_40 : i32
    %sign3A_42 = arith.extui %sign3A_41 : i1 to i32
    %sign3A_43 = arith.subi %sign3A_39, %sign3A_42 : i32
    %sign3A_44 = arith.constant 0 : i32
    %sign3A_45 = arith.cmpi sgt, %jit3A_37, %sign3A_44 : i32
    %sign3A_46 = arith.extui %sign3A_45 : i1 to i32
    %sign3A_47 = arith.constant 0 : i32
    %sign3A_48 = arith.cmpi slt, %jit3A_37, %sign3A_47 : i32
    %sign3A_49 = arith.extui %sign3A_48 : i1 to i32
    %sign3A_50 = arith.subi %sign3A_46, %sign3A_49 : i32
    %ne3A = arith.cmpi ne, %sign3A_43, %sign3A_50 : i32
    %rem3A = arith.remsi %select_n3A, %jit3A_37 : i32
    %ne3A_51 = arith.constant 0 : i32
    %ne3A_52 = arith.cmpi ne, %rem3A, %ne3A_51 : i32
    %and3A = arith.andi %ne3A, %ne3A_52 : i1
    %sub3A = arith.constant 1 : i32
    %sub3A_53 = arith.subi %div3A, %sub3A : i32
    %select_n3A_54 = arith.select %and3A, %sub3A_53, %div3A : i32
    %sub3A_55 = arith.constant 0 : i32
    %sub3A_56 = arith.subi %select_n3A_54, %sub3A_55 : i32
    %sub3A_57 = arith.constant 1 : i32
    %sub3A_58 = arith.constant 1 : i32
    %sub3A_59 = arith.subi %sub3A_57, %sub3A_58 : i32
    %add3A_60 = arith.addi %sub3A_56, %sub3A_59 : i32
    %div3A_61 = arith.constant 1 : i32
    %div3A_62 = arith.divsi %add3A_60, %div3A_61 : i32
    %while3A = arith.constant 1 : i32
    %while3A_63 = arith.constant 0 : i32
    %while3A_64 = arith.constant 0 : i32
    %while3A_65 = arith.subi %div3A_62, %while3A_64 : i32
    %while3A_66 = arith.addi %while3A_64, %while3A_65 : i32
    %while3A_67 = arith.constant 1 : i32
    %while3A_68 = arith.divsi %while3A_65, %while3A_67 : i32
    %while3A_69 = arith.muli %while3A_68, %while3A_67 : i32
    %while3A_70 = arith.addi %while3A_64, %while3A_69 : i32
    %while3A_71 = arith.constant 1 : i32
    scf.for %while3A_105 = %while3A_64 to %while3A_70 step %while3A_71  : i32 {
      %mul3A_106 = arith.muli %while3A_105, %while3A : i32
      %add3A_107 = arith.addi %while3A_63, %mul3A_106 : i32
      %mul3A_108 = arith.constant 2 : i32
      %mul3A_109 = arith.muli %add3A_107, %mul3A_108 : i32
      %gt3A = arith.constant 0 : i32
      %gt3A_110 = arith.cmpi sgt, %add3A_107, %gt3A : i32
      %convert_element_type3A_111 = arith.extui %gt3A_110 : i1 to i32
      %cond3A_112 = arith.constant 0 : i32
      %cond3A_113 = arith.cmpi ne, %convert_element_type3A_111, %cond3A_112 : i32
      scf.if %cond3A_113 {
        %sub3A_246 = arith.constant 1 : i32
        %sub3A_247 = arith.subi %mul3A_109, %sub3A_246 : i32
        %mul3A_248 = arith.constant 2 : i32
        %mul3A_249 = arith.muli %sub3A_247, %mul3A_248 : i32
        %add3A_250 = arith.constant 0 : i32
        %add3A_251 = arith.addi %mul3A_249, %add3A_250 : i32
        %dma_wait3A_252 = arith.constant 0 : i32
        %dma_wait3A_253 = tpu.memref_slice %arg8[%add3A_251, %dma_wait3A_252] : memref<160x128xi32, #tpu.memory_space<vmem>> -> memref<1x128xi32, #tpu.memory_space<vmem>>
        %dma_wait3A_254 = tpu.memref_squeeze %dma_wait3A_253 : memref<1x128xi32, #tpu.memory_space<vmem>> -> memref<128xi32, #tpu.memory_space<vmem>>
        %dma_wait3A_255 = arith.constant 0 : i32
        %dma_wait3A_256 = arith.constant 0 : i32
        %dma_wait3A_257 = tpu.memref_slice %arg13[%dma_wait3A_255, %dma_wait3A_256] : memref<10240x64xf32, #tpu.memory_space<vmem_shared>> -> memref<10240x64xf32, #tpu.memory_space<vmem_shared>>
        tpu.wait_indirect_dma semaphore(%arg17 : memref<!tpu.dma_semaphore, #tpu.memory_space<semaphore_mem>>) src(%arg11 : memref<128x64xf32, #tpu.memory_space<vmem>>) dst(%dma_wait3A_257 : memref<10240x64xf32, #tpu.memory_space<vmem_shared>>)
        %mul3A_258 = arith.constant 2 : i32
        %mul3A_259 = arith.muli %sub3A_247, %mul3A_258 : i32
        %add3A_260 = arith.constant 1 : i32
        %add3A_261 = arith.addi %mul3A_259, %add3A_260 : i32
        %dma_wait3A_262 = arith.constant 0 : i32
        %dma_wait3A_263 = tpu.memref_slice %arg8[%add3A_261, %dma_wait3A_262] : memref<160x128xi32, #tpu.memory_space<vmem>> -> memref<1x128xi32, #tpu.memory_space<vmem>>
        %dma_wait3A_264 = tpu.memref_squeeze %dma_wait3A_263 : memref<1x128xi32, #tpu.memory_space<vmem>> -> memref<128xi32, #tpu.memory_space<vmem>>
        %dma_wait3A_265 = arith.constant 0 : i32
        %dma_wait3A_266 = arith.constant 0 : i32
        %dma_wait3A_267 = tpu.memref_slice %arg13[%dma_wait3A_265, %dma_wait3A_266] : memref<10240x64xf32, #tpu.memory_space<vmem_shared>> -> memref<10240x64xf32, #tpu.memory_space<vmem_shared>>
        tpu.wait_indirect_dma semaphore(%arg17 : memref<!tpu.dma_semaphore, #tpu.memory_space<semaphore_mem>>) src(%arg12 : memref<128x64xf32, #tpu.memory_space<vmem>>) dst(%dma_wait3A_267 : memref<10240x64xf32, #tpu.memory_space<vmem_shared>>)
      } else {
      }
      %add3A_114 = arith.constant 1 : i32
      %add3A_115 = arith.addi %mul3A_109, %add3A_114 : i32
      %mul3A_116 = arith.constant 2 : i32
      %mul3A_117 = arith.muli %add3A_115, %mul3A_116 : i32
      %add3A_118 = arith.constant 0 : i32
      %add3A_119 = arith.addi %mul3A_117, %add3A_118 : i32
      %dma_start3A_120 = arith.constant 0 : i32
      %dma_start3A_121 = tpu.memref_slice %arg7[%add3A_119, %dma_start3A_120] : memref<160x128xi32, #tpu.memory_space<vmem>> -> memref<1x128xi32, #tpu.memory_space<vmem>>
      %dma_start3A_122 = tpu.memref_squeeze %dma_start3A_121 : memref<1x128xi32, #tpu.memory_space<vmem>> -> memref<128xi32, #tpu.memory_space<vmem>>
      %dma_start3A_123 = arith.constant 0 : i32
      %dma_start3A_124 = arith.constant 0 : i32
      %dma_start3A_125 = tpu.memref_slice %arg2[%dma_start3A_123, %dma_start3A_124] : memref<20000x64xf32, #tpu.memory_space<hbm>> -> memref<20000x64xf32, #tpu.memory_space<hbm>>
      tpu.enqueue_indirect_dma source(%dma_start3A_125 : memref<20000x64xf32, #tpu.memory_space<hbm>>) target(%arg11 : memref<128x64xf32, #tpu.memory_space<vmem>>) offsets(%dma_start3A_122 : memref<128xi32, #tpu.memory_space<vmem>>) semaphore(%arg15 : memref<!tpu.dma_semaphore, #tpu.memory_space<semaphore_mem>>)
      %mul3A_126 = arith.constant 2 : i32
      %mul3A_127 = arith.muli %add3A_115, %mul3A_126 : i32
      %add3A_128 = arith.constant 1 : i32
      %add3A_129 = arith.addi %mul3A_127, %add3A_128 : i32
      %dma_start3A_130 = arith.constant 0 : i32
      %dma_start3A_131 = tpu.memref_slice %arg7[%add3A_129, %dma_start3A_130] : memref<160x128xi32, #tpu.memory_space<vmem>> -> memref<1x128xi32, #tpu.memory_space<vmem>>
      %dma_start3A_132 = tpu.memref_squeeze %dma_start3A_131 : memref<1x128xi32, #tpu.memory_space<vmem>> -> memref<128xi32, #tpu.memory_space<vmem>>
      %dma_start3A_133 = arith.constant 0 : i32
      %dma_start3A_134 = arith.constant 0 : i32
      %dma_start3A_135 = tpu.memref_slice %arg2[%dma_start3A_133, %dma_start3A_134] : memref<20000x64xf32, #tpu.memory_space<hbm>> -> memref<20000x64xf32, #tpu.memory_space<hbm>>
      tpu.enqueue_indirect_dma source(%dma_start3A_135 : memref<20000x64xf32, #tpu.memory_space<hbm>>) target(%arg12 : memref<128x64xf32, #tpu.memory_space<vmem>>) offsets(%dma_start3A_132 : memref<128xi32, #tpu.memory_space<vmem>>) semaphore(%arg15 : memref<!tpu.dma_semaphore, #tpu.memory_space<semaphore_mem>>)
      %mul3A_136 = arith.constant 2 : i32
      %mul3A_137 = arith.muli %mul3A_109, %mul3A_136 : i32
      %add3A_138 = arith.constant 0 : i32
      %add3A_139 = arith.addi %mul3A_137, %add3A_138 : i32
      %dma_wait3A_140 = arith.constant 0 : i32
      %dma_wait3A_141 = tpu.memref_slice %arg7[%add3A_139, %dma_wait3A_140] : memref<160x128xi32, #tpu.memory_space<vmem>> -> memref<1x128xi32, #tpu.memory_space<vmem>>
      %dma_wait3A_142 = tpu.memref_squeeze %dma_wait3A_141 : memref<1x128xi32, #tpu.memory_space<vmem>> -> memref<128xi32, #tpu.memory_space<vmem>>
      %dma_wait3A_143 = arith.constant 0 : i32
      %dma_wait3A_144 = arith.constant 0 : i32
      %dma_wait3A_145 = tpu.memref_slice %arg2[%dma_wait3A_143, %dma_wait3A_144] : memref<20000x64xf32, #tpu.memory_space<hbm>> -> memref<20000x64xf32, #tpu.memory_space<hbm>>
      tpu.wait_indirect_dma semaphore(%arg14 : memref<!tpu.dma_semaphore, #tpu.memory_space<semaphore_mem>>) src(%dma_wait3A_145 : memref<20000x64xf32, #tpu.memory_space<hbm>>) dst(%arg9 : memref<128x64xf32, #tpu.memory_space<vmem>>)
      %mul3A_146 = arith.constant 2 : i32
      %mul3A_147 = arith.muli %mul3A_109, %mul3A_146 : i32
      %add3A_148 = arith.constant 1 : i32
      %add3A_149 = arith.addi %mul3A_147, %add3A_148 : i32
      %dma_wait3A_150 = arith.constant 0 : i32
      %dma_wait3A_151 = tpu.memref_slice %arg7[%add3A_149, %dma_wait3A_150] : memref<160x128xi32, #tpu.memory_space<vmem>> -> memref<1x128xi32, #tpu.memory_space<vmem>>
      %dma_wait3A_152 = tpu.memref_squeeze %dma_wait3A_151 : memref<1x128xi32, #tpu.memory_space<vmem>> -> memref<128xi32, #tpu.memory_space<vmem>>
      %dma_wait3A_153 = arith.constant 0 : i32
      %dma_wait3A_154 = arith.constant 0 : i32
      %dma_wait3A_155 = tpu.memref_slice %arg2[%dma_wait3A_153, %dma_wait3A_154] : memref<20000x64xf32, #tpu.memory_space<hbm>> -> memref<20000x64xf32, #tpu.memory_space<hbm>>
      tpu.wait_indirect_dma semaphore(%arg14 : memref<!tpu.dma_semaphore, #tpu.memory_space<semaphore_mem>>) src(%dma_wait3A_155 : memref<20000x64xf32, #tpu.memory_space<hbm>>) dst(%arg10 : memref<128x64xf32, #tpu.memory_space<vmem>>)
      %mul3A_156 = arith.constant 2 : i32
      %mul3A_157 = arith.muli %mul3A_109, %mul3A_156 : i32
      %add3A_158 = arith.constant 0 : i32
      %add3A_159 = arith.addi %mul3A_157, %add3A_158 : i32
      %dma_start3A_160 = arith.constant 0 : i32
      %dma_start3A_161 = tpu.memref_slice %arg8[%add3A_159, %dma_start3A_160] : memref<160x128xi32, #tpu.memory_space<vmem>> -> memref<1x128xi32, #tpu.memory_space<vmem>>
      %dma_start3A_162 = tpu.memref_squeeze %dma_start3A_161 : memref<1x128xi32, #tpu.memory_space<vmem>> -> memref<128xi32, #tpu.memory_space<vmem>>
      %dma_start3A_163 = arith.constant 0 : i32
      %dma_start3A_164 = arith.constant 0 : i32
      %dma_start3A_165 = tpu.memref_slice %arg13[%dma_start3A_163, %dma_start3A_164] : memref<10240x64xf32, #tpu.memory_space<vmem_shared>> -> memref<10240x64xf32, #tpu.memory_space<vmem_shared>>
      tpu.enqueue_indirect_dma source(%arg9 : memref<128x64xf32, #tpu.memory_space<vmem>>) target(%dma_start3A_165 : memref<10240x64xf32, #tpu.memory_space<vmem_shared>>) offsets(%dma_start3A_162 : memref<128xi32, #tpu.memory_space<vmem>>) semaphore(%arg16 : memref<!tpu.dma_semaphore, #tpu.memory_space<semaphore_mem>>) {add = true}
      %mul3A_166 = arith.constant 2 : i32
      %mul3A_167 = arith.muli %mul3A_109, %mul3A_166 : i32
      %add3A_168 = arith.constant 1 : i32
      %add3A_169 = arith.addi %mul3A_167, %add3A_168 : i32
      %dma_start3A_170 = arith.constant 0 : i32
      %dma_start3A_171 = tpu.memref_slice %arg8[%add3A_169, %dma_start3A_170] : memref<160x128xi32, #tpu.memory_space<vmem>> -> memref<1x128xi32, #tpu.memory_space<vmem>>
      %dma_start3A_172 = tpu.memref_squeeze %dma_start3A_171 : memref<1x128xi32, #tpu.memory_space<vmem>> -> memref<128xi32, #tpu.memory_space<vmem>>
      %dma_start3A_173 = arith.constant 0 : i32
      %dma_start3A_174 = arith.constant 0 : i32
      %dma_start3A_175 = tpu.memref_slice %arg13[%dma_start3A_173, %dma_start3A_174] : memref<10240x64xf32, #tpu.memory_space<vmem_shared>> -> memref<10240x64xf32, #tpu.memory_space<vmem_shared>>
      tpu.enqueue_indirect_dma source(%arg10 : memref<128x64xf32, #tpu.memory_space<vmem>>) target(%dma_start3A_175 : memref<10240x64xf32, #tpu.memory_space<vmem_shared>>) offsets(%dma_start3A_172 : memref<128xi32, #tpu.memory_space<vmem>>) semaphore(%arg16 : memref<!tpu.dma_semaphore, #tpu.memory_space<semaphore_mem>>) {add = true}
      %mul3A_176 = arith.constant 2 : i32
      %mul3A_177 = arith.muli %mul3A_109, %mul3A_176 : i32
      %add3A_178 = arith.constant 0 : i32
      %add3A_179 = arith.addi %mul3A_177, %add3A_178 : i32
      %dma_wait3A_180 = arith.constant 0 : i32
      %dma_wait3A_181 = tpu.memref_slice %arg8[%add3A_179, %dma_wait3A_180] : memref<160x128xi32, #tpu.memory_space<vmem>> -> memref<1x128xi32, #tpu.memory_space<vmem>>
      %dma_wait3A_182 = tpu.memref_squeeze %dma_wait3A_181 : memref<1x128xi32, #tpu.memory_space<vmem>> -> memref<128xi32, #tpu.memory_space<vmem>>
      %dma_wait3A_183 = arith.constant 0 : i32
      %dma_wait3A_184 = arith.constant 0 : i32
      %dma_wait3A_185 = tpu.memref_slice %arg13[%dma_wait3A_183, %dma_wait3A_184] : memref<10240x64xf32, #tpu.memory_space<vmem_shared>> -> memref<10240x64xf32, #tpu.memory_space<vmem_shared>>
      tpu.wait_indirect_dma semaphore(%arg16 : memref<!tpu.dma_semaphore, #tpu.memory_space<semaphore_mem>>) src(%arg9 : memref<128x64xf32, #tpu.memory_space<vmem>>) dst(%dma_wait3A_185 : memref<10240x64xf32, #tpu.memory_space<vmem_shared>>)
      %mul3A_186 = arith.constant 2 : i32
      %mul3A_187 = arith.muli %mul3A_109, %mul3A_186 : i32
      %add3A_188 = arith.constant 1 : i32
      %add3A_189 = arith.addi %mul3A_187, %add3A_188 : i32
      %dma_wait3A_190 = arith.constant 0 : i32
      %dma_wait3A_191 = tpu.memref_slice %arg8[%add3A_189, %dma_wait3A_190] : memref<160x128xi32, #tpu.memory_space<vmem>> -> memref<1x128xi32, #tpu.memory_space<vmem>>
      %dma_wait3A_192 = tpu.memref_squeeze %dma_wait3A_191 : memref<1x128xi32, #tpu.memory_space<vmem>> -> memref<128xi32, #tpu.memory_space<vmem>>
      %dma_wait3A_193 = arith.constant 0 : i32
      %dma_wait3A_194 = arith.constant 0 : i32
      %dma_wait3A_195 = tpu.memref_slice %arg13[%dma_wait3A_193, %dma_wait3A_194] : memref<10240x64xf32, #tpu.memory_space<vmem_shared>> -> memref<10240x64xf32, #tpu.memory_space<vmem_shared>>
      tpu.wait_indirect_dma semaphore(%arg16 : memref<!tpu.dma_semaphore, #tpu.memory_space<semaphore_mem>>) src(%arg10 : memref<128x64xf32, #tpu.memory_space<vmem>>) dst(%dma_wait3A_195 : memref<10240x64xf32, #tpu.memory_space<vmem_shared>>)
      %add3A_196 = arith.constant 2 : i32
      %add3A_197 = arith.addi %mul3A_109, %add3A_196 : i32
      %lt3A_198 = arith.cmpi slt, %add3A_197, %select_n3A : i32
      %convert_element_type3A_199 = arith.extui %lt3A_198 : i1 to i32
      %cond3A_200 = arith.constant 0 : i32
      %cond3A_201 = arith.cmpi ne, %convert_element_type3A_199, %cond3A_200 : i32
      scf.if %cond3A_201 {
        %add3A_246 = arith.constant 2 : i32
        %add3A_247 = arith.addi %mul3A_109, %add3A_246 : i32
        %mul3A_248 = arith.constant 2 : i32
        %mul3A_249 = arith.muli %add3A_247, %mul3A_248 : i32
        %add3A_250 = arith.constant 0 : i32
        %add3A_251 = arith.addi %mul3A_249, %add3A_250 : i32
        %dma_start3A_252 = arith.constant 0 : i32
        %dma_start3A_253 = tpu.memref_slice %arg7[%add3A_251, %dma_start3A_252] : memref<160x128xi32, #tpu.memory_space<vmem>> -> memref<1x128xi32, #tpu.memory_space<vmem>>
        %dma_start3A_254 = tpu.memref_squeeze %dma_start3A_253 : memref<1x128xi32, #tpu.memory_space<vmem>> -> memref<128xi32, #tpu.memory_space<vmem>>
        %dma_start3A_255 = arith.constant 0 : i32
        %dma_start3A_256 = arith.constant 0 : i32
        %dma_start3A_257 = tpu.memref_slice %arg2[%dma_start3A_255, %dma_start3A_256] : memref<20000x64xf32, #tpu.memory_space<hbm>> -> memref<20000x64xf32, #tpu.memory_space<hbm>>
        tpu.enqueue_indirect_dma source(%dma_start3A_257 : memref<20000x64xf32, #tpu.memory_space<hbm>>) target(%arg9 : memref<128x64xf32, #tpu.memory_space<vmem>>) offsets(%dma_start3A_254 : memref<128xi32, #tpu.memory_space<vmem>>) semaphore(%arg14 : memref<!tpu.dma_semaphore, #tpu.memory_space<semaphore_mem>>)
        %mul3A_258 = arith.constant 2 : i32
        %mul3A_259 = arith.muli %add3A_247, %mul3A_258 : i32
        %add3A_260 = arith.constant 1 : i32
        %add3A_261 = arith.addi %mul3A_259, %add3A_260 : i32
        %dma_start3A_262 = arith.constant 0 : i32
        %dma_start3A_263 = tpu.memref_slice %arg7[%add3A_261, %dma_start3A_262] : memref<160x128xi32, #tpu.memory_space<vmem>> -> memref<1x128xi32, #tpu.memory_space<vmem>>
        %dma_start3A_264 = tpu.memref_squeeze %dma_start3A_263 : memref<1x128xi32, #tpu.memory_space<vmem>> -> memref<128xi32, #tpu.memory_space<vmem>>
        %dma_start3A_265 = arith.constant 0 : i32
        %dma_start3A_266 = arith.constant 0 : i32
        %dma_start3A_267 = tpu.memref_slice %arg2[%dma_start3A_265, %dma_start3A_266] : memref<20000x64xf32, #tpu.memory_space<hbm>> -> memref<20000x64xf32, #tpu.memory_space<hbm>>
        tpu.enqueue_indirect_dma source(%dma_start3A_267 : memref<20000x64xf32, #tpu.memory_space<hbm>>) target(%arg10 : memref<128x64xf32, #tpu.memory_space<vmem>>) offsets(%dma_start3A_264 : memref<128xi32, #tpu.memory_space<vmem>>) semaphore(%arg14 : memref<!tpu.dma_semaphore, #tpu.memory_space<semaphore_mem>>)
      } else {
      }
      %add3A_202 = arith.constant 1 : i32
      %add3A_203 = arith.addi %mul3A_109, %add3A_202 : i32
      %mul3A_204 = arith.constant 2 : i32
      %mul3A_205 = arith.muli %add3A_203, %mul3A_204 : i32
      %add3A_206 = arith.constant 0 : i32
      %add3A_207 = arith.addi %mul3A_205, %add3A_206 : i32
      %dma_wait3A_208 = arith.constant 0 : i32
      %dma_wait3A_209 = tpu.memref_slice %arg7[%add3A_207, %dma_wait3A_208] : memref<160x128xi32, #tpu.memory_space<vmem>> -> memref<1x128xi32, #tpu.memory_space<vmem>>
      %dma_wait3A_210 = tpu.memref_squeeze %dma_wait3A_209 : memref<1x128xi32, #tpu.memory_space<vmem>> -> memref<128xi32, #tpu.memory_space<vmem>>
      %dma_wait3A_211 = arith.constant 0 : i32
      %dma_wait3A_212 = arith.constant 0 : i32
      %dma_wait3A_213 = tpu.memref_slice %arg2[%dma_wait3A_211, %dma_wait3A_212] : memref<20000x64xf32, #tpu.memory_space<hbm>> -> memref<20000x64xf32, #tpu.memory_space<hbm>>
      tpu.wait_indirect_dma semaphore(%arg15 : memref<!tpu.dma_semaphore, #tpu.memory_space<semaphore_mem>>) src(%dma_wait3A_213 : memref<20000x64xf32, #tpu.memory_space<hbm>>) dst(%arg11 : memref<128x64xf32, #tpu.memory_space<vmem>>)
      %mul3A_214 = arith.constant 2 : i32
      %mul3A_215 = arith.muli %add3A_203, %mul3A_214 : i32
      %add3A_216 = arith.constant 1 : i32
      %add3A_217 = arith.addi %mul3A_215, %add3A_216 : i32
      %dma_wait3A_218 = arith.constant 0 : i32
      %dma_wait3A_219 = tpu.memref_slice %arg7[%add3A_217, %dma_wait3A_218] : memref<160x128xi32, #tpu.memory_space<vmem>> -> memref<1x128xi32, #tpu.memory_space<vmem>>
      %dma_wait3A_220 = tpu.memref_squeeze %dma_wait3A_219 : memref<1x128xi32, #tpu.memory_space<vmem>> -> memref<128xi32, #tpu.memory_space<vmem>>
      %dma_wait3A_221 = arith.constant 0 : i32
      %dma_wait3A_222 = arith.constant 0 : i32
      %dma_wait3A_223 = tpu.memref_slice %arg2[%dma_wait3A_221, %dma_wait3A_222] : memref<20000x64xf32, #tpu.memory_space<hbm>> -> memref<20000x64xf32, #tpu.memory_space<hbm>>
      tpu.wait_indirect_dma semaphore(%arg15 : memref<!tpu.dma_semaphore, #tpu.memory_space<semaphore_mem>>) src(%dma_wait3A_223 : memref<20000x64xf32, #tpu.memory_space<hbm>>) dst(%arg12 : memref<128x64xf32, #tpu.memory_space<vmem>>)
      %add3A_224 = arith.constant 1 : i32
      %add3A_225 = arith.addi %mul3A_109, %add3A_224 : i32
      %mul3A_226 = arith.constant 2 : i32
      %mul3A_227 = arith.muli %add3A_225, %mul3A_226 : i32
      %add3A_228 = arith.constant 0 : i32
      %add3A_229 = arith.addi %mul3A_227, %add3A_228 : i32
      %dma_start3A_230 = arith.constant 0 : i32
      %dma_start3A_231 = tpu.memref_slice %arg8[%add3A_229, %dma_start3A_230] : memref<160x128xi32, #tpu.memory_space<vmem>> -> memref<1x128xi32, #tpu.memory_space<vmem>>
      %dma_start3A_232 = tpu.memref_squeeze %dma_start3A_231 : memref<1x128xi32, #tpu.memory_space<vmem>> -> memref<128xi32, #tpu.memory_space<vmem>>
      %dma_start3A_233 = arith.constant 0 : i32
      %dma_start3A_234 = arith.constant 0 : i32
      %dma_start3A_235 = tpu.memref_slice %arg13[%dma_start3A_233, %dma_start3A_234] : memref<10240x64xf32, #tpu.memory_space<vmem_shared>> -> memref<10240x64xf32, #tpu.memory_space<vmem_shared>>
      tpu.enqueue_indirect_dma source(%arg11 : memref<128x64xf32, #tpu.memory_space<vmem>>) target(%dma_start3A_235 : memref<10240x64xf32, #tpu.memory_space<vmem_shared>>) offsets(%dma_start3A_232 : memref<128xi32, #tpu.memory_space<vmem>>) semaphore(%arg17 : memref<!tpu.dma_semaphore, #tpu.memory_space<semaphore_mem>>) {add = true}
      %mul3A_236 = arith.constant 2 : i32
      %mul3A_237 = arith.muli %add3A_225, %mul3A_236 : i32
      %add3A_238 = arith.constant 1 : i32
      %add3A_239 = arith.addi %mul3A_237, %add3A_238 : i32
      %dma_start3A_240 = arith.constant 0 : i32
      %dma_start3A_241 = tpu.memref_slice %arg8[%add3A_239, %dma_start3A_240] : memref<160x128xi32, #tpu.memory_space<vmem>> -> memref<1x128xi32, #tpu.memory_space<vmem>>
      %dma_start3A_242 = tpu.memref_squeeze %dma_start3A_241 : memref<1x128xi32, #tpu.memory_space<vmem>> -> memref<128xi32, #tpu.memory_space<vmem>>
      %dma_start3A_243 = arith.constant 0 : i32
      %dma_start3A_244 = arith.constant 0 : i32
      %dma_start3A_245 = tpu.memref_slice %arg13[%dma_start3A_243, %dma_start3A_244] : memref<10240x64xf32, #tpu.memory_space<vmem_shared>> -> memref<10240x64xf32, #tpu.memory_space<vmem_shared>>
      tpu.enqueue_indirect_dma source(%arg12 : memref<128x64xf32, #tpu.memory_space<vmem>>) target(%dma_start3A_245 : memref<10240x64xf32, #tpu.memory_space<vmem_shared>>) offsets(%dma_start3A_242 : memref<128xi32, #tpu.memory_space<vmem>>) semaphore(%arg17 : memref<!tpu.dma_semaphore, #tpu.memory_space<semaphore_mem>>) {add = true}
    }
    %while3A_72 = arith.constant 1 : i32
    scf.for %while3A_105 = %while3A_70 to %while3A_66 step %while3A_72  : i32 {
      %mul3A_106 = arith.muli %while3A_105, %while3A : i32
      %add3A_107 = arith.addi %while3A_63, %mul3A_106 : i32
      %mul3A_108 = arith.constant 2 : i32
      %mul3A_109 = arith.muli %add3A_107, %mul3A_108 : i32
      %gt3A = arith.constant 0 : i32
      %gt3A_110 = arith.cmpi sgt, %add3A_107, %gt3A : i32
      %convert_element_type3A_111 = arith.extui %gt3A_110 : i1 to i32
      %cond3A_112 = arith.constant 0 : i32
      %cond3A_113 = arith.cmpi ne, %convert_element_type3A_111, %cond3A_112 : i32
      scf.if %cond3A_113 {
        %sub3A_246 = arith.constant 1 : i32
        %sub3A_247 = arith.subi %mul3A_109, %sub3A_246 : i32
        %mul3A_248 = arith.constant 2 : i32
        %mul3A_249 = arith.muli %sub3A_247, %mul3A_248 : i32
        %add3A_250 = arith.constant 0 : i32
        %add3A_251 = arith.addi %mul3A_249, %add3A_250 : i32
        %dma_wait3A_252 = arith.constant 0 : i32
        %dma_wait3A_253 = tpu.memref_slice %arg8[%add3A_251, %dma_wait3A_252] : memref<160x128xi32, #tpu.memory_space<vmem>> -> memref<1x128xi32, #tpu.memory_space<vmem>>
        %dma_wait3A_254 = tpu.memref_squeeze %dma_wait3A_253 : memref<1x128xi32, #tpu.memory_space<vmem>> -> memref<128xi32, #tpu.memory_space<vmem>>
        %dma_wait3A_255 = arith.constant 0 : i32
        %dma_wait3A_256 = arith.constant 0 : i32
        %dma_wait3A_257 = tpu.memref_slice %arg13[%dma_wait3A_255, %dma_wait3A_256] : memref<10240x64xf32, #tpu.memory_space<vmem_shared>> -> memref<10240x64xf32, #tpu.memory_space<vmem_shared>>
        tpu.wait_indirect_dma semaphore(%arg17 : memref<!tpu.dma_semaphore, #tpu.memory_space<semaphore_mem>>) src(%arg11 : memref<128x64xf32, #tpu.memory_space<vmem>>) dst(%dma_wait3A_257 : memref<10240x64xf32, #tpu.memory_space<vmem_shared>>)
        %mul3A_258 = arith.constant 2 : i32
        %mul3A_259 = arith.muli %sub3A_247, %mul3A_258 : i32
        %add3A_260 = arith.constant 1 : i32
        %add3A_261 = arith.addi %mul3A_259, %add3A_260 : i32
        %dma_wait3A_262 = arith.constant 0 : i32
        %dma_wait3A_263 = tpu.memref_slice %arg8[%add3A_261, %dma_wait3A_262] : memref<160x128xi32, #tpu.memory_space<vmem>> -> memref<1x128xi32, #tpu.memory_space<vmem>>
        %dma_wait3A_264 = tpu.memref_squeeze %dma_wait3A_263 : memref<1x128xi32, #tpu.memory_space<vmem>> -> memref<128xi32, #tpu.memory_space<vmem>>
        %dma_wait3A_265 = arith.constant 0 : i32
        %dma_wait3A_266 = arith.constant 0 : i32
        %dma_wait3A_267 = tpu.memref_slice %arg13[%dma_wait3A_265, %dma_wait3A_266] : memref<10240x64xf32, #tpu.memory_space<vmem_shared>> -> memref<10240x64xf32, #tpu.memory_space<vmem_shared>>
        tpu.wait_indirect_dma semaphore(%arg17 : memref<!tpu.dma_semaphore, #tpu.memory_space<semaphore_mem>>) src(%arg12 : memref<128x64xf32, #tpu.memory_space<vmem>>) dst(%dma_wait3A_267 : memref<10240x64xf32, #tpu.memory_space<vmem_shared>>)
      } else {
      }
      %add3A_114 = arith.constant 1 : i32
      %add3A_115 = arith.addi %mul3A_109, %add3A_114 : i32
      %mul3A_116 = arith.constant 2 : i32
      %mul3A_117 = arith.muli %add3A_115, %mul3A_116 : i32
      %add3A_118 = arith.constant 0 : i32
      %add3A_119 = arith.addi %mul3A_117, %add3A_118 : i32
      %dma_start3A_120 = arith.constant 0 : i32
      %dma_start3A_121 = tpu.memref_slice %arg7[%add3A_119, %dma_start3A_120] : memref<160x128xi32, #tpu.memory_space<vmem>> -> memref<1x128xi32, #tpu.memory_space<vmem>>
      %dma_start3A_122 = tpu.memref_squeeze %dma_start3A_121 : memref<1x128xi32, #tpu.memory_space<vmem>> -> memref<128xi32, #tpu.memory_space<vmem>>
      %dma_start3A_123 = arith.constant 0 : i32
      %dma_start3A_124 = arith.constant 0 : i32
      %dma_start3A_125 = tpu.memref_slice %arg2[%dma_start3A_123, %dma_start3A_124] : memref<20000x64xf32, #tpu.memory_space<hbm>> -> memref<20000x64xf32, #tpu.memory_space<hbm>>
      tpu.enqueue_indirect_dma source(%dma_start3A_125 : memref<20000x64xf32, #tpu.memory_space<hbm>>) target(%arg11 : memref<128x64xf32, #tpu.memory_space<vmem>>) offsets(%dma_start3A_122 : memref<128xi32, #tpu.memory_space<vmem>>) semaphore(%arg15 : memref<!tpu.dma_semaphore, #tpu.memory_space<semaphore_mem>>)
      %mul3A_126 = arith.constant 2 : i32
      %mul3A_127 = arith.muli %add3A_115, %mul3A_126 : i32
      %add3A_128 = arith.constant 1 : i32
      %add3A_129 = arith.addi %mul3A_127, %add3A_128 : i32
      %dma_start3A_130 = arith.constant 0 : i32
      %dma_start3A_131 = tpu.memref_slice %arg7[%add3A_129, %dma_start3A_130] : memref<160x128xi32, #tpu.memory_space<vmem>> -> memref<1x128xi32, #tpu.memory_space<vmem>>
      %dma_start3A_132 = tpu.memref_squeeze %dma_start3A_131 : memref<1x128xi32, #tpu.memory_space<vmem>> -> memref<128xi32, #tpu.memory_space<vmem>>
      %dma_start3A_133 = arith.constant 0 : i32
      %dma_start3A_134 = arith.constant 0 : i32
      %dma_start3A_135 = tpu.memref_slice %arg2[%dma_start3A_133, %dma_start3A_134] : memref<20000x64xf32, #tpu.memory_space<hbm>> -> memref<20000x64xf32, #tpu.memory_space<hbm>>
      tpu.enqueue_indirect_dma source(%dma_start3A_135 : memref<20000x64xf32, #tpu.memory_space<hbm>>) target(%arg12 : memref<128x64xf32, #tpu.memory_space<vmem>>) offsets(%dma_start3A_132 : memref<128xi32, #tpu.memory_space<vmem>>) semaphore(%arg15 : memref<!tpu.dma_semaphore, #tpu.memory_space<semaphore_mem>>)
      %mul3A_136 = arith.constant 2 : i32
      %mul3A_137 = arith.muli %mul3A_109, %mul3A_136 : i32
      %add3A_138 = arith.constant 0 : i32
      %add3A_139 = arith.addi %mul3A_137, %add3A_138 : i32
      %dma_wait3A_140 = arith.constant 0 : i32
      %dma_wait3A_141 = tpu.memref_slice %arg7[%add3A_139, %dma_wait3A_140] : memref<160x128xi32, #tpu.memory_space<vmem>> -> memref<1x128xi32, #tpu.memory_space<vmem>>
      %dma_wait3A_142 = tpu.memref_squeeze %dma_wait3A_141 : memref<1x128xi32, #tpu.memory_space<vmem>> -> memref<128xi32, #tpu.memory_space<vmem>>
      %dma_wait3A_143 = arith.constant 0 : i32
      %dma_wait3A_144 = arith.constant 0 : i32
      %dma_wait3A_145 = tpu.memref_slice %arg2[%dma_wait3A_143, %dma_wait3A_144] : memref<20000x64xf32, #tpu.memory_space<hbm>> -> memref<20000x64xf32, #tpu.memory_space<hbm>>
      tpu.wait_indirect_dma semaphore(%arg14 : memref<!tpu.dma_semaphore, #tpu.memory_space<semaphore_mem>>) src(%dma_wait3A_145 : memref<20000x64xf32, #tpu.memory_space<hbm>>) dst(%arg9 : memref<128x64xf32, #tpu.memory_space<vmem>>)
      %mul3A_146 = arith.constant 2 : i32
      %mul3A_147 = arith.muli %mul3A_109, %mul3A_146 : i32
      %add3A_148 = arith.constant 1 : i32
      %add3A_149 = arith.addi %mul3A_147, %add3A_148 : i32
      %dma_wait3A_150 = arith.constant 0 : i32
      %dma_wait3A_151 = tpu.memref_slice %arg7[%add3A_149, %dma_wait3A_150] : memref<160x128xi32, #tpu.memory_space<vmem>> -> memref<1x128xi32, #tpu.memory_space<vmem>>
      %dma_wait3A_152 = tpu.memref_squeeze %dma_wait3A_151 : memref<1x128xi32, #tpu.memory_space<vmem>> -> memref<128xi32, #tpu.memory_space<vmem>>
      %dma_wait3A_153 = arith.constant 0 : i32
      %dma_wait3A_154 = arith.constant 0 : i32
      %dma_wait3A_155 = tpu.memref_slice %arg2[%dma_wait3A_153, %dma_wait3A_154] : memref<20000x64xf32, #tpu.memory_space<hbm>> -> memref<20000x64xf32, #tpu.memory_space<hbm>>
      tpu.wait_indirect_dma semaphore(%arg14 : memref<!tpu.dma_semaphore, #tpu.memory_space<semaphore_mem>>) src(%dma_wait3A_155 : memref<20000x64xf32, #tpu.memory_space<hbm>>) dst(%arg10 : memref<128x64xf32, #tpu.memory_space<vmem>>)
      %mul3A_156 = arith.constant 2 : i32
      %mul3A_157 = arith.muli %mul3A_109, %mul3A_156 : i32
      %add3A_158 = arith.constant 0 : i32
      %add3A_159 = arith.addi %mul3A_157, %add3A_158 : i32
      %dma_start3A_160 = arith.constant 0 : i32
      %dma_start3A_161 = tpu.memref_slice %arg8[%add3A_159, %dma_start3A_160] : memref<160x128xi32, #tpu.memory_space<vmem>> -> memref<1x128xi32, #tpu.memory_space<vmem>>
      %dma_start3A_162 = tpu.memref_squeeze %dma_start3A_161 : memref<1x128xi32, #tpu.memory_space<vmem>> -> memref<128xi32, #tpu.memory_space<vmem>>
      %dma_start3A_163 = arith.constant 0 : i32
      %dma_start3A_164 = arith.constant 0 : i32
      %dma_start3A_165 = tpu.memref_slice %arg13[%dma_start3A_163, %dma_start3A_164] : memref<10240x64xf32, #tpu.memory_space<vmem_shared>> -> memref<10240x64xf32, #tpu.memory_space<vmem_shared>>
      tpu.enqueue_indirect_dma source(%arg9 : memref<128x64xf32, #tpu.memory_space<vmem>>) target(%dma_start3A_165 : memref<10240x64xf32, #tpu.memory_space<vmem_shared>>) offsets(%dma_start3A_162 : memref<128xi32, #tpu.memory_space<vmem>>) semaphore(%arg16 : memref<!tpu.dma_semaphore, #tpu.memory_space<semaphore_mem>>) {add = true}
      %mul3A_166 = arith.constant 2 : i32
      %mul3A_167 = arith.muli %mul3A_109, %mul3A_166 : i32
      %add3A_168 = arith.constant 1 : i32
      %add3A_169 = arith.addi %mul3A_167, %add3A_168 : i32
      %dma_start3A_170 = arith.constant 0 : i32
      %dma_start3A_171 = tpu.memref_slice %arg8[%add3A_169, %dma_start3A_170] : memref<160x128xi32, #tpu.memory_space<vmem>> -> memref<1x128xi32, #tpu.memory_space<vmem>>
      %dma_start3A_172 = tpu.memref_squeeze %dma_start3A_171 : memref<1x128xi32, #tpu.memory_space<vmem>> -> memref<128xi32, #tpu.memory_space<vmem>>
      %dma_start3A_173 = arith.constant 0 : i32
      %dma_start3A_174 = arith.constant 0 : i32
      %dma_start3A_175 = tpu.memref_slice %arg13[%dma_start3A_173, %dma_start3A_174] : memref<10240x64xf32, #tpu.memory_space<vmem_shared>> -> memref<10240x64xf32, #tpu.memory_space<vmem_shared>>
      tpu.enqueue_indirect_dma source(%arg10 : memref<128x64xf32, #tpu.memory_space<vmem>>) target(%dma_start3A_175 : memref<10240x64xf32, #tpu.memory_space<vmem_shared>>) offsets(%dma_start3A_172 : memref<128xi32, #tpu.memory_space<vmem>>) semaphore(%arg16 : memref<!tpu.dma_semaphore, #tpu.memory_space<semaphore_mem>>) {add = true}
      %mul3A_176 = arith.constant 2 : i32
      %mul3A_177 = arith.muli %mul3A_109, %mul3A_176 : i32
      %add3A_178 = arith.constant 0 : i32
      %add3A_179 = arith.addi %mul3A_177, %add3A_178 : i32
      %dma_wait3A_180 = arith.constant 0 : i32
      %dma_wait3A_181 = tpu.memref_slice %arg8[%add3A_179, %dma_wait3A_180] : memref<160x128xi32, #tpu.memory_space<vmem>> -> memref<1x128xi32, #tpu.memory_space<vmem>>
      %dma_wait3A_182 = tpu.memref_squeeze %dma_wait3A_181 : memref<1x128xi32, #tpu.memory_space<vmem>> -> memref<128xi32, #tpu.memory_space<vmem>>
      %dma_wait3A_183 = arith.constant 0 : i32
      %dma_wait3A_184 = arith.constant 0 : i32
      %dma_wait3A_185 = tpu.memref_slice %arg13[%dma_wait3A_183, %dma_wait3A_184] : memref<10240x64xf32, #tpu.memory_space<vmem_shared>> -> memref<10240x64xf32, #tpu.memory_space<vmem_shared>>
      tpu.wait_indirect_dma semaphore(%arg16 : memref<!tpu.dma_semaphore, #tpu.memory_space<semaphore_mem>>) src(%arg9 : memref<128x64xf32, #tpu.memory_space<vmem>>) dst(%dma_wait3A_185 : memref<10240x64xf32, #tpu.memory_space<vmem_shared>>)
      %mul3A_186 = arith.constant 2 : i32
      %mul3A_187 = arith.muli %mul3A_109, %mul3A_186 : i32
      %add3A_188 = arith.constant 1 : i32
      %add3A_189 = arith.addi %mul3A_187, %add3A_188 : i32
      %dma_wait3A_190 = arith.constant 0 : i32
      %dma_wait3A_191 = tpu.memref_slice %arg8[%add3A_189, %dma_wait3A_190] : memref<160x128xi32, #tpu.memory_space<vmem>> -> memref<1x128xi32, #tpu.memory_space<vmem>>
      %dma_wait3A_192 = tpu.memref_squeeze %dma_wait3A_191 : memref<1x128xi32, #tpu.memory_space<vmem>> -> memref<128xi32, #tpu.memory_space<vmem>>
      %dma_wait3A_193 = arith.constant 0 : i32
      %dma_wait3A_194 = arith.constant 0 : i32
      %dma_wait3A_195 = tpu.memref_slice %arg13[%dma_wait3A_193, %dma_wait3A_194] : memref<10240x64xf32, #tpu.memory_space<vmem_shared>> -> memref<10240x64xf32, #tpu.memory_space<vmem_shared>>
      tpu.wait_indirect_dma semaphore(%arg16 : memref<!tpu.dma_semaphore, #tpu.memory_space<semaphore_mem>>) src(%arg10 : memref<128x64xf32, #tpu.memory_space<vmem>>) dst(%dma_wait3A_195 : memref<10240x64xf32, #tpu.memory_space<vmem_shared>>)
      %add3A_196 = arith.constant 2 : i32
      %add3A_197 = arith.addi %mul3A_109, %add3A_196 : i32
      %lt3A_198 = arith.cmpi slt, %add3A_197, %select_n3A : i32
      %convert_element_type3A_199 = arith.extui %lt3A_198 : i1 to i32
      %cond3A_200 = arith.constant 0 : i32
      %cond3A_201 = arith.cmpi ne, %convert_element_type3A_199, %cond3A_200 : i32
      scf.if %cond3A_201 {
        %add3A_246 = arith.constant 2 : i32
        %add3A_247 = arith.addi %mul3A_109, %add3A_246 : i32
        %mul3A_248 = arith.constant 2 : i32
        %mul3A_249 = arith.muli %add3A_247, %mul3A_248 : i32
        %add3A_250 = arith.constant 0 : i32
        %add3A_251 = arith.addi %mul3A_249, %add3A_250 : i32
        %dma_start3A_252 = arith.constant 0 : i32
        %dma_start3A_253 = tpu.memref_slice %arg7[%add3A_251, %dma_start3A_252] : memref<160x128xi32, #tpu.memory_space<vmem>> -> memref<1x128xi32, #tpu.memory_space<vmem>>
        %dma_start3A_254 = tpu.memref_squeeze %dma_start3A_253 : memref<1x128xi32, #tpu.memory_space<vmem>> -> memref<128xi32, #tpu.memory_space<vmem>>
        %dma_start3A_255 = arith.constant 0 : i32
        %dma_start3A_256 = arith.constant 0 : i32
        %dma_start3A_257 = tpu.memref_slice %arg2[%dma_start3A_255, %dma_start3A_256] : memref<20000x64xf32, #tpu.memory_space<hbm>> -> memref<20000x64xf32, #tpu.memory_space<hbm>>
        tpu.enqueue_indirect_dma source(%dma_start3A_257 : memref<20000x64xf32, #tpu.memory_space<hbm>>) target(%arg9 : memref<128x64xf32, #tpu.memory_space<vmem>>) offsets(%dma_start3A_254 : memref<128xi32, #tpu.memory_space<vmem>>) semaphore(%arg14 : memref<!tpu.dma_semaphore, #tpu.memory_space<semaphore_mem>>)
        %mul3A_258 = arith.constant 2 : i32
        %mul3A_259 = arith.muli %add3A_247, %mul3A_258 : i32
        %add3A_260 = arith.constant 1 : i32
        %add3A_261 = arith.addi %mul3A_259, %add3A_260 : i32
        %dma_start3A_262 = arith.constant 0 : i32
        %dma_start3A_263 = tpu.memref_slice %arg7[%add3A_261, %dma_start3A_262] : memref<160x128xi32, #tpu.memory_space<vmem>> -> memref<1x128xi32, #tpu.memory_space<vmem>>
        %dma_start3A_264 = tpu.memref_squeeze %dma_start3A_263 : memref<1x128xi32, #tpu.memory_space<vmem>> -> memref<128xi32, #tpu.memory_space<vmem>>
        %dma_start3A_265 = arith.constant 0 : i32
        %dma_start3A_266 = arith.constant 0 : i32
        %dma_start3A_267 = tpu.memref_slice %arg2[%dma_start3A_265, %dma_start3A_266] : memref<20000x64xf32, #tpu.memory_space<hbm>> -> memref<20000x64xf32, #tpu.memory_space<hbm>>
        tpu.enqueue_indirect_dma source(%dma_start3A_267 : memref<20000x64xf32, #tpu.memory_space<hbm>>) target(%arg10 : memref<128x64xf32, #tpu.memory_space<vmem>>) offsets(%dma_start3A_264 : memref<128xi32, #tpu.memory_space<vmem>>) semaphore(%arg14 : memref<!tpu.dma_semaphore, #tpu.memory_space<semaphore_mem>>)
      } else {
      }
      %add3A_202 = arith.constant 1 : i32
      %add3A_203 = arith.addi %mul3A_109, %add3A_202 : i32
      %mul3A_204 = arith.constant 2 : i32
      %mul3A_205 = arith.muli %add3A_203, %mul3A_204 : i32
      %add3A_206 = arith.constant 0 : i32
      %add3A_207 = arith.addi %mul3A_205, %add3A_206 : i32
      %dma_wait3A_208 = arith.constant 0 : i32
      %dma_wait3A_209 = tpu.memref_slice %arg7[%add3A_207, %dma_wait3A_208] : memref<160x128xi32, #tpu.memory_space<vmem>> -> memref<1x128xi32, #tpu.memory_space<vmem>>
      %dma_wait3A_210 = tpu.memref_squeeze %dma_wait3A_209 : memref<1x128xi32, #tpu.memory_space<vmem>> -> memref<128xi32, #tpu.memory_space<vmem>>
      %dma_wait3A_211 = arith.constant 0 : i32
      %dma_wait3A_212 = arith.constant 0 : i32
      %dma_wait3A_213 = tpu.memref_slice %arg2[%dma_wait3A_211, %dma_wait3A_212] : memref<20000x64xf32, #tpu.memory_space<hbm>> -> memref<20000x64xf32, #tpu.memory_space<hbm>>
      tpu.wait_indirect_dma semaphore(%arg15 : memref<!tpu.dma_semaphore, #tpu.memory_space<semaphore_mem>>) src(%dma_wait3A_213 : memref<20000x64xf32, #tpu.memory_space<hbm>>) dst(%arg11 : memref<128x64xf32, #tpu.memory_space<vmem>>)
      %mul3A_214 = arith.constant 2 : i32
      %mul3A_215 = arith.muli %add3A_203, %mul3A_214 : i32
      %add3A_216 = arith.constant 1 : i32
      %add3A_217 = arith.addi %mul3A_215, %add3A_216 : i32
      %dma_wait3A_218 = arith.constant 0 : i32
      %dma_wait3A_219 = tpu.memref_slice %arg7[%add3A_217, %dma_wait3A_218] : memref<160x128xi32, #tpu.memory_space<vmem>> -> memref<1x128xi32, #tpu.memory_space<vmem>>
      %dma_wait3A_220 = tpu.memref_squeeze %dma_wait3A_219 : memref<1x128xi32, #tpu.memory_space<vmem>> -> memref<128xi32, #tpu.memory_space<vmem>>
      %dma_wait3A_221 = arith.constant 0 : i32
      %dma_wait3A_222 = arith.constant 0 : i32
      %dma_wait3A_223 = tpu.memref_slice %arg2[%dma_wait3A_221, %dma_wait3A_222] : memref<20000x64xf32, #tpu.memory_space<hbm>> -> memref<20000x64xf32, #tpu.memory_space<hbm>>
      tpu.wait_indirect_dma semaphore(%arg15 : memref<!tpu.dma_semaphore, #tpu.memory_space<semaphore_mem>>) src(%dma_wait3A_223 : memref<20000x64xf32, #tpu.memory_space<hbm>>) dst(%arg12 : memref<128x64xf32, #tpu.memory_space<vmem>>)
      %add3A_224 = arith.constant 1 : i32
      %add3A_225 = arith.addi %mul3A_109, %add3A_224 : i32
      %mul3A_226 = arith.constant 2 : i32
      %mul3A_227 = arith.muli %add3A_225, %mul3A_226 : i32
      %add3A_228 = arith.constant 0 : i32
      %add3A_229 = arith.addi %mul3A_227, %add3A_228 : i32
      %dma_start3A_230 = arith.constant 0 : i32
      %dma_start3A_231 = tpu.memref_slice %arg8[%add3A_229, %dma_start3A_230] : memref<160x128xi32, #tpu.memory_space<vmem>> -> memref<1x128xi32, #tpu.memory_space<vmem>>
      %dma_start3A_232 = tpu.memref_squeeze %dma_start3A_231 : memref<1x128xi32, #tpu.memory_space<vmem>> -> memref<128xi32, #tpu.memory_space<vmem>>
      %dma_start3A_233 = arith.constant 0 : i32
      %dma_start3A_234 = arith.constant 0 : i32
      %dma_start3A_235 = tpu.memref_slice %arg13[%dma_start3A_233, %dma_start3A_234] : memref<10240x64xf32, #tpu.memory_space<vmem_shared>> -> memref<10240x64xf32, #tpu.memory_space<vmem_shared>>
      tpu.enqueue_indirect_dma source(%arg11 : memref<128x64xf32, #tpu.memory_space<vmem>>) target(%dma_start3A_235 : memref<10240x64xf32, #tpu.memory_space<vmem_shared>>) offsets(%dma_start3A_232 : memref<128xi32, #tpu.memory_space<vmem>>) semaphore(%arg17 : memref<!tpu.dma_semaphore, #tpu.memory_space<semaphore_mem>>) {add = true}
      %mul3A_236 = arith.constant 2 : i32
      %mul3A_237 = arith.muli %add3A_225, %mul3A_236 : i32
      %add3A_238 = arith.constant 1 : i32
      %add3A_239 = arith.addi %mul3A_237, %add3A_238 : i32
      %dma_start3A_240 = arith.constant 0 : i32
      %dma_start3A_241 = tpu.memref_slice %arg8[%add3A_239, %dma_start3A_240] : memref<160x128xi32, #tpu.memory_space<vmem>> -> memref<1x128xi32, #tpu.memory_space<vmem>>
      %dma_start3A_242 = tpu.memref_squeeze %dma_start3A_241 : memref<1x128xi32, #tpu.memory_space<vmem>> -> memref<128xi32, #tpu.memory_space<vmem>>
      %dma_start3A_243 = arith.constant 0 : i32
      %dma_start3A_244 = arith.constant 0 : i32
      %dma_start3A_245 = tpu.memref_slice %arg13[%dma_start3A_243, %dma_start3A_244] : memref<10240x64xf32, #tpu.memory_space<vmem_shared>> -> memref<10240x64xf32, #tpu.memory_space<vmem_shared>>
      tpu.enqueue_indirect_dma source(%arg12 : memref<128x64xf32, #tpu.memory_space<vmem>>) target(%dma_start3A_245 : memref<10240x64xf32, #tpu.memory_space<vmem_shared>>) offsets(%dma_start3A_242 : memref<128xi32, #tpu.memory_space<vmem>>) semaphore(%arg17 : memref<!tpu.dma_semaphore, #tpu.memory_space<semaphore_mem>>) {add = true}
    }
    %sub3A_73 = arith.constant 1 : i32
    %sub3A_74 = arith.subi %select_n3A, %sub3A_73 : i32
    %mul3A_75 = arith.constant 2 : i32
    %mul3A_76 = arith.muli %sub3A_74, %mul3A_75 : i32
    %add3A_77 = arith.constant 0 : i32
    %add3A_78 = arith.addi %mul3A_76, %add3A_77 : i32
    %dma_wait3A = arith.constant 0 : i32
    %dma_wait3A_79 = tpu.memref_slice %arg8[%add3A_78, %dma_wait3A] : memref<160x128xi32, #tpu.memory_space<vmem>> -> memref<1x128xi32, #tpu.memory_space<vmem>>
    %dma_wait3A_80 = tpu.memref_squeeze %dma_wait3A_79 : memref<1x128xi32, #tpu.memory_space<vmem>> -> memref<128xi32, #tpu.memory_space<vmem>>
    %dma_wait3A_81 = arith.constant 0 : i32
    %dma_wait3A_82 = arith.constant 0 : i32
    %dma_wait3A_83 = tpu.memref_slice %arg13[%dma_wait3A_81, %dma_wait3A_82] : memref<10240x64xf32, #tpu.memory_space<vmem_shared>> -> memref<10240x64xf32, #tpu.memory_space<vmem_shared>>
    tpu.wait_indirect_dma semaphore(%arg17 : memref<!tpu.dma_semaphore, #tpu.memory_space<semaphore_mem>>) src(%arg11 : memref<128x64xf32, #tpu.memory_space<vmem>>) dst(%dma_wait3A_83 : memref<10240x64xf32, #tpu.memory_space<vmem_shared>>)
    %mul3A_84 = arith.constant 2 : i32
    %mul3A_85 = arith.muli %sub3A_74, %mul3A_84 : i32
    %add3A_86 = arith.constant 1 : i32
    %add3A_87 = arith.addi %mul3A_85, %add3A_86 : i32
    %dma_wait3A_88 = arith.constant 0 : i32
    %dma_wait3A_89 = tpu.memref_slice %arg8[%add3A_87, %dma_wait3A_88] : memref<160x128xi32, #tpu.memory_space<vmem>> -> memref<1x128xi32, #tpu.memory_space<vmem>>
    %dma_wait3A_90 = tpu.memref_squeeze %dma_wait3A_89 : memref<1x128xi32, #tpu.memory_space<vmem>> -> memref<128xi32, #tpu.memory_space<vmem>>
    %dma_wait3A_91 = arith.constant 0 : i32
    %dma_wait3A_92 = arith.constant 0 : i32
    %dma_wait3A_93 = tpu.memref_slice %arg13[%dma_wait3A_91, %dma_wait3A_92] : memref<10240x64xf32, #tpu.memory_space<vmem_shared>> -> memref<10240x64xf32, #tpu.memory_space<vmem_shared>>
    tpu.wait_indirect_dma semaphore(%arg17 : memref<!tpu.dma_semaphore, #tpu.memory_space<semaphore_mem>>) src(%arg12 : memref<128x64xf32, #tpu.memory_space<vmem>>) dst(%dma_wait3A_93 : memref<10240x64xf32, #tpu.memory_space<vmem_shared>>)
    %barrier3A_94 = arith.constant 0 : index
    tpu.barrier barrier_id(%barrier3A_94)
    %eq3A_95 = arith.constant 0 : i32
    %eq3A_96 = arith.cmpi eq, %arg0, %eq3A_95 : i32
    %convert_element_type3A_97 = arith.extui %eq3A_96 : i1 to i32
    %cond3A_98 = arith.constant 0 : i32
    %cond3A_99 = arith.cmpi ne, %convert_element_type3A_97, %cond3A_98 : i32
    scf.if %cond3A_99 {
      %add3A_105 = arith.constant 0 : i32
      %add3A_106 = arith.addi %mul3A_14, %add3A_105 : i32
      "tpu.region"() ({
        %run_scoped3A = tpu.sem_alloc : memref<!tpu.dma_semaphore, #tpu.memory_space<semaphore_mem>>
        %dma_start3A_127 = arith.constant 0 : i32
        %dma_start3A_128 = tpu.memref_slice %arg13[%add3A_106, %dma_start3A_127] : memref<10240x64xf32, #tpu.memory_space<vmem_shared>> -> memref<128x64xf32, #tpu.memory_space<vmem_shared>>
        %dma_start3A_129 = arith.constant 0 : i32
        %dma_start3A_130 = tpu.memref_slice %arg13[%add3A_106, %dma_start3A_129] : memref<10240x64xf32, #tpu.memory_space<vmem_shared>> -> memref<128x64xf32, #tpu.memory_space<vmem_shared>>
        tpu.enqueue_dma source(%dma_start3A_130 : memref<128x64xf32, #tpu.memory_space<vmem_shared>>) target(%arg9 : memref<128x64xf32, #tpu.memory_space<vmem>>) target_semaphore(%run_scoped3A : memref<!tpu.dma_semaphore, #tpu.memory_space<semaphore_mem>>)
        %dma_wait3A_131 = arith.constant 0 : i32
        %dma_wait3A_132 = tpu.memref_slice %arg13[%add3A_106, %dma_wait3A_131] : memref<10240x64xf32, #tpu.memory_space<vmem_shared>> -> memref<128x64xf32, #tpu.memory_space<vmem_shared>>
        %dma_wait3A_133 = arith.constant 0 : i32
        %dma_wait3A_134 = tpu.memref_slice %arg13[%add3A_106, %dma_wait3A_133] : memref<10240x64xf32, #tpu.memory_space<vmem_shared>> -> memref<128x64xf32, #tpu.memory_space<vmem_shared>>
        tpu.wait_dma2 semaphore(%run_scoped3A : memref<!tpu.dma_semaphore, #tpu.memory_space<semaphore_mem>>) src(%dma_wait3A_134 : memref<128x64xf32, #tpu.memory_space<vmem_shared>>) dst(%arg9 : memref<128x64xf32, #tpu.memory_space<vmem>>)
        tpu.yield
      }) : () -> ()
      %add3A_107 = arith.constant 0 : i32
      %add3A_108 = arith.addi %mul3A_14, %add3A_107 : i32
      "tpu.region"() ({
        %run_scoped3A = tpu.sem_alloc : memref<!tpu.dma_semaphore, #tpu.memory_space<semaphore_mem>>
        %dma_start3A_127 = arith.constant 0 : i32
        %dma_start3A_128 = tpu.memref_slice %arg5[%add3A_108, %dma_start3A_127] : memref<10000x64xf32, #tpu.memory_space<hbm>> -> memref<128x64xf32, #tpu.memory_space<hbm>>
        %dma_start3A_129 = arith.constant 0 : i32
        %dma_start3A_130 = tpu.memref_slice %arg5[%add3A_108, %dma_start3A_129] : memref<10000x64xf32, #tpu.memory_space<hbm>> -> memref<128x64xf32, #tpu.memory_space<hbm>>
        tpu.enqueue_dma source(%arg9 : memref<128x64xf32, #tpu.memory_space<vmem>>) target(%dma_start3A_130 : memref<128x64xf32, #tpu.memory_space<hbm>>) target_semaphore(%run_scoped3A : memref<!tpu.dma_semaphore, #tpu.memory_space<semaphore_mem>>)
        %dma_wait3A_131 = arith.constant 0 : i32
        %dma_wait3A_132 = tpu.memref_slice %arg5[%add3A_108, %dma_wait3A_131] : memref<10000x64xf32, #tpu.memory_space<hbm>> -> memref<128x64xf32, #tpu.memory_space<hbm>>
        %dma_wait3A_133 = arith.constant 0 : i32
        %dma_wait3A_134 = tpu.memref_slice %arg5[%add3A_108, %dma_wait3A_133] : memref<10000x64xf32, #tpu.memory_space<hbm>> -> memref<128x64xf32, #tpu.memory_space<hbm>>
        tpu.wait_dma2 semaphore(%run_scoped3A : memref<!tpu.dma_semaphore, #tpu.memory_space<semaphore_mem>>) src(%arg9 : memref<128x64xf32, #tpu.memory_space<vmem>>) dst(%dma_wait3A_134 : memref<128x64xf32, #tpu.memory_space<hbm>>)
        tpu.yield
      }) : () -> ()
      %add3A_109 = arith.constant 128 : i32
      %add3A_110 = arith.addi %mul3A_14, %add3A_109 : i32
      "tpu.region"() ({
        %run_scoped3A = tpu.sem_alloc : memref<!tpu.dma_semaphore, #tpu.memory_space<semaphore_mem>>
        %dma_start3A_127 = arith.constant 0 : i32
        %dma_start3A_128 = tpu.memref_slice %arg13[%add3A_110, %dma_start3A_127] : memref<10240x64xf32, #tpu.memory_space<vmem_shared>> -> memref<128x64xf32, #tpu.memory_space<vmem_shared>>
        %dma_start3A_129 = arith.constant 0 : i32
        %dma_start3A_130 = tpu.memref_slice %arg13[%add3A_110, %dma_start3A_129] : memref<10240x64xf32, #tpu.memory_space<vmem_shared>> -> memref<128x64xf32, #tpu.memory_space<vmem_shared>>
        tpu.enqueue_dma source(%dma_start3A_130 : memref<128x64xf32, #tpu.memory_space<vmem_shared>>) target(%arg9 : memref<128x64xf32, #tpu.memory_space<vmem>>) target_semaphore(%run_scoped3A : memref<!tpu.dma_semaphore, #tpu.memory_space<semaphore_mem>>)
        %dma_wait3A_131 = arith.constant 0 : i32
        %dma_wait3A_132 = tpu.memref_slice %arg13[%add3A_110, %dma_wait3A_131] : memref<10240x64xf32, #tpu.memory_space<vmem_shared>> -> memref<128x64xf32, #tpu.memory_space<vmem_shared>>
        %dma_wait3A_133 = arith.constant 0 : i32
        %dma_wait3A_134 = tpu.memref_slice %arg13[%add3A_110, %dma_wait3A_133] : memref<10240x64xf32, #tpu.memory_space<vmem_shared>> -> memref<128x64xf32, #tpu.memory_space<vmem_shared>>
        tpu.wait_dma2 semaphore(%run_scoped3A : memref<!tpu.dma_semaphore, #tpu.memory_space<semaphore_mem>>) src(%dma_wait3A_134 : memref<128x64xf32, #tpu.memory_space<vmem_shared>>) dst(%arg9 : memref<128x64xf32, #tpu.memory_space<vmem>>)
        tpu.yield
      }) : () -> ()
      %add3A_111 = arith.constant 128 : i32
      %add3A_112 = arith.addi %mul3A_14, %add3A_111 : i32
      "tpu.region"() ({
        %run_scoped3A = tpu.sem_alloc : memref<!tpu.dma_semaphore, #tpu.memory_space<semaphore_mem>>
        %dma_start3A_127 = arith.constant 0 : i32
        %dma_start3A_128 = tpu.memref_slice %arg5[%add3A_112, %dma_start3A_127] : memref<10000x64xf32, #tpu.memory_space<hbm>> -> memref<128x64xf32, #tpu.memory_space<hbm>>
        %dma_start3A_129 = arith.constant 0 : i32
        %dma_start3A_130 = tpu.memref_slice %arg5[%add3A_112, %dma_start3A_129] : memref<10000x64xf32, #tpu.memory_space<hbm>> -> memref<128x64xf32, #tpu.memory_space<hbm>>
        tpu.enqueue_dma source(%arg9 : memref<128x64xf32, #tpu.memory_space<vmem>>) target(%dma_start3A_130 : memref<128x64xf32, #tpu.memory_space<hbm>>) target_semaphore(%run_scoped3A : memref<!tpu.dma_semaphore, #tpu.memory_space<semaphore_mem>>)
        %dma_wait3A_131 = arith.constant 0 : i32
        %dma_wait3A_132 = tpu.memref_slice %arg5[%add3A_112, %dma_wait3A_131] : memref<10000x64xf32, #tpu.memory_space<hbm>> -> memref<128x64xf32, #tpu.memory_space<hbm>>
        %dma_wait3A_133 = arith.constant 0 : i32
        %dma_wait3A_134 = tpu.memref_slice %arg5[%add3A_112, %dma_wait3A_133] : memref<10000x64xf32, #tpu.memory_space<hbm>> -> memref<128x64xf32, #tpu.memory_space<hbm>>
        tpu.wait_dma2 semaphore(%run_scoped3A : memref<!tpu.dma_semaphore, #tpu.memory_space<semaphore_mem>>) src(%arg9 : memref<128x64xf32, #tpu.memory_space<vmem>>) dst(%dma_wait3A_134 : memref<128x64xf32, #tpu.memory_space<hbm>>)
        tpu.yield
      }) : () -> ()
      %add3A_113 = arith.constant 256 : i32
      %add3A_114 = arith.addi %mul3A_14, %add3A_113 : i32
      "tpu.region"() ({
        %run_scoped3A = tpu.sem_alloc : memref<!tpu.dma_semaphore, #tpu.memory_space<semaphore_mem>>
        %dma_start3A_127 = arith.constant 0 : i32
        %dma_start3A_128 = tpu.memref_slice %arg13[%add3A_114, %dma_start3A_127] : memref<10240x64xf32, #tpu.memory_space<vmem_shared>> -> memref<128x64xf32, #tpu.memory_space<vmem_shared>>
        %dma_start3A_129 = arith.constant 0 : i32
        %dma_start3A_130 = tpu.memref_slice %arg13[%add3A_114, %dma_start3A_129] : memref<10240x64xf32, #tpu.memory_space<vmem_shared>> -> memref<128x64xf32, #tpu.memory_space<vmem_shared>>
        tpu.enqueue_dma source(%dma_start3A_130 : memref<128x64xf32, #tpu.memory_space<vmem_shared>>) target(%arg9 : memref<128x64xf32, #tpu.memory_space<vmem>>) target_semaphore(%run_scoped3A : memref<!tpu.dma_semaphore, #tpu.memory_space<semaphore_mem>>)
        %dma_wait3A_131 = arith.constant 0 : i32
        %dma_wait3A_132 = tpu.memref_slice %arg13[%add3A_114, %dma_wait3A_131] : memref<10240x64xf32, #tpu.memory_space<vmem_shared>> -> memref<128x64xf32, #tpu.memory_space<vmem_shared>>
        %dma_wait3A_133 = arith.constant 0 : i32
        %dma_wait3A_134 = tpu.memref_slice %arg13[%add3A_114, %dma_wait3A_133] : memref<10240x64xf32, #tpu.memory_space<vmem_shared>> -> memref<128x64xf32, #tpu.memory_space<vmem_shared>>
        tpu.wait_dma2 semaphore(%run_scoped3A : memref<!tpu.dma_semaphore, #tpu.memory_space<semaphore_mem>>) src(%dma_wait3A_134 : memref<128x64xf32, #tpu.memory_space<vmem_shared>>) dst(%arg9 : memref<128x64xf32, #tpu.memory_space<vmem>>)
        tpu.yield
      }) : () -> ()
      %add3A_115 = arith.constant 256 : i32
      %add3A_116 = arith.addi %mul3A_14, %add3A_115 : i32
      "tpu.region"() ({
        %run_scoped3A = tpu.sem_alloc : memref<!tpu.dma_semaphore, #tpu.memory_space<semaphore_mem>>
        %dma_start3A_127 = arith.constant 0 : i32
        %dma_start3A_128 = tpu.memref_slice %arg5[%add3A_116, %dma_start3A_127] : memref<10000x64xf32, #tpu.memory_space<hbm>> -> memref<128x64xf32, #tpu.memory_space<hbm>>
        %dma_start3A_129 = arith.constant 0 : i32
        %dma_start3A_130 = tpu.memref_slice %arg5[%add3A_116, %dma_start3A_129] : memref<10000x64xf32, #tpu.memory_space<hbm>> -> memref<128x64xf32, #tpu.memory_space<hbm>>
        tpu.enqueue_dma source(%arg9 : memref<128x64xf32, #tpu.memory_space<vmem>>) target(%dma_start3A_130 : memref<128x64xf32, #tpu.memory_space<hbm>>) target_semaphore(%run_scoped3A : memref<!tpu.dma_semaphore, #tpu.memory_space<semaphore_mem>>)
        %dma_wait3A_131 = arith.constant 0 : i32
        %dma_wait3A_132 = tpu.memref_slice %arg5[%add3A_116, %dma_wait3A_131] : memref<10000x64xf32, #tpu.memory_space<hbm>> -> memref<128x64xf32, #tpu.memory_space<hbm>>
        %dma_wait3A_133 = arith.constant 0 : i32
        %dma_wait3A_134 = tpu.memref_slice %arg5[%add3A_116, %dma_wait3A_133] : memref<10000x64xf32, #tpu.memory_space<hbm>> -> memref<128x64xf32, #tpu.memory_space<hbm>>
        tpu.wait_dma2 semaphore(%run_scoped3A : memref<!tpu.dma_semaphore, #tpu.memory_space<semaphore_mem>>) src(%arg9 : memref<128x64xf32, #tpu.memory_space<vmem>>) dst(%dma_wait3A_134 : memref<128x64xf32, #tpu.memory_space<hbm>>)
        tpu.yield
      }) : () -> ()
      %lt3A_117 = arith.constant 15 : i32
      %lt3A_118 = arith.cmpi slt, %arg1, %lt3A_117 : i32
      %convert_element_type3A_119 = arith.extui %lt3A_118 : i1 to i32
      %cond3A_120 = arith.constant 0 : i32
      %cond3A_121 = arith.cmpi ne, %convert_element_type3A_119, %cond3A_120 : i32
      scf.if %cond3A_121 {
        %add3A_127 = arith.constant 384 : i32
        %add3A_128 = arith.addi %mul3A_14, %add3A_127 : i32
        "tpu.region"() ({
          %run_scoped3A = tpu.sem_alloc : memref<!tpu.dma_semaphore, #tpu.memory_space<semaphore_mem>>
          %dma_start3A_135 = arith.constant 0 : i32
          %dma_start3A_136 = tpu.memref_slice %arg13[%add3A_128, %dma_start3A_135] : memref<10240x64xf32, #tpu.memory_space<vmem_shared>> -> memref<128x64xf32, #tpu.memory_space<vmem_shared>>
          %dma_start3A_137 = arith.constant 0 : i32
          %dma_start3A_138 = tpu.memref_slice %arg13[%add3A_128, %dma_start3A_137] : memref<10240x64xf32, #tpu.memory_space<vmem_shared>> -> memref<128x64xf32, #tpu.memory_space<vmem_shared>>
          tpu.enqueue_dma source(%dma_start3A_138 : memref<128x64xf32, #tpu.memory_space<vmem_shared>>) target(%arg9 : memref<128x64xf32, #tpu.memory_space<vmem>>) target_semaphore(%run_scoped3A : memref<!tpu.dma_semaphore, #tpu.memory_space<semaphore_mem>>)
          %dma_wait3A_139 = arith.constant 0 : i32
          %dma_wait3A_140 = tpu.memref_slice %arg13[%add3A_128, %dma_wait3A_139] : memref<10240x64xf32, #tpu.memory_space<vmem_shared>> -> memref<128x64xf32, #tpu.memory_space<vmem_shared>>
          %dma_wait3A_141 = arith.constant 0 : i32
          %dma_wait3A_142 = tpu.memref_slice %arg13[%add3A_128, %dma_wait3A_141] : memref<10240x64xf32, #tpu.memory_space<vmem_shared>> -> memref<128x64xf32, #tpu.memory_space<vmem_shared>>
          tpu.wait_dma2 semaphore(%run_scoped3A : memref<!tpu.dma_semaphore, #tpu.memory_space<semaphore_mem>>) src(%dma_wait3A_142 : memref<128x64xf32, #tpu.memory_space<vmem_shared>>) dst(%arg9 : memref<128x64xf32, #tpu.memory_space<vmem>>)
          tpu.yield
        }) : () -> ()
        %add3A_129 = arith.constant 384 : i32
        %add3A_130 = arith.addi %mul3A_14, %add3A_129 : i32
        "tpu.region"() ({
          %run_scoped3A = tpu.sem_alloc : memref<!tpu.dma_semaphore, #tpu.memory_space<semaphore_mem>>
          %dma_start3A_135 = arith.constant 0 : i32
          %dma_start3A_136 = tpu.memref_slice %arg5[%add3A_130, %dma_start3A_135] : memref<10000x64xf32, #tpu.memory_space<hbm>> -> memref<128x64xf32, #tpu.memory_space<hbm>>
          %dma_start3A_137 = arith.constant 0 : i32
          %dma_start3A_138 = tpu.memref_slice %arg5[%add3A_130, %dma_start3A_137] : memref<10000x64xf32, #tpu.memory_space<hbm>> -> memref<128x64xf32, #tpu.memory_space<hbm>>
          tpu.enqueue_dma source(%arg9 : memref<128x64xf32, #tpu.memory_space<vmem>>) target(%dma_start3A_138 : memref<128x64xf32, #tpu.memory_space<hbm>>) target_semaphore(%run_scoped3A : memref<!tpu.dma_semaphore, #tpu.memory_space<semaphore_mem>>)
          %dma_wait3A_139 = arith.constant 0 : i32
          %dma_wait3A_140 = tpu.memref_slice %arg5[%add3A_130, %dma_wait3A_139] : memref<10000x64xf32, #tpu.memory_space<hbm>> -> memref<128x64xf32, #tpu.memory_space<hbm>>
          %dma_wait3A_141 = arith.constant 0 : i32
          %dma_wait3A_142 = tpu.memref_slice %arg5[%add3A_130, %dma_wait3A_141] : memref<10000x64xf32, #tpu.memory_space<hbm>> -> memref<128x64xf32, #tpu.memory_space<hbm>>
          tpu.wait_dma2 semaphore(%run_scoped3A : memref<!tpu.dma_semaphore, #tpu.memory_space<semaphore_mem>>) src(%arg9 : memref<128x64xf32, #tpu.memory_space<vmem>>) dst(%dma_wait3A_142 : memref<128x64xf32, #tpu.memory_space<hbm>>)
          tpu.yield
        }) : () -> ()
        %add3A_131 = arith.constant 512 : i32
        %add3A_132 = arith.addi %mul3A_14, %add3A_131 : i32
        "tpu.region"() ({
          %run_scoped3A = tpu.sem_alloc : memref<!tpu.dma_semaphore, #tpu.memory_space<semaphore_mem>>
          %dma_start3A_135 = arith.constant 0 : i32
          %dma_start3A_136 = tpu.memref_slice %arg13[%add3A_132, %dma_start3A_135] : memref<10240x64xf32, #tpu.memory_space<vmem_shared>> -> memref<128x64xf32, #tpu.memory_space<vmem_shared>>
          %dma_start3A_137 = arith.constant 0 : i32
          %dma_start3A_138 = tpu.memref_slice %arg13[%add3A_132, %dma_start3A_137] : memref<10240x64xf32, #tpu.memory_space<vmem_shared>> -> memref<128x64xf32, #tpu.memory_space<vmem_shared>>
          tpu.enqueue_dma source(%dma_start3A_138 : memref<128x64xf32, #tpu.memory_space<vmem_shared>>) target(%arg9 : memref<128x64xf32, #tpu.memory_space<vmem>>) target_semaphore(%run_scoped3A : memref<!tpu.dma_semaphore, #tpu.memory_space<semaphore_mem>>)
          %dma_wait3A_139 = arith.constant 0 : i32
          %dma_wait3A_140 = tpu.memref_slice %arg13[%add3A_132, %dma_wait3A_139] : memref<10240x64xf32, #tpu.memory_space<vmem_shared>> -> memref<128x64xf32, #tpu.memory_space<vmem_shared>>
          %dma_wait3A_141 = arith.constant 0 : i32
          %dma_wait3A_142 = tpu.memref_slice %arg13[%add3A_132, %dma_wait3A_141] : memref<10240x64xf32, #tpu.memory_space<vmem_shared>> -> memref<128x64xf32, #tpu.memory_space<vmem_shared>>
          tpu.wait_dma2 semaphore(%run_scoped3A : memref<!tpu.dma_semaphore, #tpu.memory_space<semaphore_mem>>) src(%dma_wait3A_142 : memref<128x64xf32, #tpu.memory_space<vmem_shared>>) dst(%arg9 : memref<128x64xf32, #tpu.memory_space<vmem>>)
          tpu.yield
        }) : () -> ()
        %add3A_133 = arith.constant 512 : i32
        %add3A_134 = arith.addi %mul3A_14, %add3A_133 : i32
        "tpu.region"() ({
          %run_scoped3A = tpu.sem_alloc : memref<!tpu.dma_semaphore, #tpu.memory_space<semaphore_mem>>
          %dma_start3A_135 = arith.constant 0 : i32
          %dma_start3A_136 = tpu.memref_slice %arg5[%add3A_134, %dma_start3A_135] : memref<10000x64xf32, #tpu.memory_space<hbm>> -> memref<128x64xf32, #tpu.memory_space<hbm>>
          %dma_start3A_137 = arith.constant 0 : i32
          %dma_start3A_138 = tpu.memref_slice %arg5[%add3A_134, %dma_start3A_137] : memref<10000x64xf32, #tpu.memory_space<hbm>> -> memref<128x64xf32, #tpu.memory_space<hbm>>
          tpu.enqueue_dma source(%arg9 : memref<128x64xf32, #tpu.memory_space<vmem>>) target(%dma_start3A_138 : memref<128x64xf32, #tpu.memory_space<hbm>>) target_semaphore(%run_scoped3A : memref<!tpu.dma_semaphore, #tpu.memory_space<semaphore_mem>>)
          %dma_wait3A_139 = arith.constant 0 : i32
          %dma_wait3A_140 = tpu.memref_slice %arg5[%add3A_134, %dma_wait3A_139] : memref<10000x64xf32, #tpu.memory_space<hbm>> -> memref<128x64xf32, #tpu.memory_space<hbm>>
          %dma_wait3A_141 = arith.constant 0 : i32
          %dma_wait3A_142 = tpu.memref_slice %arg5[%add3A_134, %dma_wait3A_141] : memref<10000x64xf32, #tpu.memory_space<hbm>> -> memref<128x64xf32, #tpu.memory_space<hbm>>
          tpu.wait_dma2 semaphore(%run_scoped3A : memref<!tpu.dma_semaphore, #tpu.memory_space<semaphore_mem>>) src(%arg9 : memref<128x64xf32, #tpu.memory_space<vmem>>) dst(%dma_wait3A_142 : memref<128x64xf32, #tpu.memory_space<hbm>>)
          tpu.yield
        }) : () -> ()
      } else {
      }
      %eq3A_122 = arith.constant 15 : i32
      %eq3A_123 = arith.cmpi eq, %arg1, %eq3A_122 : i32
      %convert_element_type3A_124 = arith.extui %eq3A_123 : i1 to i32
      %cond3A_125 = arith.constant 0 : i32
      %cond3A_126 = arith.cmpi ne, %convert_element_type3A_124, %cond3A_125 : i32
      scf.if %cond3A_126 {
        %add3A_127 = arith.constant 384 : i32
        %add3A_128 = arith.addi %mul3A_14, %add3A_127 : i32
        "tpu.region"() ({
          %run_scoped3A = tpu.sem_alloc : memref<!tpu.dma_semaphore, #tpu.memory_space<semaphore_mem>>
          %dma_start3A_131 = arith.constant 0 : i32
          %dma_start3A_132 = arith.constant 0 : i32
          %dma_start3A_133 = tpu.memref_slice %arg9[%dma_start3A_131, %dma_start3A_132] : memref<128x64xf32, #tpu.memory_space<vmem>> -> memref<16x64xf32, #tpu.memory_space<vmem>>
          %dma_start3A_134 = arith.constant 0 : i32
          %dma_start3A_135 = tpu.memref_slice %arg13[%add3A_128, %dma_start3A_134] : memref<10240x64xf32, #tpu.memory_space<vmem_shared>> -> memref<16x64xf32, #tpu.memory_space<vmem_shared>>
          %dma_start3A_136 = arith.constant 0 : i32
          %dma_start3A_137 = arith.constant 0 : i32
          %dma_start3A_138 = tpu.memref_slice %arg9[%dma_start3A_136, %dma_start3A_137] : memref<128x64xf32, #tpu.memory_space<vmem>> -> memref<16x64xf32, #tpu.memory_space<vmem>>
          %dma_start3A_139 = arith.constant 0 : i32
          %dma_start3A_140 = tpu.memref_slice %arg13[%add3A_128, %dma_start3A_139] : memref<10240x64xf32, #tpu.memory_space<vmem_shared>> -> memref<16x64xf32, #tpu.memory_space<vmem_shared>>
          tpu.enqueue_dma source(%dma_start3A_140 : memref<16x64xf32, #tpu.memory_space<vmem_shared>>) target(%dma_start3A_138 : memref<16x64xf32, #tpu.memory_space<vmem>>) target_semaphore(%run_scoped3A : memref<!tpu.dma_semaphore, #tpu.memory_space<semaphore_mem>>)
          %dma_wait3A_141 = arith.constant 0 : i32
          %dma_wait3A_142 = arith.constant 0 : i32
          %dma_wait3A_143 = tpu.memref_slice %arg9[%dma_wait3A_141, %dma_wait3A_142] : memref<128x64xf32, #tpu.memory_space<vmem>> -> memref<16x64xf32, #tpu.memory_space<vmem>>
          %dma_wait3A_144 = arith.constant 0 : i32
          %dma_wait3A_145 = tpu.memref_slice %arg13[%add3A_128, %dma_wait3A_144] : memref<10240x64xf32, #tpu.memory_space<vmem_shared>> -> memref<16x64xf32, #tpu.memory_space<vmem_shared>>
          %dma_wait3A_146 = arith.constant 0 : i32
          %dma_wait3A_147 = arith.constant 0 : i32
          %dma_wait3A_148 = tpu.memref_slice %arg9[%dma_wait3A_146, %dma_wait3A_147] : memref<128x64xf32, #tpu.memory_space<vmem>> -> memref<16x64xf32, #tpu.memory_space<vmem>>
          %dma_wait3A_149 = arith.constant 0 : i32
          %dma_wait3A_150 = tpu.memref_slice %arg13[%add3A_128, %dma_wait3A_149] : memref<10240x64xf32, #tpu.memory_space<vmem_shared>> -> memref<16x64xf32, #tpu.memory_space<vmem_shared>>
          tpu.wait_dma2 semaphore(%run_scoped3A : memref<!tpu.dma_semaphore, #tpu.memory_space<semaphore_mem>>) src(%dma_wait3A_150 : memref<16x64xf32, #tpu.memory_space<vmem_shared>>) dst(%dma_wait3A_148 : memref<16x64xf32, #tpu.memory_space<vmem>>)
          tpu.yield
        }) : () -> ()
        %add3A_129 = arith.constant 384 : i32
        %add3A_130 = arith.addi %mul3A_14, %add3A_129 : i32
        "tpu.region"() ({
          %run_scoped3A = tpu.sem_alloc : memref<!tpu.dma_semaphore, #tpu.memory_space<semaphore_mem>>
          %dma_start3A_131 = arith.constant 0 : i32
          %dma_start3A_132 = arith.constant 0 : i32
          %dma_start3A_133 = tpu.memref_slice %arg9[%dma_start3A_131, %dma_start3A_132] : memref<128x64xf32, #tpu.memory_space<vmem>> -> memref<16x64xf32, #tpu.memory_space<vmem>>
          %dma_start3A_134 = arith.constant 0 : i32
          %dma_start3A_135 = tpu.memref_slice %arg5[%add3A_130, %dma_start3A_134] : memref<10000x64xf32, #tpu.memory_space<hbm>> -> memref<16x64xf32, #tpu.memory_space<hbm>>
          %dma_start3A_136 = arith.constant 0 : i32
          %dma_start3A_137 = tpu.memref_slice %arg5[%add3A_130, %dma_start3A_136] : memref<10000x64xf32, #tpu.memory_space<hbm>> -> memref<16x64xf32, #tpu.memory_space<hbm>>
          %dma_start3A_138 = arith.constant 0 : i32
          %dma_start3A_139 = arith.constant 0 : i32
          %dma_start3A_140 = tpu.memref_slice %arg9[%dma_start3A_138, %dma_start3A_139] : memref<128x64xf32, #tpu.memory_space<vmem>> -> memref<16x64xf32, #tpu.memory_space<vmem>>
          tpu.enqueue_dma source(%dma_start3A_140 : memref<16x64xf32, #tpu.memory_space<vmem>>) target(%dma_start3A_137 : memref<16x64xf32, #tpu.memory_space<hbm>>) target_semaphore(%run_scoped3A : memref<!tpu.dma_semaphore, #tpu.memory_space<semaphore_mem>>)
          %dma_wait3A_141 = arith.constant 0 : i32
          %dma_wait3A_142 = arith.constant 0 : i32
          %dma_wait3A_143 = tpu.memref_slice %arg9[%dma_wait3A_141, %dma_wait3A_142] : memref<128x64xf32, #tpu.memory_space<vmem>> -> memref<16x64xf32, #tpu.memory_space<vmem>>
          %dma_wait3A_144 = arith.constant 0 : i32
          %dma_wait3A_145 = tpu.memref_slice %arg5[%add3A_130, %dma_wait3A_144] : memref<10000x64xf32, #tpu.memory_space<hbm>> -> memref<16x64xf32, #tpu.memory_space<hbm>>
          %dma_wait3A_146 = arith.constant 0 : i32
          %dma_wait3A_147 = tpu.memref_slice %arg5[%add3A_130, %dma_wait3A_146] : memref<10000x64xf32, #tpu.memory_space<hbm>> -> memref<16x64xf32, #tpu.memory_space<hbm>>
          %dma_wait3A_148 = arith.constant 0 : i32
          %dma_wait3A_149 = arith.constant 0 : i32
          %dma_wait3A_150 = tpu.memref_slice %arg9[%dma_wait3A_148, %dma_wait3A_149] : memref<128x64xf32, #tpu.memory_space<vmem>> -> memref<16x64xf32, #tpu.memory_space<vmem>>
          tpu.wait_dma2 semaphore(%run_scoped3A : memref<!tpu.dma_semaphore, #tpu.memory_space<semaphore_mem>>) src(%dma_wait3A_150 : memref<16x64xf32, #tpu.memory_space<vmem>>) dst(%dma_wait3A_147 : memref<16x64xf32, #tpu.memory_space<hbm>>)
          tpu.yield
        }) : () -> ()
      } else {
      }
    } else {
    }
    %eq3A_100 = arith.constant 1 : i32
    %eq3A_101 = arith.cmpi eq, %arg0, %eq3A_100 : i32
    %convert_element_type3A_102 = arith.extui %eq3A_101 : i1 to i32
    %cond3A_103 = arith.constant 0 : i32
    %cond3A_104 = arith.cmpi ne, %convert_element_type3A_102, %cond3A_103 : i32
    scf.if %cond3A_104 {
      %add3A_105 = arith.constant 0 : i32
      %add3A_106 = arith.addi %mul3A_14, %add3A_105 : i32
      "tpu.region"() ({
        %run_scoped3A = tpu.sem_alloc : memref<!tpu.dma_semaphore, #tpu.memory_space<semaphore_mem>>
        %dma_start3A_127 = arith.constant 0 : i32
        %dma_start3A_128 = tpu.memref_slice %arg13[%add3A_106, %dma_start3A_127] : memref<10240x64xf32, #tpu.memory_space<vmem_shared>> -> memref<128x64xf32, #tpu.memory_space<vmem_shared>>
        %dma_start3A_129 = arith.constant 0 : i32
        %dma_start3A_130 = tpu.memref_slice %arg13[%add3A_106, %dma_start3A_129] : memref<10240x64xf32, #tpu.memory_space<vmem_shared>> -> memref<128x64xf32, #tpu.memory_space<vmem_shared>>
        tpu.enqueue_dma source(%dma_start3A_130 : memref<128x64xf32, #tpu.memory_space<vmem_shared>>) target(%arg9 : memref<128x64xf32, #tpu.memory_space<vmem>>) target_semaphore(%run_scoped3A : memref<!tpu.dma_semaphore, #tpu.memory_space<semaphore_mem>>)
        %dma_wait3A_131 = arith.constant 0 : i32
        %dma_wait3A_132 = tpu.memref_slice %arg13[%add3A_106, %dma_wait3A_131] : memref<10240x64xf32, #tpu.memory_space<vmem_shared>> -> memref<128x64xf32, #tpu.memory_space<vmem_shared>>
        %dma_wait3A_133 = arith.constant 0 : i32
        %dma_wait3A_134 = tpu.memref_slice %arg13[%add3A_106, %dma_wait3A_133] : memref<10240x64xf32, #tpu.memory_space<vmem_shared>> -> memref<128x64xf32, #tpu.memory_space<vmem_shared>>
        tpu.wait_dma2 semaphore(%run_scoped3A : memref<!tpu.dma_semaphore, #tpu.memory_space<semaphore_mem>>) src(%dma_wait3A_134 : memref<128x64xf32, #tpu.memory_space<vmem_shared>>) dst(%arg9 : memref<128x64xf32, #tpu.memory_space<vmem>>)
        tpu.yield
      }) : () -> ()
      %add3A_107 = arith.constant 0 : i32
      %add3A_108 = arith.addi %mul3A_14, %add3A_107 : i32
      "tpu.region"() ({
        %run_scoped3A = tpu.sem_alloc : memref<!tpu.dma_semaphore, #tpu.memory_space<semaphore_mem>>
        %dma_start3A_127 = arith.constant 0 : i32
        %dma_start3A_128 = tpu.memref_slice %arg6[%add3A_108, %dma_start3A_127] : memref<10000x64xf32, #tpu.memory_space<hbm>> -> memref<128x64xf32, #tpu.memory_space<hbm>>
        %dma_start3A_129 = arith.constant 0 : i32
        %dma_start3A_130 = tpu.memref_slice %arg6[%add3A_108, %dma_start3A_129] : memref<10000x64xf32, #tpu.memory_space<hbm>> -> memref<128x64xf32, #tpu.memory_space<hbm>>
        tpu.enqueue_dma source(%arg9 : memref<128x64xf32, #tpu.memory_space<vmem>>) target(%dma_start3A_130 : memref<128x64xf32, #tpu.memory_space<hbm>>) target_semaphore(%run_scoped3A : memref<!tpu.dma_semaphore, #tpu.memory_space<semaphore_mem>>)
        %dma_wait3A_131 = arith.constant 0 : i32
        %dma_wait3A_132 = tpu.memref_slice %arg6[%add3A_108, %dma_wait3A_131] : memref<10000x64xf32, #tpu.memory_space<hbm>> -> memref<128x64xf32, #tpu.memory_space<hbm>>
        %dma_wait3A_133 = arith.constant 0 : i32
        %dma_wait3A_134 = tpu.memref_slice %arg6[%add3A_108, %dma_wait3A_133] : memref<10000x64xf32, #tpu.memory_space<hbm>> -> memref<128x64xf32, #tpu.memory_space<hbm>>
        tpu.wait_dma2 semaphore(%run_scoped3A : memref<!tpu.dma_semaphore, #tpu.memory_space<semaphore_mem>>) src(%arg9 : memref<128x64xf32, #tpu.memory_space<vmem>>) dst(%dma_wait3A_134 : memref<128x64xf32, #tpu.memory_space<hbm>>)
        tpu.yield
      }) : () -> ()
      %add3A_109 = arith.constant 128 : i32
      %add3A_110 = arith.addi %mul3A_14, %add3A_109 : i32
      "tpu.region"() ({
        %run_scoped3A = tpu.sem_alloc : memref<!tpu.dma_semaphore, #tpu.memory_space<semaphore_mem>>
        %dma_start3A_127 = arith.constant 0 : i32
        %dma_start3A_128 = tpu.memref_slice %arg13[%add3A_110, %dma_start3A_127] : memref<10240x64xf32, #tpu.memory_space<vmem_shared>> -> memref<128x64xf32, #tpu.memory_space<vmem_shared>>
        %dma_start3A_129 = arith.constant 0 : i32
        %dma_start3A_130 = tpu.memref_slice %arg13[%add3A_110, %dma_start3A_129] : memref<10240x64xf32, #tpu.memory_space<vmem_shared>> -> memref<128x64xf32, #tpu.memory_space<vmem_shared>>
        tpu.enqueue_dma source(%dma_start3A_130 : memref<128x64xf32, #tpu.memory_space<vmem_shared>>) target(%arg9 : memref<128x64xf32, #tpu.memory_space<vmem>>) target_semaphore(%run_scoped3A : memref<!tpu.dma_semaphore, #tpu.memory_space<semaphore_mem>>)
        %dma_wait3A_131 = arith.constant 0 : i32
        %dma_wait3A_132 = tpu.memref_slice %arg13[%add3A_110, %dma_wait3A_131] : memref<10240x64xf32, #tpu.memory_space<vmem_shared>> -> memref<128x64xf32, #tpu.memory_space<vmem_shared>>
        %dma_wait3A_133 = arith.constant 0 : i32
        %dma_wait3A_134 = tpu.memref_slice %arg13[%add3A_110, %dma_wait3A_133] : memref<10240x64xf32, #tpu.memory_space<vmem_shared>> -> memref<128x64xf32, #tpu.memory_space<vmem_shared>>
        tpu.wait_dma2 semaphore(%run_scoped3A : memref<!tpu.dma_semaphore, #tpu.memory_space<semaphore_mem>>) src(%dma_wait3A_134 : memref<128x64xf32, #tpu.memory_space<vmem_shared>>) dst(%arg9 : memref<128x64xf32, #tpu.memory_space<vmem>>)
        tpu.yield
      }) : () -> ()
      %add3A_111 = arith.constant 128 : i32
      %add3A_112 = arith.addi %mul3A_14, %add3A_111 : i32
      "tpu.region"() ({
        %run_scoped3A = tpu.sem_alloc : memref<!tpu.dma_semaphore, #tpu.memory_space<semaphore_mem>>
        %dma_start3A_127 = arith.constant 0 : i32
        %dma_start3A_128 = tpu.memref_slice %arg6[%add3A_112, %dma_start3A_127] : memref<10000x64xf32, #tpu.memory_space<hbm>> -> memref<128x64xf32, #tpu.memory_space<hbm>>
        %dma_start3A_129 = arith.constant 0 : i32
        %dma_start3A_130 = tpu.memref_slice %arg6[%add3A_112, %dma_start3A_129] : memref<10000x64xf32, #tpu.memory_space<hbm>> -> memref<128x64xf32, #tpu.memory_space<hbm>>
        tpu.enqueue_dma source(%arg9 : memref<128x64xf32, #tpu.memory_space<vmem>>) target(%dma_start3A_130 : memref<128x64xf32, #tpu.memory_space<hbm>>) target_semaphore(%run_scoped3A : memref<!tpu.dma_semaphore, #tpu.memory_space<semaphore_mem>>)
        %dma_wait3A_131 = arith.constant 0 : i32
        %dma_wait3A_132 = tpu.memref_slice %arg6[%add3A_112, %dma_wait3A_131] : memref<10000x64xf32, #tpu.memory_space<hbm>> -> memref<128x64xf32, #tpu.memory_space<hbm>>
        %dma_wait3A_133 = arith.constant 0 : i32
        %dma_wait3A_134 = tpu.memref_slice %arg6[%add3A_112, %dma_wait3A_133] : memref<10000x64xf32, #tpu.memory_space<hbm>> -> memref<128x64xf32, #tpu.memory_space<hbm>>
        tpu.wait_dma2 semaphore(%run_scoped3A : memref<!tpu.dma_semaphore, #tpu.memory_space<semaphore_mem>>) src(%arg9 : memref<128x64xf32, #tpu.memory_space<vmem>>) dst(%dma_wait3A_134 : memref<128x64xf32, #tpu.memory_space<hbm>>)
        tpu.yield
      }) : () -> ()
      %add3A_113 = arith.constant 256 : i32
      %add3A_114 = arith.addi %mul3A_14, %add3A_113 : i32
      "tpu.region"() ({
        %run_scoped3A = tpu.sem_alloc : memref<!tpu.dma_semaphore, #tpu.memory_space<semaphore_mem>>
        %dma_start3A_127 = arith.constant 0 : i32
        %dma_start3A_128 = tpu.memref_slice %arg13[%add3A_114, %dma_start3A_127] : memref<10240x64xf32, #tpu.memory_space<vmem_shared>> -> memref<128x64xf32, #tpu.memory_space<vmem_shared>>
        %dma_start3A_129 = arith.constant 0 : i32
        %dma_start3A_130 = tpu.memref_slice %arg13[%add3A_114, %dma_start3A_129] : memref<10240x64xf32, #tpu.memory_space<vmem_shared>> -> memref<128x64xf32, #tpu.memory_space<vmem_shared>>
        tpu.enqueue_dma source(%dma_start3A_130 : memref<128x64xf32, #tpu.memory_space<vmem_shared>>) target(%arg9 : memref<128x64xf32, #tpu.memory_space<vmem>>) target_semaphore(%run_scoped3A : memref<!tpu.dma_semaphore, #tpu.memory_space<semaphore_mem>>)
        %dma_wait3A_131 = arith.constant 0 : i32
        %dma_wait3A_132 = tpu.memref_slice %arg13[%add3A_114, %dma_wait3A_131] : memref<10240x64xf32, #tpu.memory_space<vmem_shared>> -> memref<128x64xf32, #tpu.memory_space<vmem_shared>>
        %dma_wait3A_133 = arith.constant 0 : i32
        %dma_wait3A_134 = tpu.memref_slice %arg13[%add3A_114, %dma_wait3A_133] : memref<10240x64xf32, #tpu.memory_space<vmem_shared>> -> memref<128x64xf32, #tpu.memory_space<vmem_shared>>
        tpu.wait_dma2 semaphore(%run_scoped3A : memref<!tpu.dma_semaphore, #tpu.memory_space<semaphore_mem>>) src(%dma_wait3A_134 : memref<128x64xf32, #tpu.memory_space<vmem_shared>>) dst(%arg9 : memref<128x64xf32, #tpu.memory_space<vmem>>)
        tpu.yield
      }) : () -> ()
      %add3A_115 = arith.constant 256 : i32
      %add3A_116 = arith.addi %mul3A_14, %add3A_115 : i32
      "tpu.region"() ({
        %run_scoped3A = tpu.sem_alloc : memref<!tpu.dma_semaphore, #tpu.memory_space<semaphore_mem>>
        %dma_start3A_127 = arith.constant 0 : i32
        %dma_start3A_128 = tpu.memref_slice %arg6[%add3A_116, %dma_start3A_127] : memref<10000x64xf32, #tpu.memory_space<hbm>> -> memref<128x64xf32, #tpu.memory_space<hbm>>
        %dma_start3A_129 = arith.constant 0 : i32
        %dma_start3A_130 = tpu.memref_slice %arg6[%add3A_116, %dma_start3A_129] : memref<10000x64xf32, #tpu.memory_space<hbm>> -> memref<128x64xf32, #tpu.memory_space<hbm>>
        tpu.enqueue_dma source(%arg9 : memref<128x64xf32, #tpu.memory_space<vmem>>) target(%dma_start3A_130 : memref<128x64xf32, #tpu.memory_space<hbm>>) target_semaphore(%run_scoped3A : memref<!tpu.dma_semaphore, #tpu.memory_space<semaphore_mem>>)
        %dma_wait3A_131 = arith.constant 0 : i32
        %dma_wait3A_132 = tpu.memref_slice %arg6[%add3A_116, %dma_wait3A_131] : memref<10000x64xf32, #tpu.memory_space<hbm>> -> memref<128x64xf32, #tpu.memory_space<hbm>>
        %dma_wait3A_133 = arith.constant 0 : i32
        %dma_wait3A_134 = tpu.memref_slice %arg6[%add3A_116, %dma_wait3A_133] : memref<10000x64xf32, #tpu.memory_space<hbm>> -> memref<128x64xf32, #tpu.memory_space<hbm>>
        tpu.wait_dma2 semaphore(%run_scoped3A : memref<!tpu.dma_semaphore, #tpu.memory_space<semaphore_mem>>) src(%arg9 : memref<128x64xf32, #tpu.memory_space<vmem>>) dst(%dma_wait3A_134 : memref<128x64xf32, #tpu.memory_space<hbm>>)
        tpu.yield
      }) : () -> ()
      %lt3A_117 = arith.constant 15 : i32
      %lt3A_118 = arith.cmpi slt, %arg1, %lt3A_117 : i32
      %convert_element_type3A_119 = arith.extui %lt3A_118 : i1 to i32
      %cond3A_120 = arith.constant 0 : i32
      %cond3A_121 = arith.cmpi ne, %convert_element_type3A_119, %cond3A_120 : i32
      scf.if %cond3A_121 {
        %add3A_127 = arith.constant 384 : i32
        %add3A_128 = arith.addi %mul3A_14, %add3A_127 : i32
        "tpu.region"() ({
          %run_scoped3A = tpu.sem_alloc : memref<!tpu.dma_semaphore, #tpu.memory_space<semaphore_mem>>
          %dma_start3A_135 = arith.constant 0 : i32
          %dma_start3A_136 = tpu.memref_slice %arg13[%add3A_128, %dma_start3A_135] : memref<10240x64xf32, #tpu.memory_space<vmem_shared>> -> memref<128x64xf32, #tpu.memory_space<vmem_shared>>
          %dma_start3A_137 = arith.constant 0 : i32
          %dma_start3A_138 = tpu.memref_slice %arg13[%add3A_128, %dma_start3A_137] : memref<10240x64xf32, #tpu.memory_space<vmem_shared>> -> memref<128x64xf32, #tpu.memory_space<vmem_shared>>
          tpu.enqueue_dma source(%dma_start3A_138 : memref<128x64xf32, #tpu.memory_space<vmem_shared>>) target(%arg9 : memref<128x64xf32, #tpu.memory_space<vmem>>) target_semaphore(%run_scoped3A : memref<!tpu.dma_semaphore, #tpu.memory_space<semaphore_mem>>)
          %dma_wait3A_139 = arith.constant 0 : i32
          %dma_wait3A_140 = tpu.memref_slice %arg13[%add3A_128, %dma_wait3A_139] : memref<10240x64xf32, #tpu.memory_space<vmem_shared>> -> memref<128x64xf32, #tpu.memory_space<vmem_shared>>
          %dma_wait3A_141 = arith.constant 0 : i32
          %dma_wait3A_142 = tpu.memref_slice %arg13[%add3A_128, %dma_wait3A_141] : memref<10240x64xf32, #tpu.memory_space<vmem_shared>> -> memref<128x64xf32, #tpu.memory_space<vmem_shared>>
          tpu.wait_dma2 semaphore(%run_scoped3A : memref<!tpu.dma_semaphore, #tpu.memory_space<semaphore_mem>>) src(%dma_wait3A_142 : memref<128x64xf32, #tpu.memory_space<vmem_shared>>) dst(%arg9 : memref<128x64xf32, #tpu.memory_space<vmem>>)
          tpu.yield
        }) : () -> ()
        %add3A_129 = arith.constant 384 : i32
        %add3A_130 = arith.addi %mul3A_14, %add3A_129 : i32
        "tpu.region"() ({
          %run_scoped3A = tpu.sem_alloc : memref<!tpu.dma_semaphore, #tpu.memory_space<semaphore_mem>>
          %dma_start3A_135 = arith.constant 0 : i32
          %dma_start3A_136 = tpu.memref_slice %arg6[%add3A_130, %dma_start3A_135] : memref<10000x64xf32, #tpu.memory_space<hbm>> -> memref<128x64xf32, #tpu.memory_space<hbm>>
          %dma_start3A_137 = arith.constant 0 : i32
          %dma_start3A_138 = tpu.memref_slice %arg6[%add3A_130, %dma_start3A_137] : memref<10000x64xf32, #tpu.memory_space<hbm>> -> memref<128x64xf32, #tpu.memory_space<hbm>>
          tpu.enqueue_dma source(%arg9 : memref<128x64xf32, #tpu.memory_space<vmem>>) target(%dma_start3A_138 : memref<128x64xf32, #tpu.memory_space<hbm>>) target_semaphore(%run_scoped3A : memref<!tpu.dma_semaphore, #tpu.memory_space<semaphore_mem>>)
          %dma_wait3A_139 = arith.constant 0 : i32
          %dma_wait3A_140 = tpu.memref_slice %arg6[%add3A_130, %dma_wait3A_139] : memref<10000x64xf32, #tpu.memory_space<hbm>> -> memref<128x64xf32, #tpu.memory_space<hbm>>
          %dma_wait3A_141 = arith.constant 0 : i32
          %dma_wait3A_142 = tpu.memref_slice %arg6[%add3A_130, %dma_wait3A_141] : memref<10000x64xf32, #tpu.memory_space<hbm>> -> memref<128x64xf32, #tpu.memory_space<hbm>>
          tpu.wait_dma2 semaphore(%run_scoped3A : memref<!tpu.dma_semaphore, #tpu.memory_space<semaphore_mem>>) src(%arg9 : memref<128x64xf32, #tpu.memory_space<vmem>>) dst(%dma_wait3A_142 : memref<128x64xf32, #tpu.memory_space<hbm>>)
          tpu.yield
        }) : () -> ()
        %add3A_131 = arith.constant 512 : i32
        %add3A_132 = arith.addi %mul3A_14, %add3A_131 : i32
        "tpu.region"() ({
          %run_scoped3A = tpu.sem_alloc : memref<!tpu.dma_semaphore, #tpu.memory_space<semaphore_mem>>
          %dma_start3A_135 = arith.constant 0 : i32
          %dma_start3A_136 = tpu.memref_slice %arg13[%add3A_132, %dma_start3A_135] : memref<10240x64xf32, #tpu.memory_space<vmem_shared>> -> memref<128x64xf32, #tpu.memory_space<vmem_shared>>
          %dma_start3A_137 = arith.constant 0 : i32
          %dma_start3A_138 = tpu.memref_slice %arg13[%add3A_132, %dma_start3A_137] : memref<10240x64xf32, #tpu.memory_space<vmem_shared>> -> memref<128x64xf32, #tpu.memory_space<vmem_shared>>
          tpu.enqueue_dma source(%dma_start3A_138 : memref<128x64xf32, #tpu.memory_space<vmem_shared>>) target(%arg9 : memref<128x64xf32, #tpu.memory_space<vmem>>) target_semaphore(%run_scoped3A : memref<!tpu.dma_semaphore, #tpu.memory_space<semaphore_mem>>)
          %dma_wait3A_139 = arith.constant 0 : i32
          %dma_wait3A_140 = tpu.memref_slice %arg13[%add3A_132, %dma_wait3A_139] : memref<10240x64xf32, #tpu.memory_space<vmem_shared>> -> memref<128x64xf32, #tpu.memory_space<vmem_shared>>
          %dma_wait3A_141 = arith.constant 0 : i32
          %dma_wait3A_142 = tpu.memref_slice %arg13[%add3A_132, %dma_wait3A_141] : memref<10240x64xf32, #tpu.memory_space<vmem_shared>> -> memref<128x64xf32, #tpu.memory_space<vmem_shared>>
          tpu.wait_dma2 semaphore(%run_scoped3A : memref<!tpu.dma_semaphore, #tpu.memory_space<semaphore_mem>>) src(%dma_wait3A_142 : memref<128x64xf32, #tpu.memory_space<vmem_shared>>) dst(%arg9 : memref<128x64xf32, #tpu.memory_space<vmem>>)
          tpu.yield
        }) : () -> ()
        %add3A_133 = arith.constant 512 : i32
        %add3A_134 = arith.addi %mul3A_14, %add3A_133 : i32
        "tpu.region"() ({
          %run_scoped3A = tpu.sem_alloc : memref<!tpu.dma_semaphore, #tpu.memory_space<semaphore_mem>>
          %dma_start3A_135 = arith.constant 0 : i32
          %dma_start3A_136 = tpu.memref_slice %arg6[%add3A_134, %dma_start3A_135] : memref<10000x64xf32, #tpu.memory_space<hbm>> -> memref<128x64xf32, #tpu.memory_space<hbm>>
          %dma_start3A_137 = arith.constant 0 : i32
          %dma_start3A_138 = tpu.memref_slice %arg6[%add3A_134, %dma_start3A_137] : memref<10000x64xf32, #tpu.memory_space<hbm>> -> memref<128x64xf32, #tpu.memory_space<hbm>>
          tpu.enqueue_dma source(%arg9 : memref<128x64xf32, #tpu.memory_space<vmem>>) target(%dma_start3A_138 : memref<128x64xf32, #tpu.memory_space<hbm>>) target_semaphore(%run_scoped3A : memref<!tpu.dma_semaphore, #tpu.memory_space<semaphore_mem>>)
          %dma_wait3A_139 = arith.constant 0 : i32
          %dma_wait3A_140 = tpu.memref_slice %arg6[%add3A_134, %dma_wait3A_139] : memref<10000x64xf32, #tpu.memory_space<hbm>> -> memref<128x64xf32, #tpu.memory_space<hbm>>
          %dma_wait3A_141 = arith.constant 0 : i32
          %dma_wait3A_142 = tpu.memref_slice %arg6[%add3A_134, %dma_wait3A_141] : memref<10000x64xf32, #tpu.memory_space<hbm>> -> memref<128x64xf32, #tpu.memory_space<hbm>>
          tpu.wait_dma2 semaphore(%run_scoped3A : memref<!tpu.dma_semaphore, #tpu.memory_space<semaphore_mem>>) src(%arg9 : memref<128x64xf32, #tpu.memory_space<vmem>>) dst(%dma_wait3A_142 : memref<128x64xf32, #tpu.memory_space<hbm>>)
          tpu.yield
        }) : () -> ()
      } else {
      }
      %eq3A_122 = arith.constant 15 : i32
      %eq3A_123 = arith.cmpi eq, %arg1, %eq3A_122 : i32
      %convert_element_type3A_124 = arith.extui %eq3A_123 : i1 to i32
      %cond3A_125 = arith.constant 0 : i32
      %cond3A_126 = arith.cmpi ne, %convert_element_type3A_124, %cond3A_125 : i32
      scf.if %cond3A_126 {
        %add3A_127 = arith.constant 384 : i32
        %add3A_128 = arith.addi %mul3A_14, %add3A_127 : i32
        "tpu.region"() ({
          %run_scoped3A = tpu.sem_alloc : memref<!tpu.dma_semaphore, #tpu.memory_space<semaphore_mem>>
          %dma_start3A_131 = arith.constant 0 : i32
          %dma_start3A_132 = arith.constant 0 : i32
          %dma_start3A_133 = tpu.memref_slice %arg9[%dma_start3A_131, %dma_start3A_132] : memref<128x64xf32, #tpu.memory_space<vmem>> -> memref<16x64xf32, #tpu.memory_space<vmem>>
          %dma_start3A_134 = arith.constant 0 : i32
          %dma_start3A_135 = tpu.memref_slice %arg13[%add3A_128, %dma_start3A_134] : memref<10240x64xf32, #tpu.memory_space<vmem_shared>> -> memref<16x64xf32, #tpu.memory_space<vmem_shared>>
          %dma_start3A_136 = arith.constant 0 : i32
          %dma_start3A_137 = arith.constant 0 : i32
          %dma_start3A_138 = tpu.memref_slice %arg9[%dma_start3A_136, %dma_start3A_137] : memref<128x64xf32, #tpu.memory_space<vmem>> -> memref<16x64xf32, #tpu.memory_space<vmem>>
          %dma_start3A_139 = arith.constant 0 : i32
          %dma_start3A_140 = tpu.memref_slice %arg13[%add3A_128, %dma_start3A_139] : memref<10240x64xf32, #tpu.memory_space<vmem_shared>> -> memref<16x64xf32, #tpu.memory_space<vmem_shared>>
          tpu.enqueue_dma source(%dma_start3A_140 : memref<16x64xf32, #tpu.memory_space<vmem_shared>>) target(%dma_start3A_138 : memref<16x64xf32, #tpu.memory_space<vmem>>) target_semaphore(%run_scoped3A : memref<!tpu.dma_semaphore, #tpu.memory_space<semaphore_mem>>)
          %dma_wait3A_141 = arith.constant 0 : i32
          %dma_wait3A_142 = arith.constant 0 : i32
          %dma_wait3A_143 = tpu.memref_slice %arg9[%dma_wait3A_141, %dma_wait3A_142] : memref<128x64xf32, #tpu.memory_space<vmem>> -> memref<16x64xf32, #tpu.memory_space<vmem>>
          %dma_wait3A_144 = arith.constant 0 : i32
          %dma_wait3A_145 = tpu.memref_slice %arg13[%add3A_128, %dma_wait3A_144] : memref<10240x64xf32, #tpu.memory_space<vmem_shared>> -> memref<16x64xf32, #tpu.memory_space<vmem_shared>>
          %dma_wait3A_146 = arith.constant 0 : i32
          %dma_wait3A_147 = arith.constant 0 : i32
          %dma_wait3A_148 = tpu.memref_slice %arg9[%dma_wait3A_146, %dma_wait3A_147] : memref<128x64xf32, #tpu.memory_space<vmem>> -> memref<16x64xf32, #tpu.memory_space<vmem>>
          %dma_wait3A_149 = arith.constant 0 : i32
          %dma_wait3A_150 = tpu.memref_slice %arg13[%add3A_128, %dma_wait3A_149] : memref<10240x64xf32, #tpu.memory_space<vmem_shared>> -> memref<16x64xf32, #tpu.memory_space<vmem_shared>>
          tpu.wait_dma2 semaphore(%run_scoped3A : memref<!tpu.dma_semaphore, #tpu.memory_space<semaphore_mem>>) src(%dma_wait3A_150 : memref<16x64xf32, #tpu.memory_space<vmem_shared>>) dst(%dma_wait3A_148 : memref<16x64xf32, #tpu.memory_space<vmem>>)
          tpu.yield
        }) : () -> ()
        %add3A_129 = arith.constant 384 : i32
        %add3A_130 = arith.addi %mul3A_14, %add3A_129 : i32
        "tpu.region"() ({
          %run_scoped3A = tpu.sem_alloc : memref<!tpu.dma_semaphore, #tpu.memory_space<semaphore_mem>>
          %dma_start3A_131 = arith.constant 0 : i32
          %dma_start3A_132 = arith.constant 0 : i32
          %dma_start3A_133 = tpu.memref_slice %arg9[%dma_start3A_131, %dma_start3A_132] : memref<128x64xf32, #tpu.memory_space<vmem>> -> memref<16x64xf32, #tpu.memory_space<vmem>>
          %dma_start3A_134 = arith.constant 0 : i32
          %dma_start3A_135 = tpu.memref_slice %arg6[%add3A_130, %dma_start3A_134] : memref<10000x64xf32, #tpu.memory_space<hbm>> -> memref<16x64xf32, #tpu.memory_space<hbm>>
          %dma_start3A_136 = arith.constant 0 : i32
          %dma_start3A_137 = tpu.memref_slice %arg6[%add3A_130, %dma_start3A_136] : memref<10000x64xf32, #tpu.memory_space<hbm>> -> memref<16x64xf32, #tpu.memory_space<hbm>>
          %dma_start3A_138 = arith.constant 0 : i32
          %dma_start3A_139 = arith.constant 0 : i32
          %dma_start3A_140 = tpu.memref_slice %arg9[%dma_start3A_138, %dma_start3A_139] : memref<128x64xf32, #tpu.memory_space<vmem>> -> memref<16x64xf32, #tpu.memory_space<vmem>>
          tpu.enqueue_dma source(%dma_start3A_140 : memref<16x64xf32, #tpu.memory_space<vmem>>) target(%dma_start3A_137 : memref<16x64xf32, #tpu.memory_space<hbm>>) target_semaphore(%run_scoped3A : memref<!tpu.dma_semaphore, #tpu.memory_space<semaphore_mem>>)
          %dma_wait3A_141 = arith.constant 0 : i32
          %dma_wait3A_142 = arith.constant 0 : i32
          %dma_wait3A_143 = tpu.memref_slice %arg9[%dma_wait3A_141, %dma_wait3A_142] : memref<128x64xf32, #tpu.memory_space<vmem>> -> memref<16x64xf32, #tpu.memory_space<vmem>>
          %dma_wait3A_144 = arith.constant 0 : i32
          %dma_wait3A_145 = tpu.memref_slice %arg6[%add3A_130, %dma_wait3A_144] : memref<10000x64xf32, #tpu.memory_space<hbm>> -> memref<16x64xf32, #tpu.memory_space<hbm>>
          %dma_wait3A_146 = arith.constant 0 : i32
          %dma_wait3A_147 = tpu.memref_slice %arg6[%add3A_130, %dma_wait3A_146] : memref<10000x64xf32, #tpu.memory_space<hbm>> -> memref<16x64xf32, #tpu.memory_space<hbm>>
          %dma_wait3A_148 = arith.constant 0 : i32
          %dma_wait3A_149 = arith.constant 0 : i32
          %dma_wait3A_150 = tpu.memref_slice %arg9[%dma_wait3A_148, %dma_wait3A_149] : memref<128x64xf32, #tpu.memory_space<vmem>> -> memref<16x64xf32, #tpu.memory_space<vmem>>
          tpu.wait_dma2 semaphore(%run_scoped3A : memref<!tpu.dma_semaphore, #tpu.memory_space<semaphore_mem>>) src(%dma_wait3A_150 : memref<16x64xf32, #tpu.memory_space<vmem>>) dst(%dma_wait3A_147 : memref<16x64xf32, #tpu.memory_space<hbm>>)
          tpu.yield
        }) : () -> ()
      } else {
      }
    } else {
    }
    return
  }
}

module attributes {stable_mosaic.version = 14 : i64} {
  func.func @_tc_enc_body(%arg0: i32, %arg1: memref<2000x128xf32, #tpu.memory_space<vmem>>, %arg2: memref<2000x64xf32, #tpu.memory_space<vmem>>, %arg3: memref<2000x2xf32, #tpu.memory_space<vmem>>, %arg4: memref<128x128xf32, #tpu.memory_space<vmem>>, %arg5: memref<128xf32, #tpu.memory_space<vmem>>, %arg6: memref<128xf32, #tpu.memory_space<vmem>>, %arg7: memref<128xf32, #tpu.memory_space<vmem>>, %arg8: memref<128x128xf32, #tpu.memory_space<vmem>>, %arg9: memref<128xf32, #tpu.memory_space<vmem>>, %arg10: memref<128xf32, #tpu.memory_space<vmem>>, %arg11: memref<128xf32, #tpu.memory_space<vmem>>, %arg12: memref<64x64xf32, #tpu.memory_space<vmem>>, %arg13: memref<64xf32, #tpu.memory_space<vmem>>, %arg14: memref<64x64xf32, #tpu.memory_space<vmem>>, %arg15: memref<64xf32, #tpu.memory_space<vmem>>, %arg16: memref<192x64xf32, #tpu.memory_space<vmem>>, %arg17: memref<192x64xf32, #tpu.memory_space<vmem>>, %arg18: memref<2000x192xf32, #tpu.memory_space<vmem>>, %arg19: memref<2x2000x64xf32, #tpu.memory_space<vmem>>, %arg20: memref<2000x2xf32, #tpu.memory_space<vmem>>) attributes {dimension_semantics = [#tpu.dimension_semantics<arbitrary>], iteration_bounds = array<i64: 5>, scalar_prefetch = 0 : i64, scratch_operands = 0 : i64, tpu.core_type = #tpu.core_type<tc>, window_params = [{transform_indices = @transform_0, window_bounds = array<i64: 2000, 128>}, {transform_indices = @transform_1, window_bounds = array<i64: 2000, 64>}, {transform_indices = @transform_2, window_bounds = array<i64: 2000, 2>}, {pipeline_mode = #tpu.pipeline_mode<synchronous>, transform_indices = @transform_3, window_bounds = array<i64: 128, 128>}, {pipeline_mode = #tpu.pipeline_mode<synchronous>, transform_indices = @transform_4, window_bounds = array<i64: 128>}, {pipeline_mode = #tpu.pipeline_mode<synchronous>, transform_indices = @transform_5, window_bounds = array<i64: 128>}, {pipeline_mode = #tpu.pipeline_mode<synchronous>, transform_indices = @transform_6, window_bounds = array<i64: 128>}, {pipeline_mode = #tpu.pipeline_mode<synchronous>, transform_indices = @transform_7, window_bounds = array<i64: 128, 128>}, {pipeline_mode = #tpu.pipeline_mode<synchronous>, transform_indices = @transform_8, window_bounds = array<i64: 128>}, {pipeline_mode = #tpu.pipeline_mode<synchronous>, transform_indices = @transform_9, window_bounds = array<i64: 128>}, {pipeline_mode = #tpu.pipeline_mode<synchronous>, transform_indices = @transform_10, window_bounds = array<i64: 128>}, {pipeline_mode = #tpu.pipeline_mode<synchronous>, transform_indices = @transform_11, window_bounds = array<i64: 64, 64>}, {pipeline_mode = #tpu.pipeline_mode<synchronous>, transform_indices = @transform_12, window_bounds = array<i64: 64>}, {pipeline_mode = #tpu.pipeline_mode<synchronous>, transform_indices = @transform_13, window_bounds = array<i64: 64, 64>}, {pipeline_mode = #tpu.pipeline_mode<synchronous>, transform_indices = @transform_14, window_bounds = array<i64: 64>}, {pipeline_mode = #tpu.pipeline_mode<synchronous>, transform_indices = @transform_15, window_bounds = array<i64: 192, 64>}, {pipeline_mode = #tpu.pipeline_mode<synchronous>, transform_indices = @transform_16, window_bounds = array<i64: 192, 64>}, {transform_indices = @transform_17, window_bounds = array<i64: 2000, 192>}, {transform_indices = @transform_18, window_bounds = array<i64: 2, 2000, 64>}, {transform_indices = @transform_19, window_bounds = array<i64: 2000, 2>}]} {
    %get3A = arith.constant 0 : index
    %get3A_0 = arith.constant 0 : index
    %get3A_1 = vector.load %arg1[%get3A, %get3A_0] : memref<2000x128xf32, #tpu.memory_space<vmem>>, vector<2000x128xf32>
    %get3A_2 = arith.constant 0 : index
    %get3A_3 = arith.constant 0 : index
    %get3A_4 = vector.load %arg4[%get3A_2, %get3A_3] : memref<128x128xf32, #tpu.memory_space<vmem>>, vector<128x128xf32>
    %dot_general3A = arith.constant dense<0.000000e+00> : vector<2000x128xf32>
    %dot_general3A_5 = tpu.matmul %get3A_1, %get3A_4, %dot_general3A {dimension_numbers = #tpu.dot_dimension_numbers<[1], [0], [0], [1], [0, 0, 1, 1], [], []>, transpose_lhs_hint = false} : vector<2000x128xf32>, vector<128x128xf32>, vector<2000x128xf32> -> vector<2000x128xf32>
    %get3A_6 = arith.constant 0 : index
    %get3A_7 = vector.load %arg5[%get3A_6] : memref<128xf32, #tpu.memory_space<vmem>>, vector<128xf32>
    %broadcast_in_dim3A = vector.shape_cast %get3A_7 : vector<128xf32> to vector<1x128xf32>
    %add3A = vector.broadcast %broadcast_in_dim3A : vector<1x128xf32> to vector<2000x128xf32>
    %add3A_8 = arith.addf %dot_general3A_5, %add3A : vector<2000x128xf32>
    %get3A_9 = arith.constant 0 : index
    %get3A_10 = vector.load %arg6[%get3A_9] : memref<128xf32, #tpu.memory_space<vmem>>, vector<128xf32>
    %mul3A = arith.constant 0.999994993 : f32
    %mul3A_11 = vector.broadcast %mul3A : f32 to vector<128xf32>
    %mul3A_12 = arith.mulf %get3A_10, %mul3A_11 : vector<128xf32>
    %broadcast_in_dim3A_13 = vector.shape_cast %mul3A_12 : vector<128xf32> to vector<1x128xf32>
    %mul3A_14 = vector.broadcast %broadcast_in_dim3A_13 : vector<1x128xf32> to vector<2000x128xf32>
    %mul3A_15 = arith.mulf %add3A_8, %mul3A_14 : vector<2000x128xf32>
    %get3A_16 = arith.constant 0 : index
    %get3A_17 = vector.load %arg7[%get3A_16] : memref<128xf32, #tpu.memory_space<vmem>>, vector<128xf32>
    %broadcast_in_dim3A_18 = vector.shape_cast %get3A_17 : vector<128xf32> to vector<1x128xf32>
    %add3A_19 = vector.broadcast %broadcast_in_dim3A_18 : vector<1x128xf32> to vector<2000x128xf32>
    %add3A_20 = arith.addf %mul3A_15, %add3A_19 : vector<2000x128xf32>
    %max3A = arith.constant 0.000000e+00 : f32
    %max3A_21 = vector.broadcast %max3A : f32 to vector<2000x128xf32>
    %max3A_22 = arith.maximumf %add3A_20, %max3A_21 : vector<2000x128xf32>
    %get3A_23 = arith.constant 0 : index
    %get3A_24 = arith.constant 0 : index
    %get3A_25 = vector.load %arg8[%get3A_23, %get3A_24] : memref<128x128xf32, #tpu.memory_space<vmem>>, vector<128x128xf32>
    %dot_general3A_26 = arith.constant dense<0.000000e+00> : vector<2000x128xf32>
    %dot_general3A_27 = tpu.matmul %max3A_22, %get3A_25, %dot_general3A_26 {dimension_numbers = #tpu.dot_dimension_numbers<[1], [0], [0], [1], [0, 0, 1, 1], [], []>, transpose_lhs_hint = false} : vector<2000x128xf32>, vector<128x128xf32>, vector<2000x128xf32> -> vector<2000x128xf32>
    %get3A_28 = arith.constant 0 : index
    %get3A_29 = vector.load %arg9[%get3A_28] : memref<128xf32, #tpu.memory_space<vmem>>, vector<128xf32>
    %broadcast_in_dim3A_30 = vector.shape_cast %get3A_29 : vector<128xf32> to vector<1x128xf32>
    %add3A_31 = vector.broadcast %broadcast_in_dim3A_30 : vector<1x128xf32> to vector<2000x128xf32>
    %add3A_32 = arith.addf %dot_general3A_27, %add3A_31 : vector<2000x128xf32>
    %get3A_33 = arith.constant 0 : index
    %get3A_34 = vector.load %arg10[%get3A_33] : memref<128xf32, #tpu.memory_space<vmem>>, vector<128xf32>
    %mul3A_35 = arith.constant 0.999994993 : f32
    %mul3A_36 = vector.broadcast %mul3A_35 : f32 to vector<128xf32>
    %mul3A_37 = arith.mulf %get3A_34, %mul3A_36 : vector<128xf32>
    %broadcast_in_dim3A_38 = vector.shape_cast %mul3A_37 : vector<128xf32> to vector<1x128xf32>
    %mul3A_39 = vector.broadcast %broadcast_in_dim3A_38 : vector<1x128xf32> to vector<2000x128xf32>
    %mul3A_40 = arith.mulf %add3A_32, %mul3A_39 : vector<2000x128xf32>
    %get3A_41 = arith.constant 0 : index
    %get3A_42 = vector.load %arg11[%get3A_41] : memref<128xf32, #tpu.memory_space<vmem>>, vector<128xf32>
    %broadcast_in_dim3A_43 = vector.shape_cast %get3A_42 : vector<128xf32> to vector<1x128xf32>
    %add3A_44 = vector.broadcast %broadcast_in_dim3A_43 : vector<1x128xf32> to vector<2000x128xf32>
    %add3A_45 = arith.addf %mul3A_40, %add3A_44 : vector<2000x128xf32>
    %max3A_46 = arith.constant 0.000000e+00 : f32
    %max3A_47 = vector.broadcast %max3A_46 : f32 to vector<2000x128xf32>
    %max3A_48 = arith.maximumf %add3A_45, %max3A_47 : vector<2000x128xf32>
    %get3A_49 = arith.constant 0 : index
    %get3A_50 = arith.constant 0 : index
    %get3A_51 = vector.load %arg2[%get3A_49, %get3A_50] : memref<2000x64xf32, #tpu.memory_space<vmem>>, vector<2000x64xf32>
    %get3A_52 = arith.constant 0 : index
    %get3A_53 = arith.constant 0 : index
    %get3A_54 = vector.load %arg12[%get3A_52, %get3A_53] : memref<64x64xf32, #tpu.memory_space<vmem>>, vector<64x64xf32>
    %dot_general3A_55 = arith.constant dense<0.000000e+00> : vector<2000x64xf32>
    %dot_general3A_56 = tpu.matmul %get3A_51, %get3A_54, %dot_general3A_55 {dimension_numbers = #tpu.dot_dimension_numbers<[1], [0], [0], [1], [0, 0, 1, 1], [], []>, transpose_lhs_hint = false} : vector<2000x64xf32>, vector<64x64xf32>, vector<2000x64xf32> -> vector<2000x64xf32>
    %get3A_57 = arith.constant 0 : index
    %get3A_58 = vector.load %arg13[%get3A_57] : memref<64xf32, #tpu.memory_space<vmem>>, vector<64xf32>
    %broadcast_in_dim3A_59 = vector.shape_cast %get3A_58 : vector<64xf32> to vector<1x64xf32>
    %add3A_60 = vector.broadcast %broadcast_in_dim3A_59 : vector<1x64xf32> to vector<2000x64xf32>
    %add3A_61 = arith.addf %dot_general3A_56, %add3A_60 : vector<2000x64xf32>
    %max3A_62 = arith.constant 0.000000e+00 : f32
    %max3A_63 = vector.broadcast %max3A_62 : f32 to vector<2000x64xf32>
    %max3A_64 = arith.maximumf %add3A_61, %max3A_63 : vector<2000x64xf32>
    %get3A_65 = arith.constant 0 : index
    %get3A_66 = arith.constant 0 : index
    %get3A_67 = vector.load %arg14[%get3A_65, %get3A_66] : memref<64x64xf32, #tpu.memory_space<vmem>>, vector<64x64xf32>
    %dot_general3A_68 = arith.constant dense<0.000000e+00> : vector<2000x64xf32>
    %dot_general3A_69 = tpu.matmul %max3A_64, %get3A_67, %dot_general3A_68 {dimension_numbers = #tpu.dot_dimension_numbers<[1], [0], [0], [1], [0, 0, 1, 1], [], []>, transpose_lhs_hint = false} : vector<2000x64xf32>, vector<64x64xf32>, vector<2000x64xf32> -> vector<2000x64xf32>
    %get3A_70 = arith.constant 0 : index
    %get3A_71 = vector.load %arg15[%get3A_70] : memref<64xf32, #tpu.memory_space<vmem>>, vector<64xf32>
    %broadcast_in_dim3A_72 = vector.shape_cast %get3A_71 : vector<64xf32> to vector<1x64xf32>
    %add3A_73 = vector.broadcast %broadcast_in_dim3A_72 : vector<1x64xf32> to vector<2000x64xf32>
    %add3A_74 = arith.addf %dot_general3A_69, %add3A_73 : vector<2000x64xf32>
    %concatenate3A = tpu.concatenate %max3A_48, %add3A_74 in 1 : vector<2000x128xf32>, vector<2000x64xf32> -> vector<2000x192xf32>
    %swap3A = arith.constant 0 : index
    %swap3A_75 = arith.constant 0 : index
    %swap3A_76 = vector.load %arg18[%swap3A, %swap3A_75] : memref<2000x192xf32, #tpu.memory_space<vmem>>, vector<2000x192xf32>
    tpu.vector_store %arg18[%swap3A, %swap3A_75], %concatenate3A {strides = array<i32>} : memref<2000x192xf32, #tpu.memory_space<vmem>>, vector<2000x192xf32>,
    %get3A_77 = arith.constant 0 : index
    %get3A_78 = arith.constant 0 : index
    %get3A_79 = vector.load %arg3[%get3A_77, %get3A_78] : memref<2000x2xf32, #tpu.memory_space<vmem>>, vector<2000x2xf32>
    %add3A_80 = arith.constant 1.000000e+00 : f32
    %add3A_81 = vector.broadcast %add3A_80 : f32 to vector<2000x2xf32>
    %add3A_82 = arith.addf %get3A_79, %add3A_81 : vector<2000x2xf32>
    %rsqrt3A = math.rsqrt %add3A_82 : vector<2000x2xf32>
    %swap3A_83 = arith.constant 0 : index
    %swap3A_84 = arith.constant 0 : index
    %swap3A_85 = vector.load %arg20[%swap3A_83, %swap3A_84] : memref<2000x2xf32, #tpu.memory_space<vmem>>, vector<2000x2xf32>
    tpu.vector_store %arg20[%swap3A_83, %swap3A_84], %rsqrt3A {strides = array<i32>} : memref<2000x2xf32, #tpu.memory_space<vmem>>, vector<2000x2xf32>,
    %get3A_86 = arith.constant 0 : index
    %get3A_87 = arith.constant 0 : index
    %get3A_88 = vector.load %arg16[%get3A_86, %get3A_87] : memref<192x64xf32, #tpu.memory_space<vmem>>, vector<192x64xf32>
    %dot_general3A_89 = arith.constant dense<0.000000e+00> : vector<2000x64xf32>
    %dot_general3A_90 = tpu.matmul %concatenate3A, %get3A_88, %dot_general3A_89 {dimension_numbers = #tpu.dot_dimension_numbers<[1], [0], [0], [1], [0, 0, 1, 1], [], []>, transpose_lhs_hint = false} : vector<2000x192xf32>, vector<192x64xf32>, vector<2000x64xf32> -> vector<2000x64xf32>
    %slice3A = vector.extract_strided_slice %rsqrt3A {offsets = [0, 0], sizes = [2000, 1], strides = [1, 1]} : vector<2000x2xf32> to vector<2000x1xf32>
    %mul3A_91 = vector.broadcast %slice3A : vector<2000x1xf32> to vector<2000x64xf32>
    %mul3A_92 = arith.mulf %dot_general3A_90, %mul3A_91 : vector<2000x64xf32>
    %swap3A_93 = arith.constant 0 : index
    %swap3A_94 = arith.constant 0 : index
    %swap3A_95 = arith.constant 0 : index
    %swap3A_96 = vector.load %arg19[%swap3A_93, %swap3A_94, %swap3A_95] : memref<2x2000x64xf32, #tpu.memory_space<vmem>>, vector<1x2000x64xf32>
    %swap3A_97 = vector.shape_cast %swap3A_96 : vector<1x2000x64xf32> to vector<2000x64xf32>
    %swap3A_98 = vector.shape_cast %mul3A_92 : vector<2000x64xf32> to vector<1x2000x64xf32>
    tpu.vector_store %arg19[%swap3A_93, %swap3A_94, %swap3A_95], %swap3A_98 {strides = array<i32>} : memref<2x2000x64xf32, #tpu.memory_space<vmem>>, vector<1x2000x64xf32>,
    %get3A_99 = arith.constant 0 : index
    %get3A_100 = arith.constant 0 : index
    %get3A_101 = vector.load %arg17[%get3A_99, %get3A_100] : memref<192x64xf32, #tpu.memory_space<vmem>>, vector<192x64xf32>
    %dot_general3A_102 = arith.constant dense<0.000000e+00> : vector<2000x64xf32>
    %dot_general3A_103 = tpu.matmul %concatenate3A, %get3A_101, %dot_general3A_102 {dimension_numbers = #tpu.dot_dimension_numbers<[1], [0], [0], [1], [0, 0, 1, 1], [], []>, transpose_lhs_hint = false} : vector<2000x192xf32>, vector<192x64xf32>, vector<2000x64xf32> -> vector<2000x64xf32>
    %slice3A_104 = vector.extract_strided_slice %rsqrt3A {offsets = [0, 1], sizes = [2000, 1], strides = [1, 1]} : vector<2000x2xf32> to vector<2000x1xf32>
    %mul3A_105 = vector.broadcast %slice3A_104 : vector<2000x1xf32> to vector<2000x64xf32>
    %mul3A_106 = arith.mulf %dot_general3A_103, %mul3A_105 : vector<2000x64xf32>
    %swap3A_107 = arith.constant 1 : index
    %swap3A_108 = arith.constant 0 : index
    %swap3A_109 = arith.constant 0 : index
    %swap3A_110 = vector.load %arg19[%swap3A_107, %swap3A_108, %swap3A_109] : memref<2x2000x64xf32, #tpu.memory_space<vmem>>, vector<1x2000x64xf32>
    %swap3A_111 = vector.shape_cast %swap3A_110 : vector<1x2000x64xf32> to vector<2000x64xf32>
    %swap3A_112 = vector.shape_cast %mul3A_106 : vector<2000x64xf32> to vector<1x2000x64xf32>
    tpu.vector_store %arg19[%swap3A_107, %swap3A_108, %swap3A_109], %swap3A_112 {strides = array<i32>} : memref<2x2000x64xf32, #tpu.memory_space<vmem>>, vector<1x2000x64xf32>,
    return
  }
  func.func @transform_0(%arg0: i32) -> (i32, i32) {
    %c0_i32 = arith.constant 0 : i32
    %c0_i32_0 = arith.constant 0 : i32
    return %arg0, %c0_i32 : i32, i32
  }
  func.func @transform_1(%arg0: i32) -> (i32, i32) {
    %c0_i32 = arith.constant 0 : i32
    %c0_i32_0 = arith.constant 0 : i32
    return %arg0, %c0_i32 : i32, i32
  }
  func.func @transform_2(%arg0: i32) -> (i32, i32) {
    %c0_i32 = arith.constant 0 : i32
    %c0_i32_0 = arith.constant 0 : i32
    return %arg0, %c0_i32 : i32, i32
  }
  func.func @transform_3(%arg0: i32) -> (i32, i32) {
    %c0_i32 = arith.constant 0 : i32
    %c0_i32_0 = arith.constant 0 : i32
    %c0_i32_1 = arith.constant 0 : i32
    return %c0_i32, %c0_i32_0 : i32, i32
  }
  func.func @transform_4(%arg0: i32) -> i32 {
    %c0_i32 = arith.constant 0 : i32
    %c0_i32_0 = arith.constant 0 : i32
    return %c0_i32 : i32
  }
  func.func @transform_5(%arg0: i32) -> i32 {
    %c0_i32 = arith.constant 0 : i32
    %c0_i32_0 = arith.constant 0 : i32
    return %c0_i32 : i32
  }
  func.func @transform_6(%arg0: i32) -> i32 {
    %c0_i32 = arith.constant 0 : i32
    %c0_i32_0 = arith.constant 0 : i32
    return %c0_i32 : i32
  }
  func.func @transform_7(%arg0: i32) -> (i32, i32) {
    %c0_i32 = arith.constant 0 : i32
    %c0_i32_0 = arith.constant 0 : i32
    %c0_i32_1 = arith.constant 0 : i32
    return %c0_i32, %c0_i32_0 : i32, i32
  }
  func.func @transform_8(%arg0: i32) -> i32 {
    %c0_i32 = arith.constant 0 : i32
    %c0_i32_0 = arith.constant 0 : i32
    return %c0_i32 : i32
  }
  func.func @transform_9(%arg0: i32) -> i32 {
    %c0_i32 = arith.constant 0 : i32
    %c0_i32_0 = arith.constant 0 : i32
    return %c0_i32 : i32
  }
  func.func @transform_10(%arg0: i32) -> i32 {
    %c0_i32 = arith.constant 0 : i32
    %c0_i32_0 = arith.constant 0 : i32
    return %c0_i32 : i32
  }
  func.func @transform_11(%arg0: i32) -> (i32, i32) {
    %c0_i32 = arith.constant 0 : i32
    %c0_i32_0 = arith.constant 0 : i32
    %c0_i32_1 = arith.constant 0 : i32
    return %c0_i32, %c0_i32_0 : i32, i32
  }
  func.func @transform_12(%arg0: i32) -> i32 {
    %c0_i32 = arith.constant 0 : i32
    %c0_i32_0 = arith.constant 0 : i32
    return %c0_i32 : i32
  }
  func.func @transform_13(%arg0: i32) -> (i32, i32) {
    %c0_i32 = arith.constant 0 : i32
    %c0_i32_0 = arith.constant 0 : i32
    %c0_i32_1 = arith.constant 0 : i32
    return %c0_i32, %c0_i32_0 : i32, i32
  }
  func.func @transform_14(%arg0: i32) -> i32 {
    %c0_i32 = arith.constant 0 : i32
    %c0_i32_0 = arith.constant 0 : i32
    return %c0_i32 : i32
  }
  func.func @transform_15(%arg0: i32) -> (i32, i32) {
    %c0_i32 = arith.constant 0 : i32
    %c0_i32_0 = arith.constant 0 : i32
    %c0_i32_1 = arith.constant 0 : i32
    return %c0_i32, %c0_i32_0 : i32, i32
  }
  func.func @transform_16(%arg0: i32) -> (i32, i32) {
    %c0_i32 = arith.constant 0 : i32
    %c0_i32_0 = arith.constant 0 : i32
    %c0_i32_1 = arith.constant 0 : i32
    return %c0_i32, %c0_i32_0 : i32, i32
  }
  func.func @transform_17(%arg0: i32) -> (i32, i32) {
    %c0_i32 = arith.constant 0 : i32
    %c0_i32_0 = arith.constant 0 : i32
    return %arg0, %c0_i32 : i32, i32
  }
  func.func @transform_18(%arg0: i32) -> (i32, i32, i32) {
    %c0_i32 = arith.constant 0 : i32
    %c0_i32_0 = arith.constant 0 : i32
    %c0_i32_1 = arith.constant 0 : i32
    return %c0_i32, %arg0, %c0_i32_0 : i32, i32, i32
  }
  func.func @transform_19(%arg0: i32) -> (i32, i32) {
    %c0_i32 = arith.constant 0 : i32
    %c0_i32_0 = arith.constant 0 : i32
    return %arg0, %c0_i32 : i32, i32
  }
}

module attributes {stable_mosaic.version = 14 : i64} {
  func.func @_tc_post_body(%arg0: i32, %arg1: memref<2000x64xf32, #tpu.memory_space<vmem>>, %arg2: memref<2000x64xf32, #tpu.memory_space<vmem>>, %arg3: memref<1x2000x64xf32, #tpu.memory_space<vmem>>, %arg4: memref<1x2000x64xf32, #tpu.memory_space<vmem>>, %arg5: memref<2000x192xf32, #tpu.memory_space<vmem>>, %arg6: memref<2000x2xf32, #tpu.memory_space<vmem>>, %arg7: memref<64xf32, #tpu.memory_space<vmem>>, %arg8: memref<64xf32, #tpu.memory_space<vmem>>, %arg9: memref<128x64xf32, #tpu.memory_space<vmem>>, %arg10: memref<64xf32, #tpu.memory_space<vmem>>, %arg11: memref<256x128xf32, #tpu.memory_space<vmem>>, %arg12: memref<128xf32, #tpu.memory_space<vmem>>, %arg13: memref<128xf32, #tpu.memory_space<vmem>>, %arg14: memref<128xf32, #tpu.memory_space<vmem>>, %arg15: memref<128x64xf32, #tpu.memory_space<vmem>>, %arg16: memref<64xf32, #tpu.memory_space<vmem>>, %arg17: memref<64x64xf32, #tpu.memory_space<vmem>>, %arg18: memref<64xf32, #tpu.memory_space<vmem>>, %arg19: memref<2000x64xf32, #tpu.memory_space<vmem>>, %arg20: memref<2000x64xf32, #tpu.memory_space<vmem>>) attributes {dimension_semantics = [#tpu.dimension_semantics<arbitrary>], iteration_bounds = array<i64: 5>, scalar_prefetch = 0 : i64, scratch_operands = 0 : i64, tpu.core_type = #tpu.core_type<tc>, window_params = [{transform_indices = @transform_0, window_bounds = array<i64: 2000, 64>}, {transform_indices = @transform_1, window_bounds = array<i64: 2000, 64>}, {transform_indices = @transform_2, window_bounds = array<i64: 1, 2000, 64>}, {transform_indices = @transform_3, window_bounds = array<i64: 1, 2000, 64>}, {transform_indices = @transform_4, window_bounds = array<i64: 2000, 192>}, {transform_indices = @transform_5, window_bounds = array<i64: 2000, 2>}, {pipeline_mode = #tpu.pipeline_mode<synchronous>, transform_indices = @transform_6, window_bounds = array<i64: 64>}, {pipeline_mode = #tpu.pipeline_mode<synchronous>, transform_indices = @transform_7, window_bounds = array<i64: 64>}, {pipeline_mode = #tpu.pipeline_mode<synchronous>, transform_indices = @transform_8, window_bounds = array<i64: 128, 64>}, {pipeline_mode = #tpu.pipeline_mode<synchronous>, transform_indices = @transform_9, window_bounds = array<i64: 64>}, {pipeline_mode = #tpu.pipeline_mode<synchronous>, transform_indices = @transform_10, window_bounds = array<i64: 256, 128>}, {pipeline_mode = #tpu.pipeline_mode<synchronous>, transform_indices = @transform_11, window_bounds = array<i64: 128>}, {pipeline_mode = #tpu.pipeline_mode<synchronous>, transform_indices = @transform_12, window_bounds = array<i64: 128>}, {pipeline_mode = #tpu.pipeline_mode<synchronous>, transform_indices = @transform_13, window_bounds = array<i64: 128>}, {pipeline_mode = #tpu.pipeline_mode<synchronous>, transform_indices = @transform_14, window_bounds = array<i64: 128, 64>}, {pipeline_mode = #tpu.pipeline_mode<synchronous>, transform_indices = @transform_15, window_bounds = array<i64: 64>}, {pipeline_mode = #tpu.pipeline_mode<synchronous>, transform_indices = @transform_16, window_bounds = array<i64: 64, 64>}, {pipeline_mode = #tpu.pipeline_mode<synchronous>, transform_indices = @transform_17, window_bounds = array<i64: 64>}, {transform_indices = @transform_18, window_bounds = array<i64: 2000, 64>}, {transform_indices = @transform_19, window_bounds = array<i64: 2000, 64>}]} {
    %get3A = arith.constant 0 : index
    %get3A_0 = arith.constant 0 : index
    %get3A_1 = vector.load %arg6[%get3A, %get3A_0] : memref<2000x2xf32, #tpu.memory_space<vmem>>, vector<2000x2xf32>
    %slice3A = vector.extract_strided_slice %get3A_1 {offsets = [0, 0], sizes = [2000, 1], strides = [1, 1]} : vector<2000x2xf32> to vector<2000x1xf32>
    %get3A_2 = arith.constant 0 : index
    %get3A_3 = arith.constant 0 : index
    %get3A_4 = vector.load %arg1[%get3A_2, %get3A_3] : memref<2000x64xf32, #tpu.memory_space<vmem>>, vector<2000x64xf32>
    %get3A_5 = arith.constant 0 : index
    %get3A_6 = arith.constant 0 : index
    %get3A_7 = arith.constant 0 : index
    %get3A_8 = vector.load %arg3[%get3A_5, %get3A_6, %get3A_7] : memref<1x2000x64xf32, #tpu.memory_space<vmem>>, vector<1x2000x64xf32>
    %get3A_9 = vector.shape_cast %get3A_8 : vector<1x2000x64xf32> to vector<2000x64xf32>
    %add3A = arith.addf %get3A_4, %get3A_9 : vector<2000x64xf32>
    %mul3A = vector.broadcast %slice3A : vector<2000x1xf32> to vector<2000x64xf32>
    %mul3A_10 = arith.mulf %mul3A, %add3A : vector<2000x64xf32>
    %get3A_11 = arith.constant 0 : index
    %get3A_12 = vector.load %arg7[%get3A_11] : memref<64xf32, #tpu.memory_space<vmem>>, vector<64xf32>
    %broadcast_in_dim3A = vector.shape_cast %get3A_12 : vector<64xf32> to vector<1x64xf32>
    %add3A_13 = vector.broadcast %broadcast_in_dim3A : vector<1x64xf32> to vector<2000x64xf32>
    %add3A_14 = arith.addf %mul3A_10, %add3A_13 : vector<2000x64xf32>
    %max3A = arith.constant 0.000000e+00 : f32
    %max3A_15 = vector.broadcast %max3A : f32 to vector<2000x64xf32>
    %max3A_16 = arith.maximumf %add3A_14, %max3A_15 : vector<2000x64xf32>
    %slice3A_17 = vector.extract_strided_slice %get3A_1 {offsets = [0, 1], sizes = [2000, 1], strides = [1, 1]} : vector<2000x2xf32> to vector<2000x1xf32>
    %get3A_18 = arith.constant 0 : index
    %get3A_19 = arith.constant 0 : index
    %get3A_20 = vector.load %arg2[%get3A_18, %get3A_19] : memref<2000x64xf32, #tpu.memory_space<vmem>>, vector<2000x64xf32>
    %get3A_21 = arith.constant 0 : index
    %get3A_22 = arith.constant 0 : index
    %get3A_23 = arith.constant 0 : index
    %get3A_24 = vector.load %arg4[%get3A_21, %get3A_22, %get3A_23] : memref<1x2000x64xf32, #tpu.memory_space<vmem>>, vector<1x2000x64xf32>
    %get3A_25 = vector.shape_cast %get3A_24 : vector<1x2000x64xf32> to vector<2000x64xf32>
    %add3A_26 = arith.addf %get3A_20, %get3A_25 : vector<2000x64xf32>
    %mul3A_27 = vector.broadcast %slice3A_17 : vector<2000x1xf32> to vector<2000x64xf32>
    %mul3A_28 = arith.mulf %mul3A_27, %add3A_26 : vector<2000x64xf32>
    %get3A_29 = arith.constant 0 : index
    %get3A_30 = vector.load %arg8[%get3A_29] : memref<64xf32, #tpu.memory_space<vmem>>, vector<64xf32>
    %broadcast_in_dim3A_31 = vector.shape_cast %get3A_30 : vector<64xf32> to vector<1x64xf32>
    %add3A_32 = vector.broadcast %broadcast_in_dim3A_31 : vector<1x64xf32> to vector<2000x64xf32>
    %add3A_33 = arith.addf %mul3A_28, %add3A_32 : vector<2000x64xf32>
    %max3A_34 = arith.constant 0.000000e+00 : f32
    %max3A_35 = vector.broadcast %max3A_34 : f32 to vector<2000x64xf32>
    %max3A_36 = arith.maximumf %add3A_33, %max3A_35 : vector<2000x64xf32>
    %concatenate3A = tpu.concatenate %max3A_16, %max3A_36 in 1 : vector<2000x64xf32>, vector<2000x64xf32> -> vector<2000x128xf32>
    %get3A_37 = arith.constant 0 : index
    %get3A_38 = arith.constant 0 : index
    %get3A_39 = vector.load %arg9[%get3A_37, %get3A_38] : memref<128x64xf32, #tpu.memory_space<vmem>>, vector<128x64xf32>
    %dot_general3A = arith.constant dense<0.000000e+00> : vector<2000x64xf32>
    %dot_general3A_40 = tpu.matmul %concatenate3A, %get3A_39, %dot_general3A {dimension_numbers = #tpu.dot_dimension_numbers<[1], [0], [0], [1], [0, 0, 1, 1], [], []>, transpose_lhs_hint = false} : vector<2000x128xf32>, vector<128x64xf32>, vector<2000x64xf32> -> vector<2000x64xf32>
    %get3A_41 = arith.constant 0 : index
    %get3A_42 = vector.load %arg10[%get3A_41] : memref<64xf32, #tpu.memory_space<vmem>>, vector<64xf32>
    %broadcast_in_dim3A_43 = vector.shape_cast %get3A_42 : vector<64xf32> to vector<1x64xf32>
    %add3A_44 = vector.broadcast %broadcast_in_dim3A_43 : vector<1x64xf32> to vector<2000x64xf32>
    %add3A_45 = arith.addf %dot_general3A_40, %add3A_44 : vector<2000x64xf32>
    %max3A_46 = arith.constant 0.000000e+00 : f32
    %max3A_47 = vector.broadcast %max3A_46 : f32 to vector<2000x64xf32>
    %max3A_48 = arith.maximumf %add3A_45, %max3A_47 : vector<2000x64xf32>
    %swap3A = arith.constant 0 : index
    %swap3A_49 = arith.constant 0 : index
    %swap3A_50 = vector.load %arg20[%swap3A, %swap3A_49] : memref<2000x64xf32, #tpu.memory_space<vmem>>, vector<2000x64xf32>
    tpu.vector_store %arg20[%swap3A, %swap3A_49], %max3A_48 {strides = array<i32>} : memref<2000x64xf32, #tpu.memory_space<vmem>>, vector<2000x64xf32>,
    %get3A_51 = arith.constant 0 : index
    %get3A_52 = arith.constant 0 : index
    %get3A_53 = vector.load %arg5[%get3A_51, %get3A_52] : memref<2000x192xf32, #tpu.memory_space<vmem>>, vector<2000x192xf32>
    %concatenate3A_54 = tpu.concatenate %max3A_48, %get3A_53 in 1 : vector<2000x64xf32>, vector<2000x192xf32> -> vector<2000x256xf32>
    %get3A_55 = arith.constant 0 : index
    %get3A_56 = arith.constant 0 : index
    %get3A_57 = vector.load %arg11[%get3A_55, %get3A_56] : memref<256x128xf32, #tpu.memory_space<vmem>>, vector<256x128xf32>
    %dot_general3A_58 = arith.constant dense<0.000000e+00> : vector<2000x128xf32>
    %dot_general3A_59 = tpu.matmul %concatenate3A_54, %get3A_57, %dot_general3A_58 {dimension_numbers = #tpu.dot_dimension_numbers<[1], [0], [0], [1], [0, 0, 1, 1], [], []>, transpose_lhs_hint = false} : vector<2000x256xf32>, vector<256x128xf32>, vector<2000x128xf32> -> vector<2000x128xf32>
    %get3A_60 = arith.constant 0 : index
    %get3A_61 = vector.load %arg12[%get3A_60] : memref<128xf32, #tpu.memory_space<vmem>>, vector<128xf32>
    %broadcast_in_dim3A_62 = vector.shape_cast %get3A_61 : vector<128xf32> to vector<1x128xf32>
    %add3A_63 = vector.broadcast %broadcast_in_dim3A_62 : vector<1x128xf32> to vector<2000x128xf32>
    %add3A_64 = arith.addf %dot_general3A_59, %add3A_63 : vector<2000x128xf32>
    %get3A_65 = arith.constant 0 : index
    %get3A_66 = vector.load %arg13[%get3A_65] : memref<128xf32, #tpu.memory_space<vmem>>, vector<128xf32>
    %mul3A_67 = arith.constant 0.999994993 : f32
    %mul3A_68 = vector.broadcast %mul3A_67 : f32 to vector<128xf32>
    %mul3A_69 = arith.mulf %get3A_66, %mul3A_68 : vector<128xf32>
    %broadcast_in_dim3A_70 = vector.shape_cast %mul3A_69 : vector<128xf32> to vector<1x128xf32>
    %mul3A_71 = vector.broadcast %broadcast_in_dim3A_70 : vector<1x128xf32> to vector<2000x128xf32>
    %mul3A_72 = arith.mulf %add3A_64, %mul3A_71 : vector<2000x128xf32>
    %get3A_73 = arith.constant 0 : index
    %get3A_74 = vector.load %arg14[%get3A_73] : memref<128xf32, #tpu.memory_space<vmem>>, vector<128xf32>
    %broadcast_in_dim3A_75 = vector.shape_cast %get3A_74 : vector<128xf32> to vector<1x128xf32>
    %add3A_76 = vector.broadcast %broadcast_in_dim3A_75 : vector<1x128xf32> to vector<2000x128xf32>
    %add3A_77 = arith.addf %mul3A_72, %add3A_76 : vector<2000x128xf32>
    %max3A_78 = arith.constant 0.000000e+00 : f32
    %max3A_79 = vector.broadcast %max3A_78 : f32 to vector<2000x128xf32>
    %max3A_80 = arith.maximumf %add3A_77, %max3A_79 : vector<2000x128xf32>
    %get3A_81 = arith.constant 0 : index
    %get3A_82 = arith.constant 0 : index
    %get3A_83 = vector.load %arg15[%get3A_81, %get3A_82] : memref<128x64xf32, #tpu.memory_space<vmem>>, vector<128x64xf32>
    %dot_general3A_84 = arith.constant dense<0.000000e+00> : vector<2000x64xf32>
    %dot_general3A_85 = tpu.matmul %max3A_80, %get3A_83, %dot_general3A_84 {dimension_numbers = #tpu.dot_dimension_numbers<[1], [0], [0], [1], [0, 0, 1, 1], [], []>, transpose_lhs_hint = false} : vector<2000x128xf32>, vector<128x64xf32>, vector<2000x64xf32> -> vector<2000x64xf32>
    %get3A_86 = arith.constant 0 : index
    %get3A_87 = vector.load %arg16[%get3A_86] : memref<64xf32, #tpu.memory_space<vmem>>, vector<64xf32>
    %broadcast_in_dim3A_88 = vector.shape_cast %get3A_87 : vector<64xf32> to vector<1x64xf32>
    %add3A_89 = vector.broadcast %broadcast_in_dim3A_88 : vector<1x64xf32> to vector<2000x64xf32>
    %add3A_90 = arith.addf %dot_general3A_85, %add3A_89 : vector<2000x64xf32>
    %max3A_91 = arith.constant 0.000000e+00 : f32
    %max3A_92 = vector.broadcast %max3A_91 : f32 to vector<2000x64xf32>
    %max3A_93 = arith.maximumf %add3A_90, %max3A_92 : vector<2000x64xf32>
    %get3A_94 = arith.constant 0 : index
    %get3A_95 = arith.constant 0 : index
    %get3A_96 = vector.load %arg17[%get3A_94, %get3A_95] : memref<64x64xf32, #tpu.memory_space<vmem>>, vector<64x64xf32>
    %dot_general3A_97 = arith.constant dense<0.000000e+00> : vector<2000x64xf32>
    %dot_general3A_98 = tpu.matmul %max3A_93, %get3A_96, %dot_general3A_97 {dimension_numbers = #tpu.dot_dimension_numbers<[1], [0], [0], [1], [0, 0, 1, 1], [], []>, transpose_lhs_hint = false} : vector<2000x64xf32>, vector<64x64xf32>, vector<2000x64xf32> -> vector<2000x64xf32>
    %get3A_99 = arith.constant 0 : index
    %get3A_100 = vector.load %arg18[%get3A_99] : memref<64xf32, #tpu.memory_space<vmem>>, vector<64xf32>
    %broadcast_in_dim3A_101 = vector.shape_cast %get3A_100 : vector<64xf32> to vector<1x64xf32>
    %add3A_102 = vector.broadcast %broadcast_in_dim3A_101 : vector<1x64xf32> to vector<2000x64xf32>
    %add3A_103 = arith.addf %dot_general3A_98, %add3A_102 : vector<2000x64xf32>
    %swap3A_104 = arith.constant 0 : index
    %swap3A_105 = arith.constant 0 : index
    %swap3A_106 = vector.load %arg19[%swap3A_104, %swap3A_105] : memref<2000x64xf32, #tpu.memory_space<vmem>>, vector<2000x64xf32>
    tpu.vector_store %arg19[%swap3A_104, %swap3A_105], %add3A_103 {strides = array<i32>} : memref<2000x64xf32, #tpu.memory_space<vmem>>, vector<2000x64xf32>,
    return
  }
  func.func @transform_0(%arg0: i32) -> (i32, i32) {
    %c0_i32 = arith.constant 0 : i32
    %c0_i32_0 = arith.constant 0 : i32
    return %arg0, %c0_i32 : i32, i32
  }
  func.func @transform_1(%arg0: i32) -> (i32, i32) {
    %c0_i32 = arith.constant 0 : i32
    %c0_i32_0 = arith.constant 0 : i32
    return %arg0, %c0_i32 : i32, i32
  }
  func.func @transform_2(%arg0: i32) -> (i32, i32, i32) {
    %c0_i32 = arith.constant 0 : i32
    %c0_i32_0 = arith.constant 0 : i32
    %c0_i32_1 = arith.constant 0 : i32
    return %c0_i32, %arg0, %c0_i32_0 : i32, i32, i32
  }
  func.func @transform_3(%arg0: i32) -> (i32, i32, i32) {
    %c1_i32 = arith.constant 1 : i32
    %c0_i32 = arith.constant 0 : i32
    %c0_i32_0 = arith.constant 0 : i32
    return %c1_i32, %arg0, %c0_i32 : i32, i32, i32
  }
  func.func @transform_4(%arg0: i32) -> (i32, i32) {
    %c0_i32 = arith.constant 0 : i32
    %c0_i32_0 = arith.constant 0 : i32
    return %arg0, %c0_i32 : i32, i32
  }
  func.func @transform_5(%arg0: i32) -> (i32, i32) {
    %c0_i32 = arith.constant 0 : i32
    %c0_i32_0 = arith.constant 0 : i32
    return %arg0, %c0_i32 : i32, i32
  }
  func.func @transform_6(%arg0: i32) -> i32 {
    %c0_i32 = arith.constant 0 : i32
    %c0_i32_0 = arith.constant 0 : i32
    return %c0_i32 : i32
  }
  func.func @transform_7(%arg0: i32) -> i32 {
    %c0_i32 = arith.constant 0 : i32
    %c0_i32_0 = arith.constant 0 : i32
    return %c0_i32 : i32
  }
  func.func @transform_8(%arg0: i32) -> (i32, i32) {
    %c0_i32 = arith.constant 0 : i32
    %c0_i32_0 = arith.constant 0 : i32
    %c0_i32_1 = arith.constant 0 : i32
    return %c0_i32, %c0_i32_0 : i32, i32
  }
  func.func @transform_9(%arg0: i32) -> i32 {
    %c0_i32 = arith.constant 0 : i32
    %c0_i32_0 = arith.constant 0 : i32
    return %c0_i32 : i32
  }
  func.func @transform_10(%arg0: i32) -> (i32, i32) {
    %c0_i32 = arith.constant 0 : i32
    %c0_i32_0 = arith.constant 0 : i32
    %c0_i32_1 = arith.constant 0 : i32
    return %c0_i32, %c0_i32_0 : i32, i32
  }
  func.func @transform_11(%arg0: i32) -> i32 {
    %c0_i32 = arith.constant 0 : i32
    %c0_i32_0 = arith.constant 0 : i32
    return %c0_i32 : i32
  }
  func.func @transform_12(%arg0: i32) -> i32 {
    %c0_i32 = arith.constant 0 : i32
    %c0_i32_0 = arith.constant 0 : i32
    return %c0_i32 : i32
  }
  func.func @transform_13(%arg0: i32) -> i32 {
    %c0_i32 = arith.constant 0 : i32
    %c0_i32_0 = arith.constant 0 : i32
    return %c0_i32 : i32
  }
  func.func @transform_14(%arg0: i32) -> (i32, i32) {
    %c0_i32 = arith.constant 0 : i32
    %c0_i32_0 = arith.constant 0 : i32
    %c0_i32_1 = arith.constant 0 : i32
    return %c0_i32, %c0_i32_0 : i32, i32
  }
  func.func @transform_15(%arg0: i32) -> i32 {
    %c0_i32 = arith.constant 0 : i32
    %c0_i32_0 = arith.constant 0 : i32
    return %c0_i32 : i32
  }
  func.func @transform_16(%arg0: i32) -> (i32, i32) {
    %c0_i32 = arith.constant 0 : i32
    %c0_i32_0 = arith.constant 0 : i32
    %c0_i32_1 = arith.constant 0 : i32
    return %c0_i32, %c0_i32_0 : i32, i32
  }
  func.func @transform_17(%arg0: i32) -> i32 {
    %c0_i32 = arith.constant 0 : i32
    %c0_i32_0 = arith.constant 0 : i32
    return %c0_i32 : i32
  }
  func.func @transform_18(%arg0: i32) -> (i32, i32) {
    %c0_i32 = arith.constant 0 : i32
    %c0_i32_0 = arith.constant 0 : i32
    return %arg0, %c0_i32 : i32, i32
  }
  func.func @transform_19(%arg0: i32) -> (i32, i32) {
    %c0_i32 = arith.constant 0 : i32
    %c0_i32_0 = arith.constant 0 : i32
    return %arg0, %c0_i32 : i32, i32
  }
}

</mosaic_0001>

<sc_bundles>
// kernel: kernel.6.cloned.1.call-start
scs
__scs_entry_jumppad:
0x0: {  	(pc) =	sbr.rel $0x88, $3  }
0x1: {  	(tag) =	ssettag $0x0;
	lr =	simm.s32 $0x1  }
0x2: {  	[smem:$0x3F83] =	sst lr;
	_ =	strace $0xD0000000  }
0x3: {  	_ = 	snop  }
0x4: {  	_ = 	snop  }
0x5: {  	_ = 	snop  }
0x6: {  	_ = 	snop  }
0x7: {  	_ = 	snop  }
__scs_overlays_trampoline_lowered:
0x8: {  	[smem:$0x3F92] =	sst s0  }
0x9: {  	[smem:$0x3F93] =	sst s1  }
0xa: {  	[smem:$0x3F94] =	sst s2  }
0xb: {  	[smem:$0x3F95] =	sst s3  }
0xc: {  	[smem:$0x3F96] =	sst s4  }
0xd: {  	[smem:$0x3F97] =	sst s5  }
0xe: {  	[smem:$0x3F98] =	sst s6  }
0xf: {  	[smem:$0x3F99] =	sst s7  }
0x10: {  	[smem:$0x3F9A] =	sst s8  }
0x11: {  	[smem:$0x3F9B] =	sst s9;
	s0 =	simm.s32 @!p0 $0x0  }
0x12: {  	s1 =	sld [smem:$0x3F81];
	s0 =	simm.s32 @p0 $0x1  }
0x13: {  	[smem:$0x3F9C] =	sst s0;
	s0 =	simm.s32 @!p1 $0x0  }
0x14: {  	s2 =	sld [smem:$0x3F80];
	s0 =	simm.s32 @p1 $0x1  }
0x15: {  	[smem:$0x3F9D] =	sst s0;
	s0 =	simm.s32 @!p2 $0x0  }
0x16: {  	s3 =	sld [smem:$0x3FDB];
	s0 =	simm.s32 @p2 $0x1  }
0x17: {  	s4 =	simm.s32 $0x1BF5;
	[smem:$0x3F9F] =	sst s0  }
0x18: {  	s0 =	sld [smem:$0x3F82];
	_ =	swait.ge [sflag:s4], $0x0  }
0x19: {  	s7 =	sld [smem:$0x3F83]  }
0x1a: {  	s8 =	sadd.s32 $0xFFFFE003, lr  }
0x1b: {  	s9 =	sadd.s32 $0xFFFFFEF7, lr;
	s5 =	simm.s32 $0xFFFFFFFF;
	p2 =	slt.u32 s8, $0xFFFFF086  }
0x1c: {  	p1 =	slt.u32 s9, $0xF7A;
	s5 =	simm.s32 @!p2 $0x0  }
0x1d: {  	s5 =	simm.s32 @p1 $0x1;
	p0 =	seq.s32 s7, s2  }
0x1e: {  	s7 =	smul.u32 @!p0 $0xF7A, s2;
	p2 =	seq.s32 @!p0 s5, $0x0  }
0x1f: {  	s9 =	smul.u32 $0xF7A, s1;
	s8 =	simm.s32 @!p0 $0x1BF5;
	p2 =	por !p2, p0  }
0x20: {  	[sflag:s8] =	ssyncset.s32 @!p0 $0xFFFFF086;
	s6 =	sadd.s32 @!p0 s3, s7;
	s7 =	simm.s32 @!p0 $0x108  }
0x21: {  	s3 =	sadd.s32 s3, s9;
	s6 =	sadd.s32 @!p0 $0x88, s6;
	s7 =	simm.s32 @p2 $0x1082  }
0x22: {  	[simem:s7], [sflag:s8] =	dma.local @!p0 [hbm:s6], $0xF7A  }
0x23: {  	s9 =	sor.u32 $0xD0000000, s2;
	s6 =	simm.s32 $0x108;
	_ =	swait.ge @!p0 [sflag:s8], $0x0  }
0x24: {  	s3 =	sadd.s32 $0x88, s3;
	s6 =	simm.s32 @!p1 $0x1082;
	[sflag:s4] =	ssyncset.s32 $0xFFFFF086  }
0x25: {  	[simem:s6], [sflag:s4] =	dma.local [hbm:s3], $0xF7A  }
0x26: {  	[smem:$0x3F83] =	sst s1;
	(tag) =	ssettag s2;
	_ =	strace s9  }
0x27: {  	s1 =	sld [smem:$0x3F93]  }
0x28: {  	s2 =	sld [smem:$0x3F94]  }
0x29: {  	s4 =	sld [smem:$0x3F96]  }
0x2a: {  	p0 =	seq.s32 s5, $0x0;
	s5 =	sld [smem:$0x3F97]  }
0x2b: {  	s6 =	sld [smem:$0x3F98]  }
0x2c: {  	s7 =	sld [smem:$0x3F99]  }
0x2d: {  	s3 =	simm.s32 $0x108;
	s8 =	sld [smem:$0x3F9A]  }
0x2e: {  	s3 =	simm.s32 @!p0 $0x1082;
	s9 =	sld [smem:$0x3F9B]  }
0x2f: {  	lr =	sadd.s32 s0, s3;
	s0 =	sld [smem:$0x3F92]  }
0x30: {  	s3 =	sld [smem:$0x3F95]  }
0x31: {  	[smem:$0x3F9E] =	sst s10  }
0x32: {  	s10 =	sld [smem:$0x3F9C];
	_ =	sdelay $0x3  }
0x33: {  	p0 =	seq.s32 s10, $0x1;
	s10 =	sld [smem:$0x3F9E];
	_ =	sdelay $0x3  }
0x34: {  	[smem:$0x3F9E] =	sst s10  }
0x35: {  	s10 =	sld [smem:$0x3F9D];
	_ =	sdelay $0x3  }
0x36: {  	p1 =	seq.s32 s10, $0x1;
	s10 =	sld [smem:$0x3F9E];
	_ =	sdelay $0x3  }
0x37: {  	[smem:$0x3F9E] =	sst s10  }
0x38: {  	s10 =	sld [smem:$0x3F9F]  }
0x39: {  	_ = 	snop;
	(pc) =	sbr.ind lr, $3  }
0x3a: {  	_ = 	snop  }
0x3b: {  	_ = 	snop  }
0x3c: {  	p2 =	seq.s32 s10, $0x1;
	s10 =	sld [smem:$0x3F9E]  }
0x3d: {  	_ =	shalt  }
0x3e: {  	_ =	shalt  }
0x3f: {  	_ =	shalt  }
0x40: {  	_ =	shalt  }
0x41: {  	_ =	shalt  }
0x42: {  	_ =	shalt  }
0x43: {  	_ =	shalt  }
0x44: {  	_ =	shalt  }
0x45: {  	_ =	shalt  }
0x46: {  	_ =	shalt  }
0x47: {  	_ =	shalt  }
0x48: {  	_ =	shalt  }
0x49: {  	_ =	shalt  }
0x4a: {  	_ =	shalt  }
0x4b: {  	_ =	shalt  }
0x4c: {  	_ =	shalt  }
0x4d: {  	_ =	shalt  }
0x4e: {  	_ =	shalt  }
0x4f: {  	_ =	shalt  }
0x50: {  	_ =	shalt  }
0x51: {  	_ =	shalt  }
0x52: {  	_ =	shalt  }
0x53: {  	_ =	shalt  }
0x54: {  	_ =	shalt  }
0x55: {  	_ =	shalt  }
0x56: {  	_ =	shalt  }
0x57: {  	_ =	shalt  }
0x58: {  	_ =	shalt  }
0x59: {  	_ =	shalt  }
0x5a: {  	_ =	shalt  }
0x5b: {  	_ =	shalt  }
0x5c: {  	_ =	shalt  }
0x5d: {  	_ =	shalt  }
0x5e: {  	_ =	shalt  }
0x5f: {  	_ =	shalt  }
0x60: {  	_ =	shalt  }
0x61: {  	_ =	shalt  }
0x62: {  	_ =	shalt  }
0x63: {  	_ =	shalt  }
0x64: {  	_ =	shalt  }
0x65: {  	_ =	shalt  }
0x66: {  	_ =	shalt  }
0x67: {  	_ =	shalt  }
0x68: {  	_ =	shalt  }
0x69: {  	_ =	shalt  }
0x6a: {  	_ =	shalt  }
0x6b: {  	_ =	shalt  }
0x6c: {  	_ =	shalt  }
0x6d: {  	_ =	shalt  }
0x6e: {  	_ =	shalt  }
0x6f: {  	_ =	shalt  }
0x70: {  	_ =	shalt  }
0x71: {  	_ =	shalt  }
0x72: {  	_ =	shalt  }
0x73: {  	_ =	shalt  }
0x74: {  	_ =	shalt  }
0x75: {  	_ =	shalt  }
0x76: {  	_ =	shalt  }
0x77: {  	_ =	shalt  }
0x78: {  	_ =	shalt  }
0x79: {  	_ =	shalt  }
0x7a: {  	_ =	shalt  }
0x7b: {  	_ =	shalt  }
0x7c: {  	_ =	shalt  }
0x7d: {  	_ =	shalt  }
0x7e: {  	_ =	shalt  }
0x7f: {  	_ =	shalt  }
0x80: {  	_ =	shalt  }
0x81: {  	_ =	shalt  }
0x82: {  	_ =	shalt  }
0x83: {  	_ =	shalt  }
0x84: {  	_ =	shalt  }
0x85: {  	_ =	shalt  }
0x86: {  	_ =	shalt  }
0x87: {  	_ =	shalt  }
.Lfunc_end0:
.L_simem_size_0:
called_computation_lowered:
.L_overlay_start_0:
0x88: {  	s2 =	sld [smem:$0x3FD9]  }
0x89: {  	s3 =	sld [smem:$0x3FFE];
	_ =	sdelay $0x1  }
0x8a: {  	s1 =	srdreg.scid  }
0x8b: {  	s0 =	sand.u32 $0x1, s1  }
0x8c: {  	s14 =	sshll.u32 s0, $0xA;
	s2 =	sadd.s32 s3, s2  }
0x8d: {  	s2 =	sadd.s32 s2, s14  }
0x8e: {  	[smem:$0x3FAA] =	sst s2  }
0x8f: {  	_ = 	snop  }
0x90: {  	s2 =	sld [smem:$0x3FD0];
	_ =	sdelay $0x2  }
0x91: {  	s15 =	simm.s32 $0xA;
	s4 =	simm.s32 $0x10  }
0x92: {  	[smem:s4], [sflag:s15] =	dma.local [hbm:s2], $0x1  }
0x93: {  	_ =	swait.eq [sflag:s15], $0x1  }
0x94: {  	[sflag:s15] =	ssyncset.done $0x0  }
0x95: {  	s16 =	sld [smem:$0x10];
	[sflag:s15] =	ssyncadd.s32 $0xFFFFFFFF  }
0x96: {  	s17 =	sld [smem:$0x11];
	(tm) =	ssettm $0x1  }
0x97: {  	s18 =	sld [smem:$0x3FFB];
	_ =	sdelay $0x3  }
0x98: {  	_ =	strace s18  }
0x99: {  	s4 =	sld [smem:$0x3FFC];
	_ =	sdelay $0x3  }
0x9a: {  	_ =	strace s4  }
0x9b: {  	s4 =	sld [smem:$0x3FFD];
	_ =	sdelay $0x3  }
0x9c: {  	_ =	strace s4  }
0x9d: {  	_ =	strace $0x8FFFFFFF  }
0x9e: {  	s19 =	sld [smem:$0x3FDB];
	_ =	sdelay $0x1  }
0x9f: {  	s5 =	simm.s32 $_scs_section_size  }
0xa0: {  	s6 =	simm.s32 $_size__tile_overlayer_lowered;
	s7 =	simm.s32 $_tile_overlayer_lowered  }
0xa1: {  	s22 =	simm.s32 $0x1BFF;
	s21 =	sshll.u32 s7, $0x1;
	s4 =	sadd.s32 s5, s19  }
0xa2: {  	s8 =	simm.s32 $0x0;
	s20 =	sshll.u32 s6, $0x1;
	s6 =	sadd.s32 s21, s4  }
0xa3: {  	[timem:s8], [sflag:s22] =	dma.local [hbm:s6], s20  }
0xa4: {  	_ =	swait.ge [sflag:s22], s20  }
0xa5: {  	s5 =	ssub.s32 $0x0, s20;
	[sflag:s22] =	ssyncset.done $0x0  }
0xa6: {  	[sflag:s22] =	ssyncadd.s32 s5;
	_ =	sdelay $0x1  }
0xa7: {  	s23 =	simm.s32 $0x1B8B  }
0xa8: {  	_ =	swait.ge [sflag:s23], $0x1  }
0xa9: {  	[sflag:s23] =	ssyncset.done $0x0  }
0xaa: {  	s25 =	simm.s32 $0x1B8E;
	s24 =	sld [smem:$0x3FFE];
	[sflag:s23] =	ssyncadd.s32 $0xFFFFFFFF  }
0xab: {  	s26 =	simm.s32 $execute0_lowered;
	[smem:$0x3FD2] =	sst s25  }
0xac: {  	s6 =	sshll.u32 s26, $0x1;
	_ =	strace $0x80000046;
	[dreg:$0x1] =	wrdreg $0xFFFFFFFF  }
0xad: {  	s28 =	simm.s32 $_size_execute0_lowered;
	s4 =	sadd.s32 s4, s6;
	[dreg:$0x0] =	wrdreg $0x0  }
0xae: {  	s6 =	sshll.u32 s28, $0x1;
	[dreg:$0x2] =	wrdreg s4  }
0xaf: {  	[dreg:$0x3] =	wrdreg s6  }
0xb0: {  	[dreg:$0x4] =	wrdreg $0xC0  }
0xb1: {  	_ =	task [dreg:s8], $0x5FFFF  }
0xb2: {  	[dreg:$0x1] =	wrdreg $0xFFFFFFFF  }
0xb3: {  	[dreg:$0x0] =	wrdreg $0x60  }
0xb4: {  	[dreg:$0x2] =	wrdreg s16  }
0xb5: {  	[dreg:$0x3] =	wrdreg s17  }
0xb6: {  	[dreg:$0x4] =	wrdreg s24  }
0xb7: {  	[dreg:$0x5] =	wrdreg $0xA2800  }
0xb8: {  	[dreg:$0x6] =	wrdreg $0x9  }
0xb9: {  	_ =	task.clear_ibuf [dreg:s8], $0x7FFFF;
	_ =	strace $0x90000046  }
0xba: {  	s29 =	simm.s32 $0x9;
	_ =	strace $0x80000048  }
0xbb: {  	_ =	swait.ge [sflag:s29], $0x1  }
0xbc: {  	[sflag:s29] =	ssyncadd.s32 $0xFFFFFFFF  }
0xbd: {  	_ =	strace $0x90000048  }
0xbe: {  	_ =	sfence  }
0xbf: {  	s30 =	sld [smem:$0x0];
	_ =	sdelay $0x2  }
0xc0: {  	s31 =	sshll.u32 s1, $0xD;
	s1 =	sshrl.u32 s1, $0x2  }
0xc1: {  	s3 =	sand.u32 $0x4000, s31;
	s1 =	sadd.s32 s1, s30  }
0xc2: {  	s0 =	sor.u32 s3, s0;
	s1 =	sshll.u32 s1, $0x11  }
0xc3: {  	s0 =	sor.u32 s1, s0  }
0xc4: {  	s0 =	sadd.s32 $0x8F2B, s0  }
0xc5: {  	[sflag:s0] =	ssyncadd.remote.s32 $0x1  }
0xc6: {  	_ =	sfence.sel $0xFFFF  }
0xc7: {  	[dreg:$0x0] =	wrdreg $0xFFFFFFFF;
	(pc) =	sbr.abs _section_cstart, $3  }
0xc8: {  	[dreg:$0x1] =	wrdreg $0xFFFFFFFF  }
0xc9: {  	_ =	task.clear_ibuf [dreg:s8], $0x2FFFF;
	_ =	strace $0x9FFFFFFF  }
0xca: {  	(tm) =	ssettm $0x7FFFFFFF  }
0xcb: {  	_ =	shalt  }
tec
execute0_lowered:
.L_overlay_start_1:
0x0: {  	(tag) =	ssettag $0x1  }
0x1: {  	s0 =	rddreg [dreg:$0x0]  }
0x2: {  	s1 =	rddreg [dreg:$0x1]  }
0x3: {  	s3 =	rddreg [dreg:$0x2]  }
0x4: {  	s2 =	srdreg.scid;
	s10 =	stileid.u32  }
0x5: {  	s4 =	rddreg [dreg:$0x3];
	s5 =	sand.u32 $0x1, s2;
	s6 =	smul.u32 $0x500, s10  }
0x6: {  	s2 =	simm.s32 $0x0;
	s9 =	smul.u32 $0x5000, s10;
	p0 =	seq.s32 s10, $0xF  }
0x7: {  	s24 =	sshrl.u32 s10, $0x3;
	s11 =	sshll.u32 s10, $0x7;
	s7 =	sshll.u32 s5, $0x7  }
0x8: {  	[smem:$0x7FF] =	sst s2;
	s22 =	ssub.s32 $0x2, s5;
	p3 =	seq.s32 s5, $0x1  }
0x9: {  	s26 =	smul.u32 $0x50000, s24;
	s6 =	sor.u32 s7, s6;
	s23 =	sshrl.u32 s9, $0x3  }
0xa: {  	s8 =	sshrl.u32 s22, $0x1;
	s6 =	sshrl.u32 s6, $0x3;
	s7 =	sadd.s32 $0x9C80, s23  }
0xb: {  	_ =	strace $0x80000047;
	s3 =	sadd.s32 s6, s3;
	s25 =	sadd.s32 s0, s7  }
0xc: {  	s6 =	ssub.s32 s22, s8;
	s0 =	sadd.s32 $0x13280, s0;
	[dreg:$0x6] =	wrdreg s25  }
0xd: {  	s8 =	simm.s32 $0x68;
	s7 =	sadd.s32 s1, s7;
	[dreg:$0x7] =	wrdreg s0  }
0xe: {  	s12 =	sshrl.u32 s26, $0x2;
	s8 =	simm.s32 @!p0 $0xA0;
	[dreg:$0x8] =	wrdreg s7  }
0xf: {  	s0 =	sand.u32 $0x380, s11;
	s5 =	smax.u32 s6, $0x1;
	[dreg:$0x5] =	wrdreg s8  }
0x10: {  	s8 =	sadd.s32 $0x13280, s1;
	s1 =	sadd.s32 s12, s4;
	[dreg:$0x1a] =	wrdreg s5  }
0x11: {  	s13 =	sshrl.u32 s9, $0x2;
	[dreg:$0x9] =	wrdreg s8;
	s0 =	sadd.s32 s0, s1  }
0x12: {  	s8 =	sadd.s32 s13, s4;
	s4 =	sadd.s32 $0x5800, s3;
	[dreg:$0xa] =	wrdreg s0  }
0x13: {  	s14 =	sadd.s32 $0x80, s8;
	[dreg:$0x19] =	wrdreg s4  }
0x14: {  	s15 =	sadd.s32 $0x100, s8;
	[dreg:$0xb] =	wrdreg s14  }
0x15: {  	s16 =	sadd.s32 $0x180, s8;
	[dreg:$0xc] =	wrdreg s15  }
0x16: {  	s17 =	sadd.s32 $0x200, s8;
	[dreg:$0xd] =	wrdreg s16  }
0x17: {  	s18 =	sadd.s32 $0x280, s8;
	[dreg:$0xe] =	wrdreg s17  }
0x18: {  	s19 =	sadd.s32 $0x300, s8;
	[dreg:$0xf] =	wrdreg s18  }
0x19: {  	s20 =	sadd.s32 $0x380, s8;
	[dreg:$0x10] =	wrdreg s19  }
0x1a: {  	s21 =	sadd.s32 $0x14000, s8;
	[dreg:$0x11] =	wrdreg s20  }
0x1b: {  	s22 =	sadd.s32 $0x14080, s8;
	[dreg:$0x12] =	wrdreg s21  }
0x1c: {  	s23 =	sadd.s32 $0x14100, s8;
	[dreg:$0x13] =	wrdreg s22  }
0x1d: {  	s24 =	sadd.s32 $0x14180, s8;
	[dreg:$0x14] =	wrdreg s23  }
0x1e: {  	s25 =	sadd.s32 $0x14200, s8;
	[dreg:$0x15] =	wrdreg s24  }
0x1f: {  	s26 =	sadd.s32 $0x14280, s8;
	[dreg:$0x16] =	wrdreg s25  }
0x20: {  	s1 =	sadd.s32 $0x14300, s8;
	[dreg:$0x17] =	wrdreg s26  }
0x21: {  	s6 =	sadd.s32 $0x14380, s8;
	[dreg:$0x18] =	wrdreg s1  }
0x22: {  	s7 =	sadd.s32 $0x400, s8;
	[dreg:$0x1b] =	wrdreg s6  }
0x23: {  	p1 =	seq.s32 @p3 s10, $0xF;
	s9 =	sadd.s32 $0x800, s8;
	[dreg:$0x1c] =	wrdreg s7  }
0x24: {  	p4 =	seq.s32 @!p3 s10, $0xF;
	s10 =	sadd.s32 $0xC00, s8;
	[dreg:$0x1d] =	wrdreg s9  }
0x25: {  	s11 =	sadd.s32 $0x1000, s8;
	[dreg:$0x1e] =	wrdreg s10  }
0x26: {  	s12 =	sadd.s32 $0x480, s8;
	[dreg:$0x1f] =	wrdreg s11  }
0x27: {  	s13 =	sadd.s32 $0x880, s8;
	[smem:$0x7D7] =	sst s12  }
0x28: {  	s3 =	sadd.s32 $0x680, s8;
	[smem:$0x7D8] =	sst s13  }
0x29: {  	s4 =	sadd.s32 $0xA80, s8;
	[smem:$0x7E7] =	sst s3  }
0x2a: {  	s5 =	sadd.s32 $0xE80, s8;
	[smem:$0x7E8] =	sst s4  }
0x2b: {  	s14 =	sadd.s32 $0xC80, s8;
	[smem:$0x7E9] =	sst s5  }
0x2c: {  	s15 =	sadd.s32 $0x1080, s8;
	[smem:$0x7D9] =	sst s14  }
0x2d: {  	s16 =	sadd.s32 $0x500, s8;
	[smem:$0x7DA] =	sst s15  }
0x2e: {  	s17 =	sadd.s32 $0x900, s8;
	[smem:$0x7DB] =	sst s16  }
0x2f: {  	s18 =	sadd.s32 $0xD00, s8;
	[smem:$0x7DC] =	sst s17  }
0x30: {  	s19 =	sadd.s32 $0x1100, s8;
	[smem:$0x7DD] =	sst s18  }
0x31: {  	s20 =	sadd.s32 $0x580, s8;
	[smem:$0x7DE] =	sst s19  }
0x32: {  	s21 =	sadd.s32 $0x980, s8;
	[smem:$0x7DF] =	sst s20  }
0x33: {  	s22 =	sadd.s32 $0xD80, s8;
	[smem:$0x7E0] =	sst s21  }
0x34: {  	s23 =	sadd.s32 $0x1180, s8;
	[smem:$0x7E1] =	sst s22  }
0x35: {  	s24 =	sadd.s32 $0x600, s8;
	[smem:$0x7E2] =	sst s23  }
0x36: {  	s25 =	sadd.s32 $0xA00, s8;
	[smem:$0x7E3] =	sst s24  }
0x37: {  	s26 =	sadd.s32 $0xE00, s8;
	[smem:$0x7E4] =	sst s25  }
0x38: {  	s1 =	sadd.s32 $0x1200, s8;
	[smem:$0x7E5] =	sst s26  }
0x39: {  	s6 =	sadd.s32 $0x1280, s8;
	[smem:$0x7E6] =	sst s1  }
0x3a: {  	s7 =	sadd.s32 $0x700, s8;
	[smem:$0x7EA] =	sst s6  }
0x3b: {  	s9 =	sadd.s32 $0xB00, s8;
	[smem:$0x7EB] =	sst s7  }
0x3c: {  	s10 =	sadd.s32 $0xF00, s8;
	[smem:$0x7EC] =	sst s9  }
0x3d: {  	s11 =	sadd.s32 $0x1300, s8;
	[smem:$0x7ED] =	sst s10  }
0x3e: {  	s12 =	sadd.s32 $0x780, s8;
	[smem:$0x7EE] =	sst s11  }
0x3f: {  	p2 =	por !p4, p3;
	s13 =	sadd.s32 $0xB80, s8;
	[smem:$0x7EF] =	sst s12  }
0x40: {  	p0 =	por !p1, !p3;
	[smem:$0x7F0] =	sst s13;
	s14 =	sadd.s32 $0xF80, s8  }
0x41: {  	p1 =	por p1, !p3;
	s15 =	sadd.s32 $0x1380, s8;
	[smem:$0x7F1] =	sst s14  }
0x42: {  	p3 =	por p4, p3;
	s16 =	sadd.s32 $0x14400, s8;
	[smem:$0x7F2] =	sst s15  }
0x43: {  	s28 =	sadd.s32 $0x14F00, s8;
	s17 =	sadd.s32 $0x14800, s8;
	[smem:$0x7F3] =	sst s16  }
0x44: {  	s29 =	sadd.s32 $0x15300, s8;
	s18 =	sadd.s32 $0x14C00, s8;
	[smem:$0x7F4] =	sst s17  }
0x45: {  	s30 =	sadd.s32 $0x14780, s8;
	s19 =	sadd.s32 $0x15000, s8;
	[smem:$0x7F5] =	sst s18  }
0x46: {  	s31 =	sadd.s32 $0x14B80, s8;
	s20 =	sadd.s32 $0x14480, s8;
	[smem:$0x7F6] =	sst s19  }
0x47: {  	s0 =	sadd.s32 $0x15380, s8;
	s21 =	sadd.s32 $0x14880, s8;
	[smem:$0x7F7] =	sst s20  }
0x48: {  	s3 =	sadd.s32 $0x14700, s8;
	s22 =	sadd.s32 $0x14C80, s8;
	[smem:$0x7F8] =	sst s21  }
0x49: {  	s4 =	simm.s32 $0x5000;
	s23 =	sadd.s32 $0x15080, s8;
	[smem:$0x7F9] =	sst s22  }
0x4a: {  	s5 =	simm.s32 $0x80;
	s24 =	sadd.s32 $0x14500, s8;
	[smem:$0x7FA] =	sst s23  }
0x4b: {  	s25 =	sadd.s32 $0x14900, s8;
	s26 =	sadd.s32 $0x14D00, s8;
	[smem:$0x7FB] =	sst s24  }
0x4c: {  	s13 =	sadd.s32 $0x15100, s8;
	s1 =	sadd.s32 $0x14F80, s8;
	[smem:$0x7FC] =	sst s25  }
0x4d: {  	s6 =	simm.s32 $0x1;
	[smem:$0x7FD] =	sst s26;
	s14 =	sadd.s32 $0x14580, s8  }
0x4e: {  	s15 =	sadd.s32 $0x14980, s8;
	s16 =	sadd.s32 $0x14D80, s8;
	s17 =	sadd.s32 $0x15180, s8  }
0x4f: {  	s18 =	sadd.s32 $0x14600, s8;
	s19 =	sadd.s32 $0x14A00, s8;
	s20 =	sadd.s32 $0x14E00, s8  }
0x50: {  	s21 =	sadd.s32 $0x15200, s8;
	s22 =	sadd.s32 $0x14680, s8;
	s23 =	sadd.s32 $0x14A80, s8  }
0x51: {  	v0 =	vimm.f32 $0.0e+00;
	v1 =	vimm.f32 $1.000000000e+00;
	s24 =	sadd.s32 $0x14E80, s8;
	s25 =	sadd.s32 $0x15280, s8;
	s26 =	sadd.s32 $0x14B00, s8  }
.LBB2_1:
0x52: {  	s7 =	simm.s32 @!p0 $0x0;
	s9 =	rddreg [dreg:$0x9]  }
0x53: {  	[tilespmem:s7], [sflag:$0x1] =	stream.linear.gather @!p0 [hbm4b:s9+s7], $0x3400, $0x38;
	[tilespmem:$0xCA80] =	vst v63  }
0x54: {  	s7 =	simm.s32 @!p0 $0x1  }
0x55: {  	_ =	swait.ge @!p0 [sflag:s7], $0x3400  }
0x56: {  	[sflag:s7] =	ssyncset.done @!p0 $0x0  }
0x57: {  	s9 =	rddreg [dreg:$0x8];
	[sflag:s7] =	ssyncadd.s32 @!p0 $0xFFFFCC00;
	s7 =	simm.s32 @!p1 $0x0  }
0x58: {  	[tilespmem:s7], [sflag:$0x1] =	stream.linear.gather @!p1 [hbm4b:s9+s7], $0x5000, $0x38;
	[tilespmem:$0xCA80] =	vst v63  }
0x59: {  	s7 =	simm.s32 @!p1 $0x1  }
0x5a: {  	_ =	swait.ge @!p1 [sflag:s7], $0x5000  }
0x5b: {  	[sflag:s7] =	ssyncset.done @!p1 $0x0  }
0x5c: {  	s9 =	rddreg [dreg:$0x7];
	[sflag:s7] =	ssyncadd.s32 @!p1 $0xFFFFB000;
	s7 =	simm.s32 @!p2 $0x0  }
0x5d: {  	[tilespmem:s7], [sflag:$0x1] =	stream.linear.gather @!p2 [hbm4b:s9+s7], $0x3400, $0x38;
	[tilespmem:$0xCA80] =	vst v63  }
0x5e: {  	s7 =	simm.s32 @!p2 $0x1  }
0x5f: {  	_ =	swait.ge @!p2 [sflag:s7], $0x3400  }
0x60: {  	[sflag:s7] =	ssyncset.done @!p2 $0x0  }
0x61: {  	s9 =	rddreg [dreg:$0x6];
	[sflag:s7] =	ssyncadd.s32 @!p2 $0xFFFFCC00;
	s7 =	simm.s32 @!p3 $0x0  }
0x62: {  	[tilespmem:s7], [sflag:$0x1] =	stream.linear.gather @!p3 [hbm4b:s9+s7], $0x5000, $0x38;
	[tilespmem:$0xCA80] =	vst v63  }
0x63: {  	s7 =	simm.s32 @!p3 $0x1  }
0x64: {  	_ =	swait.ge @!p3 [sflag:s7], $0x5000  }
0x65: {  	[sflag:s7] =	ssyncset.done @!p3 $0x0  }
0x66: {  	[sflag:s7] =	ssyncadd.s32 @!p3 $0xFFFFB000;
	s7 =	simm.s32 $0x0  }
.LBB2_2:
0x67: {  	p4 =	sne.s32 s7, $0x9FC0  }
.Ltmp0:
0x68: {  	_ = 	snop;
	(pc) =	sbr.rel @p4 .LBB2_2-.Ltmp0, $3  }
0x69: {  	_ =	sdelay $0x1  }
0x6a: {  	s9 =	sshra.s32 s7, $0x2  }
0x6b: {  	s7 =	sadd.s32 $0x40, s7;
	[tilespmem:s9+$0x5000] =	vst v0  }
0x6c: {  	s7 =	simm.s32 $0x40;
	s9 =	rddreg [dreg:$0x5]  }
.LBB2_4:
0x6d: {  	v2 =	vld [tilespmem:s7+$0xFFFFFFC0];
	_ =	sdelay $0x7  }
0x6e: {  	[tilespmem:v2+s4+$0x0] =	vst.idx.add.f32.msk $0xffff, v1  }
0x6f: {  	v2 =	vld [tilespmem:s7+$0xFFFFFFD0];
	_ =	sdelay $0x7  }
0x70: {  	[tilespmem:v2+s4+$0x0] =	vst.idx.add.f32.msk $0xffff, v1  }
0x71: {  	v2 =	vld [tilespmem:s7+$0xFFFFFFE0];
	_ =	sdelay $0x7  }
0x72: {  	[tilespmem:v2+s4+$0x0] =	vst.idx.add.f32.msk $0xffff, v1  }
0x73: {  	v2 =	vld [tilespmem:s7+$0xFFFFFFF0];
	_ =	sdelay $0x7  }
0x74: {  	[tilespmem:v2+s4+$0x0] =	vst.idx.add.f32.msk $0xffff, v1  }
0x75: {  	v2 =	vld [tilespmem:s7+$0x0];
	_ =	sdelay $0x7  }
0x76: {  	[tilespmem:v2+s4+$0x0] =	vst.idx.add.f32.msk $0xffff, v1  }
0x77: {  	v2 =	vld [tilespmem:s7+$0x10];
	_ =	sdelay $0x7  }
0x78: {  	[tilespmem:v2+s4+$0x0] =	vst.idx.add.f32.msk $0xffff, v1  }
0x79: {  	v2 =	vld [tilespmem:s7+$0x20];
	_ =	sdelay $0x7  }
0x7a: {  	[tilespmem:v2+s4+$0x0] =	vst.idx.add.f32.msk $0xffff, v1  }
0x7b: {  	v2 =	vld [tilespmem:s7+$0x30];
	_ =	sdelay $0x2  }
0x7c: {  	p4 =	sne.s32 s9, $0x1  }
.Ltmp1:
0x7d: {  	_ = 	snop;
	(pc) =	sbr.rel @p4 .LBB2_4-.Ltmp1, $2  }
0x7e: {  	_ =	sdelay $0x2  }
0x7f: {  	s9 =	sadd.s32 $0xFFFFFFFF, s9;
	s7 =	sadd.s32 $0x80, s7;
	[tilespmem:v2+s4+$0x0] =	vst.idx.add.f32.msk $0xffff, v1  }
0x80: {  	s7 =	rddreg [dreg:$0xa];
	s9 =	simm.s32 $0x400  }
0x81: {  	[spmem:s7] =	stream.strided.scatter [tilespmem:s4], [sflag:$0x1], $0x2800, s9, s5, $0x38;
	[tilespmem:$0xCA80] =	vst v63  }
0x82: {  	_ =	swait.ge [sflag:s6], $0x2800  }
0x83: {  	[sflag:s6] =	ssyncset.done $0x0  }
0x84: {  	[sflag:s6] =	ssyncadd.s32 $0xFFFFD800  }
0x85: {  	s10 =	simm.s32 $0x7800;
	[bflag:$0x0] =	sbarrier.arrive $0xFFFF  }
0x86: {  	[tilespmem:s10], [sflag:$0x1] =	stream.linear.gather [spmem:s8], $0x80, $0x38;
	[tilespmem:$0xCA80] =	vst v63  }
0x87: {  	s12 =	simm.s32 $0x7C00;
	s11 =	rddreg [dreg:$0x1c]  }
0x88: {  	[tilespmem:s12], [sflag:$0x1] =	stream.linear.gather [spmem:s11], $0x80, $0x38;
	[tilespmem:$0xCA80] =	vst v63  }
0x89: {  	s9 =	rddreg [dreg:$0x1d];
	s10 =	simm.s32 $0x8000  }
0x8a: {  	[tilespmem:s10], [sflag:$0x1] =	stream.linear.gather [spmem:s9], $0x80, $0x38;
	[tilespmem:$0xCA80] =	vst v63  }
0x8b: {  	s11 =	rddreg [dreg:$0x1e];
	s12 =	simm.s32 $0x8400  }
0x8c: {  	[tilespmem:s12], [sflag:$0x1] =	stream.linear.gather [spmem:s11], $0x80, $0x38;
	[tilespmem:$0xCA80] =	vst v63  }
0x8d: {  	s9 =	rddreg [dreg:$0x1f];
	s10 =	simm.s32 $0x8800  }
0x8e: {  	[tilespmem:s10], [sflag:$0x1] =	stream.linear.gather [spmem:s9], $0x80, $0x38;
	[tilespmem:$0xCA80] =	vst v63  }
0x8f: {  	_ =	swait.ge [sflag:s6], $0x280  }
0x90: {  	[sflag:s6] =	ssyncset.done $0x0;
	s11 =	rddreg [dreg:$0xb]  }
0x91: {  	s12 =	simm.s32 $0x7880;
	s9 =	sld [smem:$0x7D7];
	[sflag:s6] =	ssyncadd.s32 $0xFFFFFD80  }
0x92: {  	[tilespmem:s12], [sflag:$0x1] =	stream.linear.gather [spmem:s11], $0x80, $0x38;
	[tilespmem:$0xCA80] =	vst v63  }
0x93: {  	s10 =	simm.s32 $0x7C80;
	s11 =	sld [smem:$0x7D8]  }
0x94: {  	[tilespmem:s10], [sflag:$0x1] =	stream.linear.gather [spmem:s9], $0x80, $0x38;
	[tilespmem:$0xCA80] =	vst v63  }
0x95: {  	s12 =	simm.s32 $0x8080;
	s9 =	sld [smem:$0x7D9]  }
0x96: {  	[tilespmem:s12], [sflag:$0x1] =	stream.linear.gather [spmem:s11], $0x80, $0x38;
	[tilespmem:$0xCA80] =	vst v63  }
0x97: {  	s10 =	simm.s32 $0x8480;
	s11 =	sld [smem:$0x7DA]  }
0x98: {  	[tilespmem:s10], [sflag:$0x1] =	stream.linear.gather [spmem:s9], $0x80, $0x38;
	[tilespmem:$0xCA80] =	vst v63  }
0x99: {  	s12 =	simm.s32 $0x8880  }
0x9a: {  	[tilespmem:s12], [sflag:$0x1] =	stream.linear.gather [spmem:s11], $0x80, $0x38;
	[tilespmem:$0xCA80] =	vst v63  }
0x9b: {  	_ =	swait.ge [sflag:s6], $0x280  }
0x9c: {  	[sflag:s6] =	ssyncset.done $0x0;
	s9 =	rddreg [dreg:$0xc]  }
0x9d: {  	s10 =	simm.s32 $0x7900;
	s11 =	sld [smem:$0x7DB];
	[sflag:s6] =	ssyncadd.s32 $0xFFFFFD80  }
0x9e: {  	[tilespmem:s10], [sflag:$0x1] =	stream.linear.gather [spmem:s9], $0x80, $0x38;
	[tilespmem:$0xCA80] =	vst v63  }
0x9f: {  	s12 =	simm.s32 $0x7D00;
	s9 =	sld [smem:$0x7DC]  }
0xa0: {  	[tilespmem:s12], [sflag:$0x1] =	stream.linear.gather [spmem:s11], $0x80, $0x38;
	[tilespmem:$0xCA80] =	vst v63  }
0xa1: {  	s10 =	simm.s32 $0x8100;
	s11 =	sld [smem:$0x7DD]  }
0xa2: {  	[tilespmem:s10], [sflag:$0x1] =	stream.linear.gather [spmem:s9], $0x80, $0x38;
	[tilespmem:$0xCA80] =	vst v63  }
0xa3: {  	s12 =	simm.s32 $0x8500;
	s9 =	sld [smem:$0x7DE]  }
0xa4: {  	[tilespmem:s12], [sflag:$0x1] =	stream.linear.gather [spmem:s11], $0x80, $0x38;
	[tilespmem:$0xCA80] =	vst v63  }
0xa5: {  	s10 =	simm.s32 $0x8900  }
0xa6: {  	[tilespmem:s10], [sflag:$0x1] =	stream.linear.gather [spmem:s9], $0x80, $0x38;
	[tilespmem:$0xCA80] =	vst v63  }
0xa7: {  	_ =	swait.ge [sflag:s6], $0x280  }
0xa8: {  	[sflag:s6] =	ssyncset.done $0x0;
	s11 =	rddreg [dreg:$0xd]  }
0xa9: {  	s12 =	simm.s32 $0x7980;
	s9 =	sld [smem:$0x7DF];
	[sflag:s6] =	ssyncadd.s32 $0xFFFFFD80  }
0xaa: {  	[tilespmem:s12], [sflag:$0x1] =	stream.linear.gather [spmem:s11], $0x80, $0x38;
	[tilespmem:$0xCA80] =	vst v63  }
0xab: {  	s10 =	simm.s32 $0x7D80;
	s11 =	sld [smem:$0x7E0]  }
0xac: {  	[tilespmem:s10], [sflag:$0x1] =	stream.linear.gather [spmem:s9], $0x80, $0x38;
	[tilespmem:$0xCA80] =	vst v63  }
0xad: {  	s12 =	simm.s32 $0x8180;
	s9 =	sld [smem:$0x7E1]  }
0xae: {  	[tilespmem:s12], [sflag:$0x1] =	stream.linear.gather [spmem:s11], $0x80, $0x38;
	[tilespmem:$0xCA80] =	vst v63  }
0xaf: {  	s10 =	simm.s32 $0x8580;
	s11 =	sld [smem:$0x7E2]  }
0xb0: {  	[tilespmem:s10], [sflag:$0x1] =	stream.linear.gather [spmem:s9], $0x80, $0x38;
	[tilespmem:$0xCA80] =	vst v63  }
0xb1: {  	s12 =	simm.s32 $0x8980  }
0xb2: {  	[tilespmem:s12], [sflag:$0x1] =	stream.linear.gather [spmem:s11], $0x80, $0x38;
	[tilespmem:$0xCA80] =	vst v63  }
0xb3: {  	_ =	swait.ge [sflag:s6], $0x280  }
0xb4: {  	[sflag:s6] =	ssyncset.done $0x0;
	s9 =	rddreg [dreg:$0xe]  }
0xb5: {  	s10 =	simm.s32 $0x7A00;
	s11 =	sld [smem:$0x7E3];
	[sflag:s6] =	ssyncadd.s32 $0xFFFFFD80  }
0xb6: {  	[tilespmem:s10], [sflag:$0x1] =	stream.linear.gather [spmem:s9], $0x80, $0x38;
	[tilespmem:$0xCA80] =	vst v63  }
0xb7: {  	s12 =	simm.s32 $0x7E00;
	s9 =	sld [smem:$0x7E4]  }
0xb8: {  	[tilespmem:s12], [sflag:$0x1] =	stream.linear.gather [spmem:s11], $0x80, $0x38;
	[tilespmem:$0xCA80] =	vst v63  }
0xb9: {  	s10 =	simm.s32 $0x8200;
	s11 =	sld [smem:$0x7E5]  }
0xba: {  	[tilespmem:s10], [sflag:$0x1] =	stream.linear.gather [spmem:s9], $0x80, $0x38;
	[tilespmem:$0xCA80] =	vst v63  }
0xbb: {  	s12 =	simm.s32 $0x8600;
	s9 =	sld [smem:$0x7E6]  }
0xbc: {  	[tilespmem:s12], [sflag:$0x1] =	stream.linear.gather [spmem:s11], $0x80, $0x38;
	[tilespmem:$0xCA80] =	vst v63  }
0xbd: {  	s10 =	simm.s32 $0x8A00  }
0xbe: {  	[tilespmem:s10], [sflag:$0x1] =	stream.linear.gather [spmem:s9], $0x80, $0x38;
	[tilespmem:$0xCA80] =	vst v63  }
0xbf: {  	_ =	swait.ge [sflag:s6], $0x280  }
0xc0: {  	[sflag:s6] =	ssyncset.done $0x0;
	s11 =	rddreg [dreg:$0xf]  }
0xc1: {  	s12 =	simm.s32 $0x7A80;
	s9 =	sld [smem:$0x7E7];
	[sflag:s6] =	ssyncadd.s32 $0xFFFFFD80  }
0xc2: {  	[tilespmem:s12], [sflag:$0x1] =	stream.linear.gather [spmem:s11], $0x80, $0x38;
	[tilespmem:$0xCA80] =	vst v63  }
0xc3: {  	s10 =	simm.s32 $0x7E80;
	s11 =	sld [smem:$0x7E8]  }
0xc4: {  	[tilespmem:s10], [sflag:$0x1] =	stream.linear.gather [spmem:s9], $0x80, $0x38;
	[tilespmem:$0xCA80] =	vst v63  }
0xc5: {  	s12 =	simm.s32 $0x8280;
	s9 =	sld [smem:$0x7E9]  }
0xc6: {  	[tilespmem:s12], [sflag:$0x1] =	stream.linear.gather [spmem:s11], $0x80, $0x38;
	[tilespmem:$0xCA80] =	vst v63  }
0xc7: {  	s10 =	simm.s32 $0x8680;
	s11 =	sld [smem:$0x7EA]  }
0xc8: {  	[tilespmem:s10], [sflag:$0x1] =	stream.linear.gather [spmem:s9], $0x80, $0x38;
	[tilespmem:$0xCA80] =	vst v63  }
0xc9: {  	s12 =	simm.s32 $0x8A80  }
0xca: {  	[tilespmem:s12], [sflag:$0x1] =	stream.linear.gather [spmem:s11], $0x80, $0x38;
	[tilespmem:$0xCA80] =	vst v63  }
0xcb: {  	_ =	swait.ge [sflag:s6], $0x280  }
0xcc: {  	[sflag:s6] =	ssyncset.done $0x0;
	s9 =	rddreg [dreg:$0x10]  }
0xcd: {  	s10 =	simm.s32 $0x7B00;
	s11 =	sld [smem:$0x7EB];
	[sflag:s6] =	ssyncadd.s32 $0xFFFFFD80  }
0xce: {  	[tilespmem:s10], [sflag:$0x1] =	stream.linear.gather [spmem:s9], $0x80, $0x38;
	[tilespmem:$0xCA80] =	vst v63  }
0xcf: {  	s12 =	simm.s32 $0x7F00;
	s9 =	sld [smem:$0x7EC]  }
0xd0: {  	[tilespmem:s12], [sflag:$0x1] =	stream.linear.gather [spmem:s11], $0x80, $0x38;
	[tilespmem:$0xCA80] =	vst v63  }
0xd1: {  	s10 =	simm.s32 $0x8300;
	s11 =	sld [smem:$0x7ED]  }
0xd2: {  	[tilespmem:s10], [sflag:$0x1] =	stream.linear.gather [spmem:s9], $0x80, $0x38;
	[tilespmem:$0xCA80] =	vst v63  }
0xd3: {  	s12 =	simm.s32 $0x8700;
	s9 =	sld [smem:$0x7EE]  }
0xd4: {  	[tilespmem:s12], [sflag:$0x1] =	stream.linear.gather [spmem:s11], $0x80, $0x38;
	[tilespmem:$0xCA80] =	vst v63  }
0xd5: {  	s10 =	simm.s32 $0x8B00  }
0xd6: {  	[tilespmem:s10], [sflag:$0x1] =	stream.linear.gather [spmem:s9], $0x80, $0x38;
	[tilespmem:$0xCA80] =	vst v63  }
0xd7: {  	_ =	swait.ge [sflag:s6], $0x280  }
0xd8: {  	[sflag:s6] =	ssyncset.done $0x0;
	s11 =	rddreg [dreg:$0x11]  }
0xd9: {  	s12 =	simm.s32 $0x7B80;
	s9 =	sld [smem:$0x7EF];
	[sflag:s6] =	ssyncadd.s32 $0xFFFFFD80  }
0xda: {  	[tilespmem:s12], [sflag:$0x1] =	stream.linear.gather [spmem:s11], $0x80, $0x38;
	[tilespmem:$0xCA80] =	vst v63  }
0xdb: {  	s10 =	simm.s32 $0x7F80;
	s11 =	sld [smem:$0x7F0]  }
0xdc: {  	[tilespmem:s10], [sflag:$0x1] =	stream.linear.gather [spmem:s9], $0x80, $0x38;
	[tilespmem:$0xCA80] =	vst v63  }
0xdd: {  	s12 =	simm.s32 $0x8380;
	s9 =	sld [smem:$0x7F1]  }
0xde: {  	[tilespmem:s12], [sflag:$0x1] =	stream.linear.gather [spmem:s11], $0x80, $0x38;
	[tilespmem:$0xCA80] =	vst v63  }
0xdf: {  	s10 =	simm.s32 $0x8780;
	s11 =	sld [smem:$0x7F2]  }
0xe0: {  	[tilespmem:s10], [sflag:$0x1] =	stream.linear.gather [spmem:s9], $0x80, $0x38;
	[tilespmem:$0xCA80] =	vst v63  }
0xe1: {  	s12 =	simm.s32 $0x8B80  }
0xe2: {  	[tilespmem:s12], [sflag:$0x1] =	stream.linear.gather [spmem:s11], $0x80, $0x38;
	[tilespmem:$0xCA80] =	vst v63  }
0xe3: {  	_ =	swait.ge [sflag:s6], $0x280  }
0xe4: {  	[sflag:s6] =	ssyncset.done $0x0;
	s9 =	rddreg [dreg:$0x12]  }
0xe5: {  	s10 =	simm.s32 $0x8C00;
	s11 =	sld [smem:$0x7F3];
	[sflag:s6] =	ssyncadd.s32 $0xFFFFFD80  }
0xe6: {  	[tilespmem:s10], [sflag:$0x1] =	stream.linear.gather [spmem:s9], $0x80, $0x38;
	[tilespmem:$0xCA80] =	vst v63  }
0xe7: {  	s12 =	simm.s32 $0x9000;
	s9 =	sld [smem:$0x7F4]  }
0xe8: {  	[tilespmem:s12], [sflag:$0x1] =	stream.linear.gather [spmem:s11], $0x80, $0x38;
	[tilespmem:$0xCA80] =	vst v63  }
0xe9: {  	s10 =	simm.s32 $0x9400;
	s11 =	sld [smem:$0x7F5]  }
0xea: {  	[tilespmem:s10], [sflag:$0x1] =	stream.linear.gather [spmem:s9], $0x80, $0x38;
	[tilespmem:$0xCA80] =	vst v63  }
0xeb: {  	s12 =	simm.s32 $0x9800;
	s9 =	sld [smem:$0x7F6]  }
0xec: {  	[tilespmem:s12], [sflag:$0x1] =	stream.linear.gather [spmem:s11], $0x80, $0x38;
	[tilespmem:$0xCA80] =	vst v63  }
0xed: {  	s10 =	simm.s32 $0x9C00  }
0xee: {  	[tilespmem:s10], [sflag:$0x1] =	stream.linear.gather [spmem:s9], $0x80, $0x38;
	[tilespmem:$0xCA80] =	vst v63  }
0xef: {  	_ =	swait.ge [sflag:s6], $0x280  }
0xf0: {  	[sflag:s6] =	ssyncset.done $0x0;
	s11 =	rddreg [dreg:$0x13]  }
0xf1: {  	s12 =	simm.s32 $0x8C80;
	s9 =	sld [smem:$0x7F7];
	[sflag:s6] =	ssyncadd.s32 $0xFFFFFD80  }
0xf2: {  	[tilespmem:s12], [sflag:$0x1] =	stream.linear.gather [spmem:s11], $0x80, $0x38;
	[tilespmem:$0xCA80] =	vst v63  }
0xf3: {  	s10 =	simm.s32 $0x9080;
	s11 =	sld [smem:$0x7F8]  }
0xf4: {  	[tilespmem:s10], [sflag:$0x1] =	stream.linear.gather [spmem:s9], $0x80, $0x38;
	[tilespmem:$0xCA80] =	vst v63  }
0xf5: {  	s12 =	simm.s32 $0x9480;
	s9 =	sld [smem:$0x7F9]  }
0xf6: {  	[tilespmem:s12], [sflag:$0x1] =	stream.linear.gather [spmem:s11], $0x80, $0x38;
	[tilespmem:$0xCA80] =	vst v63  }
0xf7: {  	s10 =	simm.s32 $0x9880;
	s11 =	sld [smem:$0x7FA]  }
0xf8: {  	[tilespmem:s10], [sflag:$0x1] =	stream.linear.gather [spmem:s9], $0x80, $0x38;
	[tilespmem:$0xCA80] =	vst v63  }
0xf9: {  	s12 =	simm.s32 $0x9C80  }
0xfa: {  	[tilespmem:s12], [sflag:$0x1] =	stream.linear.gather [spmem:s11], $0x80, $0x38;
	[tilespmem:$0xCA80] =	vst v63  }
0xfb: {  	_ =	swait.ge [sflag:s6], $0x280  }
0xfc: {  	[sflag:s6] =	ssyncset.done $0x0;
	s9 =	rddreg [dreg:$0x14]  }
0xfd: {  	s10 =	simm.s32 $0x8D00;
	s11 =	sld [smem:$0x7FB];
	[sflag:s6] =	ssyncadd.s32 $0xFFFFFD80  }
0xfe: {  	[tilespmem:s10], [sflag:$0x1] =	stream.linear.gather [spmem:s9], $0x80, $0x38;
	[tilespmem:$0xCA80] =	vst v63  }
0xff: {  	s12 =	simm.s32 $0x9100;
	s9 =	sld [smem:$0x7FC]  }
0x100: {  	[tilespmem:s12], [sflag:$0x1] =	stream.linear.gather [spmem:s11], $0x80, $0x38;
	[tilespmem:$0xCA80] =	vst v63  }
0x101: {  	s10 =	simm.s32 $0x9500;
	s11 =	sld [smem:$0x7FD]  }
0x102: {  	[tilespmem:s10], [sflag:$0x1] =	stream.linear.gather [spmem:s9], $0x80, $0x38;
	[tilespmem:$0xCA80] =	vst v63  }
0x103: {  	s12 =	simm.s32 $0x9900  }
0x104: {  	[tilespmem:s12], [sflag:$0x1] =	stream.linear.gather [spmem:s11], $0x80, $0x38;
	[tilespmem:$0xCA80] =	vst v63  }
0x105: {  	s10 =	simm.s32 $0x9D00  }
0x106: {  	[tilespmem:s10], [sflag:$0x1] =	stream.linear.gather [spmem:s13], $0x80, $0x38;
	[tilespmem:$0xCA80] =	vst v63  }
0x107: {  	_ =	swait.ge [sflag:s6], $0x280  }
0x108: {  	[sflag:s6] =	ssyncset.done $0x0  }
0x109: {  	s12 =	simm.s32 $0x8D80;
	s11 =	rddreg [dreg:$0x15];
	[sflag:s6] =	ssyncadd.s32 $0xFFFFFD80  }
0x10a: {  	[tilespmem:s12], [sflag:$0x1] =	stream.linear.gather [spmem:s11], $0x80, $0x38;
	[tilespmem:$0xCA80] =	vst v63  }
0x10b: {  	s9 =	simm.s32 $0x9180  }
0x10c: {  	[tilespmem:s9], [sflag:$0x1] =	stream.linear.gather [spmem:s14], $0x80, $0x38;
	[tilespmem:$0xCA80] =	vst v63  }
0x10d: {  	s10 =	simm.s32 $0x9580  }
0x10e: {  	[tilespmem:s10], [sflag:$0x1] =	stream.linear.gather [spmem:s15], $0x80, $0x38;
	[tilespmem:$0xCA80] =	vst v63  }
0x10f: {  	s11 =	simm.s32 $0x9980  }
0x110: {  	[tilespmem:s11], [sflag:$0x1] =	stream.linear.gather [spmem:s16], $0x80, $0x38;
	[tilespmem:$0xCA80] =	vst v63  }
0x111: {  	s12 =	simm.s32 $0x9D80  }
0x112: {  	[tilespmem:s12], [sflag:$0x1] =	stream.linear.gather [spmem:s17], $0x80, $0x38;
	[tilespmem:$0xCA80] =	vst v63  }
0x113: {  	_ =	swait.ge [sflag:s6], $0x280  }
0x114: {  	[sflag:s6] =	ssyncset.done $0x0  }
0x115: {  	s10 =	simm.s32 $0x8E00;
	s9 =	rddreg [dreg:$0x16];
	[sflag:s6] =	ssyncadd.s32 $0xFFFFFD80  }
0x116: {  	[tilespmem:s10], [sflag:$0x1] =	stream.linear.gather [spmem:s9], $0x80, $0x38;
	[tilespmem:$0xCA80] =	vst v63  }
0x117: {  	s11 =	simm.s32 $0x9200  }
0x118: {  	[tilespmem:s11], [sflag:$0x1] =	stream.linear.gather [spmem:s18], $0x80, $0x38;
	[tilespmem:$0xCA80] =	vst v63  }
0x119: {  	s12 =	simm.s32 $0x9600  }
0x11a: {  	[tilespmem:s12], [sflag:$0x1] =	stream.linear.gather [spmem:s19], $0x80, $0x38;
	[tilespmem:$0xCA80] =	vst v63  }
0x11b: {  	s9 =	simm.s32 $0x9A00  }
0x11c: {  	[tilespmem:s9], [sflag:$0x1] =	stream.linear.gather [spmem:s20], $0x80, $0x38;
	[tilespmem:$0xCA80] =	vst v63  }
0x11d: {  	s10 =	simm.s32 $0x9E00  }
0x11e: {  	[tilespmem:s10], [sflag:$0x1] =	stream.linear.gather [spmem:s21], $0x80, $0x38;
	[tilespmem:$0xCA80] =	vst v63  }
0x11f: {  	_ =	swait.ge [sflag:s6], $0x280  }
0x120: {  	[sflag:s6] =	ssyncset.done $0x0  }
0x121: {  	s12 =	simm.s32 $0x8E80;
	s11 =	rddreg [dreg:$0x17];
	[sflag:s6] =	ssyncadd.s32 $0xFFFFFD80  }
0x122: {  	[tilespmem:s12], [sflag:$0x1] =	stream.linear.gather [spmem:s11], $0x80, $0x38;
	[tilespmem:$0xCA80] =	vst v63  }
0x123: {  	s9 =	simm.s32 $0x9280  }
0x124: {  	[tilespmem:s9], [sflag:$0x1] =	stream.linear.gather [spmem:s22], $0x80, $0x38;
	[tilespmem:$0xCA80] =	vst v63  }
0x125: {  	s10 =	simm.s32 $0x9680  }
0x126: {  	[tilespmem:s10], [sflag:$0x1] =	stream.linear.gather [spmem:s23], $0x80, $0x38;
	[tilespmem:$0xCA80] =	vst v63  }
0x127: {  	s11 =	simm.s32 $0x9A80  }
0x128: {  	[tilespmem:s11], [sflag:$0x1] =	stream.linear.gather [spmem:s24], $0x80, $0x38;
	[tilespmem:$0xCA80] =	vst v63  }
0x129: {  	s12 =	simm.s32 $0x9E80  }
0x12a: {  	[tilespmem:s12], [sflag:$0x1] =	stream.linear.gather [spmem:s25], $0x80, $0x38;
	[tilespmem:$0xCA80] =	vst v63  }
0x12b: {  	_ =	swait.ge [sflag:s6], $0x280  }
0x12c: {  	[sflag:s6] =	ssyncset.done $0x0  }
0x12d: {  	s10 =	simm.s32 $0x8F00;
	s9 =	rddreg [dreg:$0x18];
	[sflag:s6] =	ssyncadd.s32 $0xFFFFFD80  }
0x12e: {  	[tilespmem:s10], [sflag:$0x1] =	stream.linear.gather [spmem:s9], $0x80, $0x38;
	[tilespmem:$0xCA80] =	vst v63  }
0x12f: {  	s11 =	simm.s32 $0x9300  }
0x130: {  	[tilespmem:s11], [sflag:$0x1] =	stream.linear.gather [spmem:s3], $0x80, $0x38;
	[tilespmem:$0xCA80] =	vst v63  }
0x131: {  	s12 =	simm.s32 $0x9700  }
0x132: {  	[tilespmem:s12], [sflag:$0x1] =	stream.linear.gather [spmem:s26], $0x80, $0x38;
	[tilespmem:$0xCA80] =	vst v63  }
0x133: {  	s9 =	simm.s32 $0x9B00  }
0x134: {  	[tilespmem:s9], [sflag:$0x1] =	stream.linear.gather [spmem:s28], $0x80, $0x38;
	[tilespmem:$0xCA80] =	vst v63  }
0x135: {  	s10 =	simm.s32 $0x9F00  }
0x136: {  	[tilespmem:s10], [sflag:$0x1] =	stream.linear.gather [spmem:s29], $0x80, $0x38;
	[tilespmem:$0xCA80] =	vst v63  }
0x137: {  	_ =	swait.ge [sflag:s6], $0x280  }
0x138: {  	[sflag:s6] =	ssyncset.done $0x0  }
0x139: {  	s12 =	simm.s32 $0x8F80;
	s11 =	rddreg [dreg:$0x1b];
	[sflag:s6] =	ssyncadd.s32 $0xFFFFFD80  }
0x13a: {  	[tilespmem:s12], [sflag:$0x1] =	stream.linear.gather [spmem:s11], $0x80, $0x38;
	[tilespmem:$0xCA80] =	vst v63  }
0x13b: {  	s10 =	simm.s32 $0x9380  }
0x13c: {  	[tilespmem:s10], [sflag:$0x1] =	stream.linear.gather [spmem:s30], $0x80, $0x38;
	[tilespmem:$0xCA80] =	vst v63  }
0x13d: {  	s11 =	simm.s32 $0x9780  }
0x13e: {  	[tilespmem:s11], [sflag:$0x1] =	stream.linear.gather [spmem:s31], $0x80, $0x38;
	[tilespmem:$0xCA80] =	vst v63  }
0x13f: {  	s12 =	simm.s32 $0x9B80  }
0x140: {  	[tilespmem:s12], [sflag:$0x1] =	stream.linear.gather [spmem:s1], $0x80, $0x38;
	[tilespmem:$0xCA80] =	vst v63  }
0x141: {  	s9 =	simm.s32 $0x9F80  }
0x142: {  	[tilespmem:s9], [sflag:$0x1] =	stream.linear.gather [spmem:s0], $0x80, $0x38;
	[tilespmem:$0xCA80] =	vst v63  }
0x143: {  	s10 =	simm.s32 $0x0;
	_ =	swait.ge [sflag:s6], $0x280  }
0x144: {  	s7 =	sand.u32 $0x1C00, s10;
	s11 =	sand.u32 $0x70, s10;
	[sflag:s6] =	ssyncset.done $0x0  }
0x145: {  	s7 =	sor.u32 s11, s7;
	[sflag:s6] =	ssyncadd.s32 $0xFFFFFD80  }
0x146: {  	v2 =	vld [tilespmem:s7+$0x7880]  }
0x147: {  	v3 =	vld [tilespmem:s7+$0x7800];
	_ =	sdelay $0x1  }
0x148: {  	v4 =	vld [tilespmem:s7+$0x7900];
	_ =	sdelay $0x1  }
0x149: {  	v5 =	vld [tilespmem:s7+$0x7980]  }
0x14a: {  	v2 =	vadd.f32 v2, v3  }
0x14b: {  	v3 =	vld [tilespmem:s7+$0x7A00]  }
0x14c: {  	v2 =	vadd.f32 v4, v2  }
0x14d: {  	v56 =	vld [tilespmem:s7+$0x7A80]  }
0x14e: {  	v2 =	vadd.f32 v5, v2  }
0x14f: {  	v57 =	vld [tilespmem:s7+$0x7B00]  }
0x150: {  	v2 =	vadd.f32 v3, v2  }
0x151: {  	v3 =	vld [tilespmem:s7+$0x7B80]  }
0x152: {  	v2 =	vadd.f32 v56, v2  }
0x153: {  	v58 =	vld [tilespmem:s7+$0x8C00]  }
0x154: {  	v2 =	vadd.f32 v57, v2  }
0x155: {  	v59 =	vld [tilespmem:s7+$0x8C80]  }
0x156: {  	v2 =	vadd.f32 v3, v2  }
0x157: {  	v3 =	vld [tilespmem:s7+$0x8D00]  }
0x158: {  	v2 =	vadd.f32 v58, v2  }
0x159: {  	v60 =	vld [tilespmem:s7+$0x8D80]  }
0x15a: {  	v2 =	vadd.f32 v59, v2  }
0x15b: {  	v61 =	vld [tilespmem:s7+$0x8E00]  }
0x15c: {  	v2 =	vadd.f32 v3, v2  }
0x15d: {  	v3 =	vld [tilespmem:s7+$0x8E80]  }
0x15e: {  	v2 =	vadd.f32 v60, v2  }
0x15f: {  	v62 =	vld [tilespmem:s7+$0x8F00]  }
0x160: {  	v2 =	vadd.f32 v61, v2  }
0x161: {  	v63 =	vld [tilespmem:s7+$0x8F80]  }
0x162: {  	v2 =	vadd.f32 v3, v2;
	_ =	sdelay $0x1  }
0x163: {  	v2 =	vadd.f32 v62, v2;
	_ =	sdelay $0x1  }
0x164: {  	s10 =	simm.s32 $0x80;
	s12 =	simm.s32 $0x10;
	v2 =	vadd.f32 v63, v2  }
0x165: {  	s11 =	sand.u32 $0x1C00, s10;
	s9 =	sand.u32 $0x70, s12;
	s7 =	simm.s32 $0xA000  }
0x166: {  	s9 =	sor.u32 s9, s11;
	s11 =	simm.s32 $0x20;
	[tilespmem:s7+$0x0] =	vst v2  }
.LBB2_6:
0x167: {  	p4 =	sne.s32 s11, $0x270;
	v2 =	vld [tilespmem:s9+$0x7880]  }
0x168: {  	v3 =	vld [tilespmem:s9+$0x7800];
	_ =	sdelay $0x1  }
0x169: {  	v4 =	vld [tilespmem:s9+$0x7900];
	_ =	sdelay $0x1  }
0x16a: {  	v5 =	vld [tilespmem:s9+$0x7980]  }
0x16b: {  	v2 =	vadd.f32 v2, v3  }
0x16c: {  	v3 =	vld [tilespmem:s9+$0x7A00]  }
0x16d: {  	v2 =	vadd.f32 v4, v2  }
0x16e: {  	v4 =	vld [tilespmem:s9+$0x7A80]  }
0x16f: {  	v2 =	vadd.f32 v5, v2  }
0x170: {  	v5 =	vld [tilespmem:s9+$0x7B00]  }
0x171: {  	v2 =	vadd.f32 v3, v2  }
0x172: {  	v3 =	vld [tilespmem:s9+$0x7B80]  }
0x173: {  	v2 =	vadd.f32 v4, v2  }
0x174: {  	v4 =	vld [tilespmem:s9+$0x8C00]  }
0x175: {  	v2 =	vadd.f32 v5, v2  }
0x176: {  	v5 =	vld [tilespmem:s9+$0x8C80]  }
0x177: {  	v2 =	vadd.f32 v3, v2  }
0x178: {  	v3 =	vld [tilespmem:s9+$0x8D00]  }
0x179: {  	v2 =	vadd.f32 v4, v2  }
0x17a: {  	v4 =	vld [tilespmem:s9+$0x8D80]  }
0x17b: {  	v2 =	vadd.f32 v5, v2  }
0x17c: {  	v5 =	vld [tilespmem:s9+$0x8E00]  }
0x17d: {  	v2 =	vadd.f32 v3, v2  }
0x17e: {  	v3 =	vld [tilespmem:s9+$0x8E80]  }
0x17f: {  	v2 =	vadd.f32 v4, v2  }
0x180: {  	v4 =	vld [tilespmem:s9+$0x8F00]  }
0x181: {  	v2 =	vadd.f32 v5, v2  }
0x182: {  	v5 =	vld [tilespmem:s9+$0x8F80]  }
0x183: {  	v2 =	vadd.f32 v3, v2;
	_ =	sdelay $0x1  }
.Ltmp2:
0x184: {  	v2 =	vadd.f32 v4, v2;
	(pc) =	sbr.rel @p4 .LBB2_6-.Ltmp2, $4  }
0x185: {  	_ = 	snop  }
0x186: {  	s10 =	sadd.s32 $0x80, s10;
	v2 =	vadd.f32 v5, v2  }
0x187: {  	s7 =	sadd.s32 $0x10, s7;
	s12 =	sand.u32 $0x1C00, s10;
	s9 =	sand.u32 $0x70, s11  }
0x188: {  	s11 =	sadd.s32 $0x10, s11;
	s9 =	sor.u32 s9, s12;
	[tilespmem:s7+$0x0] =	vst v2  }
0x189: {  	v2 =	vld [tilespmem:s9+$0x7880]  }
0x18a: {  	v3 =	vld [tilespmem:s9+$0x7800];
	_ =	sdelay $0x1  }
0x18b: {  	v4 =	vld [tilespmem:s9+$0x7900];
	_ =	sdelay $0x1  }
0x18c: {  	v5 =	vld [tilespmem:s9+$0x7980]  }
0x18d: {  	v2 =	vadd.f32 v2, v3  }
0x18e: {  	v3 =	vld [tilespmem:s9+$0x7A00]  }
0x18f: {  	v2 =	vadd.f32 v4, v2  }
0x190: {  	v56 =	vld [tilespmem:s9+$0x7A80]  }
0x191: {  	v2 =	vadd.f32 v5, v2  }
0x192: {  	v57 =	vld [tilespmem:s9+$0x7B00]  }
0x193: {  	v2 =	vadd.f32 v3, v2  }
0x194: {  	v3 =	vld [tilespmem:s9+$0x7B80]  }
0x195: {  	v2 =	vadd.f32 v56, v2  }
0x196: {  	v58 =	vld [tilespmem:s9+$0x8C00]  }
0x197: {  	v2 =	vadd.f32 v57, v2  }
0x198: {  	v59 =	vld [tilespmem:s9+$0x8C80]  }
0x199: {  	v2 =	vadd.f32 v3, v2  }
0x19a: {  	v3 =	vld [tilespmem:s9+$0x8D00]  }
0x19b: {  	v2 =	vadd.f32 v58, v2  }
0x19c: {  	v60 =	vld [tilespmem:s9+$0x8D80]  }
0x19d: {  	v2 =	vadd.f32 v59, v2  }
0x19e: {  	v61 =	vld [tilespmem:s9+$0x8E00]  }
0x19f: {  	v2 =	vadd.f32 v3, v2  }
0x1a0: {  	v3 =	vld [tilespmem:s9+$0x8E80]  }
0x1a1: {  	v2 =	vadd.f32 v60, v2  }
0x1a2: {  	v62 =	vld [tilespmem:s9+$0x8F00]  }
0x1a3: {  	v2 =	vadd.f32 v61, v2  }
0x1a4: {  	v63 =	vld [tilespmem:s9+$0x8F80]  }
0x1a5: {  	v2 =	vadd.f32 v3, v2;
	_ =	sdelay $0x1  }
0x1a6: {  	v2 =	vadd.f32 v62, v2;
	_ =	sdelay $0x1  }
0x1a7: {  	v2 =	vadd.f32 v63, v2  }
0x1a8: {  	s7 =	sadd.s32 $0x10, s7  }
0x1a9: {  	s11 =	simm.s32 $0x100;
	s10 =	simm.s32 $0xA000;
	s9 =	rddreg [dreg:$0x19];
	[tilespmem:s7+$0x0] =	vst v2  }
0x1aa: {  	[hbm4b:s9+s5] =	stream.strided.scatter [tilespmem:s10], [sflag:$0x1], $0x280, s11, s5, $0x38;
	[tilespmem:$0xCA80] =	vst v63  }
0x1ab: {  	_ =	swait.ge [sflag:s6], $0x280  }
0x1ac: {  	s2 =	sadd.s32 $0x1, s2;
	s12 =	rddreg [dreg:$0x1a]  }
0x1ad: {  	p4 =	sne.s32 s2, s12  }
.Ltmp3:
0x1ae: {  	_ = 	snop;
	(pc) =	sbr.rel @p4 .LBB2_1-.Ltmp3, $3  }
0x1af: {  	_ =	sdelay $0x1  }
0x1b0: {  	[sflag:s6] =	ssyncset.done $0x0  }
0x1b1: {  	[sflag:s6] =	ssyncadd.s32 $0xFFFFFD80  }
0x1b2: {  	_ =	sfence.sel $0x180000  }
0x1b3: {  	[bflag:$0x0] =	sbarrier.arrive $0xFFFF  }
0x1b4: {  	_ =	strace $0x90000047  }
0x1b5: {  	s0 =	stileid.u32;
	[bflag:$0x2] =	sbarrier.arrive $0xFFFF  }
0x1b6: {  	p0 =	sne.s32 s0, $0x0;
	s0 =	rddreg [dreg:$0x4]  }
0x1b7: {  	s0 =	sadd.s32 @!p0 $0x100000, s0  }
0x1b8: {  	[sflag:s0] =	ssyncadd.tile.s32 @!p0 $0x1;
	_ =	shalt  }
.Lfunc_end2:
_tile_overlayer_lowered:
.L_overlay_start_2:
0x1b9: {  	(tag) =	ssettag $0x2  }
0x1ba: {  	s0 =	rddreg [dreg:$0x0];
	s2 =	stileid.u32  }
0x1bb: {  	s1 =	rddreg [dreg:$0x1];
	p0 =	sne.s32 s2, $0x0  }
0x1bc: {  	s3 =	rddreg [dreg:$0x2];
	[bflag:$0x3] =	sbarrier.arrive $0xFFFF;
	s2 =	simm.s32 @!p0 $0x1C01  }
0x1bd: {  	[timem:s3], [sflag:s2] =	dma.local @!p0 [hbm:s0], s1  }
0x1be: {  	s0 =	simm.s32 @!p0 $0x1  }
0x1bf: {  	_ =	swait.ge @!p0 [sflag:s0], s1  }
0x1c0: {  	s1 =	ssub.s32 @!p0 $0x0, s1;
	[sflag:s0] =	ssyncset.done @!p0 $0x0  }
0x1c1: {  	[sflag:s0] =	ssyncadd.s32 @!p0 s1  }
0x1c2: {  	[bflag:$0x3] =	sbarrier.arrive $0xFFFF  }
0x1c3: {  	_ =	shalt  }

// kernel: kernel.9.cloned.1.call-start
scs
__scs_entry_jumppad:
0x0: {  	(pc) =	sbr.rel $0x88, $3  }
0x1: {  	(tag) =	ssettag $0x0;
	lr =	simm.s32 $0x1  }
0x2: {  	[smem:$0x3F83] =	sst lr;
	_ =	strace $0xD0000000  }
0x3: {  	_ = 	snop  }
0x4: {  	_ = 	snop  }
0x5: {  	_ = 	snop  }
0x6: {  	_ = 	snop  }
0x7: {  	_ = 	snop  }
__scs_overlays_trampoline_lowered:
0x8: {  	[smem:$0x3F92] =	sst s0  }
0x9: {  	[smem:$0x3F93] =	sst s1  }
0xa: {  	[smem:$0x3F94] =	sst s2  }
0xb: {  	[smem:$0x3F95] =	sst s3  }
0xc: {  	[smem:$0x3F96] =	sst s4  }
0xd: {  	[smem:$0x3F97] =	sst s5  }
0xe: {  	[smem:$0x3F98] =	sst s6  }
0xf: {  	[smem:$0x3F99] =	sst s7  }
0x10: {  	[smem:$0x3F9A] =	sst s8  }
0x11: {  	[smem:$0x3F9B] =	sst s9;
	s0 =	simm.s32 @!p0 $0x0  }
0x12: {  	s1 =	sld [smem:$0x3F81];
	s0 =	simm.s32 @p0 $0x1  }
0x13: {  	[smem:$0x3F9C] =	sst s0;
	s0 =	simm.s32 @!p1 $0x0  }
0x14: {  	s2 =	sld [smem:$0x3F80];
	s0 =	simm.s32 @p1 $0x1  }
0x15: {  	[smem:$0x3F9D] =	sst s0;
	s0 =	simm.s32 @!p2 $0x0  }
0x16: {  	s3 =	sld [smem:$0x3FDB];
	s0 =	simm.s32 @p2 $0x1  }
0x17: {  	s4 =	simm.s32 $0x1BF5;
	[smem:$0x3F9F] =	sst s0  }
0x18: {  	s0 =	sld [smem:$0x3F82];
	_ =	swait.ge [sflag:s4], $0x0  }
0x19: {  	s7 =	sld [smem:$0x3F83]  }
0x1a: {  	s8 =	sadd.s32 $0xFFFFE003, lr  }
0x1b: {  	s9 =	sadd.s32 $0xFFFFFEF7, lr;
	s5 =	simm.s32 $0xFFFFFFFF;
	p2 =	slt.u32 s8, $0xFFFFF086  }
0x1c: {  	p1 =	slt.u32 s9, $0xF7A;
	s5 =	simm.s32 @!p2 $0x0  }
0x1d: {  	s5 =	simm.s32 @p1 $0x1;
	p0 =	seq.s32 s7, s2  }
0x1e: {  	s7 =	smul.u32 @!p0 $0xF7A, s2;
	p2 =	seq.s32 @!p0 s5, $0x0  }
0x1f: {  	s9 =	smul.u32 $0xF7A, s1;
	s8 =	simm.s32 @!p0 $0x1BF5;
	p2 =	por !p2, p0  }
0x20: {  	[sflag:s8] =	ssyncset.s32 @!p0 $0xFFFFF086;
	s6 =	sadd.s32 @!p0 s3, s7;
	s7 =	simm.s32 @!p0 $0x108  }
0x21: {  	s3 =	sadd.s32 s3, s9;
	s6 =	sadd.s32 @!p0 $0x88, s6;
	s7 =	simm.s32 @p2 $0x1082  }
0x22: {  	[simem:s7], [sflag:s8] =	dma.local @!p0 [hbm:s6], $0xF7A  }
0x23: {  	s9 =	sor.u32 $0xD0000000, s2;
	s6 =	simm.s32 $0x108;
	_ =	swait.ge @!p0 [sflag:s8], $0x0  }
0x24: {  	s3 =	sadd.s32 $0x88, s3;
	s6 =	simm.s32 @!p1 $0x1082;
	[sflag:s4] =	ssyncset.s32 $0xFFFFF086  }
0x25: {  	[simem:s6], [sflag:s4] =	dma.local [hbm:s3], $0xF7A  }
0x26: {  	[smem:$0x3F83] =	sst s1;
	(tag) =	ssettag s2;
	_ =	strace s9  }
0x27: {  	s1 =	sld [smem:$0x3F93]  }
0x28: {  	s2 =	sld [smem:$0x3F94]  }
0x29: {  	s4 =	sld [smem:$0x3F96]  }
0x2a: {  	p0 =	seq.s32 s5, $0x0;
	s5 =	sld [smem:$0x3F97]  }
0x2b: {  	s6 =	sld [smem:$0x3F98]  }
0x2c: {  	s7 =	sld [smem:$0x3F99]  }
0x2d: {  	s3 =	simm.s32 $0x108;
	s8 =	sld [smem:$0x3F9A]  }
0x2e: {  	s3 =	simm.s32 @!p0 $0x1082;
	s9 =	sld [smem:$0x3F9B]  }
0x2f: {  	lr =	sadd.s32 s0, s3;
	s0 =	sld [smem:$0x3F92]  }
0x30: {  	s3 =	sld [smem:$0x3F95]  }
0x31: {  	[smem:$0x3F9E] =	sst s10  }
0x32: {  	s10 =	sld [smem:$0x3F9C];
	_ =	sdelay $0x3  }
0x33: {  	p0 =	seq.s32 s10, $0x1;
	s10 =	sld [smem:$0x3F9E];
	_ =	sdelay $0x3  }
0x34: {  	[smem:$0x3F9E] =	sst s10  }
0x35: {  	s10 =	sld [smem:$0x3F9D];
	_ =	sdelay $0x3  }
0x36: {  	p1 =	seq.s32 s10, $0x1;
	s10 =	sld [smem:$0x3F9E];
	_ =	sdelay $0x3  }
0x37: {  	[smem:$0x3F9E] =	sst s10  }
0x38: {  	s10 =	sld [smem:$0x3F9F]  }
0x39: {  	_ = 	snop;
	(pc) =	sbr.ind lr, $3  }
0x3a: {  	_ = 	snop  }
0x3b: {  	_ = 	snop  }
0x3c: {  	p2 =	seq.s32 s10, $0x1;
	s10 =	sld [smem:$0x3F9E]  }
0x3d: {  	_ =	shalt  }
0x3e: {  	_ =	shalt  }
0x3f: {  	_ =	shalt  }
0x40: {  	_ =	shalt  }
0x41: {  	_ =	shalt  }
0x42: {  	_ =	shalt  }
0x43: {  	_ =	shalt  }
0x44: {  	_ =	shalt  }
0x45: {  	_ =	shalt  }
0x46: {  	_ =	shalt  }
0x47: {  	_ =	shalt  }
0x48: {  	_ =	shalt  }
0x49: {  	_ =	shalt  }
0x4a: {  	_ =	shalt  }
0x4b: {  	_ =	shalt  }
0x4c: {  	_ =	shalt  }
0x4d: {  	_ =	shalt  }
0x4e: {  	_ =	shalt  }
0x4f: {  	_ =	shalt  }
0x50: {  	_ =	shalt  }
0x51: {  	_ =	shalt  }
0x52: {  	_ =	shalt  }
0x53: {  	_ =	shalt  }
0x54: {  	_ =	shalt  }
0x55: {  	_ =	shalt  }
0x56: {  	_ =	shalt  }
0x57: {  	_ =	shalt  }
0x58: {  	_ =	shalt  }
0x59: {  	_ =	shalt  }
0x5a: {  	_ =	shalt  }
0x5b: {  	_ =	shalt  }
0x5c: {  	_ =	shalt  }
0x5d: {  	_ =	shalt  }
0x5e: {  	_ =	shalt  }
0x5f: {  	_ =	shalt  }
0x60: {  	_ =	shalt  }
0x61: {  	_ =	shalt  }
0x62: {  	_ =	shalt  }
0x63: {  	_ =	shalt  }
0x64: {  	_ =	shalt  }
0x65: {  	_ =	shalt  }
0x66: {  	_ =	shalt  }
0x67: {  	_ =	shalt  }
0x68: {  	_ =	shalt  }
0x69: {  	_ =	shalt  }
0x6a: {  	_ =	shalt  }
0x6b: {  	_ =	shalt  }
0x6c: {  	_ =	shalt  }
0x6d: {  	_ =	shalt  }
0x6e: {  	_ =	shalt  }
0x6f: {  	_ =	shalt  }
0x70: {  	_ =	shalt  }
0x71: {  	_ =	shalt  }
0x72: {  	_ =	shalt  }
0x73: {  	_ =	shalt  }
0x74: {  	_ =	shalt  }
0x75: {  	_ =	shalt  }
0x76: {  	_ =	shalt  }
0x77: {  	_ =	shalt  }
0x78: {  	_ =	shalt  }
0x79: {  	_ =	shalt  }
0x7a: {  	_ =	shalt  }
0x7b: {  	_ =	shalt  }
0x7c: {  	_ =	shalt  }
0x7d: {  	_ =	shalt  }
0x7e: {  	_ =	shalt  }
0x7f: {  	_ =	shalt  }
0x80: {  	_ =	shalt  }
0x81: {  	_ =	shalt  }
0x82: {  	_ =	shalt  }
0x83: {  	_ =	shalt  }
0x84: {  	_ =	shalt  }
0x85: {  	_ =	shalt  }
0x86: {  	_ =	shalt  }
0x87: {  	_ =	shalt  }
.Lfunc_end0:
.L_simem_size_0:
called_computation.1_lowered:
.L_overlay_start_0:
0x88: {  	s2 =	sld [smem:$0x3FD9]  }
0x89: {  	s3 =	sld [smem:$0x3FFE];
	_ =	sdelay $0x1  }
0x8a: {  	s1 =	srdreg.scid  }
0x8b: {  	s0 =	sand.u32 $0x1, s1  }
0x8c: {  	s14 =	sshll.u32 s0, $0xA;
	s2 =	sadd.s32 s3, s2  }
0x8d: {  	s2 =	sadd.s32 s2, s14  }
0x8e: {  	[smem:$0x3FAA] =	sst s2  }
0x8f: {  	_ = 	snop  }
0x90: {  	s2 =	sld [smem:$0x3FD0];
	_ =	sdelay $0x2  }
0x91: {  	s15 =	simm.s32 $0xA;
	s4 =	simm.s32 $0x10  }
0x92: {  	[smem:s4], [sflag:s15] =	dma.local [hbm:s2], $0x1  }
0x93: {  	_ =	swait.eq [sflag:s15], $0x1  }
0x94: {  	[sflag:s15] =	ssyncset.done $0x0  }
0x95: {  	s16 =	sld [smem:$0x10];
	[sflag:s15] =	ssyncadd.s32 $0xFFFFFFFF  }
0x96: {  	s17 =	sld [smem:$0x11];
	(tm) =	ssettm $0x1  }
0x97: {  	s18 =	sld [smem:$0x3FFB];
	_ =	sdelay $0x3  }
0x98: {  	_ =	strace s18  }
0x99: {  	s4 =	sld [smem:$0x3FFC];
	_ =	sdelay $0x3  }
0x9a: {  	_ =	strace s4  }
0x9b: {  	s4 =	sld [smem:$0x3FFD];
	_ =	sdelay $0x3  }
0x9c: {  	_ =	strace s4  }
0x9d: {  	_ =	strace $0x8FFFFFFF  }
0x9e: {  	s19 =	sld [smem:$0x3FDB];
	_ =	sdelay $0x1  }
0x9f: {  	s5 =	simm.s32 $_scs_section_size  }
0xa0: {  	s6 =	simm.s32 $_size__tile_overlayer_lowered;
	s7 =	simm.s32 $_tile_overlayer_lowered  }
0xa1: {  	s22 =	simm.s32 $0x1BFF;
	s21 =	sshll.u32 s7, $0x1;
	s4 =	sadd.s32 s5, s19  }
0xa2: {  	s8 =	simm.s32 $0x0;
	s20 =	sshll.u32 s6, $0x1;
	s6 =	sadd.s32 s21, s4  }
0xa3: {  	[timem:s8], [sflag:s22] =	dma.local [hbm:s6], s20  }
0xa4: {  	_ =	swait.ge [sflag:s22], s20  }
0xa5: {  	s5 =	ssub.s32 $0x0, s20;
	[sflag:s22] =	ssyncset.done $0x0  }
0xa6: {  	[sflag:s22] =	ssyncadd.s32 s5;
	_ =	sdelay $0x1  }
0xa7: {  	s23 =	simm.s32 $0x1B8B  }
0xa8: {  	_ =	swait.ge [sflag:s23], $0x1  }
0xa9: {  	[sflag:s23] =	ssyncset.done $0x0  }
0xaa: {  	s25 =	simm.s32 $0x1B8E;
	s24 =	sld [smem:$0x3FFE];
	[sflag:s23] =	ssyncadd.s32 $0xFFFFFFFF  }
0xab: {  	s26 =	simm.s32 $execute0_lowered;
	[smem:$0x3FD2] =	sst s25  }
0xac: {  	s6 =	sshll.u32 s26, $0x1;
	_ =	strace $0x80000049;
	[dreg:$0x1] =	wrdreg $0xFFFFFFFF  }
0xad: {  	s28 =	simm.s32 $_size_execute0_lowered;
	s4 =	sadd.s32 s4, s6;
	[dreg:$0x0] =	wrdreg $0x0  }
0xae: {  	s6 =	sshll.u32 s28, $0x1;
	[dreg:$0x2] =	wrdreg s4  }
0xaf: {  	[dreg:$0x3] =	wrdreg s6  }
0xb0: {  	[dreg:$0x4] =	wrdreg $0xC0  }
0xb1: {  	_ =	task [dreg:s8], $0x5FFFF  }
0xb2: {  	[dreg:$0x1] =	wrdreg $0xFFFFFFFF  }
0xb3: {  	[dreg:$0x0] =	wrdreg $0x60  }
0xb4: {  	[dreg:$0x2] =	wrdreg s24  }
0xb5: {  	[dreg:$0x3] =	wrdreg s17  }
0xb6: {  	[dreg:$0x4] =	wrdreg s16  }
0xb7: {  	[dreg:$0x5] =	wrdreg $0x120000  }
0xb8: {  	[dreg:$0x6] =	wrdreg $0x9  }
0xb9: {  	_ =	task.clear_ibuf [dreg:s8], $0x7FFFF;
	_ =	strace $0x90000049  }
0xba: {  	s29 =	simm.s32 $0x9;
	_ =	strace $0x8000004B  }
0xbb: {  	_ =	swait.ge [sflag:s29], $0x1  }
0xbc: {  	[sflag:s29] =	ssyncadd.s32 $0xFFFFFFFF  }
0xbd: {  	_ =	strace $0x9000004B  }
0xbe: {  	_ =	sfence  }
0xbf: {  	s30 =	sld [smem:$0x0];
	_ =	sdelay $0x2  }
0xc0: {  	s31 =	sshll.u32 s1, $0xD;
	s1 =	sshrl.u32 s1, $0x2  }
0xc1: {  	s3 =	sand.u32 $0x4000, s31;
	s1 =	sadd.s32 s1, s30  }
0xc2: {  	s0 =	sor.u32 s3, s0;
	s1 =	sshll.u32 s1, $0x11  }
0xc3: {  	s0 =	sor.u32 s1, s0  }
0xc4: {  	s0 =	sadd.s32 $0x8F2B, s0  }
0xc5: {  	[sflag:s0] =	ssyncadd.remote.s32 $0x1  }
0xc6: {  	_ =	sfence.sel $0xFFFF  }
0xc7: {  	[dreg:$0x0] =	wrdreg $0xFFFFFFFF;
	(pc) =	sbr.abs _section_cstart, $3  }
0xc8: {  	[dreg:$0x1] =	wrdreg $0xFFFFFFFF  }
0xc9: {  	_ =	task.clear_ibuf [dreg:s8], $0x2FFFF;
	_ =	strace $0x9FFFFFFF  }
0xca: {  	(tm) =	ssettm $0x7FFFFFFF  }
0xcb: {  	_ =	shalt  }
tec
execute0_lowered:
.L_overlay_start_1:
0x0: {  	(tag) =	ssettag $0x1  }
0x1: {  	s0 =	rddreg [dreg:$0x0]  }
0x2: {  	s3 =	rddreg [dreg:$0x1]  }
0x3: {  	s6 =	rddreg [dreg:$0x2]  }
0x4: {  	s1 =	rddreg [dreg:$0x3];
	s2 =	simm.s32 $0x0;
	s5 =	srdreg.scid  }
0x5: {  	s19 =	stileid.u32;
	[smem:$0x7FF] =	sst s2  }
0x6: {  	s4 =	sadd.s32 $0xF0C00, s0;
	s7 =	sand.u32 $0x1, s5;
	s8 =	sadd.s32 $0x19C00, s0  }
0x7: {  	s10 =	smul.u32 $0x5000, s19;
	s11 =	sadd.s32 $0x6200, s0;
	p0 =	seq.s32 s19, $0xF  }
0x8: {  	s5 =	simm.s32 $0x34;
	s13 =	smul.u32 $0xA00, s19;
	s23 =	sadd.s32 $0xF800, s0  }
0x9: {  	s24 =	sadd.s32 $0x19480, s0;
	_ =	strace $0x8000004A;
	[dreg:$0x7] =	wrdreg s23  }
0xa: {  	s26 =	smul.u32 $0xA000, s19;
	s28 =	sadd.s32 $0x23200, s0;
	[dreg:$0x8] =	wrdreg s24  }
0xb: {  	s0 =	sadd.s32 $0x2CE80, s0;
	s31 =	sadd.s32 $0x13800, s3;
	[dreg:$0xb] =	wrdreg s28  }
0xc: {  	s9 =	ssub.s32 $0x2, s7;
	s5 =	simm.s32 @!p0 $0x50;
	[dreg:$0xc] =	wrdreg s0  }
0xd: {  	p0 =	sne.s32 s7, $0x0;
	s12 =	sshrl.u32 s9, $0x1;
	s10 =	sshrl.u32 s10, $0x3  }
0xe: {  	s22 =	sadd.s32 s11, s13;
	s25 =	sadd.s32 s8, s13;
	s14 =	sadd.s32 s26, s1  }
0xf: {  	s13 =	sadd.s32 $0x8000, s26;
	p2 =	seq.s32 @p0 s19, $0xF;
	s28 =	sshll.u32 s5, $0xA  }
0x10: {  	p4 =	seq.s32 @!p0 s19, $0xF;
	s19 =	simm.s32 $0x2;
	[dreg:$0x5] =	wrdreg s22  }
0x11: {  	s9 =	ssub.s32 s9, s12;
	s10 =	sadd.s32 $0x9C80, s10;
	[dreg:$0x9] =	wrdreg s25  }
0x12: {  	s12 =	sadd.s32 $0x6000, s26;
	s18 =	sadd.s32 s13, s1;
	s7 =	sshrl.u32 s13, $0x3  }
0x13: {  	p1 =	por !p2, !p0;
	p2 =	por p2, !p0;
	p3 =	por !p4, p0  }
0x14: {  	p4 =	por p4, p0;
	s13 =	simm.s32 $0x3;
	s11 =	sadd.s32 s11, s10  }
0x15: {  	s8 =	sadd.s32 s8, s10;
	s10 =	sadd.s32 $0x4000, s26;
	s17 =	sadd.s32 s12, s1  }
0x16: {  	s24 =	sadd.s32 s6, s7;
	s30 =	sadd.s32 s3, s7;
	[dreg:$0x6] =	wrdreg s11  }
0x17: {  	s7 =	simm.s32 $0x5;
	[dreg:$0xa] =	wrdreg s8;
	s8 =	sadd.s32 $0x2000, s26  }
0x18: {  	s16 =	sadd.s32 s10, s1;
	s11 =	sshrl.u32 s26, $0x3;
	[dreg:$0x11] =	wrdreg s24  }
0x19: {  	s15 =	sadd.s32 s8, s1;
	s0 =	sshrl.u32 s8, $0x3;
	s20 =	sadd.s32 s6, s11  }
0x1a: {  	s8 =	sshrl.u32 s10, $0x3;
	s25 =	sadd.s32 s3, s11;
	[dreg:$0xd] =	wrdreg s20  }
0x1b: {  	s10 =	sshrl.u32 s12, $0x3;
	s21 =	sadd.s32 s6, s0;
	[dreg:$0x13] =	wrdreg s25  }
0x1c: {  	s11 =	simm.s32 $0x10000;
	s22 =	sadd.s32 s6, s8;
	[dreg:$0xe] =	wrdreg s21  }
0x1d: {  	s12 =	simm.s32 $0x1;
	s23 =	sadd.s32 s6, s10;
	[dreg:$0xf] =	wrdreg s22  }
0x1e: {  	s6 =	sadd.s32 $0x13800, s6;
	s0 =	sadd.s32 s3, s0;
	[dreg:$0x10] =	wrdreg s23  }
0x1f: {  	s26 =	sadd.s32 s3, s8;
	s29 =	sadd.s32 s3, s10;
	[dreg:$0x12] =	wrdreg s6  }
0x20: {  	s3 =	sadd.s32 $0xFFFFF000, s28;
	s8 =	simm.s32 $0x80;
	[dreg:$0x14] =	wrdreg s0  }
0x21: {  	s10 =	simm.s32 $0xE000;
	s20 =	simm.s32 $0x4;
	[dreg:$0x15] =	wrdreg s26  }
0x22: {  	v0 =	vimm.f32 $0.0e+00;
	s0 =	smax.u32 s9, $0x1;
	s6 =	simm.s32 $0xA000;
	s9 =	simm.s32 $0xC000  }
.LBB2_1:
0x23: {  	s21 =	simm.s32 @!p1 $0x0;
	s22 =	rddreg [dreg:$0x7]  }
0x24: {  	[tilespmem:s21], [sflag:$0x5] =	stream.linear.gather @!p1 [hbm4b:s22+s21], $0x3400, $0x38;
	[tilespmem:$0x1C000] =	vst v63  }
0x25: {  	s22 =	simm.s32 @!p1 $0x5  }
0x26: {  	_ =	swait.ge @!p1 [sflag:s22], $0x3400  }
0x27: {  	[sflag:s22] =	ssyncset.done @!p1 $0x0  }
0x28: {  	s23 =	simm.s32 @!p1 $0x5000;
	s24 =	rddreg [dreg:$0x8];
	[sflag:s22] =	ssyncadd.s32 @!p1 $0xFFFFCC00  }
0x29: {  	[tilespmem:s23], [sflag:$0x5] =	stream.linear.gather @!p1 [hbm4b:s24+s21], $0x3400, $0x38;
	[tilespmem:$0x1C000] =	vst v63  }
0x2a: {  	_ =	swait.ge @!p1 [sflag:s22], $0x3400  }
0x2b: {  	[sflag:s22] =	ssyncset.done @!p1 $0x0  }
0x2c: {  	s21 =	simm.s32 @!p2 $0x0;
	[sflag:s22] =	ssyncadd.s32 @!p1 $0xFFFFCC00;
	s22 =	rddreg [dreg:$0x5]  }
0x2d: {  	[tilespmem:s21], [sflag:$0x5] =	stream.linear.gather @!p2 [hbm4b:s22+s21], $0x5000, $0x38;
	[tilespmem:$0x1C000] =	vst v63  }
0x2e: {  	s22 =	simm.s32 @!p2 $0x5  }
0x2f: {  	_ =	swait.ge @!p2 [sflag:s22], $0x5000  }
0x30: {  	[sflag:s22] =	ssyncset.done @!p2 $0x0  }
0x31: {  	s23 =	simm.s32 @!p2 $0x5000;
	s24 =	rddreg [dreg:$0x6];
	[sflag:s22] =	ssyncadd.s32 @!p2 $0xFFFFB000  }
0x32: {  	[tilespmem:s23], [sflag:$0x5] =	stream.linear.gather @!p2 [hbm4b:s24+s21], $0x5000, $0x38;
	[tilespmem:$0x1C000] =	vst v63  }
0x33: {  	_ =	swait.ge @!p2 [sflag:s22], $0x5000  }
0x34: {  	[sflag:s22] =	ssyncset.done @!p2 $0x0  }
0x35: {  	s21 =	simm.s32 @!p3 $0x0;
	[sflag:s22] =	ssyncadd.s32 @!p2 $0xFFFFB000;
	s22 =	rddreg [dreg:$0xb]  }
0x36: {  	[tilespmem:s21], [sflag:$0x5] =	stream.linear.gather @!p3 [hbm4b:s22+s21], $0x3400, $0x38;
	[tilespmem:$0x1C000] =	vst v63  }
0x37: {  	s22 =	simm.s32 @!p3 $0x5  }
0x38: {  	_ =	swait.ge @!p3 [sflag:s22], $0x3400  }
0x39: {  	[sflag:s22] =	ssyncset.done @!p3 $0x0  }
0x3a: {  	s23 =	simm.s32 @!p3 $0x5000;
	s24 =	rddreg [dreg:$0xc];
	[sflag:s22] =	ssyncadd.s32 @!p3 $0xFFFFCC00  }
0x3b: {  	[tilespmem:s23], [sflag:$0x5] =	stream.linear.gather @!p3 [hbm4b:s24+s21], $0x3400, $0x38;
	[tilespmem:$0x1C000] =	vst v63  }
0x3c: {  	_ =	swait.ge @!p3 [sflag:s22], $0x3400  }
0x3d: {  	[sflag:s22] =	ssyncset.done @!p3 $0x0  }
0x3e: {  	s21 =	simm.s32 @!p4 $0x0;
	[sflag:s22] =	ssyncadd.s32 @!p3 $0xFFFFCC00;
	s22 =	rddreg [dreg:$0x9]  }
0x3f: {  	[tilespmem:s21], [sflag:$0x5] =	stream.linear.gather @!p4 [hbm4b:s22+s21], $0x5000, $0x38;
	[tilespmem:$0x1C000] =	vst v63  }
0x40: {  	s22 =	simm.s32 @!p4 $0x5  }
0x41: {  	_ =	swait.ge @!p4 [sflag:s22], $0x5000  }
0x42: {  	[sflag:s22] =	ssyncset.done @!p4 $0x0  }
0x43: {  	s23 =	simm.s32 @!p4 $0x5000;
	s24 =	rddreg [dreg:$0xa];
	[sflag:s22] =	ssyncadd.s32 @!p4 $0xFFFFB000  }
0x44: {  	[tilespmem:s23], [sflag:$0x5] =	stream.linear.gather @!p4 [hbm4b:s24+s21], $0x5000, $0x38;
	[tilespmem:$0x1C000] =	vst v63  }
0x45: {  	_ =	swait.ge @!p4 [sflag:s22], $0x5000  }
0x46: {  	[sflag:s22] =	ssyncset.done @!p4 $0x0  }
0x47: {  	s21 =	simm.s32 $0x0;
	[sflag:s22] =	ssyncadd.s32 @!p4 $0xFFFFB000;
	s22 =	simm.s32 $0x100  }
.LBB2_2:
0x48: {  	p5 =	sne.s32 s22, $0x7F00;
	[tilespmem:s21+$0xA030] =	vst v0;
	s23 =	smov.u32 s22;
	s22 =	sadd.s32 $0x100, s22  }
.Ltmp0:
0x49: {  	[tilespmem:s21+$0xA020] =	vst v0;
	(pc) =	sbr.rel @p5 .LBB2_2-.Ltmp0, $3  }
0x4a: {  	[tilespmem:s21+$0xA000] =	vst v0  }
0x4b: {  	[tilespmem:s21+$0xA010] =	vst v0;
	_ =	sdelay $0x1  }
0x4c: {  	s21 =	sshra.s32 s23, $0x2  }
0x4d: {  	[tilespmem:s21+$0xA030] =	vst v0  }
0x4e: {  	[tilespmem:s21+$0xA020] =	vst v0  }
0x4f: {  	[tilespmem:s21+$0xA000] =	vst v0  }
0x50: {  	[tilespmem:s21+$0xA010] =	vst v0  }
0x51: {  	[spmem:s14] =	stream.linear.scatter [tilespmem:s6], [sflag:$0x5], $0x2000, $0x38;
	[tilespmem:$0x1C000] =	vst v63  }
0x52: {  	_ =	swait.ge [sflag:s7], $0x2000  }
0x53: {  	[sflag:s7] =	ssyncset.done $0x0  }
0x54: {  	[sflag:s7] =	ssyncadd.s32 $0xFFFFE000  }
0x55: {  	[spmem:s15] =	stream.linear.scatter [tilespmem:s6], [sflag:$0x5], $0x2000, $0x38;
	[tilespmem:$0x1C000] =	vst v63  }
0x56: {  	_ =	swait.ge [sflag:s7], $0x2000  }
0x57: {  	[sflag:s7] =	ssyncset.done $0x0  }
0x58: {  	[sflag:s7] =	ssyncadd.s32 $0xFFFFE000  }
0x59: {  	[spmem:s16] =	stream.linear.scatter [tilespmem:s6], [sflag:$0x5], $0x2000, $0x38;
	[tilespmem:$0x1C000] =	vst v63  }
0x5a: {  	_ =	swait.ge [sflag:s7], $0x2000  }
0x5b: {  	[sflag:s7] =	ssyncset.done $0x0  }
0x5c: {  	[sflag:s7] =	ssyncadd.s32 $0xFFFFE000  }
0x5d: {  	[spmem:s17] =	stream.linear.scatter [tilespmem:s6], [sflag:$0x5], $0x2000, $0x38;
	[tilespmem:$0x1C000] =	vst v63  }
0x5e: {  	_ =	swait.ge [sflag:s7], $0x2000  }
0x5f: {  	[sflag:s7] =	ssyncset.done $0x0  }
0x60: {  	[sflag:s7] =	ssyncadd.s32 $0xFFFFE000  }
0x61: {  	[spmem:s18] =	stream.linear.scatter [tilespmem:s6], [sflag:$0x5], $0x2000, $0x38;
	[tilespmem:$0x1C000] =	vst v63  }
0x62: {  	_ =	swait.ge [sflag:s7], $0x2000  }
0x63: {  	[sflag:s7] =	ssyncset.done $0x0  }
0x64: {  	[sflag:s7] =	ssyncadd.s32 $0xFFFFE000  }
0x65: {  	s26 =	simm.s32 $0x0;
	[bflag:$0x0] =	sbarrier.arrive $0xFFFF  }
0x66: {  	[tilespmem:s6], [sflag:$0x1] =	stream.indirect.gather [hbm4b:s4+s8], $0x40, s26, s8, $0xb8;
	[tilespmem:$0x1C000] =	vst v63  }
0x67: {  	_ = 	snop  }
0x68: {  	[tilespmem:s9], [sflag:$0x1] =	stream.indirect.gather [hbm4b:s4+s8], $0x40, s8, s8, $0xb8;
	[tilespmem:$0x1C000] =	vst v63  }
0x69: {  	s28 =	simm.s32 $0x100  }
0x6a: {  	[tilespmem:s10], [sflag:$0x2] =	stream.indirect.gather [hbm4b:s4+s8], $0x40, s28, s8, $0xb8;
	[tilespmem:$0x1C000] =	vst v63  }
0x6b: {  	s22 =	simm.s32 $0x180  }
0x6c: {  	[tilespmem:s11], [sflag:$0x2] =	stream.indirect.gather [hbm4b:s4+s8], $0x40, s22, s8, $0xb8;
	[tilespmem:$0x1C000] =	vst v63  }
0x6d: {  	_ =	swait.ge [sflag:s12], $0x2000  }
0x6e: {  	[sflag:s12] =	ssyncset.done $0x0  }
0x6f: {  	[sflag:s12] =	ssyncadd.s32 $0xFFFFE000  }
0x70: {  	_ =	swait.ge [sflag:s12], $0x2000  }
0x71: {  	[sflag:s12] =	ssyncset.done $0x0  }
0x72: {  	s23 =	simm.s32 $0x5000;
	[sflag:s12] =	ssyncadd.s32 $0xFFFFE000  }
0x73: {  	[spmem:s1] =	stream.indirect.scatter.add.f32 [tilespmem:s6], [sflag:$0x3], $0x40, s23, s8, $0xb8;
	[tilespmem:$0x1C000] =	vst v63  }
0x74: {  	s24 =	simm.s32 $0x5080  }
0x75: {  	[spmem:s1] =	stream.indirect.scatter.add.f32 [tilespmem:s9], [sflag:$0x3], $0x40, s24, s8, $0xb8;
	[tilespmem:$0x1C000] =	vst v63  }
0x76: {  	_ =	swait.ge [sflag:s13], $0x2000  }
0x77: {  	[sflag:s13] =	ssyncset.done $0x0  }
0x78: {  	[sflag:s13] =	ssyncadd.s32 $0xFFFFE000  }
0x79: {  	_ =	swait.ge [sflag:s13], $0x2000  }
0x7a: {  	[sflag:s13] =	ssyncset.done $0x0  }
0x7b: {  	s25 =	simm.s32 $0x200;
	[sflag:s13] =	ssyncadd.s32 $0xFFFFE000  }
0x7c: {  	[tilespmem:s6], [sflag:$0x1] =	stream.indirect.gather [hbm4b:s4+s8], $0x40, s25, s8, $0xb8;
	[tilespmem:$0x1C000] =	vst v63  }
0x7d: {  	s26 =	simm.s32 $0x280  }
0x7e: {  	[tilespmem:s9], [sflag:$0x1] =	stream.indirect.gather [hbm4b:s4+s8], $0x40, s26, s8, $0xb8;
	[tilespmem:$0x1C000] =	vst v63  }
0x7f: {  	_ =	swait.ge [sflag:s19], $0x2000  }
0x80: {  	[sflag:s19] =	ssyncset.done $0x0  }
0x81: {  	[sflag:s19] =	ssyncadd.s32 $0xFFFFE000  }
0x82: {  	_ =	swait.ge [sflag:s19], $0x2000  }
0x83: {  	[sflag:s19] =	ssyncset.done $0x0  }
0x84: {  	s28 =	simm.s32 $0x5100;
	[sflag:s19] =	ssyncadd.s32 $0xFFFFE000  }
0x85: {  	[spmem:s1] =	stream.indirect.scatter.add.f32 [tilespmem:s10], [sflag:$0x4], $0x40, s28, s8, $0xb8;
	[tilespmem:$0x1C000] =	vst v63  }
0x86: {  	s22 =	simm.s32 $0x5180  }
0x87: {  	[spmem:s1] =	stream.indirect.scatter.add.f32 [tilespmem:s11], [sflag:$0x4], $0x40, s22, s8, $0xb8;
	[tilespmem:$0x1C000] =	vst v63  }
0x88: {  	_ =	swait.ge [sflag:s20], $0x2000  }
0x89: {  	[sflag:s20] =	ssyncset.done $0x0  }
0x8a: {  	[sflag:s20] =	ssyncadd.s32 $0xFFFFE000  }
0x8b: {  	_ =	swait.ge [sflag:s20], $0x2000  }
0x8c: {  	[sflag:s20] =	ssyncset.done $0x0  }
0x8d: {  	s23 =	simm.s32 $0x300;
	[sflag:s20] =	ssyncadd.s32 $0xFFFFE000  }
0x8e: {  	[tilespmem:s10], [sflag:$0x2] =	stream.indirect.gather [hbm4b:s4+s8], $0x40, s23, s8, $0xb8;
	[tilespmem:$0x1C000] =	vst v63  }
0x8f: {  	s24 =	simm.s32 $0x380  }
0x90: {  	[tilespmem:s11], [sflag:$0x2] =	stream.indirect.gather [hbm4b:s4+s8], $0x40, s24, s8, $0xb8;
	[tilespmem:$0x1C000] =	vst v63  }
0x91: {  	_ =	swait.ge [sflag:s12], $0x2000  }
0x92: {  	[sflag:s12] =	ssyncset.done $0x0  }
0x93: {  	[sflag:s12] =	ssyncadd.s32 $0xFFFFE000  }
0x94: {  	_ =	swait.ge [sflag:s12], $0x2000  }
0x95: {  	[sflag:s12] =	ssyncset.done $0x0  }
0x96: {  	s25 =	simm.s32 $0x5200;
	[sflag:s12] =	ssyncadd.s32 $0xFFFFE000  }
0x97: {  	[spmem:s1] =	stream.indirect.scatter.add.f32 [tilespmem:s6], [sflag:$0x3], $0x40, s25, s8, $0xb8;
	[tilespmem:$0x1C000] =	vst v63  }
0x98: {  	s26 =	simm.s32 $0x5280  }
0x99: {  	[spmem:s1] =	stream.indirect.scatter.add.f32 [tilespmem:s9], [sflag:$0x3], $0x40, s26, s8, $0xb8;
	[tilespmem:$0x1C000] =	vst v63  }
0x9a: {  	_ =	swait.ge [sflag:s13], $0x2000  }
0x9b: {  	[sflag:s13] =	ssyncset.done $0x0  }
0x9c: {  	[sflag:s13] =	ssyncadd.s32 $0xFFFFE000  }
0x9d: {  	p5 =	sle.u32 s5, $0x4;
	_ =	swait.ge [sflag:s13], $0x2000  }
0x9e: {  	s21 =	simm.s32 @!p5 $0xA000;
	[sflag:s13] =	ssyncset.done $0x0  }
0x9f: {  	s22 =	simm.s32 @!p5 $0x400;
	s23 =	simm.s32 @!p5 $0x80;
	[sflag:s13] =	ssyncadd.s32 $0xFFFFE000  }
0xa0: {  	[tilespmem:s21], [sflag:$0x1] =	stream.indirect.gather @!p5 [hbm4b:s4+s23], $0x40, s22, s23, $0xb8;
	[tilespmem:$0x1C000] =	vst v63  }
0xa1: {  	s21 =	simm.s32 @!p5 $0x480;
	s22 =	simm.s32 @!p5 $0xC000  }
0xa2: {  	[tilespmem:s22], [sflag:$0x1] =	stream.indirect.gather @!p5 [hbm4b:s4+s23], $0x40, s21, s23, $0xb8;
	[tilespmem:$0x1C000] =	vst v63  }
0xa3: {  	_ =	swait.ge [sflag:s19], $0x2000  }
0xa4: {  	p5 =	sne.s32 s3, $0x800;
	[sflag:s19] =	ssyncset.done $0x0  }
.Ltmp1:
0xa5: {  	[sflag:s19] =	ssyncadd.s32 $0xFFFFE000;
	(pc) =	sbr.rel @!p5 .LBB2_5-.Ltmp1, $4  }
0xa6: {  	_ =	swait.ge [sflag:s19], $0x2000  }
0xa7: {  	s28 =	simm.s32 $0x5300;
	s21 =	simm.s32 $0x800;
	[sflag:s19] =	ssyncset.done $0x0  }
0xa8: {  	s23 =	simm.s32 $0x5380;
	s22 =	simm.s32 $0x6;
	[sflag:s19] =	ssyncadd.s32 $0xFFFFE000  }
0xa9: {  	[spmem:s1] =	stream.indirect.scatter.add.f32 [tilespmem:s10], [sflag:$0x4], $0x40, s28, s8, $0xb8;
	[tilespmem:$0x1C000] =	vst v63  }
.LBB2_4:
0xaa: {  	[spmem:s1] =	stream.indirect.scatter.add.f32 [tilespmem:s11], [sflag:$0x4], $0x40, s23, s8, $0xb8;
	[tilespmem:$0x1C000] =	vst v63  }
0xab: {  	s24 =	smov.u32 s21;
	s21 =	sadd.s32 $0x800, s21;
	_ =	swait.ge [sflag:s20], $0x2000  }
0xac: {  	p5 =	sne.s32 s3, s21;
	[sflag:s20] =	ssyncset.done $0x0  }
0xad: {  	[sflag:s20] =	ssyncadd.s32 $0xFFFFE000  }
0xae: {  	_ =	swait.ge [sflag:s20], $0x2000  }
0xaf: {  	s23 =	sshra.s32 s24, $0x2;
	[sflag:s20] =	ssyncset.done $0x0  }
0xb0: {  	s25 =	sadd.s32 $0x300, s23;
	[sflag:s20] =	ssyncadd.s32 $0xFFFFE000  }
0xb1: {  	[tilespmem:s10], [sflag:$0x2] =	stream.indirect.gather [hbm4b:s4+s8], $0x40, s25, s8, $0xb8;
	[tilespmem:$0x1C000] =	vst v63  }
0xb2: {  	s25 =	sadd.s32 $0x380, s23  }
0xb3: {  	[tilespmem:s11], [sflag:$0x2] =	stream.indirect.gather [hbm4b:s4+s8], $0x40, s25, s8, $0xb8;
	[tilespmem:$0x1C000] =	vst v63  }
0xb4: {  	_ =	swait.ge [sflag:s12], $0x2000  }
0xb5: {  	[sflag:s12] =	ssyncset.done $0x0  }
0xb6: {  	[sflag:s12] =	ssyncadd.s32 $0xFFFFE000  }
0xb7: {  	_ =	swait.ge [sflag:s12], $0x2000  }
0xb8: {  	[sflag:s12] =	ssyncset.done $0x0  }
0xb9: {  	s25 =	sadd.s32 $0x5200, s23;
	[sflag:s12] =	ssyncadd.s32 $0xFFFFE000  }
0xba: {  	[spmem:s1] =	stream.indirect.scatter.add.f32 [tilespmem:s6], [sflag:$0x3], $0x40, s25, s8, $0xb8;
	[tilespmem:$0x1C000] =	vst v63  }
0xbb: {  	s25 =	sadd.s32 $0x5280, s23  }
0xbc: {  	[spmem:s1] =	stream.indirect.scatter.add.f32 [tilespmem:s9], [sflag:$0x3], $0x40, s25, s8, $0xb8;
	[tilespmem:$0x1C000] =	vst v63  }
0xbd: {  	_ =	swait.ge [sflag:s13], $0x2000  }
0xbe: {  	[sflag:s13] =	ssyncset.done $0x0  }
0xbf: {  	[sflag:s13] =	ssyncadd.s32 $0xFFFFE000  }
0xc0: {  	p6 =	sge.u32 s22, s5;
	_ =	swait.ge [sflag:s13], $0x2000  }
0xc1: {  	s24 =	sshra.s32 @!p6 s24, $0x2;
	s25 =	simm.s32 @!p6 $0xA000;
	[sflag:s13] =	ssyncset.done $0x0  }
0xc2: {  	s28 =	simm.s32 @!p6 $0x80;
	s26 =	sadd.s32 @!p6 $0x400, s24;
	[sflag:s13] =	ssyncadd.s32 $0xFFFFE000  }
0xc3: {  	[tilespmem:s25], [sflag:$0x1] =	stream.indirect.gather @!p6 [hbm4b:s4+s28], $0x40, s26, s28, $0xb8;
	[tilespmem:$0x1C000] =	vst v63  }
0xc4: {  	s24 =	sadd.s32 @!p6 $0x480, s24;
	s25 =	simm.s32 @!p6 $0xC000  }
0xc5: {  	[tilespmem:s25], [sflag:$0x1] =	stream.indirect.gather @!p6 [hbm4b:s4+s28], $0x40, s24, s28, $0xb8;
	[tilespmem:$0x1C000] =	vst v63  }
0xc6: {  	_ =	swait.ge [sflag:s19], $0x2000  }
0xc7: {  	[sflag:s19] =	ssyncset.done $0x0  }
0xc8: {  	[sflag:s19] =	ssyncadd.s32 $0xFFFFE000  }
.Ltmp2:
0xc9: {  	_ =	swait.ge [sflag:s19], $0x2000;
	(pc) =	sbr.rel @p5 .LBB2_4-.Ltmp2, $4  }
0xca: {  	[sflag:s19] =	ssyncset.done $0x0  }
0xcb: {  	s24 =	sadd.s32 $0x5300, s23;
	[sflag:s19] =	ssyncadd.s32 $0xFFFFE000  }
0xcc: {  	[spmem:s1] =	stream.indirect.scatter.add.f32 [tilespmem:s10], [sflag:$0x4], $0x40, s24, s8, $0xb8;
	[tilespmem:$0x1C000] =	vst v63  }
0xcd: {  	s22 =	sadd.s32 $0x2, s22;
	s23 =	sadd.s32 $0x5380, s23  }
.LBB2_5:
0xce: {  	[spmem:s1] =	stream.indirect.scatter.add.f32 [tilespmem:s11], [sflag:$0x4], $0x40, s23, s8, $0xb8;
	[tilespmem:$0x1C000] =	vst v63  }
0xcf: {  	_ =	swait.ge [sflag:s20], $0x2000  }
0xd0: {  	[sflag:s20] =	ssyncset.done $0x0  }
0xd1: {  	[sflag:s20] =	ssyncadd.s32 $0xFFFFE000  }
0xd2: {  	_ =	swait.ge [sflag:s20], $0x2000  }
0xd3: {  	s23 =	sshra.s32 s21, $0x2;
	[sflag:s20] =	ssyncset.done $0x0  }
0xd4: {  	s24 =	sadd.s32 $0x300, s23;
	[sflag:s20] =	ssyncadd.s32 $0xFFFFE000  }
0xd5: {  	[tilespmem:s10], [sflag:$0x2] =	stream.indirect.gather [hbm4b:s4+s8], $0x40, s24, s8, $0xb8;
	[tilespmem:$0x1C000] =	vst v63  }
0xd6: {  	s26 =	sadd.s32 $0x380, s23  }
0xd7: {  	[tilespmem:s11], [sflag:$0x2] =	stream.indirect.gather [hbm4b:s4+s8], $0x40, s26, s8, $0xb8;
	[tilespmem:$0x1C000] =	vst v63  }
0xd8: {  	_ =	swait.ge [sflag:s12], $0x2000  }
0xd9: {  	[sflag:s12] =	ssyncset.done $0x0  }
0xda: {  	[sflag:s12] =	ssyncadd.s32 $0xFFFFE000  }
0xdb: {  	_ =	swait.ge [sflag:s12], $0x2000  }
0xdc: {  	[sflag:s12] =	ssyncset.done $0x0  }
0xdd: {  	s28 =	sadd.s32 $0x5200, s23;
	[sflag:s12] =	ssyncadd.s32 $0xFFFFE000  }
0xde: {  	[spmem:s1] =	stream.indirect.scatter.add.f32 [tilespmem:s6], [sflag:$0x3], $0x40, s28, s8, $0xb8;
	[tilespmem:$0x1C000] =	vst v63  }
0xdf: {  	s25 =	sadd.s32 $0x5280, s23  }
0xe0: {  	[spmem:s1] =	stream.indirect.scatter.add.f32 [tilespmem:s9], [sflag:$0x3], $0x40, s25, s8, $0xb8;
	[tilespmem:$0x1C000] =	vst v63  }
0xe1: {  	_ =	swait.ge [sflag:s13], $0x2000  }
0xe2: {  	[sflag:s13] =	ssyncset.done $0x0  }
0xe3: {  	p5 =	sge.u32 s22, s5;
	[sflag:s13] =	ssyncadd.s32 $0xFFFFE000  }
0xe4: {  	s21 =	sshra.s32 @!p5 s21, $0x2;
	_ =	swait.ge [sflag:s13], $0x2000  }
0xe5: {  	s22 =	sadd.s32 @!p5 $0x400, s21;
	[sflag:s13] =	ssyncset.done $0x0  }
0xe6: {  	s24 =	simm.s32 @!p5 $0x80;
	s25 =	simm.s32 @!p5 $0xA000;
	[sflag:s13] =	ssyncadd.s32 $0xFFFFE000  }
0xe7: {  	[tilespmem:s25], [sflag:$0x1] =	stream.indirect.gather @!p5 [hbm4b:s4+s24], $0x40, s22, s24, $0xb8;
	[tilespmem:$0x1C000] =	vst v63  }
0xe8: {  	s21 =	sadd.s32 @!p5 $0x480, s21;
	s22 =	simm.s32 @!p5 $0xC000  }
0xe9: {  	[tilespmem:s22], [sflag:$0x1] =	stream.indirect.gather @!p5 [hbm4b:s4+s24], $0x40, s21, s24, $0xb8;
	[tilespmem:$0x1C000] =	vst v63  }
0xea: {  	_ =	swait.ge [sflag:s19], $0x2000  }
0xeb: {  	[sflag:s19] =	ssyncset.done $0x0  }
0xec: {  	[sflag:s19] =	ssyncadd.s32 $0xFFFFE000  }
0xed: {  	_ =	swait.ge [sflag:s19], $0x2000  }
0xee: {  	[sflag:s19] =	ssyncset.done $0x0  }
0xef: {  	s26 =	sadd.s32 $0x5300, s23;
	[sflag:s19] =	ssyncadd.s32 $0xFFFFE000  }
0xf0: {  	[spmem:s1] =	stream.indirect.scatter.add.f32 [tilespmem:s10], [sflag:$0x4], $0x40, s26, s8, $0xb8;
	[tilespmem:$0x1C000] =	vst v63  }
0xf1: {  	s28 =	sadd.s32 $0x5380, s23  }
0xf2: {  	[spmem:s1] =	stream.indirect.scatter.add.f32 [tilespmem:s11], [sflag:$0x4], $0x40, s28, s8, $0xb8;
	[tilespmem:$0x1C000] =	vst v63  }
0xf3: {  	_ =	swait.ge [sflag:s20], $0x2000  }
0xf4: {  	[sflag:s20] =	ssyncset.done $0x0  }
0xf5: {  	[sflag:s20] =	ssyncadd.s32 $0xFFFFE000  }
0xf6: {  	_ =	swait.ge [sflag:s20], $0x2000  }
0xf7: {  	[sflag:s20] =	ssyncset.done $0x0  }
0xf8: {  	[sflag:s20] =	ssyncadd.s32 $0xFFFFE000  }
0xf9: {  	[bflag:$0x0] =	sbarrier.arrive $0xFFFF  }
0xfa: {  	[tilespmem:s6], [sflag:$0x5] =	stream.linear.gather [spmem:s14], $0x2000, $0x38;
	[tilespmem:$0x1C000] =	vst v63  }
0xfb: {  	_ =	swait.ge [sflag:s7], $0x2000  }
0xfc: {  	s21 =	simm.s32 @p0 $0x0;
	[sflag:s7] =	ssyncset.done $0x0  }
0xfd: {  	s22 =	simm.s32 @p0 $0xA000;
	s23 =	rddreg [dreg:$0xd];
	[sflag:s7] =	ssyncadd.s32 $0xFFFFE000  }
0xfe: {  	[hbm4b:s23+s21] =	stream.linear.scatter @p0 [tilespmem:s22], [sflag:$0x5], $0x2000, $0x38;
	[tilespmem:$0x1C000] =	vst v63  }
0xff: {  	s23 =	simm.s32 @p0 $0x5  }
0x100: {  	_ =	swait.ge @p0 [sflag:s23], $0x2000  }
0x101: {  	[sflag:s23] =	ssyncset.done @p0 $0x0  }
0x102: {  	[sflag:s23] =	ssyncadd.s32 @p0 $0xFFFFE000  }
0x103: {  	[tilespmem:s22], [sflag:$0x5] =	stream.linear.gather @p0 [spmem:s15], $0x2000, $0x38;
	[tilespmem:$0x1C000] =	vst v63  }
0x104: {  	_ =	swait.ge @p0 [sflag:s23], $0x2000  }
0x105: {  	[sflag:s23] =	ssyncset.done @p0 $0x0  }
0x106: {  	s24 =	rddreg [dreg:$0xe];
	[sflag:s23] =	ssyncadd.s32 @p0 $0xFFFFE000  }
0x107: {  	[hbm4b:s24+s21] =	stream.linear.scatter @p0 [tilespmem:s22], [sflag:$0x5], $0x2000, $0x38;
	[tilespmem:$0x1C000] =	vst v63  }
0x108: {  	_ =	swait.ge @p0 [sflag:s23], $0x2000  }
0x109: {  	[sflag:s23] =	ssyncset.done @p0 $0x0  }
0x10a: {  	[sflag:s23] =	ssyncadd.s32 @p0 $0xFFFFE000  }
0x10b: {  	[tilespmem:s22], [sflag:$0x5] =	stream.linear.gather @p0 [spmem:s16], $0x2000, $0x38;
	[tilespmem:$0x1C000] =	vst v63  }
0x10c: {  	_ =	swait.ge @p0 [sflag:s23], $0x2000  }
0x10d: {  	[sflag:s23] =	ssyncset.done @p0 $0x0  }
0x10e: {  	s24 =	rddreg [dreg:$0xf];
	[sflag:s23] =	ssyncadd.s32 @p0 $0xFFFFE000  }
0x10f: {  	[hbm4b:s24+s21] =	stream.linear.scatter @p0 [tilespmem:s22], [sflag:$0x5], $0x2000, $0x38;
	[tilespmem:$0x1C000] =	vst v63  }
0x110: {  	_ =	swait.ge @p0 [sflag:s23], $0x2000  }
0x111: {  	[sflag:s23] =	ssyncset.done @p0 $0x0  }
0x112: {  	s21 =	simm.s32 @!p1 $0xA000;
	s22 =	simm.s32 @!p1 $0x5;
	[sflag:s23] =	ssyncadd.s32 @p0 $0xFFFFE000  }
0x113: {  	[tilespmem:s21], [sflag:$0x5] =	stream.linear.gather @!p1 [spmem:s17], $0x400, $0x38;
	[tilespmem:$0x1C000] =	vst v63  }
0x114: {  	_ =	swait.ge @!p1 [sflag:s22], $0x400  }
0x115: {  	[sflag:s22] =	ssyncset.done @!p1 $0x0  }
0x116: {  	s23 =	simm.s32 @!p1 $0x0;
	s24 =	rddreg [dreg:$0x12];
	[sflag:s22] =	ssyncadd.s32 @!p1 $0xFFFFFC00  }
0x117: {  	[hbm4b:s24+s23] =	stream.linear.scatter @!p1 [tilespmem:s21], [sflag:$0x5], $0x400, $0x38;
	[tilespmem:$0x1C000] =	vst v63  }
0x118: {  	_ =	swait.ge @!p1 [sflag:s22], $0x400  }
0x119: {  	[sflag:s22] =	ssyncset.done @!p1 $0x0  }
0x11a: {  	s21 =	simm.s32 @!p2 $0xA000;
	[sflag:s22] =	ssyncadd.s32 @!p1 $0xFFFFFC00;
	s22 =	simm.s32 @!p2 $0x5  }
0x11b: {  	[tilespmem:s21], [sflag:$0x5] =	stream.linear.gather @!p2 [spmem:s17], $0x2000, $0x38;
	[tilespmem:$0x1C000] =	vst v63  }
0x11c: {  	_ =	swait.ge @!p2 [sflag:s22], $0x2000  }
0x11d: {  	[sflag:s22] =	ssyncset.done @!p2 $0x0  }
0x11e: {  	s23 =	simm.s32 @!p2 $0x0;
	s24 =	rddreg [dreg:$0x10];
	[sflag:s22] =	ssyncadd.s32 @!p2 $0xFFFFE000  }
0x11f: {  	[hbm4b:s24+s23] =	stream.linear.scatter @!p2 [tilespmem:s21], [sflag:$0x5], $0x2000, $0x38;
	[tilespmem:$0x1C000] =	vst v63  }
0x120: {  	_ =	swait.ge @!p2 [sflag:s22], $0x2000  }
0x121: {  	[sflag:s22] =	ssyncset.done @!p2 $0x0  }
0x122: {  	[sflag:s22] =	ssyncadd.s32 @!p2 $0xFFFFE000  }
0x123: {  	[tilespmem:s21], [sflag:$0x5] =	stream.linear.gather @!p2 [spmem:s18], $0x2000, $0x38;
	[tilespmem:$0x1C000] =	vst v63  }
0x124: {  	_ =	swait.ge @!p2 [sflag:s22], $0x2000  }
0x125: {  	[sflag:s22] =	ssyncset.done @!p2 $0x0  }
0x126: {  	s24 =	rddreg [dreg:$0x11];
	[sflag:s22] =	ssyncadd.s32 @!p2 $0xFFFFE000  }
0x127: {  	[hbm4b:s24+s23] =	stream.linear.scatter @!p2 [tilespmem:s21], [sflag:$0x5], $0x2000, $0x38;
	[tilespmem:$0x1C000] =	vst v63  }
0x128: {  	_ =	swait.ge @!p2 [sflag:s22], $0x2000  }
0x129: {  	s21 =	simm.s32 @!p0 $0x0;
	[sflag:s22] =	ssyncset.done @!p2 $0x0  }
0x12a: {  	s23 =	rddreg [dreg:$0x13];
	[sflag:s22] =	ssyncadd.s32 @!p2 $0xFFFFE000;
	s22 =	simm.s32 @!p0 $0xA000  }
0x12b: {  	[hbm4b:s23+s21] =	stream.linear.scatter @!p0 [tilespmem:s22], [sflag:$0x5], $0x2000, $0x38;
	[tilespmem:$0x1C000] =	vst v63  }
0x12c: {  	s23 =	simm.s32 @!p0 $0x5  }
0x12d: {  	_ =	swait.ge @!p0 [sflag:s23], $0x2000  }
0x12e: {  	[sflag:s23] =	ssyncset.done @!p0 $0x0  }
0x12f: {  	[sflag:s23] =	ssyncadd.s32 @!p0 $0xFFFFE000  }
0x130: {  	[tilespmem:s22], [sflag:$0x5] =	stream.linear.gather @!p0 [spmem:s15], $0x2000, $0x38;
	[tilespmem:$0x1C000] =	vst v63  }
0x131: {  	_ =	swait.ge @!p0 [sflag:s23], $0x2000  }
0x132: {  	[sflag:s23] =	ssyncset.done @!p0 $0x0  }
0x133: {  	s24 =	rddreg [dreg:$0x14];
	[sflag:s23] =	ssyncadd.s32 @!p0 $0xFFFFE000  }
0x134: {  	[hbm4b:s24+s21] =	stream.linear.scatter @!p0 [tilespmem:s22], [sflag:$0x5], $0x2000, $0x38;
	[tilespmem:$0x1C000] =	vst v63  }
0x135: {  	_ =	swait.ge @!p0 [sflag:s23], $0x2000  }
0x136: {  	[sflag:s23] =	ssyncset.done @!p0 $0x0  }
0x137: {  	[sflag:s23] =	ssyncadd.s32 @!p0 $0xFFFFE000  }
0x138: {  	[tilespmem:s22], [sflag:$0x5] =	stream.linear.gather @!p0 [spmem:s16], $0x2000, $0x38;
	[tilespmem:$0x1C000] =	vst v63  }
0x139: {  	_ =	swait.ge @!p0 [sflag:s23], $0x2000  }
0x13a: {  	[sflag:s23] =	ssyncset.done @!p0 $0x0  }
0x13b: {  	s24 =	rddreg [dreg:$0x15];
	[sflag:s23] =	ssyncadd.s32 @!p0 $0xFFFFE000  }
0x13c: {  	[hbm4b:s24+s21] =	stream.linear.scatter @!p0 [tilespmem:s22], [sflag:$0x5], $0x2000, $0x38;
	[tilespmem:$0x1C000] =	vst v63  }
0x13d: {  	_ =	swait.ge @!p0 [sflag:s23], $0x2000  }
0x13e: {  	[sflag:s23] =	ssyncset.done @!p0 $0x0  }
0x13f: {  	s21 =	simm.s32 @!p3 $0xA000;
	s22 =	simm.s32 @!p3 $0x5;
	[sflag:s23] =	ssyncadd.s32 @!p0 $0xFFFFE000  }
0x140: {  	[tilespmem:s21], [sflag:$0x5] =	stream.linear.gather @!p3 [spmem:s17], $0x400, $0x38;
	[tilespmem:$0x1C000] =	vst v63  }
0x141: {  	_ =	swait.ge @!p3 [sflag:s22], $0x400  }
0x142: {  	[sflag:s22] =	ssyncset.done @!p3 $0x0  }
0x143: {  	s23 =	simm.s32 @!p3 $0x0;
	[sflag:s22] =	ssyncadd.s32 @!p3 $0xFFFFFC00  }
0x144: {  	[hbm4b:s31+s23] =	stream.linear.scatter @!p3 [tilespmem:s21], [sflag:$0x5], $0x400, $0x38;
	[tilespmem:$0x1C000] =	vst v63  }
0x145: {  	_ =	swait.ge @!p3 [sflag:s22], $0x400  }
0x146: {  	[sflag:s22] =	ssyncset.done @!p3 $0x0  }
0x147: {  	s21 =	simm.s32 @!p4 $0xA000;
	[sflag:s22] =	ssyncadd.s32 @!p3 $0xFFFFFC00;
	s22 =	simm.s32 @!p4 $0x5  }
0x148: {  	[tilespmem:s21], [sflag:$0x5] =	stream.linear.gather @!p4 [spmem:s17], $0x2000, $0x38;
	[tilespmem:$0x1C000] =	vst v63  }
0x149: {  	_ =	swait.ge @!p4 [sflag:s22], $0x2000  }
0x14a: {  	[sflag:s22] =	ssyncset.done @!p4 $0x0  }
0x14b: {  	s23 =	simm.s32 @!p4 $0x0;
	[sflag:s22] =	ssyncadd.s32 @!p4 $0xFFFFE000  }
0x14c: {  	[hbm4b:s29+s23] =	stream.linear.scatter @!p4 [tilespmem:s21], [sflag:$0x5], $0x2000, $0x38;
	[tilespmem:$0x1C000] =	vst v63  }
0x14d: {  	_ =	swait.ge @!p4 [sflag:s22], $0x2000  }
0x14e: {  	[sflag:s22] =	ssyncset.done @!p4 $0x0  }
0x14f: {  	[sflag:s22] =	ssyncadd.s32 @!p4 $0xFFFFE000  }
0x150: {  	[tilespmem:s21], [sflag:$0x5] =	stream.linear.gather @!p4 [spmem:s18], $0x2000, $0x38;
	[tilespmem:$0x1C000] =	vst v63  }
0x151: {  	s2 =	sadd.s32 $0x1, s2;
	_ =	swait.ge @!p4 [sflag:s22], $0x2000  }
0x152: {  	p5 =	sne.s32 s2, s0;
	[sflag:s22] =	ssyncset.done @!p4 $0x0  }
.Ltmp3:
0x153: {  	[sflag:s22] =	ssyncadd.s32 @!p4 $0xFFFFE000;
	(pc) =	sbr.rel @p5 .LBB2_1-.Ltmp3, $4  }
0x154: {  	[hbm4b:s30+s23] =	stream.linear.scatter @!p4 [tilespmem:s21], [sflag:$0x5], $0x2000, $0x38;
	[tilespmem:$0x1C000] =	vst v63  }
0x155: {  	_ =	swait.ge @!p4 [sflag:s22], $0x2000  }
0x156: {  	[sflag:s22] =	ssyncset.done @!p4 $0x0  }
0x157: {  	[sflag:s22] =	ssyncadd.s32 @!p4 $0xFFFFE000  }
0x158: {  	_ =	sfence.sel $0x180000  }
0x159: {  	[bflag:$0x0] =	sbarrier.arrive $0xFFFF  }
0x15a: {  	_ =	strace $0x9000004A  }
0x15b: {  	s0 =	stileid.u32;
	[bflag:$0x2] =	sbarrier.arrive $0xFFFF  }
0x15c: {  	p0 =	sne.s32 s0, $0x0;
	s0 =	rddreg [dreg:$0x4]  }
0x15d: {  	s0 =	sadd.s32 @!p0 $0x100000, s0  }
0x15e: {  	[sflag:s0] =	ssyncadd.tile.s32 @!p0 $0x1;
	_ =	shalt  }
.Lfunc_end2:
_tile_overlayer_lowered:
.L_overlay_start_2:
0x15f: {  	(tag) =	ssettag $0x2  }
0x160: {  	s0 =	rddreg [dreg:$0x0];
	s2 =	stileid.u32  }
0x161: {  	s1 =	rddreg [dreg:$0x1];
	p0 =	sne.s32 s2, $0x0  }
0x162: {  	s3 =	rddreg [dreg:$0x2];
	[bflag:$0x3] =	sbarrier.arrive $0xFFFF;
	s2 =	simm.s32 @!p0 $0x1C05  }
0x163: {  	[timem:s3], [sflag:s2] =	dma.local @!p0 [hbm:s0], s1  }
0x164: {  	s0 =	simm.s32 @!p0 $0x5  }
0x165: {  	_ =	swait.ge @!p0 [sflag:s0], s1  }
0x166: {  	s1 =	ssub.s32 @!p0 $0x0, s1;
	[sflag:s0] =	ssyncset.done @!p0 $0x0  }
0x167: {  	[sflag:s0] =	ssyncadd.s32 @!p0 s1  }
0x168: {  	[bflag:$0x3] =	sbarrier.arrive $0xFFFF  }
0x169: {  	_ =	shalt  }

</sc_bundles>
